<compile_context>
chip_gen: v7x
topology: tpu7x:2x2x1
jax: 0.10.2.dev20260603
libtpu: 0.0.44.dev20260713+nightly
codegen_flags: <defaults>
</compile_context>

<pallas_src>
import functools

import jax
import jax.numpy as jnp
from jax import lax
from jax.experimental import pallas as pl
from jax.experimental.pallas import tpu as pltpu
from jax.experimental.pallas import tpu_sc as plsc

NPTS = 10000
DIM = 128
KNN = 16
NTILES = 32
QG = 4
GPT = 79
NVREG = NPTS // 16
CHUNK_V = 26
NCHUNK = 24
CBUF = CHUNK_V * 16


def _mm_body(x_ref, w1_ref, b1_ref, p_ref, q_ref):
    x = x_ref[...]
    w1a = w1_ref[:DIM, :]
    w1b = w1_ref[DIM:, :]
    q_ref[...] = jnp.dot(x, w1b, preferred_element_type=jnp.float32)
    p_ref[...] = (
        jnp.dot(x, w1a - w1b, preferred_element_type=jnp.float32) + b1_ref[...]
    )


def _phase_a(x, w1, b1r):
    return pl.pallas_call(
        _mm_body,
        out_shape=(
            jax.ShapeDtypeStruct((NPTS, DIM), jnp.float32),
            jax.ShapeDtypeStruct((NPTS, DIM), jnp.float32),
        ),
    )(x, w1, b1r)


def _bf16_rne(v):
    u = plsc.bitcast(v, jnp.uint32)
    r = (u + jnp.uint32(0x7FFF) + ((u >> jnp.uint32(16)) & jnp.uint32(1)))
    r = r & jnp.uint32(0xFFFF0000)
    return plsc.bitcast(r, jnp.float32)


def _knn_body(pos_hbm, q_hbm, g_hbm, bx, by, bz, sq, pflat, *rest):
    cbufs = rest[:2 * QG]
    gbuf, gsem = rest[2 * QG], rest[2 * QG + 1]
    cands = tuple((cbufs[2 * q], cbufs[2 * q + 1]) for q in range(QG))
    cid = lax.axis_index("c")
    sid = lax.axis_index("s")
    wid = sid * 2 + cid

    pltpu.sync_copy(pos_hbm, pflat)
    iota3 = lax.iota(jnp.int32, 16) * 3

    def stage_body(i, _):
        base = i * 48
        gx = plsc.load_gather(pflat, [iota3 + base])
        gy = plsc.load_gather(pflat, [iota3 + (base + 1)])
        gz = plsc.load_gather(pflat, [iota3 + (base + 2)])
        sq[pl.ds(i * 16, 16)] = gx * gx + gy * gy + gz * gz
        bx[pl.ds(i * 16, 16)] = _bf16_rne(gx)
        by[pl.ds(i * 16, 16)] = _bf16_rne(gy)
        bz[pl.ds(i * 16, 16)] = _bf16_rne(gz)
        return 0

    lax.fori_loop(0, NVREG, stage_body, 0)

    iota = lax.iota(jnp.int32, 16)
    inf_v = jnp.full((16,), jnp.inf, jnp.float32)
    zero_i = jnp.zeros((16,), jnp.int32)
    negone_i = jnp.full((16,), -1, jnp.int32)

    def group_body(gi, _):
        nodes = [jnp.minimum(wid * (GPT * QG) + gi * QG + q, NPTS - 1)
                 for q in range(QG)]
        xis, yis, zis = [], [], []
        for q in range(QG):
            xis.append(bx[pl.ds(nodes[q], 16)][0] * -2.0)
            yis.append(by[pl.ds(nodes[q], 16)][0] * -2.0)
            zis.append(bz[pl.ds(nodes[q], 16)][0] * -2.0)

        def chunk_body(ch, carry):
            st = list(carry)
            base0 = (ch * CHUNK_V + 1) * 16
            for v in range(CHUNK_V):
                b = base0 + v * 16
                sqv = sq[pl.ds(b, 16)]
                bxv = bx[pl.ds(b, 16)]
                byv = by[pl.ds(b, 16)]
                bzv = bz[pl.ds(b, 16)]
                jv = iota + b
                for q in range(QG):
                    mvec = st[4 * q + 2]
                    curs = st[4 * q + 3]
                    d = (sqv + bxv * xis[q]) + (byv * yis[q] + bzv * zis[q])
                    hit = d < mvec
                    ps = plsc.cumsum(hit.astype(jnp.int32))
                    posn = curs + ps
                    plsc.store_scatter(cands[q][0], [posn], d, mask=hit)
                    plsc.store_scatter(cands[q][1], [posn], jv, mask=hit)
                    st[4 * q + 3] = curs + ps[15]

            for q in range(QG):
                topk = st[4 * q]
                topv = st[4 * q + 1]
                cnt_s = st[4 * q + 3][0] + 1
                node = nodes[q]
                cd, cj = cands[q]

                def do_merge(c2, cnt_s=cnt_s, node=node, cd=cd, cj=cj):
                    nv = (cnt_s + 15) >> 4

                    def mbody(it, c3):
                        tk, tv = c3
                        mb = it * 16
                        dc = cd[pl.ds(mb, 16)]
                        jc = cj[pl.ds(mb, 16)]
                        valid = iota < (cnt_s - mb)
                        dc = jnp.where(valid, dc, jnp.inf)
                        dc = jnp.where(jc == node, jnp.inf, dc)
                        sk, sv = plsc.sort_key_val(dc, jc)
                        rk = jnp.flip(sk)
                        rv = jnp.flip(sv)
                        take = rk < tk
                        nk = jnp.where(take, rk, tk)
                        nvv = jnp.where(take, rv, tv)
                        tk2, tv2 = plsc.sort_key_val(nk, nvv)
                        return (tk2, tv2)

                    return lax.fori_loop(0, nv, mbody, c2)

                topk, topv = lax.cond(cnt_s > 0, do_merge, lambda c2: c2,
                                      (topk, topv))
                st[4 * q] = topk
                st[4 * q + 1] = topv
                st[4 * q + 2] = jnp.broadcast_to(topk[15], (16,))
                st[4 * q + 3] = negone_i
            return tuple(st)

        sq0 = sq[pl.ds(0, 16)]
        bx0 = bx[pl.ds(0, 16)]
        by0 = by[pl.ds(0, 16)]
        bz0 = bz[pl.ds(0, 16)]
        seed = []
        for q in range(QG):
            d0 = (sq0 + bx0 * xis[q]) + (by0 * yis[q] + bz0 * zis[q])
            d0 = jnp.where(iota == nodes[q], jnp.inf, d0)
            sk, sv = plsc.sort_key_val(d0, iota)
            seed += [sk, sv, jnp.broadcast_to(sk[15], (16,)), negone_i]
        fin = lax.fori_loop(0, NCHUNK, chunk_body, tuple(seed))

        gd = [pltpu.async_copy(q_hbm.at[fin[4 * q + 1]], gbuf.at[q], gsem)
              for q in range(QG)]
        for c in gd:
            c.wait()
        sd = [pltpu.async_copy(gbuf.at[q], g_hbm.at[pl.ds(nodes[q] * KNN, KNN)],
                               gsem) for q in range(QG)]
        for c in sd:
            c.wait()
        return 0

    lax.fori_loop(0, GPT, group_body, 0)


def _sc_knn_gather(pos_flat, q):
    mesh = plsc.VectorSubcoreMesh(core_axis_name="c", subcore_axis_name="s")
    kern = pl.kernel(
        _knn_body,
        out_type=jax.ShapeDtypeStruct((NPTS * KNN, DIM), jnp.float32),
        mesh=mesh,
        scratch_types=[
            pltpu.VMEM((NPTS + 16,), jnp.float32),
            pltpu.VMEM((NPTS + 16,), jnp.float32),
            pltpu.VMEM((NPTS + 16,), jnp.float32),
            pltpu.VMEM((NPTS,), jnp.float32),
            pltpu.VMEM((3 * NPTS,), jnp.float32),
            *[m for _ in range(QG)
              for m in (pltpu.VMEM((CBUF,), jnp.float32),
                        pltpu.VMEM((CBUF,), jnp.int32))],
            pltpu.VMEM((QG, KNN, DIM), jnp.float32),
            pltpu.SemaphoreType.DMA,
        ],
        compiler_params=pltpu.CompilerParams(needs_layout_passes=False),
    )
    return kern(pos_flat, q)


NB = 256


def _mlp_body(g_ref, p_ref, w2_ref, b2_ref, o_ref):
    p = p_ref[...]
    w2 = w2_ref[...]
    acc = None
    for s in range(KNN):
        h1 = jnp.maximum(p + g_ref[:, s, :], 0.0)
        h2 = jnp.dot(h1, w2, preferred_element_type=jnp.float32)
        acc = h2 if acc is None else jnp.maximum(acc, h2)
    o_ref[...] = acc + b2_ref[...]


def _phase_c(ge, p, w2, b2r):
    grid = (pl.cdiv(NPTS, NB),)
    return pl.pallas_call(
        _mlp_body,
        grid=grid,
        in_specs=[
            pl.BlockSpec((NB, KNN, DIM), lambda i: (i, 0, 0)),
            pl.BlockSpec((NB, DIM), lambda i: (i, 0)),
            pl.BlockSpec((DIM, DIM), lambda i: (0, 0)),
            pl.BlockSpec((1, DIM), lambda i: (0, 0)),
        ],
        out_specs=pl.BlockSpec((NB, DIM), lambda i: (i, 0)),
        out_shape=jax.ShapeDtypeStruct((NPTS, DIM), jnp.float32),
    )(ge, p, w2, b2r)


def kernel(x, pos, W1, b1, W2, b2):
    p, q = _phase_a(x, W1, b1.reshape(1, DIM))
    g = _sc_knn_gather(pos.reshape(3 * NPTS), q)
    ge = g.reshape(NPTS, KNN, DIM)
    return _phase_c(ge, p, W2, b2.reshape(1, DIM))

# --- scband reference (transcript-rebuilt; emitter-appended) ---
"""Pipeline reference for scband-edge-conv-7593502179720 (READ-ONLY COPY).

The authoritative reference and input builder live on the scoring server;
editing this copy changes nothing except your own understanding.
"""

import jax, jax.numpy as jnp
import numpy as np

N = 10000
IN_DIM = 128
OUT_DIM = 128
K = 16


def setup_inputs(seed: int = 0) -> dict:
    key = jax.random.key(seed)
    k1, k2, k3, k4, k5, k6 = jax.random.split(key, 6)
    x = jax.random.normal(k1, (N, IN_DIM), dtype=jnp.float32)
    pos = jax.random.normal(k2, (N, 3), dtype=jnp.float32)
    # Linear(in_dim*2, out_dim) params (torch default uniform init)
    s1 = 1.0 / np.sqrt(2 * IN_DIM)
    W1 = jax.random.uniform(k3, (2 * IN_DIM, OUT_DIM), minval=-s1, maxval=s1, dtype=jnp.float32)
    b1 = jax.random.uniform(k4, (OUT_DIM,), minval=-s1, maxval=s1, dtype=jnp.float32)
    # Linear(out_dim, out_dim)
    s2 = 1.0 / np.sqrt(OUT_DIM)
    W2 = jax.random.uniform(k5, (OUT_DIM, OUT_DIM), minval=-s2, maxval=s2, dtype=jnp.float32)
    b2 = jax.random.uniform(k6, (OUT_DIM,), minval=-s2, maxval=s2, dtype=jnp.float32)
    return {"x": x, "pos": pos, "W1": W1, "b1": b1, "W2": W2, "b2": b2}


def knn_edge_index(pos, k):
    # pairwise squared euclidean distances
    sq = jnp.sum(pos * pos, axis=1)
    d = sq[:, None] - 2.0 * (pos @ pos.T) + sq[None, :]
    # loop=False: exclude self edges
    n = pos.shape[0]
    d = jnp.where(jnp.eye(n, dtype=bool), jnp.inf, d)
    _, nbr = jax.lax.top_k(-d, k)  # (N, k) nearest-neighbor indices
    row = jnp.repeat(jnp.arange(n), k)  # center node i (edge_index[0])
    col = nbr.reshape(-1)               # neighbor j (edge_index[1])
    return jnp.stack([row, col], axis=0)


def reference(x, pos, W1, b1, W2, b2):
    edge_index = knn_edge_index(pos, K)
    x_i = jnp.take(x, edge_index[0], axis=0)
    x_j = jnp.take(x, edge_index[1], axis=0)
    edge_features = jnp.concatenate([x_i, x_j - x_i], axis=1)
    h = jnp.maximum(edge_features @ W1 + b1, 0.0)
    h = h @ W2 + b2
    out = jax.ops.segment_max(h, edge_index[0], num_segments=N)
    return out

if __name__ == "__main__":
    import jax
    _d = setup_inputs()
    print(jax.jit(kernel)(*tuple(_d.values())))

</pallas_src>

<mosaic_0001>
#map = affine_map<(d0, d1) -> (0)>
#map1 = affine_map<(d0, d1) -> (0, 0)>
module attributes {stable_mosaic.version = 14 : i64} {
  func.func @_knn_body(%arg0: i32, %arg1: i32, %arg2: memref<30000xf32, #tpu.memory_space<hbm>>, %arg3: memref<10000x128xf32, #tpu.memory_space<hbm>>, %arg4: memref<160000x128xf32, #tpu.memory_space<hbm>>, %arg5: memref<10016xf32, #tpu.memory_space<vmem>>, %arg6: memref<10016xf32, #tpu.memory_space<vmem>>, %arg7: memref<10016xf32, #tpu.memory_space<vmem>>, %arg8: memref<10000xf32, #tpu.memory_space<vmem>>, %arg9: memref<30000xf32, #tpu.memory_space<vmem>>, %arg10: memref<416xf32, #tpu.memory_space<vmem>>, %arg11: memref<416xi32, #tpu.memory_space<vmem>>, %arg12: memref<416xf32, #tpu.memory_space<vmem>>, %arg13: memref<416xi32, #tpu.memory_space<vmem>>, %arg14: memref<416xf32, #tpu.memory_space<vmem>>, %arg15: memref<416xi32, #tpu.memory_space<vmem>>, %arg16: memref<416xf32, #tpu.memory_space<vmem>>, %arg17: memref<416xi32, #tpu.memory_space<vmem>>, %arg18: memref<4x16x128xf32, #tpu.memory_space<vmem>>, %arg19: memref<!tpu.dma_semaphore, #tpu.memory_space<semaphore_mem>>) attributes {dimension_semantics = [#tpu.dimension_semantics<core_parallel>, #tpu.dimension_semantics<subcore_parallel>], iteration_bounds = array<i64: 2, 16>, scalar_prefetch = 0 : i64, scratch_operands = 15 : i64, tpu.core_type = #tpu.core_type<sc_vector_subcore>, window_params = [{transform_indices = #map}, {transform_indices = #map1}, {transform_indices = #map1}]} {
    %mul3A = arith.constant 2 : i32
    %mul3A_0 = arith.muli %arg1, %mul3A : i32
    %add3A = arith.addi %mul3A_0, %arg0 : i32
    "tpu.region"() ({
      %run_scoped3A = tpu.sem_alloc : memref<!tpu.dma_semaphore, #tpu.memory_space<semaphore_mem>>
      tpu.enqueue_dma source(%arg2 : memref<30000xf32, #tpu.memory_space<hbm>>) target(%arg9 : memref<30000xf32, #tpu.memory_space<vmem>>) target_semaphore(%run_scoped3A : memref<!tpu.dma_semaphore, #tpu.memory_space<semaphore_mem>>)
      tpu.wait_dma2 semaphore(%run_scoped3A : memref<!tpu.dma_semaphore, #tpu.memory_space<semaphore_mem>>) src(%arg2 : memref<30000xf32, #tpu.memory_space<hbm>>) dst(%arg9 : memref<30000xf32, #tpu.memory_space<vmem>>)
      tpu.yield
    }) : () -> ()
    %iota3A = tpu.iota {dimensions = array<i32: 0>} : vector<16xi32>
    %mul3A_1 = arith.constant 3 : i32
    %mul3A_2 = vector.broadcast %mul3A_1 : i32 to vector<16xi32>
    %mul3A_3 = arith.muli %iota3A, %mul3A_2 : vector<16xi32>
    %scan3A = arith.constant 0 : i32
    %scan3A_4 = arith.constant 0 : i32
    %scan3A_5 = arith.constant 625 : i32
    %scan3A_6 = arith.addi %scan3A_4, %scan3A_5 : i32
    %scan3A_7 = arith.constant 1 : i32
    %scan3A_8 = scf.for %scan3A_23 = %scan3A_4 to %scan3A_6 step %scan3A_7 iter_args(%scan3A_24 = %scan3A) -> (i32)  : i32 {
      %mul3A_25 = arith.constant 48 : i32
      %mul3A_26 = arith.muli %scan3A_23, %mul3A_25 : i32
      %add3A_27 = vector.broadcast %mul3A_26 : i32 to vector<16xi32>
      %add3A_28 = arith.addi %mul3A_3, %add3A_27 : vector<16xi32>
      %gather3A = tpu.vector_load_idx %arg9[%add3A_28] : memref<30000xf32, #tpu.memory_space<vmem>>[vector<16xi32>], vector<16xf32>,
      %add3A_29 = arith.constant 1 : i32
      %add3A_30 = arith.addi %mul3A_26, %add3A_29 : i32
      %add3A_31 = vector.broadcast %add3A_30 : i32 to vector<16xi32>
      %add3A_32 = arith.addi %mul3A_3, %add3A_31 : vector<16xi32>
      %gather3A_33 = tpu.vector_load_idx %arg9[%add3A_32] : memref<30000xf32, #tpu.memory_space<vmem>>[vector<16xi32>], vector<16xf32>,
      %add3A_34 = arith.constant 2 : i32
      %add3A_35 = arith.addi %mul3A_26, %add3A_34 : i32
      %add3A_36 = vector.broadcast %add3A_35 : i32 to vector<16xi32>
      %add3A_37 = arith.addi %mul3A_3, %add3A_36 : vector<16xi32>
      %gather3A_38 = tpu.vector_load_idx %arg9[%add3A_37] : memref<30000xf32, #tpu.memory_space<vmem>>[vector<16xi32>], vector<16xf32>,
      %mul3A_39 = arith.mulf %gather3A, %gather3A : vector<16xf32>
      %mul3A_40 = arith.mulf %gather3A_33, %gather3A_33 : vector<16xf32>
      %add3A_41 = arith.addf %mul3A_39, %mul3A_40 : vector<16xf32>
      %mul3A_42 = arith.mulf %gather3A_38, %gather3A_38 : vector<16xf32>
      %add3A_43 = arith.addf %add3A_41, %mul3A_42 : vector<16xf32>
      %mul3A_44 = arith.constant 16 : i32
      %mul3A_45 = arith.muli %scan3A_23, %mul3A_44 : i32
      %swap3A = arith.index_cast %mul3A_45 : i32 to index
      %swap3A_46 = tpu.vector_load %arg8[%swap3A] {strides = array<i32>} : memref<10000xf32, #tpu.memory_space<vmem>>, vector<16xf32>,
      tpu.vector_store %arg8[%swap3A], %add3A_43 {strides = array<i32>} : memref<10000xf32, #tpu.memory_space<vmem>>, vector<16xf32>,
      %bitcast3A = vector.bitcast %gather3A : vector<16xf32> to vector<16xi32>
      %add3A_47 = arith.constant 32767 : i32
      %add3A_48 = vector.broadcast %add3A_47 : i32 to vector<16xi32>
      %add3A_49 = arith.addi %bitcast3A, %add3A_48 : vector<16xi32>
      %shift_right_logical3A = arith.constant 16 : i32
      %shift_right_logical3A_50 = vector.broadcast %shift_right_logical3A : i32 to vector<16xi32>
      %shift_right_logical3A_51 = arith.shrui %bitcast3A, %shift_right_logical3A_50 : vector<16xi32>
      %and3A = arith.constant 1 : i32
      %and3A_52 = vector.broadcast %and3A : i32 to vector<16xi32>
      %and3A_53 = arith.andi %shift_right_logical3A_51, %and3A_52 : vector<16xi32>
      %add3A_54 = arith.addi %add3A_49, %and3A_53 : vector<16xi32>
      %and3A_55 = arith.constant -65536 : i32
      %and3A_56 = vector.broadcast %and3A_55 : i32 to vector<16xi32>
      %and3A_57 = arith.andi %add3A_54, %and3A_56 : vector<16xi32>
      %bitcast3A_58 = vector.bitcast %and3A_57 : vector<16xi32> to vector<16xf32>
      %mul3A_59 = arith.constant 16 : i32
      %mul3A_60 = arith.muli %scan3A_23, %mul3A_59 : i32
      %swap3A_61 = arith.index_cast %mul3A_60 : i32 to index
      %swap3A_62 = tpu.vector_load %arg5[%swap3A_61] {strides = array<i32>} : memref<10016xf32, #tpu.memory_space<vmem>>, vector<16xf32>,
      tpu.vector_store %arg5[%swap3A_61], %bitcast3A_58 {strides = array<i32>} : memref<10016xf32, #tpu.memory_space<vmem>>, vector<16xf32>,
      %bitcast3A_63 = vector.bitcast %gather3A_33 : vector<16xf32> to vector<16xi32>
      %add3A_64 = arith.constant 32767 : i32
      %add3A_65 = vector.broadcast %add3A_64 : i32 to vector<16xi32>
      %add3A_66 = arith.addi %bitcast3A_63, %add3A_65 : vector<16xi32>
      %shift_right_logical3A_67 = arith.constant 16 : i32
      %shift_right_logical3A_68 = vector.broadcast %shift_right_logical3A_67 : i32 to vector<16xi32>
      %shift_right_logical3A_69 = arith.shrui %bitcast3A_63, %shift_right_logical3A_68 : vector<16xi32>
      %and3A_70 = arith.constant 1 : i32
      %and3A_71 = vector.broadcast %and3A_70 : i32 to vector<16xi32>
      %and3A_72 = arith.andi %shift_right_logical3A_69, %and3A_71 : vector<16xi32>
      %add3A_73 = arith.addi %add3A_66, %and3A_72 : vector<16xi32>
      %and3A_74 = arith.constant -65536 : i32
      %and3A_75 = vector.broadcast %and3A_74 : i32 to vector<16xi32>
      %and3A_76 = arith.andi %add3A_73, %and3A_75 : vector<16xi32>
      %bitcast3A_77 = vector.bitcast %and3A_76 : vector<16xi32> to vector<16xf32>
      %mul3A_78 = arith.constant 16 : i32
      %mul3A_79 = arith.muli %scan3A_23, %mul3A_78 : i32
      %swap3A_80 = arith.index_cast %mul3A_79 : i32 to index
      %swap3A_81 = tpu.vector_load %arg6[%swap3A_80] {strides = array<i32>} : memref<10016xf32, #tpu.memory_space<vmem>>, vector<16xf32>,
      tpu.vector_store %arg6[%swap3A_80], %bitcast3A_77 {strides = array<i32>} : memref<10016xf32, #tpu.memory_space<vmem>>, vector<16xf32>,
      %bitcast3A_82 = vector.bitcast %gather3A_38 : vector<16xf32> to vector<16xi32>
      %add3A_83 = arith.constant 32767 : i32
      %add3A_84 = vector.broadcast %add3A_83 : i32 to vector<16xi32>
      %add3A_85 = arith.addi %bitcast3A_82, %add3A_84 : vector<16xi32>
      %shift_right_logical3A_86 = arith.constant 16 : i32
      %shift_right_logical3A_87 = vector.broadcast %shift_right_logical3A_86 : i32 to vector<16xi32>
      %shift_right_logical3A_88 = arith.shrui %bitcast3A_82, %shift_right_logical3A_87 : vector<16xi32>
      %and3A_89 = arith.constant 1 : i32
      %and3A_90 = vector.broadcast %and3A_89 : i32 to vector<16xi32>
      %and3A_91 = arith.andi %shift_right_logical3A_88, %and3A_90 : vector<16xi32>
      %add3A_92 = arith.addi %add3A_85, %and3A_91 : vector<16xi32>
      %and3A_93 = arith.constant -65536 : i32
      %and3A_94 = vector.broadcast %and3A_93 : i32 to vector<16xi32>
      %and3A_95 = arith.andi %add3A_92, %and3A_94 : vector<16xi32>
      %bitcast3A_96 = vector.bitcast %and3A_95 : vector<16xi32> to vector<16xf32>
      %mul3A_97 = arith.constant 16 : i32
      %mul3A_98 = arith.muli %scan3A_23, %mul3A_97 : i32
      %swap3A_99 = arith.index_cast %mul3A_98 : i32 to index
      %swap3A_100 = tpu.vector_load %arg7[%swap3A_99] {strides = array<i32>} : memref<10016xf32, #tpu.memory_space<vmem>>, vector<16xf32>,
      tpu.vector_store %arg7[%swap3A_99], %bitcast3A_96 {strides = array<i32>} : memref<10016xf32, #tpu.memory_space<vmem>>, vector<16xf32>,
      %scan3A_101 = arith.constant 0 : i32
      scf.yield %scan3A_101 : i32
    }
    %scan3A_9 = arith.constant 625 : i32
    %iota3A_10 = tpu.iota {dimensions = array<i32: 0>} : vector<16xi32>
    %broadcast_in_dim3A = arith.constant 0x7F800000 : f32
    %broadcast_in_dim3A_11 = vector.broadcast %broadcast_in_dim3A : f32 to vector<16xf32>
    %broadcast_in_dim3A_12 = arith.constant 0 : i32
    %broadcast_in_dim3A_13 = vector.broadcast %broadcast_in_dim3A_12 : i32 to vector<16xi32>
    %broadcast_in_dim3A_14 = arith.constant -1 : i32
    %broadcast_in_dim3A_15 = vector.broadcast %broadcast_in_dim3A_14 : i32 to vector<16xi32>
    %scan3A_16 = arith.constant 0 : i32
    %scan3A_17 = arith.constant 0 : i32
    %scan3A_18 = arith.constant 79 : i32
    %scan3A_19 = arith.addi %scan3A_17, %scan3A_18 : i32
    %scan3A_20 = arith.constant 1 : i32
    %scan3A_21 = scf.for %scan3A_23 = %scan3A_17 to %scan3A_19 step %scan3A_20 iter_args(%scan3A_24 = %scan3A_16) -> (i32)  : i32 {
      %mul3A_25 = arith.constant 316 : i32
      %mul3A_26 = arith.muli %add3A, %mul3A_25 : i32
      %mul3A_27 = arith.constant 4 : i32
      %mul3A_28 = arith.muli %scan3A_23, %mul3A_27 : i32
      %add3A_29 = arith.addi %mul3A_26, %mul3A_28 : i32
      %add3A_30 = arith.constant 0 : i32
      %add3A_31 = arith.addi %add3A_29, %add3A_30 : i32
      %min3A = arith.constant 9999 : i32
      %min3A_32 = arith.minsi %add3A_31, %min3A : i32
      %mul3A_33 = arith.constant 316 : i32
      %mul3A_34 = arith.muli %add3A, %mul3A_33 : i32
      %mul3A_35 = arith.constant 4 : i32
      %mul3A_36 = arith.muli %scan3A_23, %mul3A_35 : i32
      %add3A_37 = arith.addi %mul3A_34, %mul3A_36 : i32
      %add3A_38 = arith.constant 1 : i32
      %add3A_39 = arith.addi %add3A_37, %add3A_38 : i32
      %min3A_40 = arith.constant 9999 : i32
      %min3A_41 = arith.minsi %add3A_39, %min3A_40 : i32
      %mul3A_42 = arith.constant 316 : i32
      %mul3A_43 = arith.muli %add3A, %mul3A_42 : i32
      %mul3A_44 = arith.constant 4 : i32
      %mul3A_45 = arith.muli %scan3A_23, %mul3A_44 : i32
      %add3A_46 = arith.addi %mul3A_43, %mul3A_45 : i32
      %add3A_47 = arith.constant 2 : i32
      %add3A_48 = arith.addi %add3A_46, %add3A_47 : i32
      %min3A_49 = arith.constant 9999 : i32
      %min3A_50 = arith.minsi %add3A_48, %min3A_49 : i32
      %mul3A_51 = arith.constant 316 : i32
      %mul3A_52 = arith.muli %add3A, %mul3A_51 : i32
      %mul3A_53 = arith.constant 4 : i32
      %mul3A_54 = arith.muli %scan3A_23, %mul3A_53 : i32
      %add3A_55 = arith.addi %mul3A_52, %mul3A_54 : i32
      %add3A_56 = arith.constant 3 : i32
      %add3A_57 = arith.addi %add3A_55, %add3A_56 : i32
      %min3A_58 = arith.constant 9999 : i32
      %min3A_59 = arith.minsi %add3A_57, %min3A_58 : i32
      %get3A = arith.index_cast %min3A_32 : i32 to index
      %get3A_60 = tpu.vector_load %arg5[%get3A] {strides = array<i32>} : memref<10016xf32, #tpu.memory_space<vmem>>, vector<16xf32>,
      %slice3A = vector.extract_strided_slice %get3A_60 {offsets = [0], sizes = [1], strides = [1]} : vector<16xf32> to vector<1xf32>
      %squeeze3A = vector.extract %slice3A[0] : f32 from vector<1xf32>
      %mul3A_61 = arith.constant -2.000000e+00 : f32
      %mul3A_62 = arith.mulf %squeeze3A, %mul3A_61 : f32
      %get3A_63 = arith.index_cast %min3A_32 : i32 to index
      %get3A_64 = tpu.vector_load %arg6[%get3A_63] {strides = array<i32>} : memref<10016xf32, #tpu.memory_space<vmem>>, vector<16xf32>,
      %slice3A_65 = vector.extract_strided_slice %get3A_64 {offsets = [0], sizes = [1], strides = [1]} : vector<16xf32> to vector<1xf32>
      %squeeze3A_66 = vector.extract %slice3A_65[0] : f32 from vector<1xf32>
      %mul3A_67 = arith.constant -2.000000e+00 : f32
      %mul3A_68 = arith.mulf %squeeze3A_66, %mul3A_67 : f32
      %get3A_69 = arith.index_cast %min3A_32 : i32 to index
      %get3A_70 = tpu.vector_load %arg7[%get3A_69] {strides = array<i32>} : memref<10016xf32, #tpu.memory_space<vmem>>, vector<16xf32>,
      %slice3A_71 = vector.extract_strided_slice %get3A_70 {offsets = [0], sizes = [1], strides = [1]} : vector<16xf32> to vector<1xf32>
      %squeeze3A_72 = vector.extract %slice3A_71[0] : f32 from vector<1xf32>
      %mul3A_73 = arith.constant -2.000000e+00 : f32
      %mul3A_74 = arith.mulf %squeeze3A_72, %mul3A_73 : f32
      %get3A_75 = arith.index_cast %min3A_41 : i32 to index
      %get3A_76 = tpu.vector_load %arg5[%get3A_75] {strides = array<i32>} : memref<10016xf32, #tpu.memory_space<vmem>>, vector<16xf32>,
      %slice3A_77 = vector.extract_strided_slice %get3A_76 {offsets = [0], sizes = [1], strides = [1]} : vector<16xf32> to vector<1xf32>
      %squeeze3A_78 = vector.extract %slice3A_77[0] : f32 from vector<1xf32>
      %mul3A_79 = arith.constant -2.000000e+00 : f32
      %mul3A_80 = arith.mulf %squeeze3A_78, %mul3A_79 : f32
      %get3A_81 = arith.index_cast %min3A_41 : i32 to index
      %get3A_82 = tpu.vector_load %arg6[%get3A_81] {strides = array<i32>} : memref<10016xf32, #tpu.memory_space<vmem>>, vector<16xf32>,
      %slice3A_83 = vector.extract_strided_slice %get3A_82 {offsets = [0], sizes = [1], strides = [1]} : vector<16xf32> to vector<1xf32>
      %squeeze3A_84 = vector.extract %slice3A_83[0] : f32 from vector<1xf32>
      %mul3A_85 = arith.constant -2.000000e+00 : f32
      %mul3A_86 = arith.mulf %squeeze3A_84, %mul3A_85 : f32
      %get3A_87 = arith.index_cast %min3A_41 : i32 to index
      %get3A_88 = tpu.vector_load %arg7[%get3A_87] {strides = array<i32>} : memref<10016xf32, #tpu.memory_space<vmem>>, vector<16xf32>,
      %slice3A_89 = vector.extract_strided_slice %get3A_88 {offsets = [0], sizes = [1], strides = [1]} : vector<16xf32> to vector<1xf32>
      %squeeze3A_90 = vector.extract %slice3A_89[0] : f32 from vector<1xf32>
      %mul3A_91 = arith.constant -2.000000e+00 : f32
      %mul3A_92 = arith.mulf %squeeze3A_90, %mul3A_91 : f32
      %get3A_93 = arith.index_cast %min3A_50 : i32 to index
      %get3A_94 = tpu.vector_load %arg5[%get3A_93] {strides = array<i32>} : memref<10016xf32, #tpu.memory_space<vmem>>, vector<16xf32>,
      %slice3A_95 = vector.extract_strided_slice %get3A_94 {offsets = [0], sizes = [1], strides = [1]} : vector<16xf32> to vector<1xf32>
      %squeeze3A_96 = vector.extract %slice3A_95[0] : f32 from vector<1xf32>
      %mul3A_97 = arith.constant -2.000000e+00 : f32
      %mul3A_98 = arith.mulf %squeeze3A_96, %mul3A_97 : f32
      %get3A_99 = arith.index_cast %min3A_50 : i32 to index
      %get3A_100 = tpu.vector_load %arg6[%get3A_99] {strides = array<i32>} : memref<10016xf32, #tpu.memory_space<vmem>>, vector<16xf32>,
      %slice3A_101 = vector.extract_strided_slice %get3A_100 {offsets = [0], sizes = [1], strides = [1]} : vector<16xf32> to vector<1xf32>
      %squeeze3A_102 = vector.extract %slice3A_101[0] : f32 from vector<1xf32>
      %mul3A_103 = arith.constant -2.000000e+00 : f32
      %mul3A_104 = arith.mulf %squeeze3A_102, %mul3A_103 : f32
      %get3A_105 = arith.index_cast %min3A_50 : i32 to index
      %get3A_106 = tpu.vector_load %arg7[%get3A_105] {strides = array<i32>} : memref<10016xf32, #tpu.memory_space<vmem>>, vector<16xf32>,
      %slice3A_107 = vector.extract_strided_slice %get3A_106 {offsets = [0], sizes = [1], strides = [1]} : vector<16xf32> to vector<1xf32>
      %squeeze3A_108 = vector.extract %slice3A_107[0] : f32 from vector<1xf32>
      %mul3A_109 = arith.constant -2.000000e+00 : f32
      %mul3A_110 = arith.mulf %squeeze3A_108, %mul3A_109 : f32
      %get3A_111 = arith.index_cast %min3A_59 : i32 to index
      %get3A_112 = tpu.vector_load %arg5[%get3A_111] {strides = array<i32>} : memref<10016xf32, #tpu.memory_space<vmem>>, vector<16xf32>,
      %slice3A_113 = vector.extract_strided_slice %get3A_112 {offsets = [0], sizes = [1], strides = [1]} : vector<16xf32> to vector<1xf32>
      %squeeze3A_114 = vector.extract %slice3A_113[0] : f32 from vector<1xf32>
      %mul3A_115 = arith.constant -2.000000e+00 : f32
      %mul3A_116 = arith.mulf %squeeze3A_114, %mul3A_115 : f32
      %get3A_117 = arith.index_cast %min3A_59 : i32 to index
      %get3A_118 = tpu.vector_load %arg6[%get3A_117] {strides = array<i32>} : memref<10016xf32, #tpu.memory_space<vmem>>, vector<16xf32>,
      %slice3A_119 = vector.extract_strided_slice %get3A_118 {offsets = [0], sizes = [1], strides = [1]} : vector<16xf32> to vector<1xf32>
      %squeeze3A_120 = vector.extract %slice3A_119[0] : f32 from vector<1xf32>
      %mul3A_121 = arith.constant -2.000000e+00 : f32
      %mul3A_122 = arith.mulf %squeeze3A_120, %mul3A_121 : f32
      %get3A_123 = arith.index_cast %min3A_59 : i32 to index
      %get3A_124 = tpu.vector_load %arg7[%get3A_123] {strides = array<i32>} : memref<10016xf32, #tpu.memory_space<vmem>>, vector<16xf32>,
      %slice3A_125 = vector.extract_strided_slice %get3A_124 {offsets = [0], sizes = [1], strides = [1]} : vector<16xf32> to vector<1xf32>
      %squeeze3A_126 = vector.extract %slice3A_125[0] : f32 from vector<1xf32>
      %mul3A_127 = arith.constant -2.000000e+00 : f32
      %mul3A_128 = arith.mulf %squeeze3A_126, %mul3A_127 : f32
      %get3A_129 = arith.constant 0 : index
      %get3A_130 = tpu.vector_load %arg8[%get3A_129] {strides = array<i32>} : memref<10000xf32, #tpu.memory_space<vmem>>, vector<16xf32>,
      %get3A_131 = arith.constant 0 : index
      %get3A_132 = tpu.vector_load %arg5[%get3A_131] {strides = array<i32>} : memref<10016xf32, #tpu.memory_space<vmem>>, vector<16xf32>,
      %get3A_133 = arith.constant 0 : index
      %get3A_134 = tpu.vector_load %arg6[%get3A_133] {strides = array<i32>} : memref<10016xf32, #tpu.memory_space<vmem>>, vector<16xf32>,
      %get3A_135 = arith.constant 0 : index
      %get3A_136 = tpu.vector_load %arg7[%get3A_135] {strides = array<i32>} : memref<10016xf32, #tpu.memory_space<vmem>>, vector<16xf32>,
      %mul3A_137 = vector.broadcast %mul3A_62 : f32 to vector<16xf32>
      %mul3A_138 = arith.mulf %get3A_132, %mul3A_137 : vector<16xf32>
      %add3A_139 = arith.addf %get3A_130, %mul3A_138 : vector<16xf32>
      %mul3A_140 = vector.broadcast %mul3A_68 : f32 to vector<16xf32>
      %mul3A_141 = arith.mulf %get3A_134, %mul3A_140 : vector<16xf32>
      %mul3A_142 = vector.broadcast %mul3A_74 : f32 to vector<16xf32>
      %mul3A_143 = arith.mulf %get3A_136, %mul3A_142 : vector<16xf32>
      %add3A_144 = arith.addf %mul3A_141, %mul3A_143 : vector<16xf32>
      %add3A_145 = arith.addf %add3A_139, %add3A_144 : vector<16xf32>
      %eq3A = vector.broadcast %min3A_32 : i32 to vector<16xi32>
      %eq3A_146 = arith.cmpi eq, %iota3A_10, %eq3A : vector<16xi32>
      %jit3A = arith.constant 0x7F800000 : f32
      %broadcast_in_dim3A_147 = vector.broadcast %jit3A : f32 to vector<16xf32>
      %select_n3A = arith.select %eq3A_146, %broadcast_in_dim3A_147, %add3A_145 : vector<16xi1>, vector<16xf32>
      %masked_sort3A = arith.constant dense<true> : vector<16xi1>
      %masked_sort3A_148, %masked_sort3A_149, %masked_sort3A_150 = tpu.sort %select_n3A, %iota3A_10 masked %masked_sort3A : (vector<16xf32>, vector<16xi32>, vector<16xi1>) -> (vector<16xi1>, vector<16xf32>, vector<16xi32>)
      %slice3A_151 = vector.extract_strided_slice %masked_sort3A_149 {offsets = [15], sizes = [1], strides = [1]} : vector<16xf32> to vector<1xf32>
      %squeeze3A_152 = vector.extract %slice3A_151[0] : f32 from vector<1xf32>
      %broadcast_in_dim3A_153 = vector.broadcast %squeeze3A_152 : f32 to vector<16xf32>
      %mul3A_154 = vector.broadcast %mul3A_80 : f32 to vector<16xf32>
      %mul3A_155 = arith.mulf %get3A_132, %mul3A_154 : vector<16xf32>
      %add3A_156 = arith.addf %get3A_130, %mul3A_155 : vector<16xf32>
      %mul3A_157 = vector.broadcast %mul3A_86 : f32 to vector<16xf32>
      %mul3A_158 = arith.mulf %get3A_134, %mul3A_157 : vector<16xf32>
      %mul3A_159 = vector.broadcast %mul3A_92 : f32 to vector<16xf32>
      %mul3A_160 = arith.mulf %get3A_136, %mul3A_159 : vector<16xf32>
      %add3A_161 = arith.addf %mul3A_158, %mul3A_160 : vector<16xf32>
      %add3A_162 = arith.addf %add3A_156, %add3A_161 : vector<16xf32>
      %eq3A_163 = vector.broadcast %min3A_41 : i32 to vector<16xi32>
      %eq3A_164 = arith.cmpi eq, %iota3A_10, %eq3A_163 : vector<16xi32>
      %jit3A_165 = arith.constant 0x7F800000 : f32
      %broadcast_in_dim3A_166 = vector.broadcast %jit3A_165 : f32 to vector<16xf32>
      %select_n3A_167 = arith.select %eq3A_164, %broadcast_in_dim3A_166, %add3A_162 : vector<16xi1>, vector<16xf32>
      %masked_sort3A_168 = arith.constant dense<true> : vector<16xi1>
      %masked_sort3A_169, %masked_sort3A_170, %masked_sort3A_171 = tpu.sort %select_n3A_167, %iota3A_10 masked %masked_sort3A_168 : (vector<16xf32>, vector<16xi32>, vector<16xi1>) -> (vector<16xi1>, vector<16xf32>, vector<16xi32>)
      %slice3A_172 = vector.extract_strided_slice %masked_sort3A_170 {offsets = [15], sizes = [1], strides = [1]} : vector<16xf32> to vector<1xf32>
      %squeeze3A_173 = vector.extract %slice3A_172[0] : f32 from vector<1xf32>
      %broadcast_in_dim3A_174 = vector.broadcast %squeeze3A_173 : f32 to vector<16xf32>
      %mul3A_175 = vector.broadcast %mul3A_98 : f32 to vector<16xf32>
      %mul3A_176 = arith.mulf %get3A_132, %mul3A_175 : vector<16xf32>
      %add3A_177 = arith.addf %get3A_130, %mul3A_176 : vector<16xf32>
      %mul3A_178 = vector.broadcast %mul3A_104 : f32 to vector<16xf32>
      %mul3A_179 = arith.mulf %get3A_134, %mul3A_178 : vector<16xf32>
      %mul3A_180 = vector.broadcast %mul3A_110 : f32 to vector<16xf32>
      %mul3A_181 = arith.mulf %get3A_136, %mul3A_180 : vector<16xf32>
      %add3A_182 = arith.addf %mul3A_179, %mul3A_181 : vector<16xf32>
      %add3A_183 = arith.addf %add3A_177, %add3A_182 : vector<16xf32>
      %eq3A_184 = vector.broadcast %min3A_50 : i32 to vector<16xi32>
      %eq3A_185 = arith.cmpi eq, %iota3A_10, %eq3A_184 : vector<16xi32>
      %jit3A_186 = arith.constant 0x7F800000 : f32
      %broadcast_in_dim3A_187 = vector.broadcast %jit3A_186 : f32 to vector<16xf32>
      %select_n3A_188 = arith.select %eq3A_185, %broadcast_in_dim3A_187, %add3A_183 : vector<16xi1>, vector<16xf32>
      %masked_sort3A_189 = arith.constant dense<true> : vector<16xi1>
      %masked_sort3A_190, %masked_sort3A_191, %masked_sort3A_192 = tpu.sort %select_n3A_188, %iota3A_10 masked %masked_sort3A_189 : (vector<16xf32>, vector<16xi32>, vector<16xi1>) -> (vector<16xi1>, vector<16xf32>, vector<16xi32>)
      %slice3A_193 = vector.extract_strided_slice %masked_sort3A_191 {offsets = [15], sizes = [1], strides = [1]} : vector<16xf32> to vector<1xf32>
      %squeeze3A_194 = vector.extract %slice3A_193[0] : f32 from vector<1xf32>
      %broadcast_in_dim3A_195 = vector.broadcast %squeeze3A_194 : f32 to vector<16xf32>
      %mul3A_196 = vector.broadcast %mul3A_116 : f32 to vector<16xf32>
      %mul3A_197 = arith.mulf %get3A_132, %mul3A_196 : vector<16xf32>
      %add3A_198 = arith.addf %get3A_130, %mul3A_197 : vector<16xf32>
      %mul3A_199 = vector.broadcast %mul3A_122 : f32 to vector<16xf32>
      %mul3A_200 = arith.mulf %get3A_134, %mul3A_199 : vector<16xf32>
      %mul3A_201 = vector.broadcast %mul3A_128 : f32 to vector<16xf32>
      %mul3A_202 = arith.mulf %get3A_136, %mul3A_201 : vector<16xf32>
      %add3A_203 = arith.addf %mul3A_200, %mul3A_202 : vector<16xf32>
      %add3A_204 = arith.addf %add3A_198, %add3A_203 : vector<16xf32>
      %eq3A_205 = vector.broadcast %min3A_59 : i32 to vector<16xi32>
      %eq3A_206 = arith.cmpi eq, %iota3A_10, %eq3A_205 : vector<16xi32>
      %jit3A_207 = arith.constant 0x7F800000 : f32
      %broadcast_in_dim3A_208 = vector.broadcast %jit3A_207 : f32 to vector<16xf32>
      %select_n3A_209 = arith.select %eq3A_206, %broadcast_in_dim3A_208, %add3A_204 : vector<16xi1>, vector<16xf32>
      %masked_sort3A_210 = arith.constant dense<true> : vector<16xi1>
      %masked_sort3A_211, %masked_sort3A_212, %masked_sort3A_213 = tpu.sort %select_n3A_209, %iota3A_10 masked %masked_sort3A_210 : (vector<16xf32>, vector<16xi32>, vector<16xi1>) -> (vector<16xi1>, vector<16xf32>, vector<16xi32>)
      %slice3A_214 = vector.extract_strided_slice %masked_sort3A_212 {offsets = [15], sizes = [1], strides = [1]} : vector<16xf32> to vector<1xf32>
      %squeeze3A_215 = vector.extract %slice3A_214[0] : f32 from vector<1xf32>
      %broadcast_in_dim3A_216 = vector.broadcast %squeeze3A_215 : f32 to vector<16xf32>
      %scan3A_217 = arith.constant 0 : i32
      %scan3A_218 = arith.constant 24 : i32
      %scan3A_219 = arith.addi %scan3A_217, %scan3A_218 : i32
      %scan3A_220 = arith.constant 1 : i32
      %scan3A_221:16 = scf.for %scan3A_398 = %scan3A_217 to %scan3A_219 step %scan3A_220 iter_args(%scan3A_399 = %masked_sort3A_149, %scan3A_400 = %masked_sort3A_150, %scan3A_401 = %broadcast_in_dim3A_153, %scan3A_402 = %broadcast_in_dim3A_15, %scan3A_403 = %masked_sort3A_170, %scan3A_404 = %masked_sort3A_171, %scan3A_405 = %broadcast_in_dim3A_174, %scan3A_406 = %broadcast_in_dim3A_15, %scan3A_407 = %masked_sort3A_191, %scan3A_408 = %masked_sort3A_192, %scan3A_409 = %broadcast_in_dim3A_195, %scan3A_410 = %broadcast_in_dim3A_15, %scan3A_411 = %masked_sort3A_212, %scan3A_412 = %masked_sort3A_213, %scan3A_413 = %broadcast_in_dim3A_216, %scan3A_414 = %broadcast_in_dim3A_15) -> (vector<16xf32>, vector<16xi32>, vector<16xf32>, vector<16xi32>, vector<16xf32>, vector<16xi32>, vector<16xf32>, vector<16xi32>, vector<16xf32>, vector<16xi32>, vector<16xf32>, vector<16xi32>, vector<16xf32>, vector<16xi32>, vector<16xf32>, vector<16xi32>)  : i32 {
        %mul3A_415 = arith.constant 26 : i32
        %mul3A_416 = arith.muli %scan3A_398, %mul3A_415 : i32
        %add3A_417 = arith.constant 1 : i32
        %add3A_418 = arith.addi %mul3A_416, %add3A_417 : i32
        %mul3A_419 = arith.constant 16 : i32
        %mul3A_420 = arith.muli %add3A_418, %mul3A_419 : i32
        %add3A_421 = arith.constant 0 : i32
        %add3A_422 = arith.addi %mul3A_420, %add3A_421 : i32
        %get3A_423 = arith.index_cast %add3A_422 : i32 to index
        %get3A_424 = tpu.vector_load %arg8[%get3A_423] {strides = array<i32>} : memref<10000xf32, #tpu.memory_space<vmem>>, vector<16xf32>,
        %get3A_425 = arith.index_cast %add3A_422 : i32 to index
        %get3A_426 = tpu.vector_load %arg5[%get3A_425] {strides = array<i32>} : memref<10016xf32, #tpu.memory_space<vmem>>, vector<16xf32>,
        %get3A_427 = arith.index_cast %add3A_422 : i32 to index
        %get3A_428 = tpu.vector_load %arg6[%get3A_427] {strides = array<i32>} : memref<10016xf32, #tpu.memory_space<vmem>>, vector<16xf32>,
        %get3A_429 = arith.index_cast %add3A_422 : i32 to index
        %get3A_430 = tpu.vector_load %arg7[%get3A_429] {strides = array<i32>} : memref<10016xf32, #tpu.memory_space<vmem>>, vector<16xf32>,
        %add3A_431 = vector.broadcast %add3A_422 : i32 to vector<16xi32>
        %add3A_432 = arith.addi %iota3A_10, %add3A_431 : vector<16xi32>
        %mul3A_433 = vector.broadcast %mul3A_62 : f32 to vector<16xf32>
        %mul3A_434 = arith.mulf %get3A_426, %mul3A_433 : vector<16xf32>
        %add3A_435 = arith.addf %get3A_424, %mul3A_434 : vector<16xf32>
        %mul3A_436 = vector.broadcast %mul3A_68 : f32 to vector<16xf32>
        %mul3A_437 = arith.mulf %get3A_428, %mul3A_436 : vector<16xf32>
        %mul3A_438 = vector.broadcast %mul3A_74 : f32 to vector<16xf32>
        %mul3A_439 = arith.mulf %get3A_430, %mul3A_438 : vector<16xf32>
        %add3A_440 = arith.addf %mul3A_437, %mul3A_439 : vector<16xf32>
        %add3A_441 = arith.addf %add3A_435, %add3A_440 : vector<16xf32>
        %lt3A = arith.cmpf olt, %add3A_441, %scan3A_401 : vector<16xf32>
        %convert_element_type3A = arith.extui %lt3A : vector<16xi1> to vector<16xi32>
        %broadcast_in_dim3A_442 = arith.constant true
        %broadcast_in_dim3A_443 = vector.broadcast %broadcast_in_dim3A_442 : i1 to vector<16xi1>
        %masked_cumsum3A = tpu.scan <sum>, %convert_element_type3A masked %broadcast_in_dim3A_443 : vector<16xi32>, vector<16xi1> -> vector<16xi32>
        %add3A_444 = arith.addi %scan3A_402, %masked_cumsum3A : vector<16xi32>
        tpu.vector_store_idx %arg10[%add3A_444], %add3A_441 masked %lt3A : memref<416xf32, #tpu.memory_space<vmem>>[vector<16xi32>], vector<16xf32>, vector<16xi1>
        tpu.vector_store_idx %arg11[%add3A_444], %add3A_432 masked %lt3A : memref<416xi32, #tpu.memory_space<vmem>>[vector<16xi32>], vector<16xi32>, vector<16xi1>
        %slice3A_445 = vector.extract_strided_slice %masked_cumsum3A {offsets = [15], sizes = [1], strides = [1]} : vector<16xi32> to vector<1xi32>
        %squeeze3A_446 = vector.extract %slice3A_445[0] : i32 from vector<1xi32>
        %add3A_447 = vector.broadcast %squeeze3A_446 : i32 to vector<16xi32>
        %add3A_448 = arith.addi %scan3A_402, %add3A_447 : vector<16xi32>
        %mul3A_449 = vector.broadcast %mul3A_80 : f32 to vector<16xf32>
        %mul3A_450 = arith.mulf %get3A_426, %mul3A_449 : vector<16xf32>
        %add3A_451 = arith.addf %get3A_424, %mul3A_450 : vector<16xf32>
        %mul3A_452 = vector.broadcast %mul3A_86 : f32 to vector<16xf32>
        %mul3A_453 = arith.mulf %get3A_428, %mul3A_452 : vector<16xf32>
        %mul3A_454 = vector.broadcast %mul3A_92 : f32 to vector<16xf32>
        %mul3A_455 = arith.mulf %get3A_430, %mul3A_454 : vector<16xf32>
        %add3A_456 = arith.addf %mul3A_453, %mul3A_455 : vector<16xf32>
        %add3A_457 = arith.addf %add3A_451, %add3A_456 : vector<16xf32>
        %lt3A_458 = arith.cmpf olt, %add3A_457, %scan3A_405 : vector<16xf32>
        %convert_element_type3A_459 = arith.extui %lt3A_458 : vector<16xi1> to vector<16xi32>
        %broadcast_in_dim3A_460 = arith.constant true
        %broadcast_in_dim3A_461 = vector.broadcast %broadcast_in_dim3A_460 : i1 to vector<16xi1>
        %masked_cumsum3A_462 = tpu.scan <sum>, %convert_element_type3A_459 masked %broadcast_in_dim3A_461 : vector<16xi32>, vector<16xi1> -> vector<16xi32>
        %add3A_463 = arith.addi %scan3A_406, %masked_cumsum3A_462 : vector<16xi32>
        tpu.vector_store_idx %arg12[%add3A_463], %add3A_457 masked %lt3A_458 : memref<416xf32, #tpu.memory_space<vmem>>[vector<16xi32>], vector<16xf32>, vector<16xi1>
        tpu.vector_store_idx %arg13[%add3A_463], %add3A_432 masked %lt3A_458 : memref<416xi32, #tpu.memory_space<vmem>>[vector<16xi32>], vector<16xi32>, vector<16xi1>
        %slice3A_464 = vector.extract_strided_slice %masked_cumsum3A_462 {offsets = [15], sizes = [1], strides = [1]} : vector<16xi32> to vector<1xi32>
        %squeeze3A_465 = vector.extract %slice3A_464[0] : i32 from vector<1xi32>
        %add3A_466 = vector.broadcast %squeeze3A_465 : i32 to vector<16xi32>
        %add3A_467 = arith.addi %scan3A_406, %add3A_466 : vector<16xi32>
        %mul3A_468 = vector.broadcast %mul3A_98 : f32 to vector<16xf32>
        %mul3A_469 = arith.mulf %get3A_426, %mul3A_468 : vector<16xf32>
        %add3A_470 = arith.addf %get3A_424, %mul3A_469 : vector<16xf32>
        %mul3A_471 = vector.broadcast %mul3A_104 : f32 to vector<16xf32>
        %mul3A_472 = arith.mulf %get3A_428, %mul3A_471 : vector<16xf32>
        %mul3A_473 = vector.broadcast %mul3A_110 : f32 to vector<16xf32>
        %mul3A_474 = arith.mulf %get3A_430, %mul3A_473 : vector<16xf32>
        %add3A_475 = arith.addf %mul3A_472, %mul3A_474 : vector<16xf32>
        %add3A_476 = arith.addf %add3A_470, %add3A_475 : vector<16xf32>
        %lt3A_477 = arith.cmpf olt, %add3A_476, %scan3A_409 : vector<16xf32>
        %convert_element_type3A_478 = arith.extui %lt3A_477 : vector<16xi1> to vector<16xi32>
        %broadcast_in_dim3A_479 = arith.constant true
        %broadcast_in_dim3A_480 = vector.broadcast %broadcast_in_dim3A_479 : i1 to vector<16xi1>
        %masked_cumsum3A_481 = tpu.scan <sum>, %convert_element_type3A_478 masked %broadcast_in_dim3A_480 : vector<16xi32>, vector<16xi1> -> vector<16xi32>
        %add3A_482 = arith.addi %scan3A_410, %masked_cumsum3A_481 : vector<16xi32>
        tpu.vector_store_idx %arg14[%add3A_482], %add3A_476 masked %lt3A_477 : memref<416xf32, #tpu.memory_space<vmem>>[vector<16xi32>], vector<16xf32>, vector<16xi1>
        tpu.vector_store_idx %arg15[%add3A_482], %add3A_432 masked %lt3A_477 : memref<416xi32, #tpu.memory_space<vmem>>[vector<16xi32>], vector<16xi32>, vector<16xi1>
        %slice3A_483 = vector.extract_strided_slice %masked_cumsum3A_481 {offsets = [15], sizes = [1], strides = [1]} : vector<16xi32> to vector<1xi32>
        %squeeze3A_484 = vector.extract %slice3A_483[0] : i32 from vector<1xi32>
        %add3A_485 = vector.broadcast %squeeze3A_484 : i32 to vector<16xi32>
        %add3A_486 = arith.addi %scan3A_410, %add3A_485 : vector<16xi32>
        %mul3A_487 = vector.broadcast %mul3A_116 : f32 to vector<16xf32>
        %mul3A_488 = arith.mulf %get3A_426, %mul3A_487 : vector<16xf32>
        %add3A_489 = arith.addf %get3A_424, %mul3A_488 : vector<16xf32>
        %mul3A_490 = vector.broadcast %mul3A_122 : f32 to vector<16xf32>
        %mul3A_491 = arith.mulf %get3A_428, %mul3A_490 : vector<16xf32>
        %mul3A_492 = vector.broadcast %mul3A_128 : f32 to vector<16xf32>
        %mul3A_493 = arith.mulf %get3A_430, %mul3A_492 : vector<16xf32>
        %add3A_494 = arith.addf %mul3A_491, %mul3A_493 : vector<16xf32>
        %add3A_495 = arith.addf %add3A_489, %add3A_494 : vector<16xf32>
        %lt3A_496 = arith.cmpf olt, %add3A_495, %scan3A_413 : vector<16xf32>
        %convert_element_type3A_497 = arith.extui %lt3A_496 : vector<16xi1> to vector<16xi32>
        %broadcast_in_dim3A_498 = arith.constant true
        %broadcast_in_dim3A_499 = vector.broadcast %broadcast_in_dim3A_498 : i1 to vector<16xi1>
        %masked_cumsum3A_500 = tpu.scan <sum>, %convert_element_type3A_497 masked %broadcast_in_dim3A_499 : vector<16xi32>, vector<16xi1> -> vector<16xi32>
        %add3A_501 = arith.addi %scan3A_414, %masked_cumsum3A_500 : vector<16xi32>
        tpu.vector_store_idx %arg16[%add3A_501], %add3A_495 masked %lt3A_496 : memref<416xf32, #tpu.memory_space<vmem>>[vector<16xi32>], vector<16xf32>, vector<16xi1>
        tpu.vector_store_idx %arg17[%add3A_501], %add3A_432 masked %lt3A_496 : memref<416xi32, #tpu.memory_space<vmem>>[vector<16xi32>], vector<16xi32>, vector<16xi1>
        %slice3A_502 = vector.extract_strided_slice %masked_cumsum3A_500 {offsets = [15], sizes = [1], strides = [1]} : vector<16xi32> to vector<1xi32>
        %squeeze3A_503 = vector.extract %slice3A_502[0] : i32 from vector<1xi32>
        %add3A_504 = vector.broadcast %squeeze3A_503 : i32 to vector<16xi32>
        %add3A_505 = arith.addi %scan3A_414, %add3A_504 : vector<16xi32>
        %add3A_506 = arith.constant 16 : i32
        %add3A_507 = arith.addi %mul3A_420, %add3A_506 : i32
        %get3A_508 = arith.index_cast %add3A_507 : i32 to index
        %get3A_509 = tpu.vector_load %arg8[%get3A_508] {strides = array<i32>} : memref<10000xf32, #tpu.memory_space<vmem>>, vector<16xf32>,
        %get3A_510 = arith.index_cast %add3A_507 : i32 to index
        %get3A_511 = tpu.vector_load %arg5[%get3A_510] {strides = array<i32>} : memref<10016xf32, #tpu.memory_space<vmem>>, vector<16xf32>,
        %get3A_512 = arith.index_cast %add3A_507 : i32 to index
        %get3A_513 = tpu.vector_load %arg6[%get3A_512] {strides = array<i32>} : memref<10016xf32, #tpu.memory_space<vmem>>, vector<16xf32>,
        %get3A_514 = arith.index_cast %add3A_507 : i32 to index
        %get3A_515 = tpu.vector_load %arg7[%get3A_514] {strides = array<i32>} : memref<10016xf32, #tpu.memory_space<vmem>>, vector<16xf32>,
        %add3A_516 = vector.broadcast %add3A_507 : i32 to vector<16xi32>
        %add3A_517 = arith.addi %iota3A_10, %add3A_516 : vector<16xi32>
        %mul3A_518 = vector.broadcast %mul3A_62 : f32 to vector<16xf32>
        %mul3A_519 = arith.mulf %get3A_511, %mul3A_518 : vector<16xf32>
        %add3A_520 = arith.addf %get3A_509, %mul3A_519 : vector<16xf32>
        %mul3A_521 = vector.broadcast %mul3A_68 : f32 to vector<16xf32>
        %mul3A_522 = arith.mulf %get3A_513, %mul3A_521 : vector<16xf32>
        %mul3A_523 = vector.broadcast %mul3A_74 : f32 to vector<16xf32>
        %mul3A_524 = arith.mulf %get3A_515, %mul3A_523 : vector<16xf32>
        %add3A_525 = arith.addf %mul3A_522, %mul3A_524 : vector<16xf32>
        %add3A_526 = arith.addf %add3A_520, %add3A_525 : vector<16xf32>
        %lt3A_527 = arith.cmpf olt, %add3A_526, %scan3A_401 : vector<16xf32>
        %convert_element_type3A_528 = arith.extui %lt3A_527 : vector<16xi1> to vector<16xi32>
        %broadcast_in_dim3A_529 = arith.constant true
        %broadcast_in_dim3A_530 = vector.broadcast %broadcast_in_dim3A_529 : i1 to vector<16xi1>
        %masked_cumsum3A_531 = tpu.scan <sum>, %convert_element_type3A_528 masked %broadcast_in_dim3A_530 : vector<16xi32>, vector<16xi1> -> vector<16xi32>
        %add3A_532 = arith.addi %add3A_448, %masked_cumsum3A_531 : vector<16xi32>
        tpu.vector_store_idx %arg10[%add3A_532], %add3A_526 masked %lt3A_527 : memref<416xf32, #tpu.memory_space<vmem>>[vector<16xi32>], vector<16xf32>, vector<16xi1>
        tpu.vector_store_idx %arg11[%add3A_532], %add3A_517 masked %lt3A_527 : memref<416xi32, #tpu.memory_space<vmem>>[vector<16xi32>], vector<16xi32>, vector<16xi1>
        %slice3A_533 = vector.extract_strided_slice %masked_cumsum3A_531 {offsets = [15], sizes = [1], strides = [1]} : vector<16xi32> to vector<1xi32>
        %squeeze3A_534 = vector.extract %slice3A_533[0] : i32 from vector<1xi32>
        %add3A_535 = vector.broadcast %squeeze3A_534 : i32 to vector<16xi32>
        %add3A_536 = arith.addi %add3A_448, %add3A_535 : vector<16xi32>
        %mul3A_537 = vector.broadcast %mul3A_80 : f32 to vector<16xf32>
        %mul3A_538 = arith.mulf %get3A_511, %mul3A_537 : vector<16xf32>
        %add3A_539 = arith.addf %get3A_509, %mul3A_538 : vector<16xf32>
        %mul3A_540 = vector.broadcast %mul3A_86 : f32 to vector<16xf32>
        %mul3A_541 = arith.mulf %get3A_513, %mul3A_540 : vector<16xf32>
        %mul3A_542 = vector.broadcast %mul3A_92 : f32 to vector<16xf32>
        %mul3A_543 = arith.mulf %get3A_515, %mul3A_542 : vector<16xf32>
        %add3A_544 = arith.addf %mul3A_541, %mul3A_543 : vector<16xf32>
        %add3A_545 = arith.addf %add3A_539, %add3A_544 : vector<16xf32>
        %lt3A_546 = arith.cmpf olt, %add3A_545, %scan3A_405 : vector<16xf32>
        %convert_element_type3A_547 = arith.extui %lt3A_546 : vector<16xi1> to vector<16xi32>
        %broadcast_in_dim3A_548 = arith.constant true
        %broadcast_in_dim3A_549 = vector.broadcast %broadcast_in_dim3A_548 : i1 to vector<16xi1>
        %masked_cumsum3A_550 = tpu.scan <sum>, %convert_element_type3A_547 masked %broadcast_in_dim3A_549 : vector<16xi32>, vector<16xi1> -> vector<16xi32>
        %add3A_551 = arith.addi %add3A_467, %masked_cumsum3A_550 : vector<16xi32>
        tpu.vector_store_idx %arg12[%add3A_551], %add3A_545 masked %lt3A_546 : memref<416xf32, #tpu.memory_space<vmem>>[vector<16xi32>], vector<16xf32>, vector<16xi1>
        tpu.vector_store_idx %arg13[%add3A_551], %add3A_517 masked %lt3A_546 : memref<416xi32, #tpu.memory_space<vmem>>[vector<16xi32>], vector<16xi32>, vector<16xi1>
        %slice3A_552 = vector.extract_strided_slice %masked_cumsum3A_550 {offsets = [15], sizes = [1], strides = [1]} : vector<16xi32> to vector<1xi32>
        %squeeze3A_553 = vector.extract %slice3A_552[0] : i32 from vector<1xi32>
        %add3A_554 = vector.broadcast %squeeze3A_553 : i32 to vector<16xi32>
        %add3A_555 = arith.addi %add3A_467, %add3A_554 : vector<16xi32>
        %mul3A_556 = vector.broadcast %mul3A_98 : f32 to vector<16xf32>
        %mul3A_557 = arith.mulf %get3A_511, %mul3A_556 : vector<16xf32>
        %add3A_558 = arith.addf %get3A_509, %mul3A_557 : vector<16xf32>
        %mul3A_559 = vector.broadcast %mul3A_104 : f32 to vector<16xf32>
        %mul3A_560 = arith.mulf %get3A_513, %mul3A_559 : vector<16xf32>
        %mul3A_561 = vector.broadcast %mul3A_110 : f32 to vector<16xf32>
        %mul3A_562 = arith.mulf %get3A_515, %mul3A_561 : vector<16xf32>
        %add3A_563 = arith.addf %mul3A_560, %mul3A_562 : vector<16xf32>
        %add3A_564 = arith.addf %add3A_558, %add3A_563 : vector<16xf32>
        %lt3A_565 = arith.cmpf olt, %add3A_564, %scan3A_409 : vector<16xf32>
        %convert_element_type3A_566 = arith.extui %lt3A_565 : vector<16xi1> to vector<16xi32>
        %broadcast_in_dim3A_567 = arith.constant true
        %broadcast_in_dim3A_568 = vector.broadcast %broadcast_in_dim3A_567 : i1 to vector<16xi1>
        %masked_cumsum3A_569 = tpu.scan <sum>, %convert_element_type3A_566 masked %broadcast_in_dim3A_568 : vector<16xi32>, vector<16xi1> -> vector<16xi32>
        %add3A_570 = arith.addi %add3A_486, %masked_cumsum3A_569 : vector<16xi32>
        tpu.vector_store_idx %arg14[%add3A_570], %add3A_564 masked %lt3A_565 : memref<416xf32, #tpu.memory_space<vmem>>[vector<16xi32>], vector<16xf32>, vector<16xi1>
        tpu.vector_store_idx %arg15[%add3A_570], %add3A_517 masked %lt3A_565 : memref<416xi32, #tpu.memory_space<vmem>>[vector<16xi32>], vector<16xi32>, vector<16xi1>
        %slice3A_571 = vector.extract_strided_slice %masked_cumsum3A_569 {offsets = [15], sizes = [1], strides = [1]} : vector<16xi32> to vector<1xi32>
        %squeeze3A_572 = vector.extract %slice3A_571[0] : i32 from vector<1xi32>
        %add3A_573 = vector.broadcast %squeeze3A_572 : i32 to vector<16xi32>
        %add3A_574 = arith.addi %add3A_486, %add3A_573 : vector<16xi32>
        %mul3A_575 = vector.broadcast %mul3A_116 : f32 to vector<16xf32>
        %mul3A_576 = arith.mulf %get3A_511, %mul3A_575 : vector<16xf32>
        %add3A_577 = arith.addf %get3A_509, %mul3A_576 : vector<16xf32>
        %mul3A_578 = vector.broadcast %mul3A_122 : f32 to vector<16xf32>
        %mul3A_579 = arith.mulf %get3A_513, %mul3A_578 : vector<16xf32>
        %mul3A_580 = vector.broadcast %mul3A_128 : f32 to vector<16xf32>
        %mul3A_581 = arith.mulf %get3A_515, %mul3A_580 : vector<16xf32>
        %add3A_582 = arith.addf %mul3A_579, %mul3A_581 : vector<16xf32>
        %add3A_583 = arith.addf %add3A_577, %add3A_582 : vector<16xf32>
        %lt3A_584 = arith.cmpf olt, %add3A_583, %scan3A_413 : vector<16xf32>
        %convert_element_type3A_585 = arith.extui %lt3A_584 : vector<16xi1> to vector<16xi32>
        %broadcast_in_dim3A_586 = arith.constant true
        %broadcast_in_dim3A_587 = vector.broadcast %broadcast_in_dim3A_586 : i1 to vector<16xi1>
        %masked_cumsum3A_588 = tpu.scan <sum>, %convert_element_type3A_585 masked %broadcast_in_dim3A_587 : vector<16xi32>, vector<16xi1> -> vector<16xi32>
        %add3A_589 = arith.addi %add3A_505, %masked_cumsum3A_588 : vector<16xi32>
        tpu.vector_store_idx %arg16[%add3A_589], %add3A_583 masked %lt3A_584 : memref<416xf32, #tpu.memory_space<vmem>>[vector<16xi32>], vector<16xf32>, vector<16xi1>
        tpu.vector_store_idx %arg17[%add3A_589], %add3A_517 masked %lt3A_584 : memref<416xi32, #tpu.memory_space<vmem>>[vector<16xi32>], vector<16xi32>, vector<16xi1>
        %slice3A_590 = vector.extract_strided_slice %masked_cumsum3A_588 {offsets = [15], sizes = [1], strides = [1]} : vector<16xi32> to vector<1xi32>
        %squeeze3A_591 = vector.extract %slice3A_590[0] : i32 from vector<1xi32>
        %add3A_592 = vector.broadcast %squeeze3A_591 : i32 to vector<16xi32>
        %add3A_593 = arith.addi %add3A_505, %add3A_592 : vector<16xi32>
        %add3A_594 = arith.constant 32 : i32
        %add3A_595 = arith.addi %mul3A_420, %add3A_594 : i32
        %get3A_596 = arith.index_cast %add3A_595 : i32 to index
        %get3A_597 = tpu.vector_load %arg8[%get3A_596] {strides = array<i32>} : memref<10000xf32, #tpu.memory_space<vmem>>, vector<16xf32>,
        %get3A_598 = arith.index_cast %add3A_595 : i32 to index
        %get3A_599 = tpu.vector_load %arg5[%get3A_598] {strides = array<i32>} : memref<10016xf32, #tpu.memory_space<vmem>>, vector<16xf32>,
        %get3A_600 = arith.index_cast %add3A_595 : i32 to index
        %get3A_601 = tpu.vector_load %arg6[%get3A_600] {strides = array<i32>} : memref<10016xf32, #tpu.memory_space<vmem>>, vector<16xf32>,
        %get3A_602 = arith.index_cast %add3A_595 : i32 to index
        %get3A_603 = tpu.vector_load %arg7[%get3A_602] {strides = array<i32>} : memref<10016xf32, #tpu.memory_space<vmem>>, vector<16xf32>,
        %add3A_604 = vector.broadcast %add3A_595 : i32 to vector<16xi32>
        %add3A_605 = arith.addi %iota3A_10, %add3A_604 : vector<16xi32>
        %mul3A_606 = vector.broadcast %mul3A_62 : f32 to vector<16xf32>
        %mul3A_607 = arith.mulf %get3A_599, %mul3A_606 : vector<16xf32>
        %add3A_608 = arith.addf %get3A_597, %mul3A_607 : vector<16xf32>
        %mul3A_609 = vector.broadcast %mul3A_68 : f32 to vector<16xf32>
        %mul3A_610 = arith.mulf %get3A_601, %mul3A_609 : vector<16xf32>
        %mul3A_611 = vector.broadcast %mul3A_74 : f32 to vector<16xf32>
        %mul3A_612 = arith.mulf %get3A_603, %mul3A_611 : vector<16xf32>
        %add3A_613 = arith.addf %mul3A_610, %mul3A_612 : vector<16xf32>
        %add3A_614 = arith.addf %add3A_608, %add3A_613 : vector<16xf32>
        %lt3A_615 = arith.cmpf olt, %add3A_614, %scan3A_401 : vector<16xf32>
        %convert_element_type3A_616 = arith.extui %lt3A_615 : vector<16xi1> to vector<16xi32>
        %broadcast_in_dim3A_617 = arith.constant true
        %broadcast_in_dim3A_618 = vector.broadcast %broadcast_in_dim3A_617 : i1 to vector<16xi1>
        %masked_cumsum3A_619 = tpu.scan <sum>, %convert_element_type3A_616 masked %broadcast_in_dim3A_618 : vector<16xi32>, vector<16xi1> -> vector<16xi32>
        %add3A_620 = arith.addi %add3A_536, %masked_cumsum3A_619 : vector<16xi32>
        tpu.vector_store_idx %arg10[%add3A_620], %add3A_614 masked %lt3A_615 : memref<416xf32, #tpu.memory_space<vmem>>[vector<16xi32>], vector<16xf32>, vector<16xi1>
        tpu.vector_store_idx %arg11[%add3A_620], %add3A_605 masked %lt3A_615 : memref<416xi32, #tpu.memory_space<vmem>>[vector<16xi32>], vector<16xi32>, vector<16xi1>
        %slice3A_621 = vector.extract_strided_slice %masked_cumsum3A_619 {offsets = [15], sizes = [1], strides = [1]} : vector<16xi32> to vector<1xi32>
        %squeeze3A_622 = vector.extract %slice3A_621[0] : i32 from vector<1xi32>
        %add3A_623 = vector.broadcast %squeeze3A_622 : i32 to vector<16xi32>
        %add3A_624 = arith.addi %add3A_536, %add3A_623 : vector<16xi32>
        %mul3A_625 = vector.broadcast %mul3A_80 : f32 to vector<16xf32>
        %mul3A_626 = arith.mulf %get3A_599, %mul3A_625 : vector<16xf32>
        %add3A_627 = arith.addf %get3A_597, %mul3A_626 : vector<16xf32>
        %mul3A_628 = vector.broadcast %mul3A_86 : f32 to vector<16xf32>
        %mul3A_629 = arith.mulf %get3A_601, %mul3A_628 : vector<16xf32>
        %mul3A_630 = vector.broadcast %mul3A_92 : f32 to vector<16xf32>
        %mul3A_631 = arith.mulf %get3A_603, %mul3A_630 : vector<16xf32>
        %add3A_632 = arith.addf %mul3A_629, %mul3A_631 : vector<16xf32>
        %add3A_633 = arith.addf %add3A_627, %add3A_632 : vector<16xf32>
        %lt3A_634 = arith.cmpf olt, %add3A_633, %scan3A_405 : vector<16xf32>
        %convert_element_type3A_635 = arith.extui %lt3A_634 : vector<16xi1> to vector<16xi32>
        %broadcast_in_dim3A_636 = arith.constant true
        %broadcast_in_dim3A_637 = vector.broadcast %broadcast_in_dim3A_636 : i1 to vector<16xi1>
        %masked_cumsum3A_638 = tpu.scan <sum>, %convert_element_type3A_635 masked %broadcast_in_dim3A_637 : vector<16xi32>, vector<16xi1> -> vector<16xi32>
        %add3A_639 = arith.addi %add3A_555, %masked_cumsum3A_638 : vector<16xi32>
        tpu.vector_store_idx %arg12[%add3A_639], %add3A_633 masked %lt3A_634 : memref<416xf32, #tpu.memory_space<vmem>>[vector<16xi32>], vector<16xf32>, vector<16xi1>
        tpu.vector_store_idx %arg13[%add3A_639], %add3A_605 masked %lt3A_634 : memref<416xi32, #tpu.memory_space<vmem>>[vector<16xi32>], vector<16xi32>, vector<16xi1>
        %slice3A_640 = vector.extract_strided_slice %masked_cumsum3A_638 {offsets = [15], sizes = [1], strides = [1]} : vector<16xi32> to vector<1xi32>
        %squeeze3A_641 = vector.extract %slice3A_640[0] : i32 from vector<1xi32>
        %add3A_642 = vector.broadcast %squeeze3A_641 : i32 to vector<16xi32>
        %add3A_643 = arith.addi %add3A_555, %add3A_642 : vector<16xi32>
        %mul3A_644 = vector.broadcast %mul3A_98 : f32 to vector<16xf32>
        %mul3A_645 = arith.mulf %get3A_599, %mul3A_644 : vector<16xf32>
        %add3A_646 = arith.addf %get3A_597, %mul3A_645 : vector<16xf32>
        %mul3A_647 = vector.broadcast %mul3A_104 : f32 to vector<16xf32>
        %mul3A_648 = arith.mulf %get3A_601, %mul3A_647 : vector<16xf32>
        %mul3A_649 = vector.broadcast %mul3A_110 : f32 to vector<16xf32>
        %mul3A_650 = arith.mulf %get3A_603, %mul3A_649 : vector<16xf32>
        %add3A_651 = arith.addf %mul3A_648, %mul3A_650 : vector<16xf32>
        %add3A_652 = arith.addf %add3A_646, %add3A_651 : vector<16xf32>
        %lt3A_653 = arith.cmpf olt, %add3A_652, %scan3A_409 : vector<16xf32>
        %convert_element_type3A_654 = arith.extui %lt3A_653 : vector<16xi1> to vector<16xi32>
        %broadcast_in_dim3A_655 = arith.constant true
        %broadcast_in_dim3A_656 = vector.broadcast %broadcast_in_dim3A_655 : i1 to vector<16xi1>
        %masked_cumsum3A_657 = tpu.scan <sum>, %convert_element_type3A_654 masked %broadcast_in_dim3A_656 : vector<16xi32>, vector<16xi1> -> vector<16xi32>
        %add3A_658 = arith.addi %add3A_574, %masked_cumsum3A_657 : vector<16xi32>
        tpu.vector_store_idx %arg14[%add3A_658], %add3A_652 masked %lt3A_653 : memref<416xf32, #tpu.memory_space<vmem>>[vector<16xi32>], vector<16xf32>, vector<16xi1>
        tpu.vector_store_idx %arg15[%add3A_658], %add3A_605 masked %lt3A_653 : memref<416xi32, #tpu.memory_space<vmem>>[vector<16xi32>], vector<16xi32>, vector<16xi1>
        %slice3A_659 = vector.extract_strided_slice %masked_cumsum3A_657 {offsets = [15], sizes = [1], strides = [1]} : vector<16xi32> to vector<1xi32>
        %squeeze3A_660 = vector.extract %slice3A_659[0] : i32 from vector<1xi32>
        %add3A_661 = vector.broadcast %squeeze3A_660 : i32 to vector<16xi32>
        %add3A_662 = arith.addi %add3A_574, %add3A_661 : vector<16xi32>
        %mul3A_663 = vector.broadcast %mul3A_116 : f32 to vector<16xf32>
        %mul3A_664 = arith.mulf %get3A_599, %mul3A_663 : vector<16xf32>
        %add3A_665 = arith.addf %get3A_597, %mul3A_664 : vector<16xf32>
        %mul3A_666 = vector.broadcast %mul3A_122 : f32 to vector<16xf32>
        %mul3A_667 = arith.mulf %get3A_601, %mul3A_666 : vector<16xf32>
        %mul3A_668 = vector.broadcast %mul3A_128 : f32 to vector<16xf32>
        %mul3A_669 = arith.mulf %get3A_603, %mul3A_668 : vector<16xf32>
        %add3A_670 = arith.addf %mul3A_667, %mul3A_669 : vector<16xf32>
        %add3A_671 = arith.addf %add3A_665, %add3A_670 : vector<16xf32>
        %lt3A_672 = arith.cmpf olt, %add3A_671, %scan3A_413 : vector<16xf32>
        %convert_element_type3A_673 = arith.extui %lt3A_672 : vector<16xi1> to vector<16xi32>
        %broadcast_in_dim3A_674 = arith.constant true
        %broadcast_in_dim3A_675 = vector.broadcast %broadcast_in_dim3A_674 : i1 to vector<16xi1>
        %masked_cumsum3A_676 = tpu.scan <sum>, %convert_element_type3A_673 masked %broadcast_in_dim3A_675 : vector<16xi32>, vector<16xi1> -> vector<16xi32>
        %add3A_677 = arith.addi %add3A_593, %masked_cumsum3A_676 : vector<16xi32>
        tpu.vector_store_idx %arg16[%add3A_677], %add3A_671 masked %lt3A_672 : memref<416xf32, #tpu.memory_space<vmem>>[vector<16xi32>], vector<16xf32>, vector<16xi1>
        tpu.vector_store_idx %arg17[%add3A_677], %add3A_605 masked %lt3A_672 : memref<416xi32, #tpu.memory_space<vmem>>[vector<16xi32>], vector<16xi32>, vector<16xi1>
        %slice3A_678 = vector.extract_strided_slice %masked_cumsum3A_676 {offsets = [15], sizes = [1], strides = [1]} : vector<16xi32> to vector<1xi32>
        %squeeze3A_679 = vector.extract %slice3A_678[0] : i32 from vector<1xi32>
        %add3A_680 = vector.broadcast %squeeze3A_679 : i32 to vector<16xi32>
        %add3A_681 = arith.addi %add3A_593, %add3A_680 : vector<16xi32>
        %add3A_682 = arith.constant 48 : i32
        %add3A_683 = arith.addi %mul3A_420, %add3A_682 : i32
        %get3A_684 = arith.index_cast %add3A_683 : i32 to index
        %get3A_685 = tpu.vector_load %arg8[%get3A_684] {strides = array<i32>} : memref<10000xf32, #tpu.memory_space<vmem>>, vector<16xf32>,
        %get3A_686 = arith.index_cast %add3A_683 : i32 to index
        %get3A_687 = tpu.vector_load %arg5[%get3A_686] {strides = array<i32>} : memref<10016xf32, #tpu.memory_space<vmem>>, vector<16xf32>,
        %get3A_688 = arith.index_cast %add3A_683 : i32 to index
        %get3A_689 = tpu.vector_load %arg6[%get3A_688] {strides = array<i32>} : memref<10016xf32, #tpu.memory_space<vmem>>, vector<16xf32>,
        %get3A_690 = arith.index_cast %add3A_683 : i32 to index
        %get3A_691 = tpu.vector_load %arg7[%get3A_690] {strides = array<i32>} : memref<10016xf32, #tpu.memory_space<vmem>>, vector<16xf32>,
        %add3A_692 = vector.broadcast %add3A_683 : i32 to vector<16xi32>
        %add3A_693 = arith.addi %iota3A_10, %add3A_692 : vector<16xi32>
        %mul3A_694 = vector.broadcast %mul3A_62 : f32 to vector<16xf32>
        %mul3A_695 = arith.mulf %get3A_687, %mul3A_694 : vector<16xf32>
        %add3A_696 = arith.addf %get3A_685, %mul3A_695 : vector<16xf32>
        %mul3A_697 = vector.broadcast %mul3A_68 : f32 to vector<16xf32>
        %mul3A_698 = arith.mulf %get3A_689, %mul3A_697 : vector<16xf32>
        %mul3A_699 = vector.broadcast %mul3A_74 : f32 to vector<16xf32>
        %mul3A_700 = arith.mulf %get3A_691, %mul3A_699 : vector<16xf32>
        %add3A_701 = arith.addf %mul3A_698, %mul3A_700 : vector<16xf32>
        %add3A_702 = arith.addf %add3A_696, %add3A_701 : vector<16xf32>
        %lt3A_703 = arith.cmpf olt, %add3A_702, %scan3A_401 : vector<16xf32>
        %convert_element_type3A_704 = arith.extui %lt3A_703 : vector<16xi1> to vector<16xi32>
        %broadcast_in_dim3A_705 = arith.constant true
        %broadcast_in_dim3A_706 = vector.broadcast %broadcast_in_dim3A_705 : i1 to vector<16xi1>
        %masked_cumsum3A_707 = tpu.scan <sum>, %convert_element_type3A_704 masked %broadcast_in_dim3A_706 : vector<16xi32>, vector<16xi1> -> vector<16xi32>
        %add3A_708 = arith.addi %add3A_624, %masked_cumsum3A_707 : vector<16xi32>
        tpu.vector_store_idx %arg10[%add3A_708], %add3A_702 masked %lt3A_703 : memref<416xf32, #tpu.memory_space<vmem>>[vector<16xi32>], vector<16xf32>, vector<16xi1>
        tpu.vector_store_idx %arg11[%add3A_708], %add3A_693 masked %lt3A_703 : memref<416xi32, #tpu.memory_space<vmem>>[vector<16xi32>], vector<16xi32>, vector<16xi1>
        %slice3A_709 = vector.extract_strided_slice %masked_cumsum3A_707 {offsets = [15], sizes = [1], strides = [1]} : vector<16xi32> to vector<1xi32>
        %squeeze3A_710 = vector.extract %slice3A_709[0] : i32 from vector<1xi32>
        %add3A_711 = vector.broadcast %squeeze3A_710 : i32 to vector<16xi32>
        %add3A_712 = arith.addi %add3A_624, %add3A_711 : vector<16xi32>
        %mul3A_713 = vector.broadcast %mul3A_80 : f32 to vector<16xf32>
        %mul3A_714 = arith.mulf %get3A_687, %mul3A_713 : vector<16xf32>
        %add3A_715 = arith.addf %get3A_685, %mul3A_714 : vector<16xf32>
        %mul3A_716 = vector.broadcast %mul3A_86 : f32 to vector<16xf32>
        %mul3A_717 = arith.mulf %get3A_689, %mul3A_716 : vector<16xf32>
        %mul3A_718 = vector.broadcast %mul3A_92 : f32 to vector<16xf32>
        %mul3A_719 = arith.mulf %get3A_691, %mul3A_718 : vector<16xf32>
        %add3A_720 = arith.addf %mul3A_717, %mul3A_719 : vector<16xf32>
        %add3A_721 = arith.addf %add3A_715, %add3A_720 : vector<16xf32>
        %lt3A_722 = arith.cmpf olt, %add3A_721, %scan3A_405 : vector<16xf32>
        %convert_element_type3A_723 = arith.extui %lt3A_722 : vector<16xi1> to vector<16xi32>
        %broadcast_in_dim3A_724 = arith.constant true
        %broadcast_in_dim3A_725 = vector.broadcast %broadcast_in_dim3A_724 : i1 to vector<16xi1>
        %masked_cumsum3A_726 = tpu.scan <sum>, %convert_element_type3A_723 masked %broadcast_in_dim3A_725 : vector<16xi32>, vector<16xi1> -> vector<16xi32>
        %add3A_727 = arith.addi %add3A_643, %masked_cumsum3A_726 : vector<16xi32>
        tpu.vector_store_idx %arg12[%add3A_727], %add3A_721 masked %lt3A_722 : memref<416xf32, #tpu.memory_space<vmem>>[vector<16xi32>], vector<16xf32>, vector<16xi1>
        tpu.vector_store_idx %arg13[%add3A_727], %add3A_693 masked %lt3A_722 : memref<416xi32, #tpu.memory_space<vmem>>[vector<16xi32>], vector<16xi32>, vector<16xi1>
        %slice3A_728 = vector.extract_strided_slice %masked_cumsum3A_726 {offsets = [15], sizes = [1], strides = [1]} : vector<16xi32> to vector<1xi32>
        %squeeze3A_729 = vector.extract %slice3A_728[0] : i32 from vector<1xi32>
        %add3A_730 = vector.broadcast %squeeze3A_729 : i32 to vector<16xi32>
        %add3A_731 = arith.addi %add3A_643, %add3A_730 : vector<16xi32>
        %mul3A_732 = vector.broadcast %mul3A_98 : f32 to vector<16xf32>
        %mul3A_733 = arith.mulf %get3A_687, %mul3A_732 : vector<16xf32>
        %add3A_734 = arith.addf %get3A_685, %mul3A_733 : vector<16xf32>
        %mul3A_735 = vector.broadcast %mul3A_104 : f32 to vector<16xf32>
        %mul3A_736 = arith.mulf %get3A_689, %mul3A_735 : vector<16xf32>
        %mul3A_737 = vector.broadcast %mul3A_110 : f32 to vector<16xf32>
        %mul3A_738 = arith.mulf %get3A_691, %mul3A_737 : vector<16xf32>
        %add3A_739 = arith.addf %mul3A_736, %mul3A_738 : vector<16xf32>
        %add3A_740 = arith.addf %add3A_734, %add3A_739 : vector<16xf32>
        %lt3A_741 = arith.cmpf olt, %add3A_740, %scan3A_409 : vector<16xf32>
        %convert_element_type3A_742 = arith.extui %lt3A_741 : vector<16xi1> to vector<16xi32>
        %broadcast_in_dim3A_743 = arith.constant true
        %broadcast_in_dim3A_744 = vector.broadcast %broadcast_in_dim3A_743 : i1 to vector<16xi1>
        %masked_cumsum3A_745 = tpu.scan <sum>, %convert_element_type3A_742 masked %broadcast_in_dim3A_744 : vector<16xi32>, vector<16xi1> -> vector<16xi32>
        %add3A_746 = arith.addi %add3A_662, %masked_cumsum3A_745 : vector<16xi32>
        tpu.vector_store_idx %arg14[%add3A_746], %add3A_740 masked %lt3A_741 : memref<416xf32, #tpu.memory_space<vmem>>[vector<16xi32>], vector<16xf32>, vector<16xi1>
        tpu.vector_store_idx %arg15[%add3A_746], %add3A_693 masked %lt3A_741 : memref<416xi32, #tpu.memory_space<vmem>>[vector<16xi32>], vector<16xi32>, vector<16xi1>
        %slice3A_747 = vector.extract_strided_slice %masked_cumsum3A_745 {offsets = [15], sizes = [1], strides = [1]} : vector<16xi32> to vector<1xi32>
        %squeeze3A_748 = vector.extract %slice3A_747[0] : i32 from vector<1xi32>
        %add3A_749 = vector.broadcast %squeeze3A_748 : i32 to vector<16xi32>
        %add3A_750 = arith.addi %add3A_662, %add3A_749 : vector<16xi32>
        %mul3A_751 = vector.broadcast %mul3A_116 : f32 to vector<16xf32>
        %mul3A_752 = arith.mulf %get3A_687, %mul3A_751 : vector<16xf32>
        %add3A_753 = arith.addf %get3A_685, %mul3A_752 : vector<16xf32>
        %mul3A_754 = vector.broadcast %mul3A_122 : f32 to vector<16xf32>
        %mul3A_755 = arith.mulf %get3A_689, %mul3A_754 : vector<16xf32>
        %mul3A_756 = vector.broadcast %mul3A_128 : f32 to vector<16xf32>
        %mul3A_757 = arith.mulf %get3A_691, %mul3A_756 : vector<16xf32>
        %add3A_758 = arith.addf %mul3A_755, %mul3A_757 : vector<16xf32>
        %add3A_759 = arith.addf %add3A_753, %add3A_758 : vector<16xf32>
        %lt3A_760 = arith.cmpf olt, %add3A_759, %scan3A_413 : vector<16xf32>
        %convert_element_type3A_761 = arith.extui %lt3A_760 : vector<16xi1> to vector<16xi32>
        %broadcast_in_dim3A_762 = arith.constant true
        %broadcast_in_dim3A_763 = vector.broadcast %broadcast_in_dim3A_762 : i1 to vector<16xi1>
        %masked_cumsum3A_764 = tpu.scan <sum>, %convert_element_type3A_761 masked %broadcast_in_dim3A_763 : vector<16xi32>, vector<16xi1> -> vector<16xi32>
        %add3A_765 = arith.addi %add3A_681, %masked_cumsum3A_764 : vector<16xi32>
        tpu.vector_store_idx %arg16[%add3A_765], %add3A_759 masked %lt3A_760 : memref<416xf32, #tpu.memory_space<vmem>>[vector<16xi32>], vector<16xf32>, vector<16xi1>
        tpu.vector_store_idx %arg17[%add3A_765], %add3A_693 masked %lt3A_760 : memref<416xi32, #tpu.memory_space<vmem>>[vector<16xi32>], vector<16xi32>, vector<16xi1>
        %slice3A_766 = vector.extract_strided_slice %masked_cumsum3A_764 {offsets = [15], sizes = [1], strides = [1]} : vector<16xi32> to vector<1xi32>
        %squeeze3A_767 = vector.extract %slice3A_766[0] : i32 from vector<1xi32>
        %add3A_768 = vector.broadcast %squeeze3A_767 : i32 to vector<16xi32>
        %add3A_769 = arith.addi %add3A_681, %add3A_768 : vector<16xi32>
        %add3A_770 = arith.constant 64 : i32
        %add3A_771 = arith.addi %mul3A_420, %add3A_770 : i32
        %get3A_772 = arith.index_cast %add3A_771 : i32 to index
        %get3A_773 = tpu.vector_load %arg8[%get3A_772] {strides = array<i32>} : memref<10000xf32, #tpu.memory_space<vmem>>, vector<16xf32>,
        %get3A_774 = arith.index_cast %add3A_771 : i32 to index
        %get3A_775 = tpu.vector_load %arg5[%get3A_774] {strides = array<i32>} : memref<10016xf32, #tpu.memory_space<vmem>>, vector<16xf32>,
        %get3A_776 = arith.index_cast %add3A_771 : i32 to index
        %get3A_777 = tpu.vector_load %arg6[%get3A_776] {strides = array<i32>} : memref<10016xf32, #tpu.memory_space<vmem>>, vector<16xf32>,
        %get3A_778 = arith.index_cast %add3A_771 : i32 to index
        %get3A_779 = tpu.vector_load %arg7[%get3A_778] {strides = array<i32>} : memref<10016xf32, #tpu.memory_space<vmem>>, vector<16xf32>,
        %add3A_780 = vector.broadcast %add3A_771 : i32 to vector<16xi32>
        %add3A_781 = arith.addi %iota3A_10, %add3A_780 : vector<16xi32>
        %mul3A_782 = vector.broadcast %mul3A_62 : f32 to vector<16xf32>
        %mul3A_783 = arith.mulf %get3A_775, %mul3A_782 : vector<16xf32>
        %add3A_784 = arith.addf %get3A_773, %mul3A_783 : vector<16xf32>
        %mul3A_785 = vector.broadcast %mul3A_68 : f32 to vector<16xf32>
        %mul3A_786 = arith.mulf %get3A_777, %mul3A_785 : vector<16xf32>
        %mul3A_787 = vector.broadcast %mul3A_74 : f32 to vector<16xf32>
        %mul3A_788 = arith.mulf %get3A_779, %mul3A_787 : vector<16xf32>
        %add3A_789 = arith.addf %mul3A_786, %mul3A_788 : vector<16xf32>
        %add3A_790 = arith.addf %add3A_784, %add3A_789 : vector<16xf32>
        %lt3A_791 = arith.cmpf olt, %add3A_790, %scan3A_401 : vector<16xf32>
        %convert_element_type3A_792 = arith.extui %lt3A_791 : vector<16xi1> to vector<16xi32>
        %broadcast_in_dim3A_793 = arith.constant true
        %broadcast_in_dim3A_794 = vector.broadcast %broadcast_in_dim3A_793 : i1 to vector<16xi1>
        %masked_cumsum3A_795 = tpu.scan <sum>, %convert_element_type3A_792 masked %broadcast_in_dim3A_794 : vector<16xi32>, vector<16xi1> -> vector<16xi32>
        %add3A_796 = arith.addi %add3A_712, %masked_cumsum3A_795 : vector<16xi32>
        tpu.vector_store_idx %arg10[%add3A_796], %add3A_790 masked %lt3A_791 : memref<416xf32, #tpu.memory_space<vmem>>[vector<16xi32>], vector<16xf32>, vector<16xi1>
        tpu.vector_store_idx %arg11[%add3A_796], %add3A_781 masked %lt3A_791 : memref<416xi32, #tpu.memory_space<vmem>>[vector<16xi32>], vector<16xi32>, vector<16xi1>
        %slice3A_797 = vector.extract_strided_slice %masked_cumsum3A_795 {offsets = [15], sizes = [1], strides = [1]} : vector<16xi32> to vector<1xi32>
        %squeeze3A_798 = vector.extract %slice3A_797[0] : i32 from vector<1xi32>
        %add3A_799 = vector.broadcast %squeeze3A_798 : i32 to vector<16xi32>
        %add3A_800 = arith.addi %add3A_712, %add3A_799 : vector<16xi32>
        %mul3A_801 = vector.broadcast %mul3A_80 : f32 to vector<16xf32>
        %mul3A_802 = arith.mulf %get3A_775, %mul3A_801 : vector<16xf32>
        %add3A_803 = arith.addf %get3A_773, %mul3A_802 : vector<16xf32>
        %mul3A_804 = vector.broadcast %mul3A_86 : f32 to vector<16xf32>
        %mul3A_805 = arith.mulf %get3A_777, %mul3A_804 : vector<16xf32>
        %mul3A_806 = vector.broadcast %mul3A_92 : f32 to vector<16xf32>
        %mul3A_807 = arith.mulf %get3A_779, %mul3A_806 : vector<16xf32>
        %add3A_808 = arith.addf %mul3A_805, %mul3A_807 : vector<16xf32>
        %add3A_809 = arith.addf %add3A_803, %add3A_808 : vector<16xf32>
        %lt3A_810 = arith.cmpf olt, %add3A_809, %scan3A_405 : vector<16xf32>
        %convert_element_type3A_811 = arith.extui %lt3A_810 : vector<16xi1> to vector<16xi32>
        %broadcast_in_dim3A_812 = arith.constant true
        %broadcast_in_dim3A_813 = vector.broadcast %broadcast_in_dim3A_812 : i1 to vector<16xi1>
        %masked_cumsum3A_814 = tpu.scan <sum>, %convert_element_type3A_811 masked %broadcast_in_dim3A_813 : vector<16xi32>, vector<16xi1> -> vector<16xi32>
        %add3A_815 = arith.addi %add3A_731, %masked_cumsum3A_814 : vector<16xi32>
        tpu.vector_store_idx %arg12[%add3A_815], %add3A_809 masked %lt3A_810 : memref<416xf32, #tpu.memory_space<vmem>>[vector<16xi32>], vector<16xf32>, vector<16xi1>
        tpu.vector_store_idx %arg13[%add3A_815], %add3A_781 masked %lt3A_810 : memref<416xi32, #tpu.memory_space<vmem>>[vector<16xi32>], vector<16xi32>, vector<16xi1>
        %slice3A_816 = vector.extract_strided_slice %masked_cumsum3A_814 {offsets = [15], sizes = [1], strides = [1]} : vector<16xi32> to vector<1xi32>
        %squeeze3A_817 = vector.extract %slice3A_816[0] : i32 from vector<1xi32>
        %add3A_818 = vector.broadcast %squeeze3A_817 : i32 to vector<16xi32>
        %add3A_819 = arith.addi %add3A_731, %add3A_818 : vector<16xi32>
        %mul3A_820 = vector.broadcast %mul3A_98 : f32 to vector<16xf32>
        %mul3A_821 = arith.mulf %get3A_775, %mul3A_820 : vector<16xf32>
        %add3A_822 = arith.addf %get3A_773, %mul3A_821 : vector<16xf32>
        %mul3A_823 = vector.broadcast %mul3A_104 : f32 to vector<16xf32>
        %mul3A_824 = arith.mulf %get3A_777, %mul3A_823 : vector<16xf32>
        %mul3A_825 = vector.broadcast %mul3A_110 : f32 to vector<16xf32>
        %mul3A_826 = arith.mulf %get3A_779, %mul3A_825 : vector<16xf32>
        %add3A_827 = arith.addf %mul3A_824, %mul3A_826 : vector<16xf32>
        %add3A_828 = arith.addf %add3A_822, %add3A_827 : vector<16xf32>
        %lt3A_829 = arith.cmpf olt, %add3A_828, %scan3A_409 : vector<16xf32>
        %convert_element_type3A_830 = arith.extui %lt3A_829 : vector<16xi1> to vector<16xi32>
        %broadcast_in_dim3A_831 = arith.constant true
        %broadcast_in_dim3A_832 = vector.broadcast %broadcast_in_dim3A_831 : i1 to vector<16xi1>
        %masked_cumsum3A_833 = tpu.scan <sum>, %convert_element_type3A_830 masked %broadcast_in_dim3A_832 : vector<16xi32>, vector<16xi1> -> vector<16xi32>
        %add3A_834 = arith.addi %add3A_750, %masked_cumsum3A_833 : vector<16xi32>
        tpu.vector_store_idx %arg14[%add3A_834], %add3A_828 masked %lt3A_829 : memref<416xf32, #tpu.memory_space<vmem>>[vector<16xi32>], vector<16xf32>, vector<16xi1>
        tpu.vector_store_idx %arg15[%add3A_834], %add3A_781 masked %lt3A_829 : memref<416xi32, #tpu.memory_space<vmem>>[vector<16xi32>], vector<16xi32>, vector<16xi1>
        %slice3A_835 = vector.extract_strided_slice %masked_cumsum3A_833 {offsets = [15], sizes = [1], strides = [1]} : vector<16xi32> to vector<1xi32>
        %squeeze3A_836 = vector.extract %slice3A_835[0] : i32 from vector<1xi32>
        %add3A_837 = vector.broadcast %squeeze3A_836 : i32 to vector<16xi32>
        %add3A_838 = arith.addi %add3A_750, %add3A_837 : vector<16xi32>
        %mul3A_839 = vector.broadcast %mul3A_116 : f32 to vector<16xf32>
        %mul3A_840 = arith.mulf %get3A_775, %mul3A_839 : vector<16xf32>
        %add3A_841 = arith.addf %get3A_773, %mul3A_840 : vector<16xf32>
        %mul3A_842 = vector.broadcast %mul3A_122 : f32 to vector<16xf32>
        %mul3A_843 = arith.mulf %get3A_777, %mul3A_842 : vector<16xf32>
        %mul3A_844 = vector.broadcast %mul3A_128 : f32 to vector<16xf32>
        %mul3A_845 = arith.mulf %get3A_779, %mul3A_844 : vector<16xf32>
        %add3A_846 = arith.addf %mul3A_843, %mul3A_845 : vector<16xf32>
        %add3A_847 = arith.addf %add3A_841, %add3A_846 : vector<16xf32>
        %lt3A_848 = arith.cmpf olt, %add3A_847, %scan3A_413 : vector<16xf32>
        %convert_element_type3A_849 = arith.extui %lt3A_848 : vector<16xi1> to vector<16xi32>
        %broadcast_in_dim3A_850 = arith.constant true
        %broadcast_in_dim3A_851 = vector.broadcast %broadcast_in_dim3A_850 : i1 to vector<16xi1>
        %masked_cumsum3A_852 = tpu.scan <sum>, %convert_element_type3A_849 masked %broadcast_in_dim3A_851 : vector<16xi32>, vector<16xi1> -> vector<16xi32>
        %add3A_853 = arith.addi %add3A_769, %masked_cumsum3A_852 : vector<16xi32>
        tpu.vector_store_idx %arg16[%add3A_853], %add3A_847 masked %lt3A_848 : memref<416xf32, #tpu.memory_space<vmem>>[vector<16xi32>], vector<16xf32>, vector<16xi1>
        tpu.vector_store_idx %arg17[%add3A_853], %add3A_781 masked %lt3A_848 : memref<416xi32, #tpu.memory_space<vmem>>[vector<16xi32>], vector<16xi32>, vector<16xi1>
        %slice3A_854 = vector.extract_strided_slice %masked_cumsum3A_852 {offsets = [15], sizes = [1], strides = [1]} : vector<16xi32> to vector<1xi32>
        %squeeze3A_855 = vector.extract %slice3A_854[0] : i32 from vector<1xi32>
        %add3A_856 = vector.broadcast %squeeze3A_855 : i32 to vector<16xi32>
        %add3A_857 = arith.addi %add3A_769, %add3A_856 : vector<16xi32>
        %add3A_858 = arith.constant 80 : i32
        %add3A_859 = arith.addi %mul3A_420, %add3A_858 : i32
        %get3A_860 = arith.index_cast %add3A_859 : i32 to index
        %get3A_861 = tpu.vector_load %arg8[%get3A_860] {strides = array<i32>} : memref<10000xf32, #tpu.memory_space<vmem>>, vector<16xf32>,
        %get3A_862 = arith.index_cast %add3A_859 : i32 to index
        %get3A_863 = tpu.vector_load %arg5[%get3A_862] {strides = array<i32>} : memref<10016xf32, #tpu.memory_space<vmem>>, vector<16xf32>,
        %get3A_864 = arith.index_cast %add3A_859 : i32 to index
        %get3A_865 = tpu.vector_load %arg6[%get3A_864] {strides = array<i32>} : memref<10016xf32, #tpu.memory_space<vmem>>, vector<16xf32>,
        %get3A_866 = arith.index_cast %add3A_859 : i32 to index
        %get3A_867 = tpu.vector_load %arg7[%get3A_866] {strides = array<i32>} : memref<10016xf32, #tpu.memory_space<vmem>>, vector<16xf32>,
        %add3A_868 = vector.broadcast %add3A_859 : i32 to vector<16xi32>
        %add3A_869 = arith.addi %iota3A_10, %add3A_868 : vector<16xi32>
        %mul3A_870 = vector.broadcast %mul3A_62 : f32 to vector<16xf32>
        %mul3A_871 = arith.mulf %get3A_863, %mul3A_870 : vector<16xf32>
        %add3A_872 = arith.addf %get3A_861, %mul3A_871 : vector<16xf32>
        %mul3A_873 = vector.broadcast %mul3A_68 : f32 to vector<16xf32>
        %mul3A_874 = arith.mulf %get3A_865, %mul3A_873 : vector<16xf32>
        %mul3A_875 = vector.broadcast %mul3A_74 : f32 to vector<16xf32>
        %mul3A_876 = arith.mulf %get3A_867, %mul3A_875 : vector<16xf32>
        %add3A_877 = arith.addf %mul3A_874, %mul3A_876 : vector<16xf32>
        %add3A_878 = arith.addf %add3A_872, %add3A_877 : vector<16xf32>
        %lt3A_879 = arith.cmpf olt, %add3A_878, %scan3A_401 : vector<16xf32>
        %convert_element_type3A_880 = arith.extui %lt3A_879 : vector<16xi1> to vector<16xi32>
        %broadcast_in_dim3A_881 = arith.constant true
        %broadcast_in_dim3A_882 = vector.broadcast %broadcast_in_dim3A_881 : i1 to vector<16xi1>
        %masked_cumsum3A_883 = tpu.scan <sum>, %convert_element_type3A_880 masked %broadcast_in_dim3A_882 : vector<16xi32>, vector<16xi1> -> vector<16xi32>
        %add3A_884 = arith.addi %add3A_800, %masked_cumsum3A_883 : vector<16xi32>
        tpu.vector_store_idx %arg10[%add3A_884], %add3A_878 masked %lt3A_879 : memref<416xf32, #tpu.memory_space<vmem>>[vector<16xi32>], vector<16xf32>, vector<16xi1>
        tpu.vector_store_idx %arg11[%add3A_884], %add3A_869 masked %lt3A_879 : memref<416xi32, #tpu.memory_space<vmem>>[vector<16xi32>], vector<16xi32>, vector<16xi1>
        %slice3A_885 = vector.extract_strided_slice %masked_cumsum3A_883 {offsets = [15], sizes = [1], strides = [1]} : vector<16xi32> to vector<1xi32>
        %squeeze3A_886 = vector.extract %slice3A_885[0] : i32 from vector<1xi32>
        %add3A_887 = vector.broadcast %squeeze3A_886 : i32 to vector<16xi32>
        %add3A_888 = arith.addi %add3A_800, %add3A_887 : vector<16xi32>
        %mul3A_889 = vector.broadcast %mul3A_80 : f32 to vector<16xf32>
        %mul3A_890 = arith.mulf %get3A_863, %mul3A_889 : vector<16xf32>
        %add3A_891 = arith.addf %get3A_861, %mul3A_890 : vector<16xf32>
        %mul3A_892 = vector.broadcast %mul3A_86 : f32 to vector<16xf32>
        %mul3A_893 = arith.mulf %get3A_865, %mul3A_892 : vector<16xf32>
        %mul3A_894 = vector.broadcast %mul3A_92 : f32 to vector<16xf32>
        %mul3A_895 = arith.mulf %get3A_867, %mul3A_894 : vector<16xf32>
        %add3A_896 = arith.addf %mul3A_893, %mul3A_895 : vector<16xf32>
        %add3A_897 = arith.addf %add3A_891, %add3A_896 : vector<16xf32>
        %lt3A_898 = arith.cmpf olt, %add3A_897, %scan3A_405 : vector<16xf32>
        %convert_element_type3A_899 = arith.extui %lt3A_898 : vector<16xi1> to vector<16xi32>
        %broadcast_in_dim3A_900 = arith.constant true
        %broadcast_in_dim3A_901 = vector.broadcast %broadcast_in_dim3A_900 : i1 to vector<16xi1>
        %masked_cumsum3A_902 = tpu.scan <sum>, %convert_element_type3A_899 masked %broadcast_in_dim3A_901 : vector<16xi32>, vector<16xi1> -> vector<16xi32>
        %add3A_903 = arith.addi %add3A_819, %masked_cumsum3A_902 : vector<16xi32>
        tpu.vector_store_idx %arg12[%add3A_903], %add3A_897 masked %lt3A_898 : memref<416xf32, #tpu.memory_space<vmem>>[vector<16xi32>], vector<16xf32>, vector<16xi1>
        tpu.vector_store_idx %arg13[%add3A_903], %add3A_869 masked %lt3A_898 : memref<416xi32, #tpu.memory_space<vmem>>[vector<16xi32>], vector<16xi32>, vector<16xi1>
        %slice3A_904 = vector.extract_strided_slice %masked_cumsum3A_902 {offsets = [15], sizes = [1], strides = [1]} : vector<16xi32> to vector<1xi32>
        %squeeze3A_905 = vector.extract %slice3A_904[0] : i32 from vector<1xi32>
        %add3A_906 = vector.broadcast %squeeze3A_905 : i32 to vector<16xi32>
        %add3A_907 = arith.addi %add3A_819, %add3A_906 : vector<16xi32>
        %mul3A_908 = vector.broadcast %mul3A_98 : f32 to vector<16xf32>
        %mul3A_909 = arith.mulf %get3A_863, %mul3A_908 : vector<16xf32>
        %add3A_910 = arith.addf %get3A_861, %mul3A_909 : vector<16xf32>
        %mul3A_911 = vector.broadcast %mul3A_104 : f32 to vector<16xf32>
        %mul3A_912 = arith.mulf %get3A_865, %mul3A_911 : vector<16xf32>
        %mul3A_913 = vector.broadcast %mul3A_110 : f32 to vector<16xf32>
        %mul3A_914 = arith.mulf %get3A_867, %mul3A_913 : vector<16xf32>
        %add3A_915 = arith.addf %mul3A_912, %mul3A_914 : vector<16xf32>
        %add3A_916 = arith.addf %add3A_910, %add3A_915 : vector<16xf32>
        %lt3A_917 = arith.cmpf olt, %add3A_916, %scan3A_409 : vector<16xf32>
        %convert_element_type3A_918 = arith.extui %lt3A_917 : vector<16xi1> to vector<16xi32>
        %broadcast_in_dim3A_919 = arith.constant true
        %broadcast_in_dim3A_920 = vector.broadcast %broadcast_in_dim3A_919 : i1 to vector<16xi1>
        %masked_cumsum3A_921 = tpu.scan <sum>, %convert_element_type3A_918 masked %broadcast_in_dim3A_920 : vector<16xi32>, vector<16xi1> -> vector<16xi32>
        %add3A_922 = arith.addi %add3A_838, %masked_cumsum3A_921 : vector<16xi32>
        tpu.vector_store_idx %arg14[%add3A_922], %add3A_916 masked %lt3A_917 : memref<416xf32, #tpu.memory_space<vmem>>[vector<16xi32>], vector<16xf32>, vector<16xi1>
        tpu.vector_store_idx %arg15[%add3A_922], %add3A_869 masked %lt3A_917 : memref<416xi32, #tpu.memory_space<vmem>>[vector<16xi32>], vector<16xi32>, vector<16xi1>
        %slice3A_923 = vector.extract_strided_slice %masked_cumsum3A_921 {offsets = [15], sizes = [1], strides = [1]} : vector<16xi32> to vector<1xi32>
        %squeeze3A_924 = vector.extract %slice3A_923[0] : i32 from vector<1xi32>
        %add3A_925 = vector.broadcast %squeeze3A_924 : i32 to vector<16xi32>
        %add3A_926 = arith.addi %add3A_838, %add3A_925 : vector<16xi32>
        %mul3A_927 = vector.broadcast %mul3A_116 : f32 to vector<16xf32>
        %mul3A_928 = arith.mulf %get3A_863, %mul3A_927 : vector<16xf32>
        %add3A_929 = arith.addf %get3A_861, %mul3A_928 : vector<16xf32>
        %mul3A_930 = vector.broadcast %mul3A_122 : f32 to vector<16xf32>
        %mul3A_931 = arith.mulf %get3A_865, %mul3A_930 : vector<16xf32>
        %mul3A_932 = vector.broadcast %mul3A_128 : f32 to vector<16xf32>
        %mul3A_933 = arith.mulf %get3A_867, %mul3A_932 : vector<16xf32>
        %add3A_934 = arith.addf %mul3A_931, %mul3A_933 : vector<16xf32>
        %add3A_935 = arith.addf %add3A_929, %add3A_934 : vector<16xf32>
        %lt3A_936 = arith.cmpf olt, %add3A_935, %scan3A_413 : vector<16xf32>
        %convert_element_type3A_937 = arith.extui %lt3A_936 : vector<16xi1> to vector<16xi32>
        %broadcast_in_dim3A_938 = arith.constant true
        %broadcast_in_dim3A_939 = vector.broadcast %broadcast_in_dim3A_938 : i1 to vector<16xi1>
        %masked_cumsum3A_940 = tpu.scan <sum>, %convert_element_type3A_937 masked %broadcast_in_dim3A_939 : vector<16xi32>, vector<16xi1> -> vector<16xi32>
        %add3A_941 = arith.addi %add3A_857, %masked_cumsum3A_940 : vector<16xi32>
        tpu.vector_store_idx %arg16[%add3A_941], %add3A_935 masked %lt3A_936 : memref<416xf32, #tpu.memory_space<vmem>>[vector<16xi32>], vector<16xf32>, vector<16xi1>
        tpu.vector_store_idx %arg17[%add3A_941], %add3A_869 masked %lt3A_936 : memref<416xi32, #tpu.memory_space<vmem>>[vector<16xi32>], vector<16xi32>, vector<16xi1>
        %slice3A_942 = vector.extract_strided_slice %masked_cumsum3A_940 {offsets = [15], sizes = [1], strides = [1]} : vector<16xi32> to vector<1xi32>
        %squeeze3A_943 = vector.extract %slice3A_942[0] : i32 from vector<1xi32>
        %add3A_944 = vector.broadcast %squeeze3A_943 : i32 to vector<16xi32>
        %add3A_945 = arith.addi %add3A_857, %add3A_944 : vector<16xi32>
        %add3A_946 = arith.constant 96 : i32
        %add3A_947 = arith.addi %mul3A_420, %add3A_946 : i32
        %get3A_948 = arith.index_cast %add3A_947 : i32 to index
        %get3A_949 = tpu.vector_load %arg8[%get3A_948] {strides = array<i32>} : memref<10000xf32, #tpu.memory_space<vmem>>, vector<16xf32>,
        %get3A_950 = arith.index_cast %add3A_947 : i32 to index
        %get3A_951 = tpu.vector_load %arg5[%get3A_950] {strides = array<i32>} : memref<10016xf32, #tpu.memory_space<vmem>>, vector<16xf32>,
        %get3A_952 = arith.index_cast %add3A_947 : i32 to index
        %get3A_953 = tpu.vector_load %arg6[%get3A_952] {strides = array<i32>} : memref<10016xf32, #tpu.memory_space<vmem>>, vector<16xf32>,
        %get3A_954 = arith.index_cast %add3A_947 : i32 to index
        %get3A_955 = tpu.vector_load %arg7[%get3A_954] {strides = array<i32>} : memref<10016xf32, #tpu.memory_space<vmem>>, vector<16xf32>,
        %add3A_956 = vector.broadcast %add3A_947 : i32 to vector<16xi32>
        %add3A_957 = arith.addi %iota3A_10, %add3A_956 : vector<16xi32>
        %mul3A_958 = vector.broadcast %mul3A_62 : f32 to vector<16xf32>
        %mul3A_959 = arith.mulf %get3A_951, %mul3A_958 : vector<16xf32>
        %add3A_960 = arith.addf %get3A_949, %mul3A_959 : vector<16xf32>
        %mul3A_961 = vector.broadcast %mul3A_68 : f32 to vector<16xf32>
        %mul3A_962 = arith.mulf %get3A_953, %mul3A_961 : vector<16xf32>
        %mul3A_963 = vector.broadcast %mul3A_74 : f32 to vector<16xf32>
        %mul3A_964 = arith.mulf %get3A_955, %mul3A_963 : vector<16xf32>
        %add3A_965 = arith.addf %mul3A_962, %mul3A_964 : vector<16xf32>
        %add3A_966 = arith.addf %add3A_960, %add3A_965 : vector<16xf32>
        %lt3A_967 = arith.cmpf olt, %add3A_966, %scan3A_401 : vector<16xf32>
        %convert_element_type3A_968 = arith.extui %lt3A_967 : vector<16xi1> to vector<16xi32>
        %broadcast_in_dim3A_969 = arith.constant true
        %broadcast_in_dim3A_970 = vector.broadcast %broadcast_in_dim3A_969 : i1 to vector<16xi1>
        %masked_cumsum3A_971 = tpu.scan <sum>, %convert_element_type3A_968 masked %broadcast_in_dim3A_970 : vector<16xi32>, vector<16xi1> -> vector<16xi32>
        %add3A_972 = arith.addi %add3A_888, %masked_cumsum3A_971 : vector<16xi32>
        tpu.vector_store_idx %arg10[%add3A_972], %add3A_966 masked %lt3A_967 : memref<416xf32, #tpu.memory_space<vmem>>[vector<16xi32>], vector<16xf32>, vector<16xi1>
        tpu.vector_store_idx %arg11[%add3A_972], %add3A_957 masked %lt3A_967 : memref<416xi32, #tpu.memory_space<vmem>>[vector<16xi32>], vector<16xi32>, vector<16xi1>
        %slice3A_973 = vector.extract_strided_slice %masked_cumsum3A_971 {offsets = [15], sizes = [1], strides = [1]} : vector<16xi32> to vector<1xi32>
        %squeeze3A_974 = vector.extract %slice3A_973[0] : i32 from vector<1xi32>
        %add3A_975 = vector.broadcast %squeeze3A_974 : i32 to vector<16xi32>
        %add3A_976 = arith.addi %add3A_888, %add3A_975 : vector<16xi32>
        %mul3A_977 = vector.broadcast %mul3A_80 : f32 to vector<16xf32>
        %mul3A_978 = arith.mulf %get3A_951, %mul3A_977 : vector<16xf32>
        %add3A_979 = arith.addf %get3A_949, %mul3A_978 : vector<16xf32>
        %mul3A_980 = vector.broadcast %mul3A_86 : f32 to vector<16xf32>
        %mul3A_981 = arith.mulf %get3A_953, %mul3A_980 : vector<16xf32>
        %mul3A_982 = vector.broadcast %mul3A_92 : f32 to vector<16xf32>
        %mul3A_983 = arith.mulf %get3A_955, %mul3A_982 : vector<16xf32>
        %add3A_984 = arith.addf %mul3A_981, %mul3A_983 : vector<16xf32>
        %add3A_985 = arith.addf %add3A_979, %add3A_984 : vector<16xf32>
        %lt3A_986 = arith.cmpf olt, %add3A_985, %scan3A_405 : vector<16xf32>
        %convert_element_type3A_987 = arith.extui %lt3A_986 : vector<16xi1> to vector<16xi32>
        %broadcast_in_dim3A_988 = arith.constant true
        %broadcast_in_dim3A_989 = vector.broadcast %broadcast_in_dim3A_988 : i1 to vector<16xi1>
        %masked_cumsum3A_990 = tpu.scan <sum>, %convert_element_type3A_987 masked %broadcast_in_dim3A_989 : vector<16xi32>, vector<16xi1> -> vector<16xi32>
        %add3A_991 = arith.addi %add3A_907, %masked_cumsum3A_990 : vector<16xi32>
        tpu.vector_store_idx %arg12[%add3A_991], %add3A_985 masked %lt3A_986 : memref<416xf32, #tpu.memory_space<vmem>>[vector<16xi32>], vector<16xf32>, vector<16xi1>
        tpu.vector_store_idx %arg13[%add3A_991], %add3A_957 masked %lt3A_986 : memref<416xi32, #tpu.memory_space<vmem>>[vector<16xi32>], vector<16xi32>, vector<16xi1>
        %slice3A_992 = vector.extract_strided_slice %masked_cumsum3A_990 {offsets = [15], sizes = [1], strides = [1]} : vector<16xi32> to vector<1xi32>
        %squeeze3A_993 = vector.extract %slice3A_992[0] : i32 from vector<1xi32>
        %add3A_994 = vector.broadcast %squeeze3A_993 : i32 to vector<16xi32>
        %add3A_995 = arith.addi %add3A_907, %add3A_994 : vector<16xi32>
        %mul3A_996 = vector.broadcast %mul3A_98 : f32 to vector<16xf32>
        %mul3A_997 = arith.mulf %get3A_951, %mul3A_996 : vector<16xf32>
        %add3A_998 = arith.addf %get3A_949, %mul3A_997 : vector<16xf32>
        %mul3A_999 = vector.broadcast %mul3A_104 : f32 to vector<16xf32>
        %mul3A_1000 = arith.mulf %get3A_953, %mul3A_999 : vector<16xf32>
        %mul3A_1001 = vector.broadcast %mul3A_110 : f32 to vector<16xf32>
        %mul3A_1002 = arith.mulf %get3A_955, %mul3A_1001 : vector<16xf32>
        %add3A_1003 = arith.addf %mul3A_1000, %mul3A_1002 : vector<16xf32>
        %add3A_1004 = arith.addf %add3A_998, %add3A_1003 : vector<16xf32>
        %lt3A_1005 = arith.cmpf olt, %add3A_1004, %scan3A_409 : vector<16xf32>
        %convert_element_type3A_1006 = arith.extui %lt3A_1005 : vector<16xi1> to vector<16xi32>
        %broadcast_in_dim3A_1007 = arith.constant true
        %broadcast_in_dim3A_1008 = vector.broadcast %broadcast_in_dim3A_1007 : i1 to vector<16xi1>
        %masked_cumsum3A_1009 = tpu.scan <sum>, %convert_element_type3A_1006 masked %broadcast_in_dim3A_1008 : vector<16xi32>, vector<16xi1> -> vector<16xi32>
        %add3A_1010 = arith.addi %add3A_926, %masked_cumsum3A_1009 : vector<16xi32>
        tpu.vector_store_idx %arg14[%add3A_1010], %add3A_1004 masked %lt3A_1005 : memref<416xf32, #tpu.memory_space<vmem>>[vector<16xi32>], vector<16xf32>, vector<16xi1>
        tpu.vector_store_idx %arg15[%add3A_1010], %add3A_957 masked %lt3A_1005 : memref<416xi32, #tpu.memory_space<vmem>>[vector<16xi32>], vector<16xi32>, vector<16xi1>
        %slice3A_1011 = vector.extract_strided_slice %masked_cumsum3A_1009 {offsets = [15], sizes = [1], strides = [1]} : vector<16xi32> to vector<1xi32>
        %squeeze3A_1012 = vector.extract %slice3A_1011[0] : i32 from vector<1xi32>
        %add3A_1013 = vector.broadcast %squeeze3A_1012 : i32 to vector<16xi32>
        %add3A_1014 = arith.addi %add3A_926, %add3A_1013 : vector<16xi32>
        %mul3A_1015 = vector.broadcast %mul3A_116 : f32 to vector<16xf32>
        %mul3A_1016 = arith.mulf %get3A_951, %mul3A_1015 : vector<16xf32>
        %add3A_1017 = arith.addf %get3A_949, %mul3A_1016 : vector<16xf32>
        %mul3A_1018 = vector.broadcast %mul3A_122 : f32 to vector<16xf32>
        %mul3A_1019 = arith.mulf %get3A_953, %mul3A_1018 : vector<16xf32>
        %mul3A_1020 = vector.broadcast %mul3A_128 : f32 to vector<16xf32>
        %mul3A_1021 = arith.mulf %get3A_955, %mul3A_1020 : vector<16xf32>
        %add3A_1022 = arith.addf %mul3A_1019, %mul3A_1021 : vector<16xf32>
        %add3A_1023 = arith.addf %add3A_1017, %add3A_1022 : vector<16xf32>
        %lt3A_1024 = arith.cmpf olt, %add3A_1023, %scan3A_413 : vector<16xf32>
        %convert_element_type3A_1025 = arith.extui %lt3A_1024 : vector<16xi1> to vector<16xi32>
        %broadcast_in_dim3A_1026 = arith.constant true
        %broadcast_in_dim3A_1027 = vector.broadcast %broadcast_in_dim3A_1026 : i1 to vector<16xi1>
        %masked_cumsum3A_1028 = tpu.scan <sum>, %convert_element_type3A_1025 masked %broadcast_in_dim3A_1027 : vector<16xi32>, vector<16xi1> -> vector<16xi32>
        %add3A_1029 = arith.addi %add3A_945, %masked_cumsum3A_1028 : vector<16xi32>
        tpu.vector_store_idx %arg16[%add3A_1029], %add3A_1023 masked %lt3A_1024 : memref<416xf32, #tpu.memory_space<vmem>>[vector<16xi32>], vector<16xf32>, vector<16xi1>
        tpu.vector_store_idx %arg17[%add3A_1029], %add3A_957 masked %lt3A_1024 : memref<416xi32, #tpu.memory_space<vmem>>[vector<16xi32>], vector<16xi32>, vector<16xi1>
        %slice3A_1030 = vector.extract_strided_slice %masked_cumsum3A_1028 {offsets = [15], sizes = [1], strides = [1]} : vector<16xi32> to vector<1xi32>
        %squeeze3A_1031 = vector.extract %slice3A_1030[0] : i32 from vector<1xi32>
        %add3A_1032 = vector.broadcast %squeeze3A_1031 : i32 to vector<16xi32>
        %add3A_1033 = arith.addi %add3A_945, %add3A_1032 : vector<16xi32>
        %add3A_1034 = arith.constant 112 : i32
        %add3A_1035 = arith.addi %mul3A_420, %add3A_1034 : i32
        %get3A_1036 = arith.index_cast %add3A_1035 : i32 to index
        %get3A_1037 = tpu.vector_load %arg8[%get3A_1036] {strides = array<i32>} : memref<10000xf32, #tpu.memory_space<vmem>>, vector<16xf32>,
        %get3A_1038 = arith.index_cast %add3A_1035 : i32 to index
        %get3A_1039 = tpu.vector_load %arg5[%get3A_1038] {strides = array<i32>} : memref<10016xf32, #tpu.memory_space<vmem>>, vector<16xf32>,
        %get3A_1040 = arith.index_cast %add3A_1035 : i32 to index
        %get3A_1041 = tpu.vector_load %arg6[%get3A_1040] {strides = array<i32>} : memref<10016xf32, #tpu.memory_space<vmem>>, vector<16xf32>,
        %get3A_1042 = arith.index_cast %add3A_1035 : i32 to index
        %get3A_1043 = tpu.vector_load %arg7[%get3A_1042] {strides = array<i32>} : memref<10016xf32, #tpu.memory_space<vmem>>, vector<16xf32>,
        %add3A_1044 = vector.broadcast %add3A_1035 : i32 to vector<16xi32>
        %add3A_1045 = arith.addi %iota3A_10, %add3A_1044 : vector<16xi32>
        %mul3A_1046 = vector.broadcast %mul3A_62 : f32 to vector<16xf32>
        %mul3A_1047 = arith.mulf %get3A_1039, %mul3A_1046 : vector<16xf32>
        %add3A_1048 = arith.addf %get3A_1037, %mul3A_1047 : vector<16xf32>
        %mul3A_1049 = vector.broadcast %mul3A_68 : f32 to vector<16xf32>
        %mul3A_1050 = arith.mulf %get3A_1041, %mul3A_1049 : vector<16xf32>
        %mul3A_1051 = vector.broadcast %mul3A_74 : f32 to vector<16xf32>
        %mul3A_1052 = arith.mulf %get3A_1043, %mul3A_1051 : vector<16xf32>
        %add3A_1053 = arith.addf %mul3A_1050, %mul3A_1052 : vector<16xf32>
        %add3A_1054 = arith.addf %add3A_1048, %add3A_1053 : vector<16xf32>
        %lt3A_1055 = arith.cmpf olt, %add3A_1054, %scan3A_401 : vector<16xf32>
        %convert_element_type3A_1056 = arith.extui %lt3A_1055 : vector<16xi1> to vector<16xi32>
        %broadcast_in_dim3A_1057 = arith.constant true
        %broadcast_in_dim3A_1058 = vector.broadcast %broadcast_in_dim3A_1057 : i1 to vector<16xi1>
        %masked_cumsum3A_1059 = tpu.scan <sum>, %convert_element_type3A_1056 masked %broadcast_in_dim3A_1058 : vector<16xi32>, vector<16xi1> -> vector<16xi32>
        %add3A_1060 = arith.addi %add3A_976, %masked_cumsum3A_1059 : vector<16xi32>
        tpu.vector_store_idx %arg10[%add3A_1060], %add3A_1054 masked %lt3A_1055 : memref<416xf32, #tpu.memory_space<vmem>>[vector<16xi32>], vector<16xf32>, vector<16xi1>
        tpu.vector_store_idx %arg11[%add3A_1060], %add3A_1045 masked %lt3A_1055 : memref<416xi32, #tpu.memory_space<vmem>>[vector<16xi32>], vector<16xi32>, vector<16xi1>
        %slice3A_1061 = vector.extract_strided_slice %masked_cumsum3A_1059 {offsets = [15], sizes = [1], strides = [1]} : vector<16xi32> to vector<1xi32>
        %squeeze3A_1062 = vector.extract %slice3A_1061[0] : i32 from vector<1xi32>
        %add3A_1063 = vector.broadcast %squeeze3A_1062 : i32 to vector<16xi32>
        %add3A_1064 = arith.addi %add3A_976, %add3A_1063 : vector<16xi32>
        %mul3A_1065 = vector.broadcast %mul3A_80 : f32 to vector<16xf32>
        %mul3A_1066 = arith.mulf %get3A_1039, %mul3A_1065 : vector<16xf32>
        %add3A_1067 = arith.addf %get3A_1037, %mul3A_1066 : vector<16xf32>
        %mul3A_1068 = vector.broadcast %mul3A_86 : f32 to vector<16xf32>
        %mul3A_1069 = arith.mulf %get3A_1041, %mul3A_1068 : vector<16xf32>
        %mul3A_1070 = vector.broadcast %mul3A_92 : f32 to vector<16xf32>
        %mul3A_1071 = arith.mulf %get3A_1043, %mul3A_1070 : vector<16xf32>
        %add3A_1072 = arith.addf %mul3A_1069, %mul3A_1071 : vector<16xf32>
        %add3A_1073 = arith.addf %add3A_1067, %add3A_1072 : vector<16xf32>
        %lt3A_1074 = arith.cmpf olt, %add3A_1073, %scan3A_405 : vector<16xf32>
        %convert_element_type3A_1075 = arith.extui %lt3A_1074 : vector<16xi1> to vector<16xi32>
        %broadcast_in_dim3A_1076 = arith.constant true
        %broadcast_in_dim3A_1077 = vector.broadcast %broadcast_in_dim3A_1076 : i1 to vector<16xi1>
        %masked_cumsum3A_1078 = tpu.scan <sum>, %convert_element_type3A_1075 masked %broadcast_in_dim3A_1077 : vector<16xi32>, vector<16xi1> -> vector<16xi32>
        %add3A_1079 = arith.addi %add3A_995, %masked_cumsum3A_1078 : vector<16xi32>
        tpu.vector_store_idx %arg12[%add3A_1079], %add3A_1073 masked %lt3A_1074 : memref<416xf32, #tpu.memory_space<vmem>>[vector<16xi32>], vector<16xf32>, vector<16xi1>
        tpu.vector_store_idx %arg13[%add3A_1079], %add3A_1045 masked %lt3A_1074 : memref<416xi32, #tpu.memory_space<vmem>>[vector<16xi32>], vector<16xi32>, vector<16xi1>
        %slice3A_1080 = vector.extract_strided_slice %masked_cumsum3A_1078 {offsets = [15], sizes = [1], strides = [1]} : vector<16xi32> to vector<1xi32>
        %squeeze3A_1081 = vector.extract %slice3A_1080[0] : i32 from vector<1xi32>
        %add3A_1082 = vector.broadcast %squeeze3A_1081 : i32 to vector<16xi32>
        %add3A_1083 = arith.addi %add3A_995, %add3A_1082 : vector<16xi32>
        %mul3A_1084 = vector.broadcast %mul3A_98 : f32 to vector<16xf32>
        %mul3A_1085 = arith.mulf %get3A_1039, %mul3A_1084 : vector<16xf32>
        %add3A_1086 = arith.addf %get3A_1037, %mul3A_1085 : vector<16xf32>
        %mul3A_1087 = vector.broadcast %mul3A_104 : f32 to vector<16xf32>
        %mul3A_1088 = arith.mulf %get3A_1041, %mul3A_1087 : vector<16xf32>
        %mul3A_1089 = vector.broadcast %mul3A_110 : f32 to vector<16xf32>
        %mul3A_1090 = arith.mulf %get3A_1043, %mul3A_1089 : vector<16xf32>
        %add3A_1091 = arith.addf %mul3A_1088, %mul3A_1090 : vector<16xf32>
        %add3A_1092 = arith.addf %add3A_1086, %add3A_1091 : vector<16xf32>
        %lt3A_1093 = arith.cmpf olt, %add3A_1092, %scan3A_409 : vector<16xf32>
        %convert_element_type3A_1094 = arith.extui %lt3A_1093 : vector<16xi1> to vector<16xi32>
        %broadcast_in_dim3A_1095 = arith.constant true
        %broadcast_in_dim3A_1096 = vector.broadcast %broadcast_in_dim3A_1095 : i1 to vector<16xi1>
        %masked_cumsum3A_1097 = tpu.scan <sum>, %convert_element_type3A_1094 masked %broadcast_in_dim3A_1096 : vector<16xi32>, vector<16xi1> -> vector<16xi32>
        %add3A_1098 = arith.addi %add3A_1014, %masked_cumsum3A_1097 : vector<16xi32>
        tpu.vector_store_idx %arg14[%add3A_1098], %add3A_1092 masked %lt3A_1093 : memref<416xf32, #tpu.memory_space<vmem>>[vector<16xi32>], vector<16xf32>, vector<16xi1>
        tpu.vector_store_idx %arg15[%add3A_1098], %add3A_1045 masked %lt3A_1093 : memref<416xi32, #tpu.memory_space<vmem>>[vector<16xi32>], vector<16xi32>, vector<16xi1>
        %slice3A_1099 = vector.extract_strided_slice %masked_cumsum3A_1097 {offsets = [15], sizes = [1], strides = [1]} : vector<16xi32> to vector<1xi32>
        %squeeze3A_1100 = vector.extract %slice3A_1099[0] : i32 from vector<1xi32>
        %add3A_1101 = vector.broadcast %squeeze3A_1100 : i32 to vector<16xi32>
        %add3A_1102 = arith.addi %add3A_1014, %add3A_1101 : vector<16xi32>
        %mul3A_1103 = vector.broadcast %mul3A_116 : f32 to vector<16xf32>
        %mul3A_1104 = arith.mulf %get3A_1039, %mul3A_1103 : vector<16xf32>
        %add3A_1105 = arith.addf %get3A_1037, %mul3A_1104 : vector<16xf32>
        %mul3A_1106 = vector.broadcast %mul3A_122 : f32 to vector<16xf32>
        %mul3A_1107 = arith.mulf %get3A_1041, %mul3A_1106 : vector<16xf32>
        %mul3A_1108 = vector.broadcast %mul3A_128 : f32 to vector<16xf32>
        %mul3A_1109 = arith.mulf %get3A_1043, %mul3A_1108 : vector<16xf32>
        %add3A_1110 = arith.addf %mul3A_1107, %mul3A_1109 : vector<16xf32>
        %add3A_1111 = arith.addf %add3A_1105, %add3A_1110 : vector<16xf32>
        %lt3A_1112 = arith.cmpf olt, %add3A_1111, %scan3A_413 : vector<16xf32>
        %convert_element_type3A_1113 = arith.extui %lt3A_1112 : vector<16xi1> to vector<16xi32>
        %broadcast_in_dim3A_1114 = arith.constant true
        %broadcast_in_dim3A_1115 = vector.broadcast %broadcast_in_dim3A_1114 : i1 to vector<16xi1>
        %masked_cumsum3A_1116 = tpu.scan <sum>, %convert_element_type3A_1113 masked %broadcast_in_dim3A_1115 : vector<16xi32>, vector<16xi1> -> vector<16xi32>
        %add3A_1117 = arith.addi %add3A_1033, %masked_cumsum3A_1116 : vector<16xi32>
        tpu.vector_store_idx %arg16[%add3A_1117], %add3A_1111 masked %lt3A_1112 : memref<416xf32, #tpu.memory_space<vmem>>[vector<16xi32>], vector<16xf32>, vector<16xi1>
        tpu.vector_store_idx %arg17[%add3A_1117], %add3A_1045 masked %lt3A_1112 : memref<416xi32, #tpu.memory_space<vmem>>[vector<16xi32>], vector<16xi32>, vector<16xi1>
        %slice3A_1118 = vector.extract_strided_slice %masked_cumsum3A_1116 {offsets = [15], sizes = [1], strides = [1]} : vector<16xi32> to vector<1xi32>
        %squeeze3A_1119 = vector.extract %slice3A_1118[0] : i32 from vector<1xi32>
        %add3A_1120 = vector.broadcast %squeeze3A_1119 : i32 to vector<16xi32>
        %add3A_1121 = arith.addi %add3A_1033, %add3A_1120 : vector<16xi32>
        %add3A_1122 = arith.constant 128 : i32
        %add3A_1123 = arith.addi %mul3A_420, %add3A_1122 : i32
        %get3A_1124 = arith.index_cast %add3A_1123 : i32 to index
        %get3A_1125 = tpu.vector_load %arg8[%get3A_1124] {strides = array<i32>} : memref<10000xf32, #tpu.memory_space<vmem>>, vector<16xf32>,
        %get3A_1126 = arith.index_cast %add3A_1123 : i32 to index
        %get3A_1127 = tpu.vector_load %arg5[%get3A_1126] {strides = array<i32>} : memref<10016xf32, #tpu.memory_space<vmem>>, vector<16xf32>,
        %get3A_1128 = arith.index_cast %add3A_1123 : i32 to index
        %get3A_1129 = tpu.vector_load %arg6[%get3A_1128] {strides = array<i32>} : memref<10016xf32, #tpu.memory_space<vmem>>, vector<16xf32>,
        %get3A_1130 = arith.index_cast %add3A_1123 : i32 to index
        %get3A_1131 = tpu.vector_load %arg7[%get3A_1130] {strides = array<i32>} : memref<10016xf32, #tpu.memory_space<vmem>>, vector<16xf32>,
        %add3A_1132 = vector.broadcast %add3A_1123 : i32 to vector<16xi32>
        %add3A_1133 = arith.addi %iota3A_10, %add3A_1132 : vector<16xi32>
        %mul3A_1134 = vector.broadcast %mul3A_62 : f32 to vector<16xf32>
        %mul3A_1135 = arith.mulf %get3A_1127, %mul3A_1134 : vector<16xf32>
        %add3A_1136 = arith.addf %get3A_1125, %mul3A_1135 : vector<16xf32>
        %mul3A_1137 = vector.broadcast %mul3A_68 : f32 to vector<16xf32>
        %mul3A_1138 = arith.mulf %get3A_1129, %mul3A_1137 : vector<16xf32>
        %mul3A_1139 = vector.broadcast %mul3A_74 : f32 to vector<16xf32>
        %mul3A_1140 = arith.mulf %get3A_1131, %mul3A_1139 : vector<16xf32>
        %add3A_1141 = arith.addf %mul3A_1138, %mul3A_1140 : vector<16xf32>
        %add3A_1142 = arith.addf %add3A_1136, %add3A_1141 : vector<16xf32>
        %lt3A_1143 = arith.cmpf olt, %add3A_1142, %scan3A_401 : vector<16xf32>
        %convert_element_type3A_1144 = arith.extui %lt3A_1143 : vector<16xi1> to vector<16xi32>
        %broadcast_in_dim3A_1145 = arith.constant true
        %broadcast_in_dim3A_1146 = vector.broadcast %broadcast_in_dim3A_1145 : i1 to vector<16xi1>
        %masked_cumsum3A_1147 = tpu.scan <sum>, %convert_element_type3A_1144 masked %broadcast_in_dim3A_1146 : vector<16xi32>, vector<16xi1> -> vector<16xi32>
        %add3A_1148 = arith.addi %add3A_1064, %masked_cumsum3A_1147 : vector<16xi32>
        tpu.vector_store_idx %arg10[%add3A_1148], %add3A_1142 masked %lt3A_1143 : memref<416xf32, #tpu.memory_space<vmem>>[vector<16xi32>], vector<16xf32>, vector<16xi1>
        tpu.vector_store_idx %arg11[%add3A_1148], %add3A_1133 masked %lt3A_1143 : memref<416xi32, #tpu.memory_space<vmem>>[vector<16xi32>], vector<16xi32>, vector<16xi1>
        %slice3A_1149 = vector.extract_strided_slice %masked_cumsum3A_1147 {offsets = [15], sizes = [1], strides = [1]} : vector<16xi32> to vector<1xi32>
        %squeeze3A_1150 = vector.extract %slice3A_1149[0] : i32 from vector<1xi32>
        %add3A_1151 = vector.broadcast %squeeze3A_1150 : i32 to vector<16xi32>
        %add3A_1152 = arith.addi %add3A_1064, %add3A_1151 : vector<16xi32>
        %mul3A_1153 = vector.broadcast %mul3A_80 : f32 to vector<16xf32>
        %mul3A_1154 = arith.mulf %get3A_1127, %mul3A_1153 : vector<16xf32>
        %add3A_1155 = arith.addf %get3A_1125, %mul3A_1154 : vector<16xf32>
        %mul3A_1156 = vector.broadcast %mul3A_86 : f32 to vector<16xf32>
        %mul3A_1157 = arith.mulf %get3A_1129, %mul3A_1156 : vector<16xf32>
        %mul3A_1158 = vector.broadcast %mul3A_92 : f32 to vector<16xf32>
        %mul3A_1159 = arith.mulf %get3A_1131, %mul3A_1158 : vector<16xf32>
        %add3A_1160 = arith.addf %mul3A_1157, %mul3A_1159 : vector<16xf32>
        %add3A_1161 = arith.addf %add3A_1155, %add3A_1160 : vector<16xf32>
        %lt3A_1162 = arith.cmpf olt, %add3A_1161, %scan3A_405 : vector<16xf32>
        %convert_element_type3A_1163 = arith.extui %lt3A_1162 : vector<16xi1> to vector<16xi32>
        %broadcast_in_dim3A_1164 = arith.constant true
        %broadcast_in_dim3A_1165 = vector.broadcast %broadcast_in_dim3A_1164 : i1 to vector<16xi1>
        %masked_cumsum3A_1166 = tpu.scan <sum>, %convert_element_type3A_1163 masked %broadcast_in_dim3A_1165 : vector<16xi32>, vector<16xi1> -> vector<16xi32>
        %add3A_1167 = arith.addi %add3A_1083, %masked_cumsum3A_1166 : vector<16xi32>
        tpu.vector_store_idx %arg12[%add3A_1167], %add3A_1161 masked %lt3A_1162 : memref<416xf32, #tpu.memory_space<vmem>>[vector<16xi32>], vector<16xf32>, vector<16xi1>
        tpu.vector_store_idx %arg13[%add3A_1167], %add3A_1133 masked %lt3A_1162 : memref<416xi32, #tpu.memory_space<vmem>>[vector<16xi32>], vector<16xi32>, vector<16xi1>
        %slice3A_1168 = vector.extract_strided_slice %masked_cumsum3A_1166 {offsets = [15], sizes = [1], strides = [1]} : vector<16xi32> to vector<1xi32>
        %squeeze3A_1169 = vector.extract %slice3A_1168[0] : i32 from vector<1xi32>
        %add3A_1170 = vector.broadcast %squeeze3A_1169 : i32 to vector<16xi32>
        %add3A_1171 = arith.addi %add3A_1083, %add3A_1170 : vector<16xi32>
        %mul3A_1172 = vector.broadcast %mul3A_98 : f32 to vector<16xf32>
        %mul3A_1173 = arith.mulf %get3A_1127, %mul3A_1172 : vector<16xf32>
        %add3A_1174 = arith.addf %get3A_1125, %mul3A_1173 : vector<16xf32>
        %mul3A_1175 = vector.broadcast %mul3A_104 : f32 to vector<16xf32>
        %mul3A_1176 = arith.mulf %get3A_1129, %mul3A_1175 : vector<16xf32>
        %mul3A_1177 = vector.broadcast %mul3A_110 : f32 to vector<16xf32>
        %mul3A_1178 = arith.mulf %get3A_1131, %mul3A_1177 : vector<16xf32>
        %add3A_1179 = arith.addf %mul3A_1176, %mul3A_1178 : vector<16xf32>
        %add3A_1180 = arith.addf %add3A_1174, %add3A_1179 : vector<16xf32>
        %lt3A_1181 = arith.cmpf olt, %add3A_1180, %scan3A_409 : vector<16xf32>
        %convert_element_type3A_1182 = arith.extui %lt3A_1181 : vector<16xi1> to vector<16xi32>
        %broadcast_in_dim3A_1183 = arith.constant true
        %broadcast_in_dim3A_1184 = vector.broadcast %broadcast_in_dim3A_1183 : i1 to vector<16xi1>
        %masked_cumsum3A_1185 = tpu.scan <sum>, %convert_element_type3A_1182 masked %broadcast_in_dim3A_1184 : vector<16xi32>, vector<16xi1> -> vector<16xi32>
        %add3A_1186 = arith.addi %add3A_1102, %masked_cumsum3A_1185 : vector<16xi32>
        tpu.vector_store_idx %arg14[%add3A_1186], %add3A_1180 masked %lt3A_1181 : memref<416xf32, #tpu.memory_space<vmem>>[vector<16xi32>], vector<16xf32>, vector<16xi1>
        tpu.vector_store_idx %arg15[%add3A_1186], %add3A_1133 masked %lt3A_1181 : memref<416xi32, #tpu.memory_space<vmem>>[vector<16xi32>], vector<16xi32>, vector<16xi1>
        %slice3A_1187 = vector.extract_strided_slice %masked_cumsum3A_1185 {offsets = [15], sizes = [1], strides = [1]} : vector<16xi32> to vector<1xi32>
        %squeeze3A_1188 = vector.extract %slice3A_1187[0] : i32 from vector<1xi32>
        %add3A_1189 = vector.broadcast %squeeze3A_1188 : i32 to vector<16xi32>
        %add3A_1190 = arith.addi %add3A_1102, %add3A_1189 : vector<16xi32>
        %mul3A_1191 = vector.broadcast %mul3A_116 : f32 to vector<16xf32>
        %mul3A_1192 = arith.mulf %get3A_1127, %mul3A_1191 : vector<16xf32>
        %add3A_1193 = arith.addf %get3A_1125, %mul3A_1192 : vector<16xf32>
        %mul3A_1194 = vector.broadcast %mul3A_122 : f32 to vector<16xf32>
        %mul3A_1195 = arith.mulf %get3A_1129, %mul3A_1194 : vector<16xf32>
        %mul3A_1196 = vector.broadcast %mul3A_128 : f32 to vector<16xf32>
        %mul3A_1197 = arith.mulf %get3A_1131, %mul3A_1196 : vector<16xf32>
        %add3A_1198 = arith.addf %mul3A_1195, %mul3A_1197 : vector<16xf32>
        %add3A_1199 = arith.addf %add3A_1193, %add3A_1198 : vector<16xf32>
        %lt3A_1200 = arith.cmpf olt, %add3A_1199, %scan3A_413 : vector<16xf32>
        %convert_element_type3A_1201 = arith.extui %lt3A_1200 : vector<16xi1> to vector<16xi32>
        %broadcast_in_dim3A_1202 = arith.constant true
        %broadcast_in_dim3A_1203 = vector.broadcast %broadcast_in_dim3A_1202 : i1 to vector<16xi1>
        %masked_cumsum3A_1204 = tpu.scan <sum>, %convert_element_type3A_1201 masked %broadcast_in_dim3A_1203 : vector<16xi32>, vector<16xi1> -> vector<16xi32>
        %add3A_1205 = arith.addi %add3A_1121, %masked_cumsum3A_1204 : vector<16xi32>
        tpu.vector_store_idx %arg16[%add3A_1205], %add3A_1199 masked %lt3A_1200 : memref<416xf32, #tpu.memory_space<vmem>>[vector<16xi32>], vector<16xf32>, vector<16xi1>
        tpu.vector_store_idx %arg17[%add3A_1205], %add3A_1133 masked %lt3A_1200 : memref<416xi32, #tpu.memory_space<vmem>>[vector<16xi32>], vector<16xi32>, vector<16xi1>
        %slice3A_1206 = vector.extract_strided_slice %masked_cumsum3A_1204 {offsets = [15], sizes = [1], strides = [1]} : vector<16xi32> to vector<1xi32>
        %squeeze3A_1207 = vector.extract %slice3A_1206[0] : i32 from vector<1xi32>
        %add3A_1208 = vector.broadcast %squeeze3A_1207 : i32 to vector<16xi32>
        %add3A_1209 = arith.addi %add3A_1121, %add3A_1208 : vector<16xi32>
        %add3A_1210 = arith.constant 144 : i32
        %add3A_1211 = arith.addi %mul3A_420, %add3A_1210 : i32
        %get3A_1212 = arith.index_cast %add3A_1211 : i32 to index
        %get3A_1213 = tpu.vector_load %arg8[%get3A_1212] {strides = array<i32>} : memref<10000xf32, #tpu.memory_space<vmem>>, vector<16xf32>,
        %get3A_1214 = arith.index_cast %add3A_1211 : i32 to index
        %get3A_1215 = tpu.vector_load %arg5[%get3A_1214] {strides = array<i32>} : memref<10016xf32, #tpu.memory_space<vmem>>, vector<16xf32>,
        %get3A_1216 = arith.index_cast %add3A_1211 : i32 to index
        %get3A_1217 = tpu.vector_load %arg6[%get3A_1216] {strides = array<i32>} : memref<10016xf32, #tpu.memory_space<vmem>>, vector<16xf32>,
        %get3A_1218 = arith.index_cast %add3A_1211 : i32 to index
        %get3A_1219 = tpu.vector_load %arg7[%get3A_1218] {strides = array<i32>} : memref<10016xf32, #tpu.memory_space<vmem>>, vector<16xf32>,
        %add3A_1220 = vector.broadcast %add3A_1211 : i32 to vector<16xi32>
        %add3A_1221 = arith.addi %iota3A_10, %add3A_1220 : vector<16xi32>
        %mul3A_1222 = vector.broadcast %mul3A_62 : f32 to vector<16xf32>
        %mul3A_1223 = arith.mulf %get3A_1215, %mul3A_1222 : vector<16xf32>
        %add3A_1224 = arith.addf %get3A_1213, %mul3A_1223 : vector<16xf32>
        %mul3A_1225 = vector.broadcast %mul3A_68 : f32 to vector<16xf32>
        %mul3A_1226 = arith.mulf %get3A_1217, %mul3A_1225 : vector<16xf32>
        %mul3A_1227 = vector.broadcast %mul3A_74 : f32 to vector<16xf32>
        %mul3A_1228 = arith.mulf %get3A_1219, %mul3A_1227 : vector<16xf32>
        %add3A_1229 = arith.addf %mul3A_1226, %mul3A_1228 : vector<16xf32>
        %add3A_1230 = arith.addf %add3A_1224, %add3A_1229 : vector<16xf32>
        %lt3A_1231 = arith.cmpf olt, %add3A_1230, %scan3A_401 : vector<16xf32>
        %convert_element_type3A_1232 = arith.extui %lt3A_1231 : vector<16xi1> to vector<16xi32>
        %broadcast_in_dim3A_1233 = arith.constant true
        %broadcast_in_dim3A_1234 = vector.broadcast %broadcast_in_dim3A_1233 : i1 to vector<16xi1>
        %masked_cumsum3A_1235 = tpu.scan <sum>, %convert_element_type3A_1232 masked %broadcast_in_dim3A_1234 : vector<16xi32>, vector<16xi1> -> vector<16xi32>
        %add3A_1236 = arith.addi %add3A_1152, %masked_cumsum3A_1235 : vector<16xi32>
        tpu.vector_store_idx %arg10[%add3A_1236], %add3A_1230 masked %lt3A_1231 : memref<416xf32, #tpu.memory_space<vmem>>[vector<16xi32>], vector<16xf32>, vector<16xi1>
        tpu.vector_store_idx %arg11[%add3A_1236], %add3A_1221 masked %lt3A_1231 : memref<416xi32, #tpu.memory_space<vmem>>[vector<16xi32>], vector<16xi32>, vector<16xi1>
        %slice3A_1237 = vector.extract_strided_slice %masked_cumsum3A_1235 {offsets = [15], sizes = [1], strides = [1]} : vector<16xi32> to vector<1xi32>
        %squeeze3A_1238 = vector.extract %slice3A_1237[0] : i32 from vector<1xi32>
        %add3A_1239 = vector.broadcast %squeeze3A_1238 : i32 to vector<16xi32>
        %add3A_1240 = arith.addi %add3A_1152, %add3A_1239 : vector<16xi32>
        %mul3A_1241 = vector.broadcast %mul3A_80 : f32 to vector<16xf32>
        %mul3A_1242 = arith.mulf %get3A_1215, %mul3A_1241 : vector<16xf32>
        %add3A_1243 = arith.addf %get3A_1213, %mul3A_1242 : vector<16xf32>
        %mul3A_1244 = vector.broadcast %mul3A_86 : f32 to vector<16xf32>
        %mul3A_1245 = arith.mulf %get3A_1217, %mul3A_1244 : vector<16xf32>
        %mul3A_1246 = vector.broadcast %mul3A_92 : f32 to vector<16xf32>
        %mul3A_1247 = arith.mulf %get3A_1219, %mul3A_1246 : vector<16xf32>
        %add3A_1248 = arith.addf %mul3A_1245, %mul3A_1247 : vector<16xf32>
        %add3A_1249 = arith.addf %add3A_1243, %add3A_1248 : vector<16xf32>
        %lt3A_1250 = arith.cmpf olt, %add3A_1249, %scan3A_405 : vector<16xf32>
        %convert_element_type3A_1251 = arith.extui %lt3A_1250 : vector<16xi1> to vector<16xi32>
        %broadcast_in_dim3A_1252 = arith.constant true
        %broadcast_in_dim3A_1253 = vector.broadcast %broadcast_in_dim3A_1252 : i1 to vector<16xi1>
        %masked_cumsum3A_1254 = tpu.scan <sum>, %convert_element_type3A_1251 masked %broadcast_in_dim3A_1253 : vector<16xi32>, vector<16xi1> -> vector<16xi32>
        %add3A_1255 = arith.addi %add3A_1171, %masked_cumsum3A_1254 : vector<16xi32>
        tpu.vector_store_idx %arg12[%add3A_1255], %add3A_1249 masked %lt3A_1250 : memref<416xf32, #tpu.memory_space<vmem>>[vector<16xi32>], vector<16xf32>, vector<16xi1>
        tpu.vector_store_idx %arg13[%add3A_1255], %add3A_1221 masked %lt3A_1250 : memref<416xi32, #tpu.memory_space<vmem>>[vector<16xi32>], vector<16xi32>, vector<16xi1>
        %slice3A_1256 = vector.extract_strided_slice %masked_cumsum3A_1254 {offsets = [15], sizes = [1], strides = [1]} : vector<16xi32> to vector<1xi32>
        %squeeze3A_1257 = vector.extract %slice3A_1256[0] : i32 from vector<1xi32>
        %add3A_1258 = vector.broadcast %squeeze3A_1257 : i32 to vector<16xi32>
        %add3A_1259 = arith.addi %add3A_1171, %add3A_1258 : vector<16xi32>
        %mul3A_1260 = vector.broadcast %mul3A_98 : f32 to vector<16xf32>
        %mul3A_1261 = arith.mulf %get3A_1215, %mul3A_1260 : vector<16xf32>
        %add3A_1262 = arith.addf %get3A_1213, %mul3A_1261 : vector<16xf32>
        %mul3A_1263 = vector.broadcast %mul3A_104 : f32 to vector<16xf32>
        %mul3A_1264 = arith.mulf %get3A_1217, %mul3A_1263 : vector<16xf32>
        %mul3A_1265 = vector.broadcast %mul3A_110 : f32 to vector<16xf32>
        %mul3A_1266 = arith.mulf %get3A_1219, %mul3A_1265 : vector<16xf32>
        %add3A_1267 = arith.addf %mul3A_1264, %mul3A_1266 : vector<16xf32>
        %add3A_1268 = arith.addf %add3A_1262, %add3A_1267 : vector<16xf32>
        %lt3A_1269 = arith.cmpf olt, %add3A_1268, %scan3A_409 : vector<16xf32>
        %convert_element_type3A_1270 = arith.extui %lt3A_1269 : vector<16xi1> to vector<16xi32>
        %broadcast_in_dim3A_1271 = arith.constant true
        %broadcast_in_dim3A_1272 = vector.broadcast %broadcast_in_dim3A_1271 : i1 to vector<16xi1>
        %masked_cumsum3A_1273 = tpu.scan <sum>, %convert_element_type3A_1270 masked %broadcast_in_dim3A_1272 : vector<16xi32>, vector<16xi1> -> vector<16xi32>
        %add3A_1274 = arith.addi %add3A_1190, %masked_cumsum3A_1273 : vector<16xi32>
        tpu.vector_store_idx %arg14[%add3A_1274], %add3A_1268 masked %lt3A_1269 : memref<416xf32, #tpu.memory_space<vmem>>[vector<16xi32>], vector<16xf32>, vector<16xi1>
        tpu.vector_store_idx %arg15[%add3A_1274], %add3A_1221 masked %lt3A_1269 : memref<416xi32, #tpu.memory_space<vmem>>[vector<16xi32>], vector<16xi32>, vector<16xi1>
        %slice3A_1275 = vector.extract_strided_slice %masked_cumsum3A_1273 {offsets = [15], sizes = [1], strides = [1]} : vector<16xi32> to vector<1xi32>
        %squeeze3A_1276 = vector.extract %slice3A_1275[0] : i32 from vector<1xi32>
        %add3A_1277 = vector.broadcast %squeeze3A_1276 : i32 to vector<16xi32>
        %add3A_1278 = arith.addi %add3A_1190, %add3A_1277 : vector<16xi32>
        %mul3A_1279 = vector.broadcast %mul3A_116 : f32 to vector<16xf32>
        %mul3A_1280 = arith.mulf %get3A_1215, %mul3A_1279 : vector<16xf32>
        %add3A_1281 = arith.addf %get3A_1213, %mul3A_1280 : vector<16xf32>
        %mul3A_1282 = vector.broadcast %mul3A_122 : f32 to vector<16xf32>
        %mul3A_1283 = arith.mulf %get3A_1217, %mul3A_1282 : vector<16xf32>
        %mul3A_1284 = vector.broadcast %mul3A_128 : f32 to vector<16xf32>
        %mul3A_1285 = arith.mulf %get3A_1219, %mul3A_1284 : vector<16xf32>
        %add3A_1286 = arith.addf %mul3A_1283, %mul3A_1285 : vector<16xf32>
        %add3A_1287 = arith.addf %add3A_1281, %add3A_1286 : vector<16xf32>
        %lt3A_1288 = arith.cmpf olt, %add3A_1287, %scan3A_413 : vector<16xf32>
        %convert_element_type3A_1289 = arith.extui %lt3A_1288 : vector<16xi1> to vector<16xi32>
        %broadcast_in_dim3A_1290 = arith.constant true
        %broadcast_in_dim3A_1291 = vector.broadcast %broadcast_in_dim3A_1290 : i1 to vector<16xi1>
        %masked_cumsum3A_1292 = tpu.scan <sum>, %convert_element_type3A_1289 masked %broadcast_in_dim3A_1291 : vector<16xi32>, vector<16xi1> -> vector<16xi32>
        %add3A_1293 = arith.addi %add3A_1209, %masked_cumsum3A_1292 : vector<16xi32>
        tpu.vector_store_idx %arg16[%add3A_1293], %add3A_1287 masked %lt3A_1288 : memref<416xf32, #tpu.memory_space<vmem>>[vector<16xi32>], vector<16xf32>, vector<16xi1>
        tpu.vector_store_idx %arg17[%add3A_1293], %add3A_1221 masked %lt3A_1288 : memref<416xi32, #tpu.memory_space<vmem>>[vector<16xi32>], vector<16xi32>, vector<16xi1>
        %slice3A_1294 = vector.extract_strided_slice %masked_cumsum3A_1292 {offsets = [15], sizes = [1], strides = [1]} : vector<16xi32> to vector<1xi32>
        %squeeze3A_1295 = vector.extract %slice3A_1294[0] : i32 from vector<1xi32>
        %add3A_1296 = vector.broadcast %squeeze3A_1295 : i32 to vector<16xi32>
        %add3A_1297 = arith.addi %add3A_1209, %add3A_1296 : vector<16xi32>
        %add3A_1298 = arith.constant 160 : i32
        %add3A_1299 = arith.addi %mul3A_420, %add3A_1298 : i32
        %get3A_1300 = arith.index_cast %add3A_1299 : i32 to index
        %get3A_1301 = tpu.vector_load %arg8[%get3A_1300] {strides = array<i32>} : memref<10000xf32, #tpu.memory_space<vmem>>, vector<16xf32>,
        %get3A_1302 = arith.index_cast %add3A_1299 : i32 to index
        %get3A_1303 = tpu.vector_load %arg5[%get3A_1302] {strides = array<i32>} : memref<10016xf32, #tpu.memory_space<vmem>>, vector<16xf32>,
        %get3A_1304 = arith.index_cast %add3A_1299 : i32 to index
        %get3A_1305 = tpu.vector_load %arg6[%get3A_1304] {strides = array<i32>} : memref<10016xf32, #tpu.memory_space<vmem>>, vector<16xf32>,
        %get3A_1306 = arith.index_cast %add3A_1299 : i32 to index
        %get3A_1307 = tpu.vector_load %arg7[%get3A_1306] {strides = array<i32>} : memref<10016xf32, #tpu.memory_space<vmem>>, vector<16xf32>,
        %add3A_1308 = vector.broadcast %add3A_1299 : i32 to vector<16xi32>
        %add3A_1309 = arith.addi %iota3A_10, %add3A_1308 : vector<16xi32>
        %mul3A_1310 = vector.broadcast %mul3A_62 : f32 to vector<16xf32>
        %mul3A_1311 = arith.mulf %get3A_1303, %mul3A_1310 : vector<16xf32>
        %add3A_1312 = arith.addf %get3A_1301, %mul3A_1311 : vector<16xf32>
        %mul3A_1313 = vector.broadcast %mul3A_68 : f32 to vector<16xf32>
        %mul3A_1314 = arith.mulf %get3A_1305, %mul3A_1313 : vector<16xf32>
        %mul3A_1315 = vector.broadcast %mul3A_74 : f32 to vector<16xf32>
        %mul3A_1316 = arith.mulf %get3A_1307, %mul3A_1315 : vector<16xf32>
        %add3A_1317 = arith.addf %mul3A_1314, %mul3A_1316 : vector<16xf32>
        %add3A_1318 = arith.addf %add3A_1312, %add3A_1317 : vector<16xf32>
        %lt3A_1319 = arith.cmpf olt, %add3A_1318, %scan3A_401 : vector<16xf32>
        %convert_element_type3A_1320 = arith.extui %lt3A_1319 : vector<16xi1> to vector<16xi32>
        %broadcast_in_dim3A_1321 = arith.constant true
        %broadcast_in_dim3A_1322 = vector.broadcast %broadcast_in_dim3A_1321 : i1 to vector<16xi1>
        %masked_cumsum3A_1323 = tpu.scan <sum>, %convert_element_type3A_1320 masked %broadcast_in_dim3A_1322 : vector<16xi32>, vector<16xi1> -> vector<16xi32>
        %add3A_1324 = arith.addi %add3A_1240, %masked_cumsum3A_1323 : vector<16xi32>
        tpu.vector_store_idx %arg10[%add3A_1324], %add3A_1318 masked %lt3A_1319 : memref<416xf32, #tpu.memory_space<vmem>>[vector<16xi32>], vector<16xf32>, vector<16xi1>
        tpu.vector_store_idx %arg11[%add3A_1324], %add3A_1309 masked %lt3A_1319 : memref<416xi32, #tpu.memory_space<vmem>>[vector<16xi32>], vector<16xi32>, vector<16xi1>
        %slice3A_1325 = vector.extract_strided_slice %masked_cumsum3A_1323 {offsets = [15], sizes = [1], strides = [1]} : vector<16xi32> to vector<1xi32>
        %squeeze3A_1326 = vector.extract %slice3A_1325[0] : i32 from vector<1xi32>
        %add3A_1327 = vector.broadcast %squeeze3A_1326 : i32 to vector<16xi32>
        %add3A_1328 = arith.addi %add3A_1240, %add3A_1327 : vector<16xi32>
        %mul3A_1329 = vector.broadcast %mul3A_80 : f32 to vector<16xf32>
        %mul3A_1330 = arith.mulf %get3A_1303, %mul3A_1329 : vector<16xf32>
        %add3A_1331 = arith.addf %get3A_1301, %mul3A_1330 : vector<16xf32>
        %mul3A_1332 = vector.broadcast %mul3A_86 : f32 to vector<16xf32>
        %mul3A_1333 = arith.mulf %get3A_1305, %mul3A_1332 : vector<16xf32>
        %mul3A_1334 = vector.broadcast %mul3A_92 : f32 to vector<16xf32>
        %mul3A_1335 = arith.mulf %get3A_1307, %mul3A_1334 : vector<16xf32>
        %add3A_1336 = arith.addf %mul3A_1333, %mul3A_1335 : vector<16xf32>
        %add3A_1337 = arith.addf %add3A_1331, %add3A_1336 : vector<16xf32>
        %lt3A_1338 = arith.cmpf olt, %add3A_1337, %scan3A_405 : vector<16xf32>
        %convert_element_type3A_1339 = arith.extui %lt3A_1338 : vector<16xi1> to vector<16xi32>
        %broadcast_in_dim3A_1340 = arith.constant true
        %broadcast_in_dim3A_1341 = vector.broadcast %broadcast_in_dim3A_1340 : i1 to vector<16xi1>
        %masked_cumsum3A_1342 = tpu.scan <sum>, %convert_element_type3A_1339 masked %broadcast_in_dim3A_1341 : vector<16xi32>, vector<16xi1> -> vector<16xi32>
        %add3A_1343 = arith.addi %add3A_1259, %masked_cumsum3A_1342 : vector<16xi32>
        tpu.vector_store_idx %arg12[%add3A_1343], %add3A_1337 masked %lt3A_1338 : memref<416xf32, #tpu.memory_space<vmem>>[vector<16xi32>], vector<16xf32>, vector<16xi1>
        tpu.vector_store_idx %arg13[%add3A_1343], %add3A_1309 masked %lt3A_1338 : memref<416xi32, #tpu.memory_space<vmem>>[vector<16xi32>], vector<16xi32>, vector<16xi1>
        %slice3A_1344 = vector.extract_strided_slice %masked_cumsum3A_1342 {offsets = [15], sizes = [1], strides = [1]} : vector<16xi32> to vector<1xi32>
        %squeeze3A_1345 = vector.extract %slice3A_1344[0] : i32 from vector<1xi32>
        %add3A_1346 = vector.broadcast %squeeze3A_1345 : i32 to vector<16xi32>
        %add3A_1347 = arith.addi %add3A_1259, %add3A_1346 : vector<16xi32>
        %mul3A_1348 = vector.broadcast %mul3A_98 : f32 to vector<16xf32>
        %mul3A_1349 = arith.mulf %get3A_1303, %mul3A_1348 : vector<16xf32>
        %add3A_1350 = arith.addf %get3A_1301, %mul3A_1349 : vector<16xf32>
        %mul3A_1351 = vector.broadcast %mul3A_104 : f32 to vector<16xf32>
        %mul3A_1352 = arith.mulf %get3A_1305, %mul3A_1351 : vector<16xf32>
        %mul3A_1353 = vector.broadcast %mul3A_110 : f32 to vector<16xf32>
        %mul3A_1354 = arith.mulf %get3A_1307, %mul3A_1353 : vector<16xf32>
        %add3A_1355 = arith.addf %mul3A_1352, %mul3A_1354 : vector<16xf32>
        %add3A_1356 = arith.addf %add3A_1350, %add3A_1355 : vector<16xf32>
        %lt3A_1357 = arith.cmpf olt, %add3A_1356, %scan3A_409 : vector<16xf32>
        %convert_element_type3A_1358 = arith.extui %lt3A_1357 : vector<16xi1> to vector<16xi32>
        %broadcast_in_dim3A_1359 = arith.constant true
        %broadcast_in_dim3A_1360 = vector.broadcast %broadcast_in_dim3A_1359 : i1 to vector<16xi1>
        %masked_cumsum3A_1361 = tpu.scan <sum>, %convert_element_type3A_1358 masked %broadcast_in_dim3A_1360 : vector<16xi32>, vector<16xi1> -> vector<16xi32>
        %add3A_1362 = arith.addi %add3A_1278, %masked_cumsum3A_1361 : vector<16xi32>
        tpu.vector_store_idx %arg14[%add3A_1362], %add3A_1356 masked %lt3A_1357 : memref<416xf32, #tpu.memory_space<vmem>>[vector<16xi32>], vector<16xf32>, vector<16xi1>
        tpu.vector_store_idx %arg15[%add3A_1362], %add3A_1309 masked %lt3A_1357 : memref<416xi32, #tpu.memory_space<vmem>>[vector<16xi32>], vector<16xi32>, vector<16xi1>
        %slice3A_1363 = vector.extract_strided_slice %masked_cumsum3A_1361 {offsets = [15], sizes = [1], strides = [1]} : vector<16xi32> to vector<1xi32>
        %squeeze3A_1364 = vector.extract %slice3A_1363[0] : i32 from vector<1xi32>
        %add3A_1365 = vector.broadcast %squeeze3A_1364 : i32 to vector<16xi32>
        %add3A_1366 = arith.addi %add3A_1278, %add3A_1365 : vector<16xi32>
        %mul3A_1367 = vector.broadcast %mul3A_116 : f32 to vector<16xf32>
        %mul3A_1368 = arith.mulf %get3A_1303, %mul3A_1367 : vector<16xf32>
        %add3A_1369 = arith.addf %get3A_1301, %mul3A_1368 : vector<16xf32>
        %mul3A_1370 = vector.broadcast %mul3A_122 : f32 to vector<16xf32>
        %mul3A_1371 = arith.mulf %get3A_1305, %mul3A_1370 : vector<16xf32>
        %mul3A_1372 = vector.broadcast %mul3A_128 : f32 to vector<16xf32>
        %mul3A_1373 = arith.mulf %get3A_1307, %mul3A_1372 : vector<16xf32>
        %add3A_1374 = arith.addf %mul3A_1371, %mul3A_1373 : vector<16xf32>
        %add3A_1375 = arith.addf %add3A_1369, %add3A_1374 : vector<16xf32>
        %lt3A_1376 = arith.cmpf olt, %add3A_1375, %scan3A_413 : vector<16xf32>
        %convert_element_type3A_1377 = arith.extui %lt3A_1376 : vector<16xi1> to vector<16xi32>
        %broadcast_in_dim3A_1378 = arith.constant true
        %broadcast_in_dim3A_1379 = vector.broadcast %broadcast_in_dim3A_1378 : i1 to vector<16xi1>
        %masked_cumsum3A_1380 = tpu.scan <sum>, %convert_element_type3A_1377 masked %broadcast_in_dim3A_1379 : vector<16xi32>, vector<16xi1> -> vector<16xi32>
        %add3A_1381 = arith.addi %add3A_1297, %masked_cumsum3A_1380 : vector<16xi32>
        tpu.vector_store_idx %arg16[%add3A_1381], %add3A_1375 masked %lt3A_1376 : memref<416xf32, #tpu.memory_space<vmem>>[vector<16xi32>], vector<16xf32>, vector<16xi1>
        tpu.vector_store_idx %arg17[%add3A_1381], %add3A_1309 masked %lt3A_1376 : memref<416xi32, #tpu.memory_space<vmem>>[vector<16xi32>], vector<16xi32>, vector<16xi1>
        %slice3A_1382 = vector.extract_strided_slice %masked_cumsum3A_1380 {offsets = [15], sizes = [1], strides = [1]} : vector<16xi32> to vector<1xi32>
        %squeeze3A_1383 = vector.extract %slice3A_1382[0] : i32 from vector<1xi32>
        %add3A_1384 = vector.broadcast %squeeze3A_1383 : i32 to vector<16xi32>
        %add3A_1385 = arith.addi %add3A_1297, %add3A_1384 : vector<16xi32>
        %add3A_1386 = arith.constant 176 : i32
        %add3A_1387 = arith.addi %mul3A_420, %add3A_1386 : i32
        %get3A_1388 = arith.index_cast %add3A_1387 : i32 to index
        %get3A_1389 = tpu.vector_load %arg8[%get3A_1388] {strides = array<i32>} : memref<10000xf32, #tpu.memory_space<vmem>>, vector<16xf32>,
        %get3A_1390 = arith.index_cast %add3A_1387 : i32 to index
        %get3A_1391 = tpu.vector_load %arg5[%get3A_1390] {strides = array<i32>} : memref<10016xf32, #tpu.memory_space<vmem>>, vector<16xf32>,
        %get3A_1392 = arith.index_cast %add3A_1387 : i32 to index
        %get3A_1393 = tpu.vector_load %arg6[%get3A_1392] {strides = array<i32>} : memref<10016xf32, #tpu.memory_space<vmem>>, vector<16xf32>,
        %get3A_1394 = arith.index_cast %add3A_1387 : i32 to index
        %get3A_1395 = tpu.vector_load %arg7[%get3A_1394] {strides = array<i32>} : memref<10016xf32, #tpu.memory_space<vmem>>, vector<16xf32>,
        %add3A_1396 = vector.broadcast %add3A_1387 : i32 to vector<16xi32>
        %add3A_1397 = arith.addi %iota3A_10, %add3A_1396 : vector<16xi32>
        %mul3A_1398 = vector.broadcast %mul3A_62 : f32 to vector<16xf32>
        %mul3A_1399 = arith.mulf %get3A_1391, %mul3A_1398 : vector<16xf32>
        %add3A_1400 = arith.addf %get3A_1389, %mul3A_1399 : vector<16xf32>
        %mul3A_1401 = vector.broadcast %mul3A_68 : f32 to vector<16xf32>
        %mul3A_1402 = arith.mulf %get3A_1393, %mul3A_1401 : vector<16xf32>
        %mul3A_1403 = vector.broadcast %mul3A_74 : f32 to vector<16xf32>
        %mul3A_1404 = arith.mulf %get3A_1395, %mul3A_1403 : vector<16xf32>
        %add3A_1405 = arith.addf %mul3A_1402, %mul3A_1404 : vector<16xf32>
        %add3A_1406 = arith.addf %add3A_1400, %add3A_1405 : vector<16xf32>
        %lt3A_1407 = arith.cmpf olt, %add3A_1406, %scan3A_401 : vector<16xf32>
        %convert_element_type3A_1408 = arith.extui %lt3A_1407 : vector<16xi1> to vector<16xi32>
        %broadcast_in_dim3A_1409 = arith.constant true
        %broadcast_in_dim3A_1410 = vector.broadcast %broadcast_in_dim3A_1409 : i1 to vector<16xi1>
        %masked_cumsum3A_1411 = tpu.scan <sum>, %convert_element_type3A_1408 masked %broadcast_in_dim3A_1410 : vector<16xi32>, vector<16xi1> -> vector<16xi32>
        %add3A_1412 = arith.addi %add3A_1328, %masked_cumsum3A_1411 : vector<16xi32>
        tpu.vector_store_idx %arg10[%add3A_1412], %add3A_1406 masked %lt3A_1407 : memref<416xf32, #tpu.memory_space<vmem>>[vector<16xi32>], vector<16xf32>, vector<16xi1>
        tpu.vector_store_idx %arg11[%add3A_1412], %add3A_1397 masked %lt3A_1407 : memref<416xi32, #tpu.memory_space<vmem>>[vector<16xi32>], vector<16xi32>, vector<16xi1>
        %slice3A_1413 = vector.extract_strided_slice %masked_cumsum3A_1411 {offsets = [15], sizes = [1], strides = [1]} : vector<16xi32> to vector<1xi32>
        %squeeze3A_1414 = vector.extract %slice3A_1413[0] : i32 from vector<1xi32>
        %add3A_1415 = vector.broadcast %squeeze3A_1414 : i32 to vector<16xi32>
        %add3A_1416 = arith.addi %add3A_1328, %add3A_1415 : vector<16xi32>
        %mul3A_1417 = vector.broadcast %mul3A_80 : f32 to vector<16xf32>
        %mul3A_1418 = arith.mulf %get3A_1391, %mul3A_1417 : vector<16xf32>
        %add3A_1419 = arith.addf %get3A_1389, %mul3A_1418 : vector<16xf32>
        %mul3A_1420 = vector.broadcast %mul3A_86 : f32 to vector<16xf32>
        %mul3A_1421 = arith.mulf %get3A_1393, %mul3A_1420 : vector<16xf32>
        %mul3A_1422 = vector.broadcast %mul3A_92 : f32 to vector<16xf32>
        %mul3A_1423 = arith.mulf %get3A_1395, %mul3A_1422 : vector<16xf32>
        %add3A_1424 = arith.addf %mul3A_1421, %mul3A_1423 : vector<16xf32>
        %add3A_1425 = arith.addf %add3A_1419, %add3A_1424 : vector<16xf32>
        %lt3A_1426 = arith.cmpf olt, %add3A_1425, %scan3A_405 : vector<16xf32>
        %convert_element_type3A_1427 = arith.extui %lt3A_1426 : vector<16xi1> to vector<16xi32>
        %broadcast_in_dim3A_1428 = arith.constant true
        %broadcast_in_dim3A_1429 = vector.broadcast %broadcast_in_dim3A_1428 : i1 to vector<16xi1>
        %masked_cumsum3A_1430 = tpu.scan <sum>, %convert_element_type3A_1427 masked %broadcast_in_dim3A_1429 : vector<16xi32>, vector<16xi1> -> vector<16xi32>
        %add3A_1431 = arith.addi %add3A_1347, %masked_cumsum3A_1430 : vector<16xi32>
        tpu.vector_store_idx %arg12[%add3A_1431], %add3A_1425 masked %lt3A_1426 : memref<416xf32, #tpu.memory_space<vmem>>[vector<16xi32>], vector<16xf32>, vector<16xi1>
        tpu.vector_store_idx %arg13[%add3A_1431], %add3A_1397 masked %lt3A_1426 : memref<416xi32, #tpu.memory_space<vmem>>[vector<16xi32>], vector<16xi32>, vector<16xi1>
        %slice3A_1432 = vector.extract_strided_slice %masked_cumsum3A_1430 {offsets = [15], sizes = [1], strides = [1]} : vector<16xi32> to vector<1xi32>
        %squeeze3A_1433 = vector.extract %slice3A_1432[0] : i32 from vector<1xi32>
        %add3A_1434 = vector.broadcast %squeeze3A_1433 : i32 to vector<16xi32>
        %add3A_1435 = arith.addi %add3A_1347, %add3A_1434 : vector<16xi32>
        %mul3A_1436 = vector.broadcast %mul3A_98 : f32 to vector<16xf32>
        %mul3A_1437 = arith.mulf %get3A_1391, %mul3A_1436 : vector<16xf32>
        %add3A_1438 = arith.addf %get3A_1389, %mul3A_1437 : vector<16xf32>
        %mul3A_1439 = vector.broadcast %mul3A_104 : f32 to vector<16xf32>
        %mul3A_1440 = arith.mulf %get3A_1393, %mul3A_1439 : vector<16xf32>
        %mul3A_1441 = vector.broadcast %mul3A_110 : f32 to vector<16xf32>
        %mul3A_1442 = arith.mulf %get3A_1395, %mul3A_1441 : vector<16xf32>
        %add3A_1443 = arith.addf %mul3A_1440, %mul3A_1442 : vector<16xf32>
        %add3A_1444 = arith.addf %add3A_1438, %add3A_1443 : vector<16xf32>
        %lt3A_1445 = arith.cmpf olt, %add3A_1444, %scan3A_409 : vector<16xf32>
        %convert_element_type3A_1446 = arith.extui %lt3A_1445 : vector<16xi1> to vector<16xi32>
        %broadcast_in_dim3A_1447 = arith.constant true
        %broadcast_in_dim3A_1448 = vector.broadcast %broadcast_in_dim3A_1447 : i1 to vector<16xi1>
        %masked_cumsum3A_1449 = tpu.scan <sum>, %convert_element_type3A_1446 masked %broadcast_in_dim3A_1448 : vector<16xi32>, vector<16xi1> -> vector<16xi32>
        %add3A_1450 = arith.addi %add3A_1366, %masked_cumsum3A_1449 : vector<16xi32>
        tpu.vector_store_idx %arg14[%add3A_1450], %add3A_1444 masked %lt3A_1445 : memref<416xf32, #tpu.memory_space<vmem>>[vector<16xi32>], vector<16xf32>, vector<16xi1>
        tpu.vector_store_idx %arg15[%add3A_1450], %add3A_1397 masked %lt3A_1445 : memref<416xi32, #tpu.memory_space<vmem>>[vector<16xi32>], vector<16xi32>, vector<16xi1>
        %slice3A_1451 = vector.extract_strided_slice %masked_cumsum3A_1449 {offsets = [15], sizes = [1], strides = [1]} : vector<16xi32> to vector<1xi32>
        %squeeze3A_1452 = vector.extract %slice3A_1451[0] : i32 from vector<1xi32>
        %add3A_1453 = vector.broadcast %squeeze3A_1452 : i32 to vector<16xi32>
        %add3A_1454 = arith.addi %add3A_1366, %add3A_1453 : vector<16xi32>
        %mul3A_1455 = vector.broadcast %mul3A_116 : f32 to vector<16xf32>
        %mul3A_1456 = arith.mulf %get3A_1391, %mul3A_1455 : vector<16xf32>
        %add3A_1457 = arith.addf %get3A_1389, %mul3A_1456 : vector<16xf32>
        %mul3A_1458 = vector.broadcast %mul3A_122 : f32 to vector<16xf32>
        %mul3A_1459 = arith.mulf %get3A_1393, %mul3A_1458 : vector<16xf32>
        %mul3A_1460 = vector.broadcast %mul3A_128 : f32 to vector<16xf32>
        %mul3A_1461 = arith.mulf %get3A_1395, %mul3A_1460 : vector<16xf32>
        %add3A_1462 = arith.addf %mul3A_1459, %mul3A_1461 : vector<16xf32>
        %add3A_1463 = arith.addf %add3A_1457, %add3A_1462 : vector<16xf32>
        %lt3A_1464 = arith.cmpf olt, %add3A_1463, %scan3A_413 : vector<16xf32>
        %convert_element_type3A_1465 = arith.extui %lt3A_1464 : vector<16xi1> to vector<16xi32>
        %broadcast_in_dim3A_1466 = arith.constant true
        %broadcast_in_dim3A_1467 = vector.broadcast %broadcast_in_dim3A_1466 : i1 to vector<16xi1>
        %masked_cumsum3A_1468 = tpu.scan <sum>, %convert_element_type3A_1465 masked %broadcast_in_dim3A_1467 : vector<16xi32>, vector<16xi1> -> vector<16xi32>
        %add3A_1469 = arith.addi %add3A_1385, %masked_cumsum3A_1468 : vector<16xi32>
        tpu.vector_store_idx %arg16[%add3A_1469], %add3A_1463 masked %lt3A_1464 : memref<416xf32, #tpu.memory_space<vmem>>[vector<16xi32>], vector<16xf32>, vector<16xi1>
        tpu.vector_store_idx %arg17[%add3A_1469], %add3A_1397 masked %lt3A_1464 : memref<416xi32, #tpu.memory_space<vmem>>[vector<16xi32>], vector<16xi32>, vector<16xi1>
        %slice3A_1470 = vector.extract_strided_slice %masked_cumsum3A_1468 {offsets = [15], sizes = [1], strides = [1]} : vector<16xi32> to vector<1xi32>
        %squeeze3A_1471 = vector.extract %slice3A_1470[0] : i32 from vector<1xi32>
        %add3A_1472 = vector.broadcast %squeeze3A_1471 : i32 to vector<16xi32>
        %add3A_1473 = arith.addi %add3A_1385, %add3A_1472 : vector<16xi32>
        %add3A_1474 = arith.constant 192 : i32
        %add3A_1475 = arith.addi %mul3A_420, %add3A_1474 : i32
        %get3A_1476 = arith.index_cast %add3A_1475 : i32 to index
        %get3A_1477 = tpu.vector_load %arg8[%get3A_1476] {strides = array<i32>} : memref<10000xf32, #tpu.memory_space<vmem>>, vector<16xf32>,
        %get3A_1478 = arith.index_cast %add3A_1475 : i32 to index
        %get3A_1479 = tpu.vector_load %arg5[%get3A_1478] {strides = array<i32>} : memref<10016xf32, #tpu.memory_space<vmem>>, vector<16xf32>,
        %get3A_1480 = arith.index_cast %add3A_1475 : i32 to index
        %get3A_1481 = tpu.vector_load %arg6[%get3A_1480] {strides = array<i32>} : memref<10016xf32, #tpu.memory_space<vmem>>, vector<16xf32>,
        %get3A_1482 = arith.index_cast %add3A_1475 : i32 to index
        %get3A_1483 = tpu.vector_load %arg7[%get3A_1482] {strides = array<i32>} : memref<10016xf32, #tpu.memory_space<vmem>>, vector<16xf32>,
        %add3A_1484 = vector.broadcast %add3A_1475 : i32 to vector<16xi32>
        %add3A_1485 = arith.addi %iota3A_10, %add3A_1484 : vector<16xi32>
        %mul3A_1486 = vector.broadcast %mul3A_62 : f32 to vector<16xf32>
        %mul3A_1487 = arith.mulf %get3A_1479, %mul3A_1486 : vector<16xf32>
        %add3A_1488 = arith.addf %get3A_1477, %mul3A_1487 : vector<16xf32>
        %mul3A_1489 = vector.broadcast %mul3A_68 : f32 to vector<16xf32>
        %mul3A_1490 = arith.mulf %get3A_1481, %mul3A_1489 : vector<16xf32>
        %mul3A_1491 = vector.broadcast %mul3A_74 : f32 to vector<16xf32>
        %mul3A_1492 = arith.mulf %get3A_1483, %mul3A_1491 : vector<16xf32>
        %add3A_1493 = arith.addf %mul3A_1490, %mul3A_1492 : vector<16xf32>
        %add3A_1494 = arith.addf %add3A_1488, %add3A_1493 : vector<16xf32>
        %lt3A_1495 = arith.cmpf olt, %add3A_1494, %scan3A_401 : vector<16xf32>
        %convert_element_type3A_1496 = arith.extui %lt3A_1495 : vector<16xi1> to vector<16xi32>
        %broadcast_in_dim3A_1497 = arith.constant true
        %broadcast_in_dim3A_1498 = vector.broadcast %broadcast_in_dim3A_1497 : i1 to vector<16xi1>
        %masked_cumsum3A_1499 = tpu.scan <sum>, %convert_element_type3A_1496 masked %broadcast_in_dim3A_1498 : vector<16xi32>, vector<16xi1> -> vector<16xi32>
        %add3A_1500 = arith.addi %add3A_1416, %masked_cumsum3A_1499 : vector<16xi32>
        tpu.vector_store_idx %arg10[%add3A_1500], %add3A_1494 masked %lt3A_1495 : memref<416xf32, #tpu.memory_space<vmem>>[vector<16xi32>], vector<16xf32>, vector<16xi1>
        tpu.vector_store_idx %arg11[%add3A_1500], %add3A_1485 masked %lt3A_1495 : memref<416xi32, #tpu.memory_space<vmem>>[vector<16xi32>], vector<16xi32>, vector<16xi1>
        %slice3A_1501 = vector.extract_strided_slice %masked_cumsum3A_1499 {offsets = [15], sizes = [1], strides = [1]} : vector<16xi32> to vector<1xi32>
        %squeeze3A_1502 = vector.extract %slice3A_1501[0] : i32 from vector<1xi32>
        %add3A_1503 = vector.broadcast %squeeze3A_1502 : i32 to vector<16xi32>
        %add3A_1504 = arith.addi %add3A_1416, %add3A_1503 : vector<16xi32>
        %mul3A_1505 = vector.broadcast %mul3A_80 : f32 to vector<16xf32>
        %mul3A_1506 = arith.mulf %get3A_1479, %mul3A_1505 : vector<16xf32>
        %add3A_1507 = arith.addf %get3A_1477, %mul3A_1506 : vector<16xf32>
        %mul3A_1508 = vector.broadcast %mul3A_86 : f32 to vector<16xf32>
        %mul3A_1509 = arith.mulf %get3A_1481, %mul3A_1508 : vector<16xf32>
        %mul3A_1510 = vector.broadcast %mul3A_92 : f32 to vector<16xf32>
        %mul3A_1511 = arith.mulf %get3A_1483, %mul3A_1510 : vector<16xf32>
        %add3A_1512 = arith.addf %mul3A_1509, %mul3A_1511 : vector<16xf32>
        %add3A_1513 = arith.addf %add3A_1507, %add3A_1512 : vector<16xf32>
        %lt3A_1514 = arith.cmpf olt, %add3A_1513, %scan3A_405 : vector<16xf32>
        %convert_element_type3A_1515 = arith.extui %lt3A_1514 : vector<16xi1> to vector<16xi32>
        %broadcast_in_dim3A_1516 = arith.constant true
        %broadcast_in_dim3A_1517 = vector.broadcast %broadcast_in_dim3A_1516 : i1 to vector<16xi1>
        %masked_cumsum3A_1518 = tpu.scan <sum>, %convert_element_type3A_1515 masked %broadcast_in_dim3A_1517 : vector<16xi32>, vector<16xi1> -> vector<16xi32>
        %add3A_1519 = arith.addi %add3A_1435, %masked_cumsum3A_1518 : vector<16xi32>
        tpu.vector_store_idx %arg12[%add3A_1519], %add3A_1513 masked %lt3A_1514 : memref<416xf32, #tpu.memory_space<vmem>>[vector<16xi32>], vector<16xf32>, vector<16xi1>
        tpu.vector_store_idx %arg13[%add3A_1519], %add3A_1485 masked %lt3A_1514 : memref<416xi32, #tpu.memory_space<vmem>>[vector<16xi32>], vector<16xi32>, vector<16xi1>
        %slice3A_1520 = vector.extract_strided_slice %masked_cumsum3A_1518 {offsets = [15], sizes = [1], strides = [1]} : vector<16xi32> to vector<1xi32>
        %squeeze3A_1521 = vector.extract %slice3A_1520[0] : i32 from vector<1xi32>
        %add3A_1522 = vector.broadcast %squeeze3A_1521 : i32 to vector<16xi32>
        %add3A_1523 = arith.addi %add3A_1435, %add3A_1522 : vector<16xi32>
        %mul3A_1524 = vector.broadcast %mul3A_98 : f32 to vector<16xf32>
        %mul3A_1525 = arith.mulf %get3A_1479, %mul3A_1524 : vector<16xf32>
        %add3A_1526 = arith.addf %get3A_1477, %mul3A_1525 : vector<16xf32>
        %mul3A_1527 = vector.broadcast %mul3A_104 : f32 to vector<16xf32>
        %mul3A_1528 = arith.mulf %get3A_1481, %mul3A_1527 : vector<16xf32>
        %mul3A_1529 = vector.broadcast %mul3A_110 : f32 to vector<16xf32>
        %mul3A_1530 = arith.mulf %get3A_1483, %mul3A_1529 : vector<16xf32>
        %add3A_1531 = arith.addf %mul3A_1528, %mul3A_1530 : vector<16xf32>
        %add3A_1532 = arith.addf %add3A_1526, %add3A_1531 : vector<16xf32>
        %lt3A_1533 = arith.cmpf olt, %add3A_1532, %scan3A_409 : vector<16xf32>
        %convert_element_type3A_1534 = arith.extui %lt3A_1533 : vector<16xi1> to vector<16xi32>
        %broadcast_in_dim3A_1535 = arith.constant true
        %broadcast_in_dim3A_1536 = vector.broadcast %broadcast_in_dim3A_1535 : i1 to vector<16xi1>
        %masked_cumsum3A_1537 = tpu.scan <sum>, %convert_element_type3A_1534 masked %broadcast_in_dim3A_1536 : vector<16xi32>, vector<16xi1> -> vector<16xi32>
        %add3A_1538 = arith.addi %add3A_1454, %masked_cumsum3A_1537 : vector<16xi32>
        tpu.vector_store_idx %arg14[%add3A_1538], %add3A_1532 masked %lt3A_1533 : memref<416xf32, #tpu.memory_space<vmem>>[vector<16xi32>], vector<16xf32>, vector<16xi1>
        tpu.vector_store_idx %arg15[%add3A_1538], %add3A_1485 masked %lt3A_1533 : memref<416xi32, #tpu.memory_space<vmem>>[vector<16xi32>], vector<16xi32>, vector<16xi1>
        %slice3A_1539 = vector.extract_strided_slice %masked_cumsum3A_1537 {offsets = [15], sizes = [1], strides = [1]} : vector<16xi32> to vector<1xi32>
        %squeeze3A_1540 = vector.extract %slice3A_1539[0] : i32 from vector<1xi32>
        %add3A_1541 = vector.broadcast %squeeze3A_1540 : i32 to vector<16xi32>
        %add3A_1542 = arith.addi %add3A_1454, %add3A_1541 : vector<16xi32>
        %mul3A_1543 = vector.broadcast %mul3A_116 : f32 to vector<16xf32>
        %mul3A_1544 = arith.mulf %get3A_1479, %mul3A_1543 : vector<16xf32>
        %add3A_1545 = arith.addf %get3A_1477, %mul3A_1544 : vector<16xf32>
        %mul3A_1546 = vector.broadcast %mul3A_122 : f32 to vector<16xf32>
        %mul3A_1547 = arith.mulf %get3A_1481, %mul3A_1546 : vector<16xf32>
        %mul3A_1548 = vector.broadcast %mul3A_128 : f32 to vector<16xf32>
        %mul3A_1549 = arith.mulf %get3A_1483, %mul3A_1548 : vector<16xf32>
        %add3A_1550 = arith.addf %mul3A_1547, %mul3A_1549 : vector<16xf32>
        %add3A_1551 = arith.addf %add3A_1545, %add3A_1550 : vector<16xf32>
        %lt3A_1552 = arith.cmpf olt, %add3A_1551, %scan3A_413 : vector<16xf32>
        %convert_element_type3A_1553 = arith.extui %lt3A_1552 : vector<16xi1> to vector<16xi32>
        %broadcast_in_dim3A_1554 = arith.constant true
        %broadcast_in_dim3A_1555 = vector.broadcast %broadcast_in_dim3A_1554 : i1 to vector<16xi1>
        %masked_cumsum3A_1556 = tpu.scan <sum>, %convert_element_type3A_1553 masked %broadcast_in_dim3A_1555 : vector<16xi32>, vector<16xi1> -> vector<16xi32>
        %add3A_1557 = arith.addi %add3A_1473, %masked_cumsum3A_1556 : vector<16xi32>
        tpu.vector_store_idx %arg16[%add3A_1557], %add3A_1551 masked %lt3A_1552 : memref<416xf32, #tpu.memory_space<vmem>>[vector<16xi32>], vector<16xf32>, vector<16xi1>
        tpu.vector_store_idx %arg17[%add3A_1557], %add3A_1485 masked %lt3A_1552 : memref<416xi32, #tpu.memory_space<vmem>>[vector<16xi32>], vector<16xi32>, vector<16xi1>
        %slice3A_1558 = vector.extract_strided_slice %masked_cumsum3A_1556 {offsets = [15], sizes = [1], strides = [1]} : vector<16xi32> to vector<1xi32>
        %squeeze3A_1559 = vector.extract %slice3A_1558[0] : i32 from vector<1xi32>
        %add3A_1560 = vector.broadcast %squeeze3A_1559 : i32 to vector<16xi32>
        %add3A_1561 = arith.addi %add3A_1473, %add3A_1560 : vector<16xi32>
        %add3A_1562 = arith.constant 208 : i32
        %add3A_1563 = arith.addi %mul3A_420, %add3A_1562 : i32
        %get3A_1564 = arith.index_cast %add3A_1563 : i32 to index
        %get3A_1565 = tpu.vector_load %arg8[%get3A_1564] {strides = array<i32>} : memref<10000xf32, #tpu.memory_space<vmem>>, vector<16xf32>,
        %get3A_1566 = arith.index_cast %add3A_1563 : i32 to index
        %get3A_1567 = tpu.vector_load %arg5[%get3A_1566] {strides = array<i32>} : memref<10016xf32, #tpu.memory_space<vmem>>, vector<16xf32>,
        %get3A_1568 = arith.index_cast %add3A_1563 : i32 to index
        %get3A_1569 = tpu.vector_load %arg6[%get3A_1568] {strides = array<i32>} : memref<10016xf32, #tpu.memory_space<vmem>>, vector<16xf32>,
        %get3A_1570 = arith.index_cast %add3A_1563 : i32 to index
        %get3A_1571 = tpu.vector_load %arg7[%get3A_1570] {strides = array<i32>} : memref<10016xf32, #tpu.memory_space<vmem>>, vector<16xf32>,
        %add3A_1572 = vector.broadcast %add3A_1563 : i32 to vector<16xi32>
        %add3A_1573 = arith.addi %iota3A_10, %add3A_1572 : vector<16xi32>
        %mul3A_1574 = vector.broadcast %mul3A_62 : f32 to vector<16xf32>
        %mul3A_1575 = arith.mulf %get3A_1567, %mul3A_1574 : vector<16xf32>
        %add3A_1576 = arith.addf %get3A_1565, %mul3A_1575 : vector<16xf32>
        %mul3A_1577 = vector.broadcast %mul3A_68 : f32 to vector<16xf32>
        %mul3A_1578 = arith.mulf %get3A_1569, %mul3A_1577 : vector<16xf32>
        %mul3A_1579 = vector.broadcast %mul3A_74 : f32 to vector<16xf32>
        %mul3A_1580 = arith.mulf %get3A_1571, %mul3A_1579 : vector<16xf32>
        %add3A_1581 = arith.addf %mul3A_1578, %mul3A_1580 : vector<16xf32>
        %add3A_1582 = arith.addf %add3A_1576, %add3A_1581 : vector<16xf32>
        %lt3A_1583 = arith.cmpf olt, %add3A_1582, %scan3A_401 : vector<16xf32>
        %convert_element_type3A_1584 = arith.extui %lt3A_1583 : vector<16xi1> to vector<16xi32>
        %broadcast_in_dim3A_1585 = arith.constant true
        %broadcast_in_dim3A_1586 = vector.broadcast %broadcast_in_dim3A_1585 : i1 to vector<16xi1>
        %masked_cumsum3A_1587 = tpu.scan <sum>, %convert_element_type3A_1584 masked %broadcast_in_dim3A_1586 : vector<16xi32>, vector<16xi1> -> vector<16xi32>
        %add3A_1588 = arith.addi %add3A_1504, %masked_cumsum3A_1587 : vector<16xi32>
        tpu.vector_store_idx %arg10[%add3A_1588], %add3A_1582 masked %lt3A_1583 : memref<416xf32, #tpu.memory_space<vmem>>[vector<16xi32>], vector<16xf32>, vector<16xi1>
        tpu.vector_store_idx %arg11[%add3A_1588], %add3A_1573 masked %lt3A_1583 : memref<416xi32, #tpu.memory_space<vmem>>[vector<16xi32>], vector<16xi32>, vector<16xi1>
        %slice3A_1589 = vector.extract_strided_slice %masked_cumsum3A_1587 {offsets = [15], sizes = [1], strides = [1]} : vector<16xi32> to vector<1xi32>
        %squeeze3A_1590 = vector.extract %slice3A_1589[0] : i32 from vector<1xi32>
        %add3A_1591 = vector.broadcast %squeeze3A_1590 : i32 to vector<16xi32>
        %add3A_1592 = arith.addi %add3A_1504, %add3A_1591 : vector<16xi32>
        %mul3A_1593 = vector.broadcast %mul3A_80 : f32 to vector<16xf32>
        %mul3A_1594 = arith.mulf %get3A_1567, %mul3A_1593 : vector<16xf32>
        %add3A_1595 = arith.addf %get3A_1565, %mul3A_1594 : vector<16xf32>
        %mul3A_1596 = vector.broadcast %mul3A_86 : f32 to vector<16xf32>
        %mul3A_1597 = arith.mulf %get3A_1569, %mul3A_1596 : vector<16xf32>
        %mul3A_1598 = vector.broadcast %mul3A_92 : f32 to vector<16xf32>
        %mul3A_1599 = arith.mulf %get3A_1571, %mul3A_1598 : vector<16xf32>
        %add3A_1600 = arith.addf %mul3A_1597, %mul3A_1599 : vector<16xf32>
        %add3A_1601 = arith.addf %add3A_1595, %add3A_1600 : vector<16xf32>
        %lt3A_1602 = arith.cmpf olt, %add3A_1601, %scan3A_405 : vector<16xf32>
        %convert_element_type3A_1603 = arith.extui %lt3A_1602 : vector<16xi1> to vector<16xi32>
        %broadcast_in_dim3A_1604 = arith.constant true
        %broadcast_in_dim3A_1605 = vector.broadcast %broadcast_in_dim3A_1604 : i1 to vector<16xi1>
        %masked_cumsum3A_1606 = tpu.scan <sum>, %convert_element_type3A_1603 masked %broadcast_in_dim3A_1605 : vector<16xi32>, vector<16xi1> -> vector<16xi32>
        %add3A_1607 = arith.addi %add3A_1523, %masked_cumsum3A_1606 : vector<16xi32>
        tpu.vector_store_idx %arg12[%add3A_1607], %add3A_1601 masked %lt3A_1602 : memref<416xf32, #tpu.memory_space<vmem>>[vector<16xi32>], vector<16xf32>, vector<16xi1>
        tpu.vector_store_idx %arg13[%add3A_1607], %add3A_1573 masked %lt3A_1602 : memref<416xi32, #tpu.memory_space<vmem>>[vector<16xi32>], vector<16xi32>, vector<16xi1>
        %slice3A_1608 = vector.extract_strided_slice %masked_cumsum3A_1606 {offsets = [15], sizes = [1], strides = [1]} : vector<16xi32> to vector<1xi32>
        %squeeze3A_1609 = vector.extract %slice3A_1608[0] : i32 from vector<1xi32>
        %add3A_1610 = vector.broadcast %squeeze3A_1609 : i32 to vector<16xi32>
        %add3A_1611 = arith.addi %add3A_1523, %add3A_1610 : vector<16xi32>
        %mul3A_1612 = vector.broadcast %mul3A_98 : f32 to vector<16xf32>
        %mul3A_1613 = arith.mulf %get3A_1567, %mul3A_1612 : vector<16xf32>
        %add3A_1614 = arith.addf %get3A_1565, %mul3A_1613 : vector<16xf32>
        %mul3A_1615 = vector.broadcast %mul3A_104 : f32 to vector<16xf32>
        %mul3A_1616 = arith.mulf %get3A_1569, %mul3A_1615 : vector<16xf32>
        %mul3A_1617 = vector.broadcast %mul3A_110 : f32 to vector<16xf32>
        %mul3A_1618 = arith.mulf %get3A_1571, %mul3A_1617 : vector<16xf32>
        %add3A_1619 = arith.addf %mul3A_1616, %mul3A_1618 : vector<16xf32>
        %add3A_1620 = arith.addf %add3A_1614, %add3A_1619 : vector<16xf32>
        %lt3A_1621 = arith.cmpf olt, %add3A_1620, %scan3A_409 : vector<16xf32>
        %convert_element_type3A_1622 = arith.extui %lt3A_1621 : vector<16xi1> to vector<16xi32>
        %broadcast_in_dim3A_1623 = arith.constant true
        %broadcast_in_dim3A_1624 = vector.broadcast %broadcast_in_dim3A_1623 : i1 to vector<16xi1>
        %masked_cumsum3A_1625 = tpu.scan <sum>, %convert_element_type3A_1622 masked %broadcast_in_dim3A_1624 : vector<16xi32>, vector<16xi1> -> vector<16xi32>
        %add3A_1626 = arith.addi %add3A_1542, %masked_cumsum3A_1625 : vector<16xi32>
        tpu.vector_store_idx %arg14[%add3A_1626], %add3A_1620 masked %lt3A_1621 : memref<416xf32, #tpu.memory_space<vmem>>[vector<16xi32>], vector<16xf32>, vector<16xi1>
        tpu.vector_store_idx %arg15[%add3A_1626], %add3A_1573 masked %lt3A_1621 : memref<416xi32, #tpu.memory_space<vmem>>[vector<16xi32>], vector<16xi32>, vector<16xi1>
        %slice3A_1627 = vector.extract_strided_slice %masked_cumsum3A_1625 {offsets = [15], sizes = [1], strides = [1]} : vector<16xi32> to vector<1xi32>
        %squeeze3A_1628 = vector.extract %slice3A_1627[0] : i32 from vector<1xi32>
        %add3A_1629 = vector.broadcast %squeeze3A_1628 : i32 to vector<16xi32>
        %add3A_1630 = arith.addi %add3A_1542, %add3A_1629 : vector<16xi32>
        %mul3A_1631 = vector.broadcast %mul3A_116 : f32 to vector<16xf32>
        %mul3A_1632 = arith.mulf %get3A_1567, %mul3A_1631 : vector<16xf32>
        %add3A_1633 = arith.addf %get3A_1565, %mul3A_1632 : vector<16xf32>
        %mul3A_1634 = vector.broadcast %mul3A_122 : f32 to vector<16xf32>
        %mul3A_1635 = arith.mulf %get3A_1569, %mul3A_1634 : vector<16xf32>
        %mul3A_1636 = vector.broadcast %mul3A_128 : f32 to vector<16xf32>
        %mul3A_1637 = arith.mulf %get3A_1571, %mul3A_1636 : vector<16xf32>
        %add3A_1638 = arith.addf %mul3A_1635, %mul3A_1637 : vector<16xf32>
        %add3A_1639 = arith.addf %add3A_1633, %add3A_1638 : vector<16xf32>
        %lt3A_1640 = arith.cmpf olt, %add3A_1639, %scan3A_413 : vector<16xf32>
        %convert_element_type3A_1641 = arith.extui %lt3A_1640 : vector<16xi1> to vector<16xi32>
        %broadcast_in_dim3A_1642 = arith.constant true
        %broadcast_in_dim3A_1643 = vector.broadcast %broadcast_in_dim3A_1642 : i1 to vector<16xi1>
        %masked_cumsum3A_1644 = tpu.scan <sum>, %convert_element_type3A_1641 masked %broadcast_in_dim3A_1643 : vector<16xi32>, vector<16xi1> -> vector<16xi32>
        %add3A_1645 = arith.addi %add3A_1561, %masked_cumsum3A_1644 : vector<16xi32>
        tpu.vector_store_idx %arg16[%add3A_1645], %add3A_1639 masked %lt3A_1640 : memref<416xf32, #tpu.memory_space<vmem>>[vector<16xi32>], vector<16xf32>, vector<16xi1>
        tpu.vector_store_idx %arg17[%add3A_1645], %add3A_1573 masked %lt3A_1640 : memref<416xi32, #tpu.memory_space<vmem>>[vector<16xi32>], vector<16xi32>, vector<16xi1>
        %slice3A_1646 = vector.extract_strided_slice %masked_cumsum3A_1644 {offsets = [15], sizes = [1], strides = [1]} : vector<16xi32> to vector<1xi32>
        %squeeze3A_1647 = vector.extract %slice3A_1646[0] : i32 from vector<1xi32>
        %add3A_1648 = vector.broadcast %squeeze3A_1647 : i32 to vector<16xi32>
        %add3A_1649 = arith.addi %add3A_1561, %add3A_1648 : vector<16xi32>
        %add3A_1650 = arith.constant 224 : i32
        %add3A_1651 = arith.addi %mul3A_420, %add3A_1650 : i32
        %get3A_1652 = arith.index_cast %add3A_1651 : i32 to index
        %get3A_1653 = tpu.vector_load %arg8[%get3A_1652] {strides = array<i32>} : memref<10000xf32, #tpu.memory_space<vmem>>, vector<16xf32>,
        %get3A_1654 = arith.index_cast %add3A_1651 : i32 to index
        %get3A_1655 = tpu.vector_load %arg5[%get3A_1654] {strides = array<i32>} : memref<10016xf32, #tpu.memory_space<vmem>>, vector<16xf32>,
        %get3A_1656 = arith.index_cast %add3A_1651 : i32 to index
        %get3A_1657 = tpu.vector_load %arg6[%get3A_1656] {strides = array<i32>} : memref<10016xf32, #tpu.memory_space<vmem>>, vector<16xf32>,
        %get3A_1658 = arith.index_cast %add3A_1651 : i32 to index
        %get3A_1659 = tpu.vector_load %arg7[%get3A_1658] {strides = array<i32>} : memref<10016xf32, #tpu.memory_space<vmem>>, vector<16xf32>,
        %add3A_1660 = vector.broadcast %add3A_1651 : i32 to vector<16xi32>
        %add3A_1661 = arith.addi %iota3A_10, %add3A_1660 : vector<16xi32>
        %mul3A_1662 = vector.broadcast %mul3A_62 : f32 to vector<16xf32>
        %mul3A_1663 = arith.mulf %get3A_1655, %mul3A_1662 : vector<16xf32>
        %add3A_1664 = arith.addf %get3A_1653, %mul3A_1663 : vector<16xf32>
        %mul3A_1665 = vector.broadcast %mul3A_68 : f32 to vector<16xf32>
        %mul3A_1666 = arith.mulf %get3A_1657, %mul3A_1665 : vector<16xf32>
        %mul3A_1667 = vector.broadcast %mul3A_74 : f32 to vector<16xf32>
        %mul3A_1668 = arith.mulf %get3A_1659, %mul3A_1667 : vector<16xf32>
        %add3A_1669 = arith.addf %mul3A_1666, %mul3A_1668 : vector<16xf32>
        %add3A_1670 = arith.addf %add3A_1664, %add3A_1669 : vector<16xf32>
        %lt3A_1671 = arith.cmpf olt, %add3A_1670, %scan3A_401 : vector<16xf32>
        %convert_element_type3A_1672 = arith.extui %lt3A_1671 : vector<16xi1> to vector<16xi32>
        %broadcast_in_dim3A_1673 = arith.constant true
        %broadcast_in_dim3A_1674 = vector.broadcast %broadcast_in_dim3A_1673 : i1 to vector<16xi1>
        %masked_cumsum3A_1675 = tpu.scan <sum>, %convert_element_type3A_1672 masked %broadcast_in_dim3A_1674 : vector<16xi32>, vector<16xi1> -> vector<16xi32>
        %add3A_1676 = arith.addi %add3A_1592, %masked_cumsum3A_1675 : vector<16xi32>
        tpu.vector_store_idx %arg10[%add3A_1676], %add3A_1670 masked %lt3A_1671 : memref<416xf32, #tpu.memory_space<vmem>>[vector<16xi32>], vector<16xf32>, vector<16xi1>
        tpu.vector_store_idx %arg11[%add3A_1676], %add3A_1661 masked %lt3A_1671 : memref<416xi32, #tpu.memory_space<vmem>>[vector<16xi32>], vector<16xi32>, vector<16xi1>
        %slice3A_1677 = vector.extract_strided_slice %masked_cumsum3A_1675 {offsets = [15], sizes = [1], strides = [1]} : vector<16xi32> to vector<1xi32>
        %squeeze3A_1678 = vector.extract %slice3A_1677[0] : i32 from vector<1xi32>
        %add3A_1679 = vector.broadcast %squeeze3A_1678 : i32 to vector<16xi32>
        %add3A_1680 = arith.addi %add3A_1592, %add3A_1679 : vector<16xi32>
        %mul3A_1681 = vector.broadcast %mul3A_80 : f32 to vector<16xf32>
        %mul3A_1682 = arith.mulf %get3A_1655, %mul3A_1681 : vector<16xf32>
        %add3A_1683 = arith.addf %get3A_1653, %mul3A_1682 : vector<16xf32>
        %mul3A_1684 = vector.broadcast %mul3A_86 : f32 to vector<16xf32>
        %mul3A_1685 = arith.mulf %get3A_1657, %mul3A_1684 : vector<16xf32>
        %mul3A_1686 = vector.broadcast %mul3A_92 : f32 to vector<16xf32>
        %mul3A_1687 = arith.mulf %get3A_1659, %mul3A_1686 : vector<16xf32>
        %add3A_1688 = arith.addf %mul3A_1685, %mul3A_1687 : vector<16xf32>
        %add3A_1689 = arith.addf %add3A_1683, %add3A_1688 : vector<16xf32>
        %lt3A_1690 = arith.cmpf olt, %add3A_1689, %scan3A_405 : vector<16xf32>
        %convert_element_type3A_1691 = arith.extui %lt3A_1690 : vector<16xi1> to vector<16xi32>
        %broadcast_in_dim3A_1692 = arith.constant true
        %broadcast_in_dim3A_1693 = vector.broadcast %broadcast_in_dim3A_1692 : i1 to vector<16xi1>
        %masked_cumsum3A_1694 = tpu.scan <sum>, %convert_element_type3A_1691 masked %broadcast_in_dim3A_1693 : vector<16xi32>, vector<16xi1> -> vector<16xi32>
        %add3A_1695 = arith.addi %add3A_1611, %masked_cumsum3A_1694 : vector<16xi32>
        tpu.vector_store_idx %arg12[%add3A_1695], %add3A_1689 masked %lt3A_1690 : memref<416xf32, #tpu.memory_space<vmem>>[vector<16xi32>], vector<16xf32>, vector<16xi1>
        tpu.vector_store_idx %arg13[%add3A_1695], %add3A_1661 masked %lt3A_1690 : memref<416xi32, #tpu.memory_space<vmem>>[vector<16xi32>], vector<16xi32>, vector<16xi1>
        %slice3A_1696 = vector.extract_strided_slice %masked_cumsum3A_1694 {offsets = [15], sizes = [1], strides = [1]} : vector<16xi32> to vector<1xi32>
        %squeeze3A_1697 = vector.extract %slice3A_1696[0] : i32 from vector<1xi32>
        %add3A_1698 = vector.broadcast %squeeze3A_1697 : i32 to vector<16xi32>
        %add3A_1699 = arith.addi %add3A_1611, %add3A_1698 : vector<16xi32>
        %mul3A_1700 = vector.broadcast %mul3A_98 : f32 to vector<16xf32>
        %mul3A_1701 = arith.mulf %get3A_1655, %mul3A_1700 : vector<16xf32>
        %add3A_1702 = arith.addf %get3A_1653, %mul3A_1701 : vector<16xf32>
        %mul3A_1703 = vector.broadcast %mul3A_104 : f32 to vector<16xf32>
        %mul3A_1704 = arith.mulf %get3A_1657, %mul3A_1703 : vector<16xf32>
        %mul3A_1705 = vector.broadcast %mul3A_110 : f32 to vector<16xf32>
        %mul3A_1706 = arith.mulf %get3A_1659, %mul3A_1705 : vector<16xf32>
        %add3A_1707 = arith.addf %mul3A_1704, %mul3A_1706 : vector<16xf32>
        %add3A_1708 = arith.addf %add3A_1702, %add3A_1707 : vector<16xf32>
        %lt3A_1709 = arith.cmpf olt, %add3A_1708, %scan3A_409 : vector<16xf32>
        %convert_element_type3A_1710 = arith.extui %lt3A_1709 : vector<16xi1> to vector<16xi32>
        %broadcast_in_dim3A_1711 = arith.constant true
        %broadcast_in_dim3A_1712 = vector.broadcast %broadcast_in_dim3A_1711 : i1 to vector<16xi1>
        %masked_cumsum3A_1713 = tpu.scan <sum>, %convert_element_type3A_1710 masked %broadcast_in_dim3A_1712 : vector<16xi32>, vector<16xi1> -> vector<16xi32>
        %add3A_1714 = arith.addi %add3A_1630, %masked_cumsum3A_1713 : vector<16xi32>
        tpu.vector_store_idx %arg14[%add3A_1714], %add3A_1708 masked %lt3A_1709 : memref<416xf32, #tpu.memory_space<vmem>>[vector<16xi32>], vector<16xf32>, vector<16xi1>
        tpu.vector_store_idx %arg15[%add3A_1714], %add3A_1661 masked %lt3A_1709 : memref<416xi32, #tpu.memory_space<vmem>>[vector<16xi32>], vector<16xi32>, vector<16xi1>
        %slice3A_1715 = vector.extract_strided_slice %masked_cumsum3A_1713 {offsets = [15], sizes = [1], strides = [1]} : vector<16xi32> to vector<1xi32>
        %squeeze3A_1716 = vector.extract %slice3A_1715[0] : i32 from vector<1xi32>
        %add3A_1717 = vector.broadcast %squeeze3A_1716 : i32 to vector<16xi32>
        %add3A_1718 = arith.addi %add3A_1630, %add3A_1717 : vector<16xi32>
        %mul3A_1719 = vector.broadcast %mul3A_116 : f32 to vector<16xf32>
        %mul3A_1720 = arith.mulf %get3A_1655, %mul3A_1719 : vector<16xf32>
        %add3A_1721 = arith.addf %get3A_1653, %mul3A_1720 : vector<16xf32>
        %mul3A_1722 = vector.broadcast %mul3A_122 : f32 to vector<16xf32>
        %mul3A_1723 = arith.mulf %get3A_1657, %mul3A_1722 : vector<16xf32>
        %mul3A_1724 = vector.broadcast %mul3A_128 : f32 to vector<16xf32>
        %mul3A_1725 = arith.mulf %get3A_1659, %mul3A_1724 : vector<16xf32>
        %add3A_1726 = arith.addf %mul3A_1723, %mul3A_1725 : vector<16xf32>
        %add3A_1727 = arith.addf %add3A_1721, %add3A_1726 : vector<16xf32>
        %lt3A_1728 = arith.cmpf olt, %add3A_1727, %scan3A_413 : vector<16xf32>
        %convert_element_type3A_1729 = arith.extui %lt3A_1728 : vector<16xi1> to vector<16xi32>
        %broadcast_in_dim3A_1730 = arith.constant true
        %broadcast_in_dim3A_1731 = vector.broadcast %broadcast_in_dim3A_1730 : i1 to vector<16xi1>
        %masked_cumsum3A_1732 = tpu.scan <sum>, %convert_element_type3A_1729 masked %broadcast_in_dim3A_1731 : vector<16xi32>, vector<16xi1> -> vector<16xi32>
        %add3A_1733 = arith.addi %add3A_1649, %masked_cumsum3A_1732 : vector<16xi32>
        tpu.vector_store_idx %arg16[%add3A_1733], %add3A_1727 masked %lt3A_1728 : memref<416xf32, #tpu.memory_space<vmem>>[vector<16xi32>], vector<16xf32>, vector<16xi1>
        tpu.vector_store_idx %arg17[%add3A_1733], %add3A_1661 masked %lt3A_1728 : memref<416xi32, #tpu.memory_space<vmem>>[vector<16xi32>], vector<16xi32>, vector<16xi1>
        %slice3A_1734 = vector.extract_strided_slice %masked_cumsum3A_1732 {offsets = [15], sizes = [1], strides = [1]} : vector<16xi32> to vector<1xi32>
        %squeeze3A_1735 = vector.extract %slice3A_1734[0] : i32 from vector<1xi32>
        %add3A_1736 = vector.broadcast %squeeze3A_1735 : i32 to vector<16xi32>
        %add3A_1737 = arith.addi %add3A_1649, %add3A_1736 : vector<16xi32>
        %add3A_1738 = arith.constant 240 : i32
        %add3A_1739 = arith.addi %mul3A_420, %add3A_1738 : i32
        %get3A_1740 = arith.index_cast %add3A_1739 : i32 to index
        %get3A_1741 = tpu.vector_load %arg8[%get3A_1740] {strides = array<i32>} : memref<10000xf32, #tpu.memory_space<vmem>>, vector<16xf32>,
        %get3A_1742 = arith.index_cast %add3A_1739 : i32 to index
        %get3A_1743 = tpu.vector_load %arg5[%get3A_1742] {strides = array<i32>} : memref<10016xf32, #tpu.memory_space<vmem>>, vector<16xf32>,
        %get3A_1744 = arith.index_cast %add3A_1739 : i32 to index
        %get3A_1745 = tpu.vector_load %arg6[%get3A_1744] {strides = array<i32>} : memref<10016xf32, #tpu.memory_space<vmem>>, vector<16xf32>,
        %get3A_1746 = arith.index_cast %add3A_1739 : i32 to index
        %get3A_1747 = tpu.vector_load %arg7[%get3A_1746] {strides = array<i32>} : memref<10016xf32, #tpu.memory_space<vmem>>, vector<16xf32>,
        %add3A_1748 = vector.broadcast %add3A_1739 : i32 to vector<16xi32>
        %add3A_1749 = arith.addi %iota3A_10, %add3A_1748 : vector<16xi32>
        %mul3A_1750 = vector.broadcast %mul3A_62 : f32 to vector<16xf32>
        %mul3A_1751 = arith.mulf %get3A_1743, %mul3A_1750 : vector<16xf32>
        %add3A_1752 = arith.addf %get3A_1741, %mul3A_1751 : vector<16xf32>
        %mul3A_1753 = vector.broadcast %mul3A_68 : f32 to vector<16xf32>
        %mul3A_1754 = arith.mulf %get3A_1745, %mul3A_1753 : vector<16xf32>
        %mul3A_1755 = vector.broadcast %mul3A_74 : f32 to vector<16xf32>
        %mul3A_1756 = arith.mulf %get3A_1747, %mul3A_1755 : vector<16xf32>
        %add3A_1757 = arith.addf %mul3A_1754, %mul3A_1756 : vector<16xf32>
        %add3A_1758 = arith.addf %add3A_1752, %add3A_1757 : vector<16xf32>
        %lt3A_1759 = arith.cmpf olt, %add3A_1758, %scan3A_401 : vector<16xf32>
        %convert_element_type3A_1760 = arith.extui %lt3A_1759 : vector<16xi1> to vector<16xi32>
        %broadcast_in_dim3A_1761 = arith.constant true
        %broadcast_in_dim3A_1762 = vector.broadcast %broadcast_in_dim3A_1761 : i1 to vector<16xi1>
        %masked_cumsum3A_1763 = tpu.scan <sum>, %convert_element_type3A_1760 masked %broadcast_in_dim3A_1762 : vector<16xi32>, vector<16xi1> -> vector<16xi32>
        %add3A_1764 = arith.addi %add3A_1680, %masked_cumsum3A_1763 : vector<16xi32>
        tpu.vector_store_idx %arg10[%add3A_1764], %add3A_1758 masked %lt3A_1759 : memref<416xf32, #tpu.memory_space<vmem>>[vector<16xi32>], vector<16xf32>, vector<16xi1>
        tpu.vector_store_idx %arg11[%add3A_1764], %add3A_1749 masked %lt3A_1759 : memref<416xi32, #tpu.memory_space<vmem>>[vector<16xi32>], vector<16xi32>, vector<16xi1>
        %slice3A_1765 = vector.extract_strided_slice %masked_cumsum3A_1763 {offsets = [15], sizes = [1], strides = [1]} : vector<16xi32> to vector<1xi32>
        %squeeze3A_1766 = vector.extract %slice3A_1765[0] : i32 from vector<1xi32>
        %add3A_1767 = vector.broadcast %squeeze3A_1766 : i32 to vector<16xi32>
        %add3A_1768 = arith.addi %add3A_1680, %add3A_1767 : vector<16xi32>
        %mul3A_1769 = vector.broadcast %mul3A_80 : f32 to vector<16xf32>
        %mul3A_1770 = arith.mulf %get3A_1743, %mul3A_1769 : vector<16xf32>
        %add3A_1771 = arith.addf %get3A_1741, %mul3A_1770 : vector<16xf32>
        %mul3A_1772 = vector.broadcast %mul3A_86 : f32 to vector<16xf32>
        %mul3A_1773 = arith.mulf %get3A_1745, %mul3A_1772 : vector<16xf32>
        %mul3A_1774 = vector.broadcast %mul3A_92 : f32 to vector<16xf32>
        %mul3A_1775 = arith.mulf %get3A_1747, %mul3A_1774 : vector<16xf32>
        %add3A_1776 = arith.addf %mul3A_1773, %mul3A_1775 : vector<16xf32>
        %add3A_1777 = arith.addf %add3A_1771, %add3A_1776 : vector<16xf32>
        %lt3A_1778 = arith.cmpf olt, %add3A_1777, %scan3A_405 : vector<16xf32>
        %convert_element_type3A_1779 = arith.extui %lt3A_1778 : vector<16xi1> to vector<16xi32>
        %broadcast_in_dim3A_1780 = arith.constant true
        %broadcast_in_dim3A_1781 = vector.broadcast %broadcast_in_dim3A_1780 : i1 to vector<16xi1>
        %masked_cumsum3A_1782 = tpu.scan <sum>, %convert_element_type3A_1779 masked %broadcast_in_dim3A_1781 : vector<16xi32>, vector<16xi1> -> vector<16xi32>
        %add3A_1783 = arith.addi %add3A_1699, %masked_cumsum3A_1782 : vector<16xi32>
        tpu.vector_store_idx %arg12[%add3A_1783], %add3A_1777 masked %lt3A_1778 : memref<416xf32, #tpu.memory_space<vmem>>[vector<16xi32>], vector<16xf32>, vector<16xi1>
        tpu.vector_store_idx %arg13[%add3A_1783], %add3A_1749 masked %lt3A_1778 : memref<416xi32, #tpu.memory_space<vmem>>[vector<16xi32>], vector<16xi32>, vector<16xi1>
        %slice3A_1784 = vector.extract_strided_slice %masked_cumsum3A_1782 {offsets = [15], sizes = [1], strides = [1]} : vector<16xi32> to vector<1xi32>
        %squeeze3A_1785 = vector.extract %slice3A_1784[0] : i32 from vector<1xi32>
        %add3A_1786 = vector.broadcast %squeeze3A_1785 : i32 to vector<16xi32>
        %add3A_1787 = arith.addi %add3A_1699, %add3A_1786 : vector<16xi32>
        %mul3A_1788 = vector.broadcast %mul3A_98 : f32 to vector<16xf32>
        %mul3A_1789 = arith.mulf %get3A_1743, %mul3A_1788 : vector<16xf32>
        %add3A_1790 = arith.addf %get3A_1741, %mul3A_1789 : vector<16xf32>
        %mul3A_1791 = vector.broadcast %mul3A_104 : f32 to vector<16xf32>
        %mul3A_1792 = arith.mulf %get3A_1745, %mul3A_1791 : vector<16xf32>
        %mul3A_1793 = vector.broadcast %mul3A_110 : f32 to vector<16xf32>
        %mul3A_1794 = arith.mulf %get3A_1747, %mul3A_1793 : vector<16xf32>
        %add3A_1795 = arith.addf %mul3A_1792, %mul3A_1794 : vector<16xf32>
        %add3A_1796 = arith.addf %add3A_1790, %add3A_1795 : vector<16xf32>
        %lt3A_1797 = arith.cmpf olt, %add3A_1796, %scan3A_409 : vector<16xf32>
        %convert_element_type3A_1798 = arith.extui %lt3A_1797 : vector<16xi1> to vector<16xi32>
        %broadcast_in_dim3A_1799 = arith.constant true
        %broadcast_in_dim3A_1800 = vector.broadcast %broadcast_in_dim3A_1799 : i1 to vector<16xi1>
        %masked_cumsum3A_1801 = tpu.scan <sum>, %convert_element_type3A_1798 masked %broadcast_in_dim3A_1800 : vector<16xi32>, vector<16xi1> -> vector<16xi32>
        %add3A_1802 = arith.addi %add3A_1718, %masked_cumsum3A_1801 : vector<16xi32>
        tpu.vector_store_idx %arg14[%add3A_1802], %add3A_1796 masked %lt3A_1797 : memref<416xf32, #tpu.memory_space<vmem>>[vector<16xi32>], vector<16xf32>, vector<16xi1>
        tpu.vector_store_idx %arg15[%add3A_1802], %add3A_1749 masked %lt3A_1797 : memref<416xi32, #tpu.memory_space<vmem>>[vector<16xi32>], vector<16xi32>, vector<16xi1>
        %slice3A_1803 = vector.extract_strided_slice %masked_cumsum3A_1801 {offsets = [15], sizes = [1], strides = [1]} : vector<16xi32> to vector<1xi32>
        %squeeze3A_1804 = vector.extract %slice3A_1803[0] : i32 from vector<1xi32>
        %add3A_1805 = vector.broadcast %squeeze3A_1804 : i32 to vector<16xi32>
        %add3A_1806 = arith.addi %add3A_1718, %add3A_1805 : vector<16xi32>
        %mul3A_1807 = vector.broadcast %mul3A_116 : f32 to vector<16xf32>
        %mul3A_1808 = arith.mulf %get3A_1743, %mul3A_1807 : vector<16xf32>
        %add3A_1809 = arith.addf %get3A_1741, %mul3A_1808 : vector<16xf32>
        %mul3A_1810 = vector.broadcast %mul3A_122 : f32 to vector<16xf32>
        %mul3A_1811 = arith.mulf %get3A_1745, %mul3A_1810 : vector<16xf32>
        %mul3A_1812 = vector.broadcast %mul3A_128 : f32 to vector<16xf32>
        %mul3A_1813 = arith.mulf %get3A_1747, %mul3A_1812 : vector<16xf32>
        %add3A_1814 = arith.addf %mul3A_1811, %mul3A_1813 : vector<16xf32>
        %add3A_1815 = arith.addf %add3A_1809, %add3A_1814 : vector<16xf32>
        %lt3A_1816 = arith.cmpf olt, %add3A_1815, %scan3A_413 : vector<16xf32>
        %convert_element_type3A_1817 = arith.extui %lt3A_1816 : vector<16xi1> to vector<16xi32>
        %broadcast_in_dim3A_1818 = arith.constant true
        %broadcast_in_dim3A_1819 = vector.broadcast %broadcast_in_dim3A_1818 : i1 to vector<16xi1>
        %masked_cumsum3A_1820 = tpu.scan <sum>, %convert_element_type3A_1817 masked %broadcast_in_dim3A_1819 : vector<16xi32>, vector<16xi1> -> vector<16xi32>
        %add3A_1821 = arith.addi %add3A_1737, %masked_cumsum3A_1820 : vector<16xi32>
        tpu.vector_store_idx %arg16[%add3A_1821], %add3A_1815 masked %lt3A_1816 : memref<416xf32, #tpu.memory_space<vmem>>[vector<16xi32>], vector<16xf32>, vector<16xi1>
        tpu.vector_store_idx %arg17[%add3A_1821], %add3A_1749 masked %lt3A_1816 : memref<416xi32, #tpu.memory_space<vmem>>[vector<16xi32>], vector<16xi32>, vector<16xi1>
        %slice3A_1822 = vector.extract_strided_slice %masked_cumsum3A_1820 {offsets = [15], sizes = [1], strides = [1]} : vector<16xi32> to vector<1xi32>
        %squeeze3A_1823 = vector.extract %slice3A_1822[0] : i32 from vector<1xi32>
        %add3A_1824 = vector.broadcast %squeeze3A_1823 : i32 to vector<16xi32>
        %add3A_1825 = arith.addi %add3A_1737, %add3A_1824 : vector<16xi32>
        %add3A_1826 = arith.constant 256 : i32
        %add3A_1827 = arith.addi %mul3A_420, %add3A_1826 : i32
        %get3A_1828 = arith.index_cast %add3A_1827 : i32 to index
        %get3A_1829 = tpu.vector_load %arg8[%get3A_1828] {strides = array<i32>} : memref<10000xf32, #tpu.memory_space<vmem>>, vector<16xf32>,
        %get3A_1830 = arith.index_cast %add3A_1827 : i32 to index
        %get3A_1831 = tpu.vector_load %arg5[%get3A_1830] {strides = array<i32>} : memref<10016xf32, #tpu.memory_space<vmem>>, vector<16xf32>,
        %get3A_1832 = arith.index_cast %add3A_1827 : i32 to index
        %get3A_1833 = tpu.vector_load %arg6[%get3A_1832] {strides = array<i32>} : memref<10016xf32, #tpu.memory_space<vmem>>, vector<16xf32>,
        %get3A_1834 = arith.index_cast %add3A_1827 : i32 to index
        %get3A_1835 = tpu.vector_load %arg7[%get3A_1834] {strides = array<i32>} : memref<10016xf32, #tpu.memory_space<vmem>>, vector<16xf32>,
        %add3A_1836 = vector.broadcast %add3A_1827 : i32 to vector<16xi32>
        %add3A_1837 = arith.addi %iota3A_10, %add3A_1836 : vector<16xi32>
        %mul3A_1838 = vector.broadcast %mul3A_62 : f32 to vector<16xf32>
        %mul3A_1839 = arith.mulf %get3A_1831, %mul3A_1838 : vector<16xf32>
        %add3A_1840 = arith.addf %get3A_1829, %mul3A_1839 : vector<16xf32>
        %mul3A_1841 = vector.broadcast %mul3A_68 : f32 to vector<16xf32>
        %mul3A_1842 = arith.mulf %get3A_1833, %mul3A_1841 : vector<16xf32>
        %mul3A_1843 = vector.broadcast %mul3A_74 : f32 to vector<16xf32>
        %mul3A_1844 = arith.mulf %get3A_1835, %mul3A_1843 : vector<16xf32>
        %add3A_1845 = arith.addf %mul3A_1842, %mul3A_1844 : vector<16xf32>
        %add3A_1846 = arith.addf %add3A_1840, %add3A_1845 : vector<16xf32>
        %lt3A_1847 = arith.cmpf olt, %add3A_1846, %scan3A_401 : vector<16xf32>
        %convert_element_type3A_1848 = arith.extui %lt3A_1847 : vector<16xi1> to vector<16xi32>
        %broadcast_in_dim3A_1849 = arith.constant true
        %broadcast_in_dim3A_1850 = vector.broadcast %broadcast_in_dim3A_1849 : i1 to vector<16xi1>
        %masked_cumsum3A_1851 = tpu.scan <sum>, %convert_element_type3A_1848 masked %broadcast_in_dim3A_1850 : vector<16xi32>, vector<16xi1> -> vector<16xi32>
        %add3A_1852 = arith.addi %add3A_1768, %masked_cumsum3A_1851 : vector<16xi32>
        tpu.vector_store_idx %arg10[%add3A_1852], %add3A_1846 masked %lt3A_1847 : memref<416xf32, #tpu.memory_space<vmem>>[vector<16xi32>], vector<16xf32>, vector<16xi1>
        tpu.vector_store_idx %arg11[%add3A_1852], %add3A_1837 masked %lt3A_1847 : memref<416xi32, #tpu.memory_space<vmem>>[vector<16xi32>], vector<16xi32>, vector<16xi1>
        %slice3A_1853 = vector.extract_strided_slice %masked_cumsum3A_1851 {offsets = [15], sizes = [1], strides = [1]} : vector<16xi32> to vector<1xi32>
        %squeeze3A_1854 = vector.extract %slice3A_1853[0] : i32 from vector<1xi32>
        %add3A_1855 = vector.broadcast %squeeze3A_1854 : i32 to vector<16xi32>
        %add3A_1856 = arith.addi %add3A_1768, %add3A_1855 : vector<16xi32>
        %mul3A_1857 = vector.broadcast %mul3A_80 : f32 to vector<16xf32>
        %mul3A_1858 = arith.mulf %get3A_1831, %mul3A_1857 : vector<16xf32>
        %add3A_1859 = arith.addf %get3A_1829, %mul3A_1858 : vector<16xf32>
        %mul3A_1860 = vector.broadcast %mul3A_86 : f32 to vector<16xf32>
        %mul3A_1861 = arith.mulf %get3A_1833, %mul3A_1860 : vector<16xf32>
        %mul3A_1862 = vector.broadcast %mul3A_92 : f32 to vector<16xf32>
        %mul3A_1863 = arith.mulf %get3A_1835, %mul3A_1862 : vector<16xf32>
        %add3A_1864 = arith.addf %mul3A_1861, %mul3A_1863 : vector<16xf32>
        %add3A_1865 = arith.addf %add3A_1859, %add3A_1864 : vector<16xf32>
        %lt3A_1866 = arith.cmpf olt, %add3A_1865, %scan3A_405 : vector<16xf32>
        %convert_element_type3A_1867 = arith.extui %lt3A_1866 : vector<16xi1> to vector<16xi32>
        %broadcast_in_dim3A_1868 = arith.constant true
        %broadcast_in_dim3A_1869 = vector.broadcast %broadcast_in_dim3A_1868 : i1 to vector<16xi1>
        %masked_cumsum3A_1870 = tpu.scan <sum>, %convert_element_type3A_1867 masked %broadcast_in_dim3A_1869 : vector<16xi32>, vector<16xi1> -> vector<16xi32>
        %add3A_1871 = arith.addi %add3A_1787, %masked_cumsum3A_1870 : vector<16xi32>
        tpu.vector_store_idx %arg12[%add3A_1871], %add3A_1865 masked %lt3A_1866 : memref<416xf32, #tpu.memory_space<vmem>>[vector<16xi32>], vector<16xf32>, vector<16xi1>
        tpu.vector_store_idx %arg13[%add3A_1871], %add3A_1837 masked %lt3A_1866 : memref<416xi32, #tpu.memory_space<vmem>>[vector<16xi32>], vector<16xi32>, vector<16xi1>
        %slice3A_1872 = vector.extract_strided_slice %masked_cumsum3A_1870 {offsets = [15], sizes = [1], strides = [1]} : vector<16xi32> to vector<1xi32>
        %squeeze3A_1873 = vector.extract %slice3A_1872[0] : i32 from vector<1xi32>
        %add3A_1874 = vector.broadcast %squeeze3A_1873 : i32 to vector<16xi32>
        %add3A_1875 = arith.addi %add3A_1787, %add3A_1874 : vector<16xi32>
        %mul3A_1876 = vector.broadcast %mul3A_98 : f32 to vector<16xf32>
        %mul3A_1877 = arith.mulf %get3A_1831, %mul3A_1876 : vector<16xf32>
        %add3A_1878 = arith.addf %get3A_1829, %mul3A_1877 : vector<16xf32>
        %mul3A_1879 = vector.broadcast %mul3A_104 : f32 to vector<16xf32>
        %mul3A_1880 = arith.mulf %get3A_1833, %mul3A_1879 : vector<16xf32>
        %mul3A_1881 = vector.broadcast %mul3A_110 : f32 to vector<16xf32>
        %mul3A_1882 = arith.mulf %get3A_1835, %mul3A_1881 : vector<16xf32>
        %add3A_1883 = arith.addf %mul3A_1880, %mul3A_1882 : vector<16xf32>
        %add3A_1884 = arith.addf %add3A_1878, %add3A_1883 : vector<16xf32>
        %lt3A_1885 = arith.cmpf olt, %add3A_1884, %scan3A_409 : vector<16xf32>
        %convert_element_type3A_1886 = arith.extui %lt3A_1885 : vector<16xi1> to vector<16xi32>
        %broadcast_in_dim3A_1887 = arith.constant true
        %broadcast_in_dim3A_1888 = vector.broadcast %broadcast_in_dim3A_1887 : i1 to vector<16xi1>
        %masked_cumsum3A_1889 = tpu.scan <sum>, %convert_element_type3A_1886 masked %broadcast_in_dim3A_1888 : vector<16xi32>, vector<16xi1> -> vector<16xi32>
        %add3A_1890 = arith.addi %add3A_1806, %masked_cumsum3A_1889 : vector<16xi32>
        tpu.vector_store_idx %arg14[%add3A_1890], %add3A_1884 masked %lt3A_1885 : memref<416xf32, #tpu.memory_space<vmem>>[vector<16xi32>], vector<16xf32>, vector<16xi1>
        tpu.vector_store_idx %arg15[%add3A_1890], %add3A_1837 masked %lt3A_1885 : memref<416xi32, #tpu.memory_space<vmem>>[vector<16xi32>], vector<16xi32>, vector<16xi1>
        %slice3A_1891 = vector.extract_strided_slice %masked_cumsum3A_1889 {offsets = [15], sizes = [1], strides = [1]} : vector<16xi32> to vector<1xi32>
        %squeeze3A_1892 = vector.extract %slice3A_1891[0] : i32 from vector<1xi32>
        %add3A_1893 = vector.broadcast %squeeze3A_1892 : i32 to vector<16xi32>
        %add3A_1894 = arith.addi %add3A_1806, %add3A_1893 : vector<16xi32>
        %mul3A_1895 = vector.broadcast %mul3A_116 : f32 to vector<16xf32>
        %mul3A_1896 = arith.mulf %get3A_1831, %mul3A_1895 : vector<16xf32>
        %add3A_1897 = arith.addf %get3A_1829, %mul3A_1896 : vector<16xf32>
        %mul3A_1898 = vector.broadcast %mul3A_122 : f32 to vector<16xf32>
        %mul3A_1899 = arith.mulf %get3A_1833, %mul3A_1898 : vector<16xf32>
        %mul3A_1900 = vector.broadcast %mul3A_128 : f32 to vector<16xf32>
        %mul3A_1901 = arith.mulf %get3A_1835, %mul3A_1900 : vector<16xf32>
        %add3A_1902 = arith.addf %mul3A_1899, %mul3A_1901 : vector<16xf32>
        %add3A_1903 = arith.addf %add3A_1897, %add3A_1902 : vector<16xf32>
        %lt3A_1904 = arith.cmpf olt, %add3A_1903, %scan3A_413 : vector<16xf32>
        %convert_element_type3A_1905 = arith.extui %lt3A_1904 : vector<16xi1> to vector<16xi32>
        %broadcast_in_dim3A_1906 = arith.constant true
        %broadcast_in_dim3A_1907 = vector.broadcast %broadcast_in_dim3A_1906 : i1 to vector<16xi1>
        %masked_cumsum3A_1908 = tpu.scan <sum>, %convert_element_type3A_1905 masked %broadcast_in_dim3A_1907 : vector<16xi32>, vector<16xi1> -> vector<16xi32>
        %add3A_1909 = arith.addi %add3A_1825, %masked_cumsum3A_1908 : vector<16xi32>
        tpu.vector_store_idx %arg16[%add3A_1909], %add3A_1903 masked %lt3A_1904 : memref<416xf32, #tpu.memory_space<vmem>>[vector<16xi32>], vector<16xf32>, vector<16xi1>
        tpu.vector_store_idx %arg17[%add3A_1909], %add3A_1837 masked %lt3A_1904 : memref<416xi32, #tpu.memory_space<vmem>>[vector<16xi32>], vector<16xi32>, vector<16xi1>
        %slice3A_1910 = vector.extract_strided_slice %masked_cumsum3A_1908 {offsets = [15], sizes = [1], strides = [1]} : vector<16xi32> to vector<1xi32>
        %squeeze3A_1911 = vector.extract %slice3A_1910[0] : i32 from vector<1xi32>
        %add3A_1912 = vector.broadcast %squeeze3A_1911 : i32 to vector<16xi32>
        %add3A_1913 = arith.addi %add3A_1825, %add3A_1912 : vector<16xi32>
        %add3A_1914 = arith.constant 272 : i32
        %add3A_1915 = arith.addi %mul3A_420, %add3A_1914 : i32
        %get3A_1916 = arith.index_cast %add3A_1915 : i32 to index
        %get3A_1917 = tpu.vector_load %arg8[%get3A_1916] {strides = array<i32>} : memref<10000xf32, #tpu.memory_space<vmem>>, vector<16xf32>,
        %get3A_1918 = arith.index_cast %add3A_1915 : i32 to index
        %get3A_1919 = tpu.vector_load %arg5[%get3A_1918] {strides = array<i32>} : memref<10016xf32, #tpu.memory_space<vmem>>, vector<16xf32>,
        %get3A_1920 = arith.index_cast %add3A_1915 : i32 to index
        %get3A_1921 = tpu.vector_load %arg6[%get3A_1920] {strides = array<i32>} : memref<10016xf32, #tpu.memory_space<vmem>>, vector<16xf32>,
        %get3A_1922 = arith.index_cast %add3A_1915 : i32 to index
        %get3A_1923 = tpu.vector_load %arg7[%get3A_1922] {strides = array<i32>} : memref<10016xf32, #tpu.memory_space<vmem>>, vector<16xf32>,
        %add3A_1924 = vector.broadcast %add3A_1915 : i32 to vector<16xi32>
        %add3A_1925 = arith.addi %iota3A_10, %add3A_1924 : vector<16xi32>
        %mul3A_1926 = vector.broadcast %mul3A_62 : f32 to vector<16xf32>
        %mul3A_1927 = arith.mulf %get3A_1919, %mul3A_1926 : vector<16xf32>
        %add3A_1928 = arith.addf %get3A_1917, %mul3A_1927 : vector<16xf32>
        %mul3A_1929 = vector.broadcast %mul3A_68 : f32 to vector<16xf32>
        %mul3A_1930 = arith.mulf %get3A_1921, %mul3A_1929 : vector<16xf32>
        %mul3A_1931 = vector.broadcast %mul3A_74 : f32 to vector<16xf32>
        %mul3A_1932 = arith.mulf %get3A_1923, %mul3A_1931 : vector<16xf32>
        %add3A_1933 = arith.addf %mul3A_1930, %mul3A_1932 : vector<16xf32>
        %add3A_1934 = arith.addf %add3A_1928, %add3A_1933 : vector<16xf32>
        %lt3A_1935 = arith.cmpf olt, %add3A_1934, %scan3A_401 : vector<16xf32>
        %convert_element_type3A_1936 = arith.extui %lt3A_1935 : vector<16xi1> to vector<16xi32>
        %broadcast_in_dim3A_1937 = arith.constant true
        %broadcast_in_dim3A_1938 = vector.broadcast %broadcast_in_dim3A_1937 : i1 to vector<16xi1>
        %masked_cumsum3A_1939 = tpu.scan <sum>, %convert_element_type3A_1936 masked %broadcast_in_dim3A_1938 : vector<16xi32>, vector<16xi1> -> vector<16xi32>
        %add3A_1940 = arith.addi %add3A_1856, %masked_cumsum3A_1939 : vector<16xi32>
        tpu.vector_store_idx %arg10[%add3A_1940], %add3A_1934 masked %lt3A_1935 : memref<416xf32, #tpu.memory_space<vmem>>[vector<16xi32>], vector<16xf32>, vector<16xi1>
        tpu.vector_store_idx %arg11[%add3A_1940], %add3A_1925 masked %lt3A_1935 : memref<416xi32, #tpu.memory_space<vmem>>[vector<16xi32>], vector<16xi32>, vector<16xi1>
        %slice3A_1941 = vector.extract_strided_slice %masked_cumsum3A_1939 {offsets = [15], sizes = [1], strides = [1]} : vector<16xi32> to vector<1xi32>
        %squeeze3A_1942 = vector.extract %slice3A_1941[0] : i32 from vector<1xi32>
        %add3A_1943 = vector.broadcast %squeeze3A_1942 : i32 to vector<16xi32>
        %add3A_1944 = arith.addi %add3A_1856, %add3A_1943 : vector<16xi32>
        %mul3A_1945 = vector.broadcast %mul3A_80 : f32 to vector<16xf32>
        %mul3A_1946 = arith.mulf %get3A_1919, %mul3A_1945 : vector<16xf32>
        %add3A_1947 = arith.addf %get3A_1917, %mul3A_1946 : vector<16xf32>
        %mul3A_1948 = vector.broadcast %mul3A_86 : f32 to vector<16xf32>
        %mul3A_1949 = arith.mulf %get3A_1921, %mul3A_1948 : vector<16xf32>
        %mul3A_1950 = vector.broadcast %mul3A_92 : f32 to vector<16xf32>
        %mul3A_1951 = arith.mulf %get3A_1923, %mul3A_1950 : vector<16xf32>
        %add3A_1952 = arith.addf %mul3A_1949, %mul3A_1951 : vector<16xf32>
        %add3A_1953 = arith.addf %add3A_1947, %add3A_1952 : vector<16xf32>
        %lt3A_1954 = arith.cmpf olt, %add3A_1953, %scan3A_405 : vector<16xf32>
        %convert_element_type3A_1955 = arith.extui %lt3A_1954 : vector<16xi1> to vector<16xi32>
        %broadcast_in_dim3A_1956 = arith.constant true
        %broadcast_in_dim3A_1957 = vector.broadcast %broadcast_in_dim3A_1956 : i1 to vector<16xi1>
        %masked_cumsum3A_1958 = tpu.scan <sum>, %convert_element_type3A_1955 masked %broadcast_in_dim3A_1957 : vector<16xi32>, vector<16xi1> -> vector<16xi32>
        %add3A_1959 = arith.addi %add3A_1875, %masked_cumsum3A_1958 : vector<16xi32>
        tpu.vector_store_idx %arg12[%add3A_1959], %add3A_1953 masked %lt3A_1954 : memref<416xf32, #tpu.memory_space<vmem>>[vector<16xi32>], vector<16xf32>, vector<16xi1>
        tpu.vector_store_idx %arg13[%add3A_1959], %add3A_1925 masked %lt3A_1954 : memref<416xi32, #tpu.memory_space<vmem>>[vector<16xi32>], vector<16xi32>, vector<16xi1>
        %slice3A_1960 = vector.extract_strided_slice %masked_cumsum3A_1958 {offsets = [15], sizes = [1], strides = [1]} : vector<16xi32> to vector<1xi32>
        %squeeze3A_1961 = vector.extract %slice3A_1960[0] : i32 from vector<1xi32>
        %add3A_1962 = vector.broadcast %squeeze3A_1961 : i32 to vector<16xi32>
        %add3A_1963 = arith.addi %add3A_1875, %add3A_1962 : vector<16xi32>
        %mul3A_1964 = vector.broadcast %mul3A_98 : f32 to vector<16xf32>
        %mul3A_1965 = arith.mulf %get3A_1919, %mul3A_1964 : vector<16xf32>
        %add3A_1966 = arith.addf %get3A_1917, %mul3A_1965 : vector<16xf32>
        %mul3A_1967 = vector.broadcast %mul3A_104 : f32 to vector<16xf32>
        %mul3A_1968 = arith.mulf %get3A_1921, %mul3A_1967 : vector<16xf32>
        %mul3A_1969 = vector.broadcast %mul3A_110 : f32 to vector<16xf32>
        %mul3A_1970 = arith.mulf %get3A_1923, %mul3A_1969 : vector<16xf32>
        %add3A_1971 = arith.addf %mul3A_1968, %mul3A_1970 : vector<16xf32>
        %add3A_1972 = arith.addf %add3A_1966, %add3A_1971 : vector<16xf32>
        %lt3A_1973 = arith.cmpf olt, %add3A_1972, %scan3A_409 : vector<16xf32>
        %convert_element_type3A_1974 = arith.extui %lt3A_1973 : vector<16xi1> to vector<16xi32>
        %broadcast_in_dim3A_1975 = arith.constant true
        %broadcast_in_dim3A_1976 = vector.broadcast %broadcast_in_dim3A_1975 : i1 to vector<16xi1>
        %masked_cumsum3A_1977 = tpu.scan <sum>, %convert_element_type3A_1974 masked %broadcast_in_dim3A_1976 : vector<16xi32>, vector<16xi1> -> vector<16xi32>
        %add3A_1978 = arith.addi %add3A_1894, %masked_cumsum3A_1977 : vector<16xi32>
        tpu.vector_store_idx %arg14[%add3A_1978], %add3A_1972 masked %lt3A_1973 : memref<416xf32, #tpu.memory_space<vmem>>[vector<16xi32>], vector<16xf32>, vector<16xi1>
        tpu.vector_store_idx %arg15[%add3A_1978], %add3A_1925 masked %lt3A_1973 : memref<416xi32, #tpu.memory_space<vmem>>[vector<16xi32>], vector<16xi32>, vector<16xi1>
        %slice3A_1979 = vector.extract_strided_slice %masked_cumsum3A_1977 {offsets = [15], sizes = [1], strides = [1]} : vector<16xi32> to vector<1xi32>
        %squeeze3A_1980 = vector.extract %slice3A_1979[0] : i32 from vector<1xi32>
        %add3A_1981 = vector.broadcast %squeeze3A_1980 : i32 to vector<16xi32>
        %add3A_1982 = arith.addi %add3A_1894, %add3A_1981 : vector<16xi32>
        %mul3A_1983 = vector.broadcast %mul3A_116 : f32 to vector<16xf32>
        %mul3A_1984 = arith.mulf %get3A_1919, %mul3A_1983 : vector<16xf32>
        %add3A_1985 = arith.addf %get3A_1917, %mul3A_1984 : vector<16xf32>
        %mul3A_1986 = vector.broadcast %mul3A_122 : f32 to vector<16xf32>
        %mul3A_1987 = arith.mulf %get3A_1921, %mul3A_1986 : vector<16xf32>
        %mul3A_1988 = vector.broadcast %mul3A_128 : f32 to vector<16xf32>
        %mul3A_1989 = arith.mulf %get3A_1923, %mul3A_1988 : vector<16xf32>
        %add3A_1990 = arith.addf %mul3A_1987, %mul3A_1989 : vector<16xf32>
        %add3A_1991 = arith.addf %add3A_1985, %add3A_1990 : vector<16xf32>
        %lt3A_1992 = arith.cmpf olt, %add3A_1991, %scan3A_413 : vector<16xf32>
        %convert_element_type3A_1993 = arith.extui %lt3A_1992 : vector<16xi1> to vector<16xi32>
        %broadcast_in_dim3A_1994 = arith.constant true
        %broadcast_in_dim3A_1995 = vector.broadcast %broadcast_in_dim3A_1994 : i1 to vector<16xi1>
        %masked_cumsum3A_1996 = tpu.scan <sum>, %convert_element_type3A_1993 masked %broadcast_in_dim3A_1995 : vector<16xi32>, vector<16xi1> -> vector<16xi32>
        %add3A_1997 = arith.addi %add3A_1913, %masked_cumsum3A_1996 : vector<16xi32>
        tpu.vector_store_idx %arg16[%add3A_1997], %add3A_1991 masked %lt3A_1992 : memref<416xf32, #tpu.memory_space<vmem>>[vector<16xi32>], vector<16xf32>, vector<16xi1>
        tpu.vector_store_idx %arg17[%add3A_1997], %add3A_1925 masked %lt3A_1992 : memref<416xi32, #tpu.memory_space<vmem>>[vector<16xi32>], vector<16xi32>, vector<16xi1>
        %slice3A_1998 = vector.extract_strided_slice %masked_cumsum3A_1996 {offsets = [15], sizes = [1], strides = [1]} : vector<16xi32> to vector<1xi32>
        %squeeze3A_1999 = vector.extract %slice3A_1998[0] : i32 from vector<1xi32>
        %add3A_2000 = vector.broadcast %squeeze3A_1999 : i32 to vector<16xi32>
        %add3A_2001 = arith.addi %add3A_1913, %add3A_2000 : vector<16xi32>
        %add3A_2002 = arith.constant 288 : i32
        %add3A_2003 = arith.addi %mul3A_420, %add3A_2002 : i32
        %get3A_2004 = arith.index_cast %add3A_2003 : i32 to index
        %get3A_2005 = tpu.vector_load %arg8[%get3A_2004] {strides = array<i32>} : memref<10000xf32, #tpu.memory_space<vmem>>, vector<16xf32>,
        %get3A_2006 = arith.index_cast %add3A_2003 : i32 to index
        %get3A_2007 = tpu.vector_load %arg5[%get3A_2006] {strides = array<i32>} : memref<10016xf32, #tpu.memory_space<vmem>>, vector<16xf32>,
        %get3A_2008 = arith.index_cast %add3A_2003 : i32 to index
        %get3A_2009 = tpu.vector_load %arg6[%get3A_2008] {strides = array<i32>} : memref<10016xf32, #tpu.memory_space<vmem>>, vector<16xf32>,
        %get3A_2010 = arith.index_cast %add3A_2003 : i32 to index
        %get3A_2011 = tpu.vector_load %arg7[%get3A_2010] {strides = array<i32>} : memref<10016xf32, #tpu.memory_space<vmem>>, vector<16xf32>,
        %add3A_2012 = vector.broadcast %add3A_2003 : i32 to vector<16xi32>
        %add3A_2013 = arith.addi %iota3A_10, %add3A_2012 : vector<16xi32>
        %mul3A_2014 = vector.broadcast %mul3A_62 : f32 to vector<16xf32>
        %mul3A_2015 = arith.mulf %get3A_2007, %mul3A_2014 : vector<16xf32>
        %add3A_2016 = arith.addf %get3A_2005, %mul3A_2015 : vector<16xf32>
        %mul3A_2017 = vector.broadcast %mul3A_68 : f32 to vector<16xf32>
        %mul3A_2018 = arith.mulf %get3A_2009, %mul3A_2017 : vector<16xf32>
        %mul3A_2019 = vector.broadcast %mul3A_74 : f32 to vector<16xf32>
        %mul3A_2020 = arith.mulf %get3A_2011, %mul3A_2019 : vector<16xf32>
        %add3A_2021 = arith.addf %mul3A_2018, %mul3A_2020 : vector<16xf32>
        %add3A_2022 = arith.addf %add3A_2016, %add3A_2021 : vector<16xf32>
        %lt3A_2023 = arith.cmpf olt, %add3A_2022, %scan3A_401 : vector<16xf32>
        %convert_element_type3A_2024 = arith.extui %lt3A_2023 : vector<16xi1> to vector<16xi32>
        %broadcast_in_dim3A_2025 = arith.constant true
        %broadcast_in_dim3A_2026 = vector.broadcast %broadcast_in_dim3A_2025 : i1 to vector<16xi1>
        %masked_cumsum3A_2027 = tpu.scan <sum>, %convert_element_type3A_2024 masked %broadcast_in_dim3A_2026 : vector<16xi32>, vector<16xi1> -> vector<16xi32>
        %add3A_2028 = arith.addi %add3A_1944, %masked_cumsum3A_2027 : vector<16xi32>
        tpu.vector_store_idx %arg10[%add3A_2028], %add3A_2022 masked %lt3A_2023 : memref<416xf32, #tpu.memory_space<vmem>>[vector<16xi32>], vector<16xf32>, vector<16xi1>
        tpu.vector_store_idx %arg11[%add3A_2028], %add3A_2013 masked %lt3A_2023 : memref<416xi32, #tpu.memory_space<vmem>>[vector<16xi32>], vector<16xi32>, vector<16xi1>
        %slice3A_2029 = vector.extract_strided_slice %masked_cumsum3A_2027 {offsets = [15], sizes = [1], strides = [1]} : vector<16xi32> to vector<1xi32>
        %squeeze3A_2030 = vector.extract %slice3A_2029[0] : i32 from vector<1xi32>
        %add3A_2031 = vector.broadcast %squeeze3A_2030 : i32 to vector<16xi32>
        %add3A_2032 = arith.addi %add3A_1944, %add3A_2031 : vector<16xi32>
        %mul3A_2033 = vector.broadcast %mul3A_80 : f32 to vector<16xf32>
        %mul3A_2034 = arith.mulf %get3A_2007, %mul3A_2033 : vector<16xf32>
        %add3A_2035 = arith.addf %get3A_2005, %mul3A_2034 : vector<16xf32>
        %mul3A_2036 = vector.broadcast %mul3A_86 : f32 to vector<16xf32>
        %mul3A_2037 = arith.mulf %get3A_2009, %mul3A_2036 : vector<16xf32>
        %mul3A_2038 = vector.broadcast %mul3A_92 : f32 to vector<16xf32>
        %mul3A_2039 = arith.mulf %get3A_2011, %mul3A_2038 : vector<16xf32>
        %add3A_2040 = arith.addf %mul3A_2037, %mul3A_2039 : vector<16xf32>
        %add3A_2041 = arith.addf %add3A_2035, %add3A_2040 : vector<16xf32>
        %lt3A_2042 = arith.cmpf olt, %add3A_2041, %scan3A_405 : vector<16xf32>
        %convert_element_type3A_2043 = arith.extui %lt3A_2042 : vector<16xi1> to vector<16xi32>
        %broadcast_in_dim3A_2044 = arith.constant true
        %broadcast_in_dim3A_2045 = vector.broadcast %broadcast_in_dim3A_2044 : i1 to vector<16xi1>
        %masked_cumsum3A_2046 = tpu.scan <sum>, %convert_element_type3A_2043 masked %broadcast_in_dim3A_2045 : vector<16xi32>, vector<16xi1> -> vector<16xi32>
        %add3A_2047 = arith.addi %add3A_1963, %masked_cumsum3A_2046 : vector<16xi32>
        tpu.vector_store_idx %arg12[%add3A_2047], %add3A_2041 masked %lt3A_2042 : memref<416xf32, #tpu.memory_space<vmem>>[vector<16xi32>], vector<16xf32>, vector<16xi1>
        tpu.vector_store_idx %arg13[%add3A_2047], %add3A_2013 masked %lt3A_2042 : memref<416xi32, #tpu.memory_space<vmem>>[vector<16xi32>], vector<16xi32>, vector<16xi1>
        %slice3A_2048 = vector.extract_strided_slice %masked_cumsum3A_2046 {offsets = [15], sizes = [1], strides = [1]} : vector<16xi32> to vector<1xi32>
        %squeeze3A_2049 = vector.extract %slice3A_2048[0] : i32 from vector<1xi32>
        %add3A_2050 = vector.broadcast %squeeze3A_2049 : i32 to vector<16xi32>
        %add3A_2051 = arith.addi %add3A_1963, %add3A_2050 : vector<16xi32>
        %mul3A_2052 = vector.broadcast %mul3A_98 : f32 to vector<16xf32>
        %mul3A_2053 = arith.mulf %get3A_2007, %mul3A_2052 : vector<16xf32>
        %add3A_2054 = arith.addf %get3A_2005, %mul3A_2053 : vector<16xf32>
        %mul3A_2055 = vector.broadcast %mul3A_104 : f32 to vector<16xf32>
        %mul3A_2056 = arith.mulf %get3A_2009, %mul3A_2055 : vector<16xf32>
        %mul3A_2057 = vector.broadcast %mul3A_110 : f32 to vector<16xf32>
        %mul3A_2058 = arith.mulf %get3A_2011, %mul3A_2057 : vector<16xf32>
        %add3A_2059 = arith.addf %mul3A_2056, %mul3A_2058 : vector<16xf32>
        %add3A_2060 = arith.addf %add3A_2054, %add3A_2059 : vector<16xf32>
        %lt3A_2061 = arith.cmpf olt, %add3A_2060, %scan3A_409 : vector<16xf32>
        %convert_element_type3A_2062 = arith.extui %lt3A_2061 : vector<16xi1> to vector<16xi32>
        %broadcast_in_dim3A_2063 = arith.constant true
        %broadcast_in_dim3A_2064 = vector.broadcast %broadcast_in_dim3A_2063 : i1 to vector<16xi1>
        %masked_cumsum3A_2065 = tpu.scan <sum>, %convert_element_type3A_2062 masked %broadcast_in_dim3A_2064 : vector<16xi32>, vector<16xi1> -> vector<16xi32>
        %add3A_2066 = arith.addi %add3A_1982, %masked_cumsum3A_2065 : vector<16xi32>
        tpu.vector_store_idx %arg14[%add3A_2066], %add3A_2060 masked %lt3A_2061 : memref<416xf32, #tpu.memory_space<vmem>>[vector<16xi32>], vector<16xf32>, vector<16xi1>
        tpu.vector_store_idx %arg15[%add3A_2066], %add3A_2013 masked %lt3A_2061 : memref<416xi32, #tpu.memory_space<vmem>>[vector<16xi32>], vector<16xi32>, vector<16xi1>
        %slice3A_2067 = vector.extract_strided_slice %masked_cumsum3A_2065 {offsets = [15], sizes = [1], strides = [1]} : vector<16xi32> to vector<1xi32>
        %squeeze3A_2068 = vector.extract %slice3A_2067[0] : i32 from vector<1xi32>
        %add3A_2069 = vector.broadcast %squeeze3A_2068 : i32 to vector<16xi32>
        %add3A_2070 = arith.addi %add3A_1982, %add3A_2069 : vector<16xi32>
        %mul3A_2071 = vector.broadcast %mul3A_116 : f32 to vector<16xf32>
        %mul3A_2072 = arith.mulf %get3A_2007, %mul3A_2071 : vector<16xf32>
        %add3A_2073 = arith.addf %get3A_2005, %mul3A_2072 : vector<16xf32>
        %mul3A_2074 = vector.broadcast %mul3A_122 : f32 to vector<16xf32>
        %mul3A_2075 = arith.mulf %get3A_2009, %mul3A_2074 : vector<16xf32>
        %mul3A_2076 = vector.broadcast %mul3A_128 : f32 to vector<16xf32>
        %mul3A_2077 = arith.mulf %get3A_2011, %mul3A_2076 : vector<16xf32>
        %add3A_2078 = arith.addf %mul3A_2075, %mul3A_2077 : vector<16xf32>
        %add3A_2079 = arith.addf %add3A_2073, %add3A_2078 : vector<16xf32>
        %lt3A_2080 = arith.cmpf olt, %add3A_2079, %scan3A_413 : vector<16xf32>
        %convert_element_type3A_2081 = arith.extui %lt3A_2080 : vector<16xi1> to vector<16xi32>
        %broadcast_in_dim3A_2082 = arith.constant true
        %broadcast_in_dim3A_2083 = vector.broadcast %broadcast_in_dim3A_2082 : i1 to vector<16xi1>
        %masked_cumsum3A_2084 = tpu.scan <sum>, %convert_element_type3A_2081 masked %broadcast_in_dim3A_2083 : vector<16xi32>, vector<16xi1> -> vector<16xi32>
        %add3A_2085 = arith.addi %add3A_2001, %masked_cumsum3A_2084 : vector<16xi32>
        tpu.vector_store_idx %arg16[%add3A_2085], %add3A_2079 masked %lt3A_2080 : memref<416xf32, #tpu.memory_space<vmem>>[vector<16xi32>], vector<16xf32>, vector<16xi1>
        tpu.vector_store_idx %arg17[%add3A_2085], %add3A_2013 masked %lt3A_2080 : memref<416xi32, #tpu.memory_space<vmem>>[vector<16xi32>], vector<16xi32>, vector<16xi1>
        %slice3A_2086 = vector.extract_strided_slice %masked_cumsum3A_2084 {offsets = [15], sizes = [1], strides = [1]} : vector<16xi32> to vector<1xi32>
        %squeeze3A_2087 = vector.extract %slice3A_2086[0] : i32 from vector<1xi32>
        %add3A_2088 = vector.broadcast %squeeze3A_2087 : i32 to vector<16xi32>
        %add3A_2089 = arith.addi %add3A_2001, %add3A_2088 : vector<16xi32>
        %add3A_2090 = arith.constant 304 : i32
        %add3A_2091 = arith.addi %mul3A_420, %add3A_2090 : i32
        %get3A_2092 = arith.index_cast %add3A_2091 : i32 to index
        %get3A_2093 = tpu.vector_load %arg8[%get3A_2092] {strides = array<i32>} : memref<10000xf32, #tpu.memory_space<vmem>>, vector<16xf32>,
        %get3A_2094 = arith.index_cast %add3A_2091 : i32 to index
        %get3A_2095 = tpu.vector_load %arg5[%get3A_2094] {strides = array<i32>} : memref<10016xf32, #tpu.memory_space<vmem>>, vector<16xf32>,
        %get3A_2096 = arith.index_cast %add3A_2091 : i32 to index
        %get3A_2097 = tpu.vector_load %arg6[%get3A_2096] {strides = array<i32>} : memref<10016xf32, #tpu.memory_space<vmem>>, vector<16xf32>,
        %get3A_2098 = arith.index_cast %add3A_2091 : i32 to index
        %get3A_2099 = tpu.vector_load %arg7[%get3A_2098] {strides = array<i32>} : memref<10016xf32, #tpu.memory_space<vmem>>, vector<16xf32>,
        %add3A_2100 = vector.broadcast %add3A_2091 : i32 to vector<16xi32>
        %add3A_2101 = arith.addi %iota3A_10, %add3A_2100 : vector<16xi32>
        %mul3A_2102 = vector.broadcast %mul3A_62 : f32 to vector<16xf32>
        %mul3A_2103 = arith.mulf %get3A_2095, %mul3A_2102 : vector<16xf32>
        %add3A_2104 = arith.addf %get3A_2093, %mul3A_2103 : vector<16xf32>
        %mul3A_2105 = vector.broadcast %mul3A_68 : f32 to vector<16xf32>
        %mul3A_2106 = arith.mulf %get3A_2097, %mul3A_2105 : vector<16xf32>
        %mul3A_2107 = vector.broadcast %mul3A_74 : f32 to vector<16xf32>
        %mul3A_2108 = arith.mulf %get3A_2099, %mul3A_2107 : vector<16xf32>
        %add3A_2109 = arith.addf %mul3A_2106, %mul3A_2108 : vector<16xf32>
        %add3A_2110 = arith.addf %add3A_2104, %add3A_2109 : vector<16xf32>
        %lt3A_2111 = arith.cmpf olt, %add3A_2110, %scan3A_401 : vector<16xf32>
        %convert_element_type3A_2112 = arith.extui %lt3A_2111 : vector<16xi1> to vector<16xi32>
        %broadcast_in_dim3A_2113 = arith.constant true
        %broadcast_in_dim3A_2114 = vector.broadcast %broadcast_in_dim3A_2113 : i1 to vector<16xi1>
        %masked_cumsum3A_2115 = tpu.scan <sum>, %convert_element_type3A_2112 masked %broadcast_in_dim3A_2114 : vector<16xi32>, vector<16xi1> -> vector<16xi32>
        %add3A_2116 = arith.addi %add3A_2032, %masked_cumsum3A_2115 : vector<16xi32>
        tpu.vector_store_idx %arg10[%add3A_2116], %add3A_2110 masked %lt3A_2111 : memref<416xf32, #tpu.memory_space<vmem>>[vector<16xi32>], vector<16xf32>, vector<16xi1>
        tpu.vector_store_idx %arg11[%add3A_2116], %add3A_2101 masked %lt3A_2111 : memref<416xi32, #tpu.memory_space<vmem>>[vector<16xi32>], vector<16xi32>, vector<16xi1>
        %slice3A_2117 = vector.extract_strided_slice %masked_cumsum3A_2115 {offsets = [15], sizes = [1], strides = [1]} : vector<16xi32> to vector<1xi32>
        %squeeze3A_2118 = vector.extract %slice3A_2117[0] : i32 from vector<1xi32>
        %add3A_2119 = vector.broadcast %squeeze3A_2118 : i32 to vector<16xi32>
        %add3A_2120 = arith.addi %add3A_2032, %add3A_2119 : vector<16xi32>
        %mul3A_2121 = vector.broadcast %mul3A_80 : f32 to vector<16xf32>
        %mul3A_2122 = arith.mulf %get3A_2095, %mul3A_2121 : vector<16xf32>
        %add3A_2123 = arith.addf %get3A_2093, %mul3A_2122 : vector<16xf32>
        %mul3A_2124 = vector.broadcast %mul3A_86 : f32 to vector<16xf32>
        %mul3A_2125 = arith.mulf %get3A_2097, %mul3A_2124 : vector<16xf32>
        %mul3A_2126 = vector.broadcast %mul3A_92 : f32 to vector<16xf32>
        %mul3A_2127 = arith.mulf %get3A_2099, %mul3A_2126 : vector<16xf32>
        %add3A_2128 = arith.addf %mul3A_2125, %mul3A_2127 : vector<16xf32>
        %add3A_2129 = arith.addf %add3A_2123, %add3A_2128 : vector<16xf32>
        %lt3A_2130 = arith.cmpf olt, %add3A_2129, %scan3A_405 : vector<16xf32>
        %convert_element_type3A_2131 = arith.extui %lt3A_2130 : vector<16xi1> to vector<16xi32>
        %broadcast_in_dim3A_2132 = arith.constant true
        %broadcast_in_dim3A_2133 = vector.broadcast %broadcast_in_dim3A_2132 : i1 to vector<16xi1>
        %masked_cumsum3A_2134 = tpu.scan <sum>, %convert_element_type3A_2131 masked %broadcast_in_dim3A_2133 : vector<16xi32>, vector<16xi1> -> vector<16xi32>
        %add3A_2135 = arith.addi %add3A_2051, %masked_cumsum3A_2134 : vector<16xi32>
        tpu.vector_store_idx %arg12[%add3A_2135], %add3A_2129 masked %lt3A_2130 : memref<416xf32, #tpu.memory_space<vmem>>[vector<16xi32>], vector<16xf32>, vector<16xi1>
        tpu.vector_store_idx %arg13[%add3A_2135], %add3A_2101 masked %lt3A_2130 : memref<416xi32, #tpu.memory_space<vmem>>[vector<16xi32>], vector<16xi32>, vector<16xi1>
        %slice3A_2136 = vector.extract_strided_slice %masked_cumsum3A_2134 {offsets = [15], sizes = [1], strides = [1]} : vector<16xi32> to vector<1xi32>
        %squeeze3A_2137 = vector.extract %slice3A_2136[0] : i32 from vector<1xi32>
        %add3A_2138 = vector.broadcast %squeeze3A_2137 : i32 to vector<16xi32>
        %add3A_2139 = arith.addi %add3A_2051, %add3A_2138 : vector<16xi32>
        %mul3A_2140 = vector.broadcast %mul3A_98 : f32 to vector<16xf32>
        %mul3A_2141 = arith.mulf %get3A_2095, %mul3A_2140 : vector<16xf32>
        %add3A_2142 = arith.addf %get3A_2093, %mul3A_2141 : vector<16xf32>
        %mul3A_2143 = vector.broadcast %mul3A_104 : f32 to vector<16xf32>
        %mul3A_2144 = arith.mulf %get3A_2097, %mul3A_2143 : vector<16xf32>
        %mul3A_2145 = vector.broadcast %mul3A_110 : f32 to vector<16xf32>
        %mul3A_2146 = arith.mulf %get3A_2099, %mul3A_2145 : vector<16xf32>
        %add3A_2147 = arith.addf %mul3A_2144, %mul3A_2146 : vector<16xf32>
        %add3A_2148 = arith.addf %add3A_2142, %add3A_2147 : vector<16xf32>
        %lt3A_2149 = arith.cmpf olt, %add3A_2148, %scan3A_409 : vector<16xf32>
        %convert_element_type3A_2150 = arith.extui %lt3A_2149 : vector<16xi1> to vector<16xi32>
        %broadcast_in_dim3A_2151 = arith.constant true
        %broadcast_in_dim3A_2152 = vector.broadcast %broadcast_in_dim3A_2151 : i1 to vector<16xi1>
        %masked_cumsum3A_2153 = tpu.scan <sum>, %convert_element_type3A_2150 masked %broadcast_in_dim3A_2152 : vector<16xi32>, vector<16xi1> -> vector<16xi32>
        %add3A_2154 = arith.addi %add3A_2070, %masked_cumsum3A_2153 : vector<16xi32>
        tpu.vector_store_idx %arg14[%add3A_2154], %add3A_2148 masked %lt3A_2149 : memref<416xf32, #tpu.memory_space<vmem>>[vector<16xi32>], vector<16xf32>, vector<16xi1>
        tpu.vector_store_idx %arg15[%add3A_2154], %add3A_2101 masked %lt3A_2149 : memref<416xi32, #tpu.memory_space<vmem>>[vector<16xi32>], vector<16xi32>, vector<16xi1>
        %slice3A_2155 = vector.extract_strided_slice %masked_cumsum3A_2153 {offsets = [15], sizes = [1], strides = [1]} : vector<16xi32> to vector<1xi32>
        %squeeze3A_2156 = vector.extract %slice3A_2155[0] : i32 from vector<1xi32>
        %add3A_2157 = vector.broadcast %squeeze3A_2156 : i32 to vector<16xi32>
        %add3A_2158 = arith.addi %add3A_2070, %add3A_2157 : vector<16xi32>
        %mul3A_2159 = vector.broadcast %mul3A_116 : f32 to vector<16xf32>
        %mul3A_2160 = arith.mulf %get3A_2095, %mul3A_2159 : vector<16xf32>
        %add3A_2161 = arith.addf %get3A_2093, %mul3A_2160 : vector<16xf32>
        %mul3A_2162 = vector.broadcast %mul3A_122 : f32 to vector<16xf32>
        %mul3A_2163 = arith.mulf %get3A_2097, %mul3A_2162 : vector<16xf32>
        %mul3A_2164 = vector.broadcast %mul3A_128 : f32 to vector<16xf32>
        %mul3A_2165 = arith.mulf %get3A_2099, %mul3A_2164 : vector<16xf32>
        %add3A_2166 = arith.addf %mul3A_2163, %mul3A_2165 : vector<16xf32>
        %add3A_2167 = arith.addf %add3A_2161, %add3A_2166 : vector<16xf32>
        %lt3A_2168 = arith.cmpf olt, %add3A_2167, %scan3A_413 : vector<16xf32>
        %convert_element_type3A_2169 = arith.extui %lt3A_2168 : vector<16xi1> to vector<16xi32>
        %broadcast_in_dim3A_2170 = arith.constant true
        %broadcast_in_dim3A_2171 = vector.broadcast %broadcast_in_dim3A_2170 : i1 to vector<16xi1>
        %masked_cumsum3A_2172 = tpu.scan <sum>, %convert_element_type3A_2169 masked %broadcast_in_dim3A_2171 : vector<16xi32>, vector<16xi1> -> vector<16xi32>
        %add3A_2173 = arith.addi %add3A_2089, %masked_cumsum3A_2172 : vector<16xi32>
        tpu.vector_store_idx %arg16[%add3A_2173], %add3A_2167 masked %lt3A_2168 : memref<416xf32, #tpu.memory_space<vmem>>[vector<16xi32>], vector<16xf32>, vector<16xi1>
        tpu.vector_store_idx %arg17[%add3A_2173], %add3A_2101 masked %lt3A_2168 : memref<416xi32, #tpu.memory_space<vmem>>[vector<16xi32>], vector<16xi32>, vector<16xi1>
        %slice3A_2174 = vector.extract_strided_slice %masked_cumsum3A_2172 {offsets = [15], sizes = [1], strides = [1]} : vector<16xi32> to vector<1xi32>
        %squeeze3A_2175 = vector.extract %slice3A_2174[0] : i32 from vector<1xi32>
        %add3A_2176 = vector.broadcast %squeeze3A_2175 : i32 to vector<16xi32>
        %add3A_2177 = arith.addi %add3A_2089, %add3A_2176 : vector<16xi32>
        %add3A_2178 = arith.constant 320 : i32
        %add3A_2179 = arith.addi %mul3A_420, %add3A_2178 : i32
        %get3A_2180 = arith.index_cast %add3A_2179 : i32 to index
        %get3A_2181 = tpu.vector_load %arg8[%get3A_2180] {strides = array<i32>} : memref<10000xf32, #tpu.memory_space<vmem>>, vector<16xf32>,
        %get3A_2182 = arith.index_cast %add3A_2179 : i32 to index
        %get3A_2183 = tpu.vector_load %arg5[%get3A_2182] {strides = array<i32>} : memref<10016xf32, #tpu.memory_space<vmem>>, vector<16xf32>,
        %get3A_2184 = arith.index_cast %add3A_2179 : i32 to index
        %get3A_2185 = tpu.vector_load %arg6[%get3A_2184] {strides = array<i32>} : memref<10016xf32, #tpu.memory_space<vmem>>, vector<16xf32>,
        %get3A_2186 = arith.index_cast %add3A_2179 : i32 to index
        %get3A_2187 = tpu.vector_load %arg7[%get3A_2186] {strides = array<i32>} : memref<10016xf32, #tpu.memory_space<vmem>>, vector<16xf32>,
        %add3A_2188 = vector.broadcast %add3A_2179 : i32 to vector<16xi32>
        %add3A_2189 = arith.addi %iota3A_10, %add3A_2188 : vector<16xi32>
        %mul3A_2190 = vector.broadcast %mul3A_62 : f32 to vector<16xf32>
        %mul3A_2191 = arith.mulf %get3A_2183, %mul3A_2190 : vector<16xf32>
        %add3A_2192 = arith.addf %get3A_2181, %mul3A_2191 : vector<16xf32>
        %mul3A_2193 = vector.broadcast %mul3A_68 : f32 to vector<16xf32>
        %mul3A_2194 = arith.mulf %get3A_2185, %mul3A_2193 : vector<16xf32>
        %mul3A_2195 = vector.broadcast %mul3A_74 : f32 to vector<16xf32>
        %mul3A_2196 = arith.mulf %get3A_2187, %mul3A_2195 : vector<16xf32>
        %add3A_2197 = arith.addf %mul3A_2194, %mul3A_2196 : vector<16xf32>
        %add3A_2198 = arith.addf %add3A_2192, %add3A_2197 : vector<16xf32>
        %lt3A_2199 = arith.cmpf olt, %add3A_2198, %scan3A_401 : vector<16xf32>
        %convert_element_type3A_2200 = arith.extui %lt3A_2199 : vector<16xi1> to vector<16xi32>
        %broadcast_in_dim3A_2201 = arith.constant true
        %broadcast_in_dim3A_2202 = vector.broadcast %broadcast_in_dim3A_2201 : i1 to vector<16xi1>
        %masked_cumsum3A_2203 = tpu.scan <sum>, %convert_element_type3A_2200 masked %broadcast_in_dim3A_2202 : vector<16xi32>, vector<16xi1> -> vector<16xi32>
        %add3A_2204 = arith.addi %add3A_2120, %masked_cumsum3A_2203 : vector<16xi32>
        tpu.vector_store_idx %arg10[%add3A_2204], %add3A_2198 masked %lt3A_2199 : memref<416xf32, #tpu.memory_space<vmem>>[vector<16xi32>], vector<16xf32>, vector<16xi1>
        tpu.vector_store_idx %arg11[%add3A_2204], %add3A_2189 masked %lt3A_2199 : memref<416xi32, #tpu.memory_space<vmem>>[vector<16xi32>], vector<16xi32>, vector<16xi1>
        %slice3A_2205 = vector.extract_strided_slice %masked_cumsum3A_2203 {offsets = [15], sizes = [1], strides = [1]} : vector<16xi32> to vector<1xi32>
        %squeeze3A_2206 = vector.extract %slice3A_2205[0] : i32 from vector<1xi32>
        %add3A_2207 = vector.broadcast %squeeze3A_2206 : i32 to vector<16xi32>
        %add3A_2208 = arith.addi %add3A_2120, %add3A_2207 : vector<16xi32>
        %mul3A_2209 = vector.broadcast %mul3A_80 : f32 to vector<16xf32>
        %mul3A_2210 = arith.mulf %get3A_2183, %mul3A_2209 : vector<16xf32>
        %add3A_2211 = arith.addf %get3A_2181, %mul3A_2210 : vector<16xf32>
        %mul3A_2212 = vector.broadcast %mul3A_86 : f32 to vector<16xf32>
        %mul3A_2213 = arith.mulf %get3A_2185, %mul3A_2212 : vector<16xf32>
        %mul3A_2214 = vector.broadcast %mul3A_92 : f32 to vector<16xf32>
        %mul3A_2215 = arith.mulf %get3A_2187, %mul3A_2214 : vector<16xf32>
        %add3A_2216 = arith.addf %mul3A_2213, %mul3A_2215 : vector<16xf32>
        %add3A_2217 = arith.addf %add3A_2211, %add3A_2216 : vector<16xf32>
        %lt3A_2218 = arith.cmpf olt, %add3A_2217, %scan3A_405 : vector<16xf32>
        %convert_element_type3A_2219 = arith.extui %lt3A_2218 : vector<16xi1> to vector<16xi32>
        %broadcast_in_dim3A_2220 = arith.constant true
        %broadcast_in_dim3A_2221 = vector.broadcast %broadcast_in_dim3A_2220 : i1 to vector<16xi1>
        %masked_cumsum3A_2222 = tpu.scan <sum>, %convert_element_type3A_2219 masked %broadcast_in_dim3A_2221 : vector<16xi32>, vector<16xi1> -> vector<16xi32>
        %add3A_2223 = arith.addi %add3A_2139, %masked_cumsum3A_2222 : vector<16xi32>
        tpu.vector_store_idx %arg12[%add3A_2223], %add3A_2217 masked %lt3A_2218 : memref<416xf32, #tpu.memory_space<vmem>>[vector<16xi32>], vector<16xf32>, vector<16xi1>
        tpu.vector_store_idx %arg13[%add3A_2223], %add3A_2189 masked %lt3A_2218 : memref<416xi32, #tpu.memory_space<vmem>>[vector<16xi32>], vector<16xi32>, vector<16xi1>
        %slice3A_2224 = vector.extract_strided_slice %masked_cumsum3A_2222 {offsets = [15], sizes = [1], strides = [1]} : vector<16xi32> to vector<1xi32>
        %squeeze3A_2225 = vector.extract %slice3A_2224[0] : i32 from vector<1xi32>
        %add3A_2226 = vector.broadcast %squeeze3A_2225 : i32 to vector<16xi32>
        %add3A_2227 = arith.addi %add3A_2139, %add3A_2226 : vector<16xi32>
        %mul3A_2228 = vector.broadcast %mul3A_98 : f32 to vector<16xf32>
        %mul3A_2229 = arith.mulf %get3A_2183, %mul3A_2228 : vector<16xf32>
        %add3A_2230 = arith.addf %get3A_2181, %mul3A_2229 : vector<16xf32>
        %mul3A_2231 = vector.broadcast %mul3A_104 : f32 to vector<16xf32>
        %mul3A_2232 = arith.mulf %get3A_2185, %mul3A_2231 : vector<16xf32>
        %mul3A_2233 = vector.broadcast %mul3A_110 : f32 to vector<16xf32>
        %mul3A_2234 = arith.mulf %get3A_2187, %mul3A_2233 : vector<16xf32>
        %add3A_2235 = arith.addf %mul3A_2232, %mul3A_2234 : vector<16xf32>
        %add3A_2236 = arith.addf %add3A_2230, %add3A_2235 : vector<16xf32>
        %lt3A_2237 = arith.cmpf olt, %add3A_2236, %scan3A_409 : vector<16xf32>
        %convert_element_type3A_2238 = arith.extui %lt3A_2237 : vector<16xi1> to vector<16xi32>
        %broadcast_in_dim3A_2239 = arith.constant true
        %broadcast_in_dim3A_2240 = vector.broadcast %broadcast_in_dim3A_2239 : i1 to vector<16xi1>
        %masked_cumsum3A_2241 = tpu.scan <sum>, %convert_element_type3A_2238 masked %broadcast_in_dim3A_2240 : vector<16xi32>, vector<16xi1> -> vector<16xi32>
        %add3A_2242 = arith.addi %add3A_2158, %masked_cumsum3A_2241 : vector<16xi32>
        tpu.vector_store_idx %arg14[%add3A_2242], %add3A_2236 masked %lt3A_2237 : memref<416xf32, #tpu.memory_space<vmem>>[vector<16xi32>], vector<16xf32>, vector<16xi1>
        tpu.vector_store_idx %arg15[%add3A_2242], %add3A_2189 masked %lt3A_2237 : memref<416xi32, #tpu.memory_space<vmem>>[vector<16xi32>], vector<16xi32>, vector<16xi1>
        %slice3A_2243 = vector.extract_strided_slice %masked_cumsum3A_2241 {offsets = [15], sizes = [1], strides = [1]} : vector<16xi32> to vector<1xi32>
        %squeeze3A_2244 = vector.extract %slice3A_2243[0] : i32 from vector<1xi32>
        %add3A_2245 = vector.broadcast %squeeze3A_2244 : i32 to vector<16xi32>
        %add3A_2246 = arith.addi %add3A_2158, %add3A_2245 : vector<16xi32>
        %mul3A_2247 = vector.broadcast %mul3A_116 : f32 to vector<16xf32>
        %mul3A_2248 = arith.mulf %get3A_2183, %mul3A_2247 : vector<16xf32>
        %add3A_2249 = arith.addf %get3A_2181, %mul3A_2248 : vector<16xf32>
        %mul3A_2250 = vector.broadcast %mul3A_122 : f32 to vector<16xf32>
        %mul3A_2251 = arith.mulf %get3A_2185, %mul3A_2250 : vector<16xf32>
        %mul3A_2252 = vector.broadcast %mul3A_128 : f32 to vector<16xf32>
        %mul3A_2253 = arith.mulf %get3A_2187, %mul3A_2252 : vector<16xf32>
        %add3A_2254 = arith.addf %mul3A_2251, %mul3A_2253 : vector<16xf32>
        %add3A_2255 = arith.addf %add3A_2249, %add3A_2254 : vector<16xf32>
        %lt3A_2256 = arith.cmpf olt, %add3A_2255, %scan3A_413 : vector<16xf32>
        %convert_element_type3A_2257 = arith.extui %lt3A_2256 : vector<16xi1> to vector<16xi32>
        %broadcast_in_dim3A_2258 = arith.constant true
        %broadcast_in_dim3A_2259 = vector.broadcast %broadcast_in_dim3A_2258 : i1 to vector<16xi1>
        %masked_cumsum3A_2260 = tpu.scan <sum>, %convert_element_type3A_2257 masked %broadcast_in_dim3A_2259 : vector<16xi32>, vector<16xi1> -> vector<16xi32>
        %add3A_2261 = arith.addi %add3A_2177, %masked_cumsum3A_2260 : vector<16xi32>
        tpu.vector_store_idx %arg16[%add3A_2261], %add3A_2255 masked %lt3A_2256 : memref<416xf32, #tpu.memory_space<vmem>>[vector<16xi32>], vector<16xf32>, vector<16xi1>
        tpu.vector_store_idx %arg17[%add3A_2261], %add3A_2189 masked %lt3A_2256 : memref<416xi32, #tpu.memory_space<vmem>>[vector<16xi32>], vector<16xi32>, vector<16xi1>
        %slice3A_2262 = vector.extract_strided_slice %masked_cumsum3A_2260 {offsets = [15], sizes = [1], strides = [1]} : vector<16xi32> to vector<1xi32>
        %squeeze3A_2263 = vector.extract %slice3A_2262[0] : i32 from vector<1xi32>
        %add3A_2264 = vector.broadcast %squeeze3A_2263 : i32 to vector<16xi32>
        %add3A_2265 = arith.addi %add3A_2177, %add3A_2264 : vector<16xi32>
        %add3A_2266 = arith.constant 336 : i32
        %add3A_2267 = arith.addi %mul3A_420, %add3A_2266 : i32
        %get3A_2268 = arith.index_cast %add3A_2267 : i32 to index
        %get3A_2269 = tpu.vector_load %arg8[%get3A_2268] {strides = array<i32>} : memref<10000xf32, #tpu.memory_space<vmem>>, vector<16xf32>,
        %get3A_2270 = arith.index_cast %add3A_2267 : i32 to index
        %get3A_2271 = tpu.vector_load %arg5[%get3A_2270] {strides = array<i32>} : memref<10016xf32, #tpu.memory_space<vmem>>, vector<16xf32>,
        %get3A_2272 = arith.index_cast %add3A_2267 : i32 to index
        %get3A_2273 = tpu.vector_load %arg6[%get3A_2272] {strides = array<i32>} : memref<10016xf32, #tpu.memory_space<vmem>>, vector<16xf32>,
        %get3A_2274 = arith.index_cast %add3A_2267 : i32 to index
        %get3A_2275 = tpu.vector_load %arg7[%get3A_2274] {strides = array<i32>} : memref<10016xf32, #tpu.memory_space<vmem>>, vector<16xf32>,
        %add3A_2276 = vector.broadcast %add3A_2267 : i32 to vector<16xi32>
        %add3A_2277 = arith.addi %iota3A_10, %add3A_2276 : vector<16xi32>
        %mul3A_2278 = vector.broadcast %mul3A_62 : f32 to vector<16xf32>
        %mul3A_2279 = arith.mulf %get3A_2271, %mul3A_2278 : vector<16xf32>
        %add3A_2280 = arith.addf %get3A_2269, %mul3A_2279 : vector<16xf32>
        %mul3A_2281 = vector.broadcast %mul3A_68 : f32 to vector<16xf32>
        %mul3A_2282 = arith.mulf %get3A_2273, %mul3A_2281 : vector<16xf32>
        %mul3A_2283 = vector.broadcast %mul3A_74 : f32 to vector<16xf32>
        %mul3A_2284 = arith.mulf %get3A_2275, %mul3A_2283 : vector<16xf32>
        %add3A_2285 = arith.addf %mul3A_2282, %mul3A_2284 : vector<16xf32>
        %add3A_2286 = arith.addf %add3A_2280, %add3A_2285 : vector<16xf32>
        %lt3A_2287 = arith.cmpf olt, %add3A_2286, %scan3A_401 : vector<16xf32>
        %convert_element_type3A_2288 = arith.extui %lt3A_2287 : vector<16xi1> to vector<16xi32>
        %broadcast_in_dim3A_2289 = arith.constant true
        %broadcast_in_dim3A_2290 = vector.broadcast %broadcast_in_dim3A_2289 : i1 to vector<16xi1>
        %masked_cumsum3A_2291 = tpu.scan <sum>, %convert_element_type3A_2288 masked %broadcast_in_dim3A_2290 : vector<16xi32>, vector<16xi1> -> vector<16xi32>
        %add3A_2292 = arith.addi %add3A_2208, %masked_cumsum3A_2291 : vector<16xi32>
        tpu.vector_store_idx %arg10[%add3A_2292], %add3A_2286 masked %lt3A_2287 : memref<416xf32, #tpu.memory_space<vmem>>[vector<16xi32>], vector<16xf32>, vector<16xi1>
        tpu.vector_store_idx %arg11[%add3A_2292], %add3A_2277 masked %lt3A_2287 : memref<416xi32, #tpu.memory_space<vmem>>[vector<16xi32>], vector<16xi32>, vector<16xi1>
        %slice3A_2293 = vector.extract_strided_slice %masked_cumsum3A_2291 {offsets = [15], sizes = [1], strides = [1]} : vector<16xi32> to vector<1xi32>
        %squeeze3A_2294 = vector.extract %slice3A_2293[0] : i32 from vector<1xi32>
        %add3A_2295 = vector.broadcast %squeeze3A_2294 : i32 to vector<16xi32>
        %add3A_2296 = arith.addi %add3A_2208, %add3A_2295 : vector<16xi32>
        %mul3A_2297 = vector.broadcast %mul3A_80 : f32 to vector<16xf32>
        %mul3A_2298 = arith.mulf %get3A_2271, %mul3A_2297 : vector<16xf32>
        %add3A_2299 = arith.addf %get3A_2269, %mul3A_2298 : vector<16xf32>
        %mul3A_2300 = vector.broadcast %mul3A_86 : f32 to vector<16xf32>
        %mul3A_2301 = arith.mulf %get3A_2273, %mul3A_2300 : vector<16xf32>
        %mul3A_2302 = vector.broadcast %mul3A_92 : f32 to vector<16xf32>
        %mul3A_2303 = arith.mulf %get3A_2275, %mul3A_2302 : vector<16xf32>
        %add3A_2304 = arith.addf %mul3A_2301, %mul3A_2303 : vector<16xf32>
        %add3A_2305 = arith.addf %add3A_2299, %add3A_2304 : vector<16xf32>
        %lt3A_2306 = arith.cmpf olt, %add3A_2305, %scan3A_405 : vector<16xf32>
        %convert_element_type3A_2307 = arith.extui %lt3A_2306 : vector<16xi1> to vector<16xi32>
        %broadcast_in_dim3A_2308 = arith.constant true
        %broadcast_in_dim3A_2309 = vector.broadcast %broadcast_in_dim3A_2308 : i1 to vector<16xi1>
        %masked_cumsum3A_2310 = tpu.scan <sum>, %convert_element_type3A_2307 masked %broadcast_in_dim3A_2309 : vector<16xi32>, vector<16xi1> -> vector<16xi32>
        %add3A_2311 = arith.addi %add3A_2227, %masked_cumsum3A_2310 : vector<16xi32>
        tpu.vector_store_idx %arg12[%add3A_2311], %add3A_2305 masked %lt3A_2306 : memref<416xf32, #tpu.memory_space<vmem>>[vector<16xi32>], vector<16xf32>, vector<16xi1>
        tpu.vector_store_idx %arg13[%add3A_2311], %add3A_2277 masked %lt3A_2306 : memref<416xi32, #tpu.memory_space<vmem>>[vector<16xi32>], vector<16xi32>, vector<16xi1>
        %slice3A_2312 = vector.extract_strided_slice %masked_cumsum3A_2310 {offsets = [15], sizes = [1], strides = [1]} : vector<16xi32> to vector<1xi32>
        %squeeze3A_2313 = vector.extract %slice3A_2312[0] : i32 from vector<1xi32>
        %add3A_2314 = vector.broadcast %squeeze3A_2313 : i32 to vector<16xi32>
        %add3A_2315 = arith.addi %add3A_2227, %add3A_2314 : vector<16xi32>
        %mul3A_2316 = vector.broadcast %mul3A_98 : f32 to vector<16xf32>
        %mul3A_2317 = arith.mulf %get3A_2271, %mul3A_2316 : vector<16xf32>
        %add3A_2318 = arith.addf %get3A_2269, %mul3A_2317 : vector<16xf32>
        %mul3A_2319 = vector.broadcast %mul3A_104 : f32 to vector<16xf32>
        %mul3A_2320 = arith.mulf %get3A_2273, %mul3A_2319 : vector<16xf32>
        %mul3A_2321 = vector.broadcast %mul3A_110 : f32 to vector<16xf32>
        %mul3A_2322 = arith.mulf %get3A_2275, %mul3A_2321 : vector<16xf32>
        %add3A_2323 = arith.addf %mul3A_2320, %mul3A_2322 : vector<16xf32>
        %add3A_2324 = arith.addf %add3A_2318, %add3A_2323 : vector<16xf32>
        %lt3A_2325 = arith.cmpf olt, %add3A_2324, %scan3A_409 : vector<16xf32>
        %convert_element_type3A_2326 = arith.extui %lt3A_2325 : vector<16xi1> to vector<16xi32>
        %broadcast_in_dim3A_2327 = arith.constant true
        %broadcast_in_dim3A_2328 = vector.broadcast %broadcast_in_dim3A_2327 : i1 to vector<16xi1>
        %masked_cumsum3A_2329 = tpu.scan <sum>, %convert_element_type3A_2326 masked %broadcast_in_dim3A_2328 : vector<16xi32>, vector<16xi1> -> vector<16xi32>
        %add3A_2330 = arith.addi %add3A_2246, %masked_cumsum3A_2329 : vector<16xi32>
        tpu.vector_store_idx %arg14[%add3A_2330], %add3A_2324 masked %lt3A_2325 : memref<416xf32, #tpu.memory_space<vmem>>[vector<16xi32>], vector<16xf32>, vector<16xi1>
        tpu.vector_store_idx %arg15[%add3A_2330], %add3A_2277 masked %lt3A_2325 : memref<416xi32, #tpu.memory_space<vmem>>[vector<16xi32>], vector<16xi32>, vector<16xi1>
        %slice3A_2331 = vector.extract_strided_slice %masked_cumsum3A_2329 {offsets = [15], sizes = [1], strides = [1]} : vector<16xi32> to vector<1xi32>
        %squeeze3A_2332 = vector.extract %slice3A_2331[0] : i32 from vector<1xi32>
        %add3A_2333 = vector.broadcast %squeeze3A_2332 : i32 to vector<16xi32>
        %add3A_2334 = arith.addi %add3A_2246, %add3A_2333 : vector<16xi32>
        %mul3A_2335 = vector.broadcast %mul3A_116 : f32 to vector<16xf32>
        %mul3A_2336 = arith.mulf %get3A_2271, %mul3A_2335 : vector<16xf32>
        %add3A_2337 = arith.addf %get3A_2269, %mul3A_2336 : vector<16xf32>
        %mul3A_2338 = vector.broadcast %mul3A_122 : f32 to vector<16xf32>
        %mul3A_2339 = arith.mulf %get3A_2273, %mul3A_2338 : vector<16xf32>
        %mul3A_2340 = vector.broadcast %mul3A_128 : f32 to vector<16xf32>
        %mul3A_2341 = arith.mulf %get3A_2275, %mul3A_2340 : vector<16xf32>
        %add3A_2342 = arith.addf %mul3A_2339, %mul3A_2341 : vector<16xf32>
        %add3A_2343 = arith.addf %add3A_2337, %add3A_2342 : vector<16xf32>
        %lt3A_2344 = arith.cmpf olt, %add3A_2343, %scan3A_413 : vector<16xf32>
        %convert_element_type3A_2345 = arith.extui %lt3A_2344 : vector<16xi1> to vector<16xi32>
        %broadcast_in_dim3A_2346 = arith.constant true
        %broadcast_in_dim3A_2347 = vector.broadcast %broadcast_in_dim3A_2346 : i1 to vector<16xi1>
        %masked_cumsum3A_2348 = tpu.scan <sum>, %convert_element_type3A_2345 masked %broadcast_in_dim3A_2347 : vector<16xi32>, vector<16xi1> -> vector<16xi32>
        %add3A_2349 = arith.addi %add3A_2265, %masked_cumsum3A_2348 : vector<16xi32>
        tpu.vector_store_idx %arg16[%add3A_2349], %add3A_2343 masked %lt3A_2344 : memref<416xf32, #tpu.memory_space<vmem>>[vector<16xi32>], vector<16xf32>, vector<16xi1>
        tpu.vector_store_idx %arg17[%add3A_2349], %add3A_2277 masked %lt3A_2344 : memref<416xi32, #tpu.memory_space<vmem>>[vector<16xi32>], vector<16xi32>, vector<16xi1>
        %slice3A_2350 = vector.extract_strided_slice %masked_cumsum3A_2348 {offsets = [15], sizes = [1], strides = [1]} : vector<16xi32> to vector<1xi32>
        %squeeze3A_2351 = vector.extract %slice3A_2350[0] : i32 from vector<1xi32>
        %add3A_2352 = vector.broadcast %squeeze3A_2351 : i32 to vector<16xi32>
        %add3A_2353 = arith.addi %add3A_2265, %add3A_2352 : vector<16xi32>
        %add3A_2354 = arith.constant 352 : i32
        %add3A_2355 = arith.addi %mul3A_420, %add3A_2354 : i32
        %get3A_2356 = arith.index_cast %add3A_2355 : i32 to index
        %get3A_2357 = tpu.vector_load %arg8[%get3A_2356] {strides = array<i32>} : memref<10000xf32, #tpu.memory_space<vmem>>, vector<16xf32>,
        %get3A_2358 = arith.index_cast %add3A_2355 : i32 to index
        %get3A_2359 = tpu.vector_load %arg5[%get3A_2358] {strides = array<i32>} : memref<10016xf32, #tpu.memory_space<vmem>>, vector<16xf32>,
        %get3A_2360 = arith.index_cast %add3A_2355 : i32 to index
        %get3A_2361 = tpu.vector_load %arg6[%get3A_2360] {strides = array<i32>} : memref<10016xf32, #tpu.memory_space<vmem>>, vector<16xf32>,
        %get3A_2362 = arith.index_cast %add3A_2355 : i32 to index
        %get3A_2363 = tpu.vector_load %arg7[%get3A_2362] {strides = array<i32>} : memref<10016xf32, #tpu.memory_space<vmem>>, vector<16xf32>,
        %add3A_2364 = vector.broadcast %add3A_2355 : i32 to vector<16xi32>
        %add3A_2365 = arith.addi %iota3A_10, %add3A_2364 : vector<16xi32>
        %mul3A_2366 = vector.broadcast %mul3A_62 : f32 to vector<16xf32>
        %mul3A_2367 = arith.mulf %get3A_2359, %mul3A_2366 : vector<16xf32>
        %add3A_2368 = arith.addf %get3A_2357, %mul3A_2367 : vector<16xf32>
        %mul3A_2369 = vector.broadcast %mul3A_68 : f32 to vector<16xf32>
        %mul3A_2370 = arith.mulf %get3A_2361, %mul3A_2369 : vector<16xf32>
        %mul3A_2371 = vector.broadcast %mul3A_74 : f32 to vector<16xf32>
        %mul3A_2372 = arith.mulf %get3A_2363, %mul3A_2371 : vector<16xf32>
        %add3A_2373 = arith.addf %mul3A_2370, %mul3A_2372 : vector<16xf32>
        %add3A_2374 = arith.addf %add3A_2368, %add3A_2373 : vector<16xf32>
        %lt3A_2375 = arith.cmpf olt, %add3A_2374, %scan3A_401 : vector<16xf32>
        %convert_element_type3A_2376 = arith.extui %lt3A_2375 : vector<16xi1> to vector<16xi32>
        %broadcast_in_dim3A_2377 = arith.constant true
        %broadcast_in_dim3A_2378 = vector.broadcast %broadcast_in_dim3A_2377 : i1 to vector<16xi1>
        %masked_cumsum3A_2379 = tpu.scan <sum>, %convert_element_type3A_2376 masked %broadcast_in_dim3A_2378 : vector<16xi32>, vector<16xi1> -> vector<16xi32>
        %add3A_2380 = arith.addi %add3A_2296, %masked_cumsum3A_2379 : vector<16xi32>
        tpu.vector_store_idx %arg10[%add3A_2380], %add3A_2374 masked %lt3A_2375 : memref<416xf32, #tpu.memory_space<vmem>>[vector<16xi32>], vector<16xf32>, vector<16xi1>
        tpu.vector_store_idx %arg11[%add3A_2380], %add3A_2365 masked %lt3A_2375 : memref<416xi32, #tpu.memory_space<vmem>>[vector<16xi32>], vector<16xi32>, vector<16xi1>
        %slice3A_2381 = vector.extract_strided_slice %masked_cumsum3A_2379 {offsets = [15], sizes = [1], strides = [1]} : vector<16xi32> to vector<1xi32>
        %squeeze3A_2382 = vector.extract %slice3A_2381[0] : i32 from vector<1xi32>
        %add3A_2383 = vector.broadcast %squeeze3A_2382 : i32 to vector<16xi32>
        %add3A_2384 = arith.addi %add3A_2296, %add3A_2383 : vector<16xi32>
        %mul3A_2385 = vector.broadcast %mul3A_80 : f32 to vector<16xf32>
        %mul3A_2386 = arith.mulf %get3A_2359, %mul3A_2385 : vector<16xf32>
        %add3A_2387 = arith.addf %get3A_2357, %mul3A_2386 : vector<16xf32>
        %mul3A_2388 = vector.broadcast %mul3A_86 : f32 to vector<16xf32>
        %mul3A_2389 = arith.mulf %get3A_2361, %mul3A_2388 : vector<16xf32>
        %mul3A_2390 = vector.broadcast %mul3A_92 : f32 to vector<16xf32>
        %mul3A_2391 = arith.mulf %get3A_2363, %mul3A_2390 : vector<16xf32>
        %add3A_2392 = arith.addf %mul3A_2389, %mul3A_2391 : vector<16xf32>
        %add3A_2393 = arith.addf %add3A_2387, %add3A_2392 : vector<16xf32>
        %lt3A_2394 = arith.cmpf olt, %add3A_2393, %scan3A_405 : vector<16xf32>
        %convert_element_type3A_2395 = arith.extui %lt3A_2394 : vector<16xi1> to vector<16xi32>
        %broadcast_in_dim3A_2396 = arith.constant true
        %broadcast_in_dim3A_2397 = vector.broadcast %broadcast_in_dim3A_2396 : i1 to vector<16xi1>
        %masked_cumsum3A_2398 = tpu.scan <sum>, %convert_element_type3A_2395 masked %broadcast_in_dim3A_2397 : vector<16xi32>, vector<16xi1> -> vector<16xi32>
        %add3A_2399 = arith.addi %add3A_2315, %masked_cumsum3A_2398 : vector<16xi32>
        tpu.vector_store_idx %arg12[%add3A_2399], %add3A_2393 masked %lt3A_2394 : memref<416xf32, #tpu.memory_space<vmem>>[vector<16xi32>], vector<16xf32>, vector<16xi1>
        tpu.vector_store_idx %arg13[%add3A_2399], %add3A_2365 masked %lt3A_2394 : memref<416xi32, #tpu.memory_space<vmem>>[vector<16xi32>], vector<16xi32>, vector<16xi1>
        %slice3A_2400 = vector.extract_strided_slice %masked_cumsum3A_2398 {offsets = [15], sizes = [1], strides = [1]} : vector<16xi32> to vector<1xi32>
        %squeeze3A_2401 = vector.extract %slice3A_2400[0] : i32 from vector<1xi32>
        %add3A_2402 = vector.broadcast %squeeze3A_2401 : i32 to vector<16xi32>
        %add3A_2403 = arith.addi %add3A_2315, %add3A_2402 : vector<16xi32>
        %mul3A_2404 = vector.broadcast %mul3A_98 : f32 to vector<16xf32>
        %mul3A_2405 = arith.mulf %get3A_2359, %mul3A_2404 : vector<16xf32>
        %add3A_2406 = arith.addf %get3A_2357, %mul3A_2405 : vector<16xf32>
        %mul3A_2407 = vector.broadcast %mul3A_104 : f32 to vector<16xf32>
        %mul3A_2408 = arith.mulf %get3A_2361, %mul3A_2407 : vector<16xf32>
        %mul3A_2409 = vector.broadcast %mul3A_110 : f32 to vector<16xf32>
        %mul3A_2410 = arith.mulf %get3A_2363, %mul3A_2409 : vector<16xf32>
        %add3A_2411 = arith.addf %mul3A_2408, %mul3A_2410 : vector<16xf32>
        %add3A_2412 = arith.addf %add3A_2406, %add3A_2411 : vector<16xf32>
        %lt3A_2413 = arith.cmpf olt, %add3A_2412, %scan3A_409 : vector<16xf32>
        %convert_element_type3A_2414 = arith.extui %lt3A_2413 : vector<16xi1> to vector<16xi32>
        %broadcast_in_dim3A_2415 = arith.constant true
        %broadcast_in_dim3A_2416 = vector.broadcast %broadcast_in_dim3A_2415 : i1 to vector<16xi1>
        %masked_cumsum3A_2417 = tpu.scan <sum>, %convert_element_type3A_2414 masked %broadcast_in_dim3A_2416 : vector<16xi32>, vector<16xi1> -> vector<16xi32>
        %add3A_2418 = arith.addi %add3A_2334, %masked_cumsum3A_2417 : vector<16xi32>
        tpu.vector_store_idx %arg14[%add3A_2418], %add3A_2412 masked %lt3A_2413 : memref<416xf32, #tpu.memory_space<vmem>>[vector<16xi32>], vector<16xf32>, vector<16xi1>
        tpu.vector_store_idx %arg15[%add3A_2418], %add3A_2365 masked %lt3A_2413 : memref<416xi32, #tpu.memory_space<vmem>>[vector<16xi32>], vector<16xi32>, vector<16xi1>
        %slice3A_2419 = vector.extract_strided_slice %masked_cumsum3A_2417 {offsets = [15], sizes = [1], strides = [1]} : vector<16xi32> to vector<1xi32>
        %squeeze3A_2420 = vector.extract %slice3A_2419[0] : i32 from vector<1xi32>
        %add3A_2421 = vector.broadcast %squeeze3A_2420 : i32 to vector<16xi32>
        %add3A_2422 = arith.addi %add3A_2334, %add3A_2421 : vector<16xi32>
        %mul3A_2423 = vector.broadcast %mul3A_116 : f32 to vector<16xf32>
        %mul3A_2424 = arith.mulf %get3A_2359, %mul3A_2423 : vector<16xf32>
        %add3A_2425 = arith.addf %get3A_2357, %mul3A_2424 : vector<16xf32>
        %mul3A_2426 = vector.broadcast %mul3A_122 : f32 to vector<16xf32>
        %mul3A_2427 = arith.mulf %get3A_2361, %mul3A_2426 : vector<16xf32>
        %mul3A_2428 = vector.broadcast %mul3A_128 : f32 to vector<16xf32>
        %mul3A_2429 = arith.mulf %get3A_2363, %mul3A_2428 : vector<16xf32>
        %add3A_2430 = arith.addf %mul3A_2427, %mul3A_2429 : vector<16xf32>
        %add3A_2431 = arith.addf %add3A_2425, %add3A_2430 : vector<16xf32>
        %lt3A_2432 = arith.cmpf olt, %add3A_2431, %scan3A_413 : vector<16xf32>
        %convert_element_type3A_2433 = arith.extui %lt3A_2432 : vector<16xi1> to vector<16xi32>
        %broadcast_in_dim3A_2434 = arith.constant true
        %broadcast_in_dim3A_2435 = vector.broadcast %broadcast_in_dim3A_2434 : i1 to vector<16xi1>
        %masked_cumsum3A_2436 = tpu.scan <sum>, %convert_element_type3A_2433 masked %broadcast_in_dim3A_2435 : vector<16xi32>, vector<16xi1> -> vector<16xi32>
        %add3A_2437 = arith.addi %add3A_2353, %masked_cumsum3A_2436 : vector<16xi32>
        tpu.vector_store_idx %arg16[%add3A_2437], %add3A_2431 masked %lt3A_2432 : memref<416xf32, #tpu.memory_space<vmem>>[vector<16xi32>], vector<16xf32>, vector<16xi1>
        tpu.vector_store_idx %arg17[%add3A_2437], %add3A_2365 masked %lt3A_2432 : memref<416xi32, #tpu.memory_space<vmem>>[vector<16xi32>], vector<16xi32>, vector<16xi1>
        %slice3A_2438 = vector.extract_strided_slice %masked_cumsum3A_2436 {offsets = [15], sizes = [1], strides = [1]} : vector<16xi32> to vector<1xi32>
        %squeeze3A_2439 = vector.extract %slice3A_2438[0] : i32 from vector<1xi32>
        %add3A_2440 = vector.broadcast %squeeze3A_2439 : i32 to vector<16xi32>
        %add3A_2441 = arith.addi %add3A_2353, %add3A_2440 : vector<16xi32>
        %add3A_2442 = arith.constant 368 : i32
        %add3A_2443 = arith.addi %mul3A_420, %add3A_2442 : i32
        %get3A_2444 = arith.index_cast %add3A_2443 : i32 to index
        %get3A_2445 = tpu.vector_load %arg8[%get3A_2444] {strides = array<i32>} : memref<10000xf32, #tpu.memory_space<vmem>>, vector<16xf32>,
        %get3A_2446 = arith.index_cast %add3A_2443 : i32 to index
        %get3A_2447 = tpu.vector_load %arg5[%get3A_2446] {strides = array<i32>} : memref<10016xf32, #tpu.memory_space<vmem>>, vector<16xf32>,
        %get3A_2448 = arith.index_cast %add3A_2443 : i32 to index
        %get3A_2449 = tpu.vector_load %arg6[%get3A_2448] {strides = array<i32>} : memref<10016xf32, #tpu.memory_space<vmem>>, vector<16xf32>,
        %get3A_2450 = arith.index_cast %add3A_2443 : i32 to index
        %get3A_2451 = tpu.vector_load %arg7[%get3A_2450] {strides = array<i32>} : memref<10016xf32, #tpu.memory_space<vmem>>, vector<16xf32>,
        %add3A_2452 = vector.broadcast %add3A_2443 : i32 to vector<16xi32>
        %add3A_2453 = arith.addi %iota3A_10, %add3A_2452 : vector<16xi32>
        %mul3A_2454 = vector.broadcast %mul3A_62 : f32 to vector<16xf32>
        %mul3A_2455 = arith.mulf %get3A_2447, %mul3A_2454 : vector<16xf32>
        %add3A_2456 = arith.addf %get3A_2445, %mul3A_2455 : vector<16xf32>
        %mul3A_2457 = vector.broadcast %mul3A_68 : f32 to vector<16xf32>
        %mul3A_2458 = arith.mulf %get3A_2449, %mul3A_2457 : vector<16xf32>
        %mul3A_2459 = vector.broadcast %mul3A_74 : f32 to vector<16xf32>
        %mul3A_2460 = arith.mulf %get3A_2451, %mul3A_2459 : vector<16xf32>
        %add3A_2461 = arith.addf %mul3A_2458, %mul3A_2460 : vector<16xf32>
        %add3A_2462 = arith.addf %add3A_2456, %add3A_2461 : vector<16xf32>
        %lt3A_2463 = arith.cmpf olt, %add3A_2462, %scan3A_401 : vector<16xf32>
        %convert_element_type3A_2464 = arith.extui %lt3A_2463 : vector<16xi1> to vector<16xi32>
        %broadcast_in_dim3A_2465 = arith.constant true
        %broadcast_in_dim3A_2466 = vector.broadcast %broadcast_in_dim3A_2465 : i1 to vector<16xi1>
        %masked_cumsum3A_2467 = tpu.scan <sum>, %convert_element_type3A_2464 masked %broadcast_in_dim3A_2466 : vector<16xi32>, vector<16xi1> -> vector<16xi32>
        %add3A_2468 = arith.addi %add3A_2384, %masked_cumsum3A_2467 : vector<16xi32>
        tpu.vector_store_idx %arg10[%add3A_2468], %add3A_2462 masked %lt3A_2463 : memref<416xf32, #tpu.memory_space<vmem>>[vector<16xi32>], vector<16xf32>, vector<16xi1>
        tpu.vector_store_idx %arg11[%add3A_2468], %add3A_2453 masked %lt3A_2463 : memref<416xi32, #tpu.memory_space<vmem>>[vector<16xi32>], vector<16xi32>, vector<16xi1>
        %slice3A_2469 = vector.extract_strided_slice %masked_cumsum3A_2467 {offsets = [15], sizes = [1], strides = [1]} : vector<16xi32> to vector<1xi32>
        %squeeze3A_2470 = vector.extract %slice3A_2469[0] : i32 from vector<1xi32>
        %add3A_2471 = vector.broadcast %squeeze3A_2470 : i32 to vector<16xi32>
        %add3A_2472 = arith.addi %add3A_2384, %add3A_2471 : vector<16xi32>
        %mul3A_2473 = vector.broadcast %mul3A_80 : f32 to vector<16xf32>
        %mul3A_2474 = arith.mulf %get3A_2447, %mul3A_2473 : vector<16xf32>
        %add3A_2475 = arith.addf %get3A_2445, %mul3A_2474 : vector<16xf32>
        %mul3A_2476 = vector.broadcast %mul3A_86 : f32 to vector<16xf32>
        %mul3A_2477 = arith.mulf %get3A_2449, %mul3A_2476 : vector<16xf32>
        %mul3A_2478 = vector.broadcast %mul3A_92 : f32 to vector<16xf32>
        %mul3A_2479 = arith.mulf %get3A_2451, %mul3A_2478 : vector<16xf32>
        %add3A_2480 = arith.addf %mul3A_2477, %mul3A_2479 : vector<16xf32>
        %add3A_2481 = arith.addf %add3A_2475, %add3A_2480 : vector<16xf32>
        %lt3A_2482 = arith.cmpf olt, %add3A_2481, %scan3A_405 : vector<16xf32>
        %convert_element_type3A_2483 = arith.extui %lt3A_2482 : vector<16xi1> to vector<16xi32>
        %broadcast_in_dim3A_2484 = arith.constant true
        %broadcast_in_dim3A_2485 = vector.broadcast %broadcast_in_dim3A_2484 : i1 to vector<16xi1>
        %masked_cumsum3A_2486 = tpu.scan <sum>, %convert_element_type3A_2483 masked %broadcast_in_dim3A_2485 : vector<16xi32>, vector<16xi1> -> vector<16xi32>
        %add3A_2487 = arith.addi %add3A_2403, %masked_cumsum3A_2486 : vector<16xi32>
        tpu.vector_store_idx %arg12[%add3A_2487], %add3A_2481 masked %lt3A_2482 : memref<416xf32, #tpu.memory_space<vmem>>[vector<16xi32>], vector<16xf32>, vector<16xi1>
        tpu.vector_store_idx %arg13[%add3A_2487], %add3A_2453 masked %lt3A_2482 : memref<416xi32, #tpu.memory_space<vmem>>[vector<16xi32>], vector<16xi32>, vector<16xi1>
        %slice3A_2488 = vector.extract_strided_slice %masked_cumsum3A_2486 {offsets = [15], sizes = [1], strides = [1]} : vector<16xi32> to vector<1xi32>
        %squeeze3A_2489 = vector.extract %slice3A_2488[0] : i32 from vector<1xi32>
        %add3A_2490 = vector.broadcast %squeeze3A_2489 : i32 to vector<16xi32>
        %add3A_2491 = arith.addi %add3A_2403, %add3A_2490 : vector<16xi32>
        %mul3A_2492 = vector.broadcast %mul3A_98 : f32 to vector<16xf32>
        %mul3A_2493 = arith.mulf %get3A_2447, %mul3A_2492 : vector<16xf32>
        %add3A_2494 = arith.addf %get3A_2445, %mul3A_2493 : vector<16xf32>
        %mul3A_2495 = vector.broadcast %mul3A_104 : f32 to vector<16xf32>
        %mul3A_2496 = arith.mulf %get3A_2449, %mul3A_2495 : vector<16xf32>
        %mul3A_2497 = vector.broadcast %mul3A_110 : f32 to vector<16xf32>
        %mul3A_2498 = arith.mulf %get3A_2451, %mul3A_2497 : vector<16xf32>
        %add3A_2499 = arith.addf %mul3A_2496, %mul3A_2498 : vector<16xf32>
        %add3A_2500 = arith.addf %add3A_2494, %add3A_2499 : vector<16xf32>
        %lt3A_2501 = arith.cmpf olt, %add3A_2500, %scan3A_409 : vector<16xf32>
        %convert_element_type3A_2502 = arith.extui %lt3A_2501 : vector<16xi1> to vector<16xi32>
        %broadcast_in_dim3A_2503 = arith.constant true
        %broadcast_in_dim3A_2504 = vector.broadcast %broadcast_in_dim3A_2503 : i1 to vector<16xi1>
        %masked_cumsum3A_2505 = tpu.scan <sum>, %convert_element_type3A_2502 masked %broadcast_in_dim3A_2504 : vector<16xi32>, vector<16xi1> -> vector<16xi32>
        %add3A_2506 = arith.addi %add3A_2422, %masked_cumsum3A_2505 : vector<16xi32>
        tpu.vector_store_idx %arg14[%add3A_2506], %add3A_2500 masked %lt3A_2501 : memref<416xf32, #tpu.memory_space<vmem>>[vector<16xi32>], vector<16xf32>, vector<16xi1>
        tpu.vector_store_idx %arg15[%add3A_2506], %add3A_2453 masked %lt3A_2501 : memref<416xi32, #tpu.memory_space<vmem>>[vector<16xi32>], vector<16xi32>, vector<16xi1>
        %slice3A_2507 = vector.extract_strided_slice %masked_cumsum3A_2505 {offsets = [15], sizes = [1], strides = [1]} : vector<16xi32> to vector<1xi32>
        %squeeze3A_2508 = vector.extract %slice3A_2507[0] : i32 from vector<1xi32>
        %add3A_2509 = vector.broadcast %squeeze3A_2508 : i32 to vector<16xi32>
        %add3A_2510 = arith.addi %add3A_2422, %add3A_2509 : vector<16xi32>
        %mul3A_2511 = vector.broadcast %mul3A_116 : f32 to vector<16xf32>
        %mul3A_2512 = arith.mulf %get3A_2447, %mul3A_2511 : vector<16xf32>
        %add3A_2513 = arith.addf %get3A_2445, %mul3A_2512 : vector<16xf32>
        %mul3A_2514 = vector.broadcast %mul3A_122 : f32 to vector<16xf32>
        %mul3A_2515 = arith.mulf %get3A_2449, %mul3A_2514 : vector<16xf32>
        %mul3A_2516 = vector.broadcast %mul3A_128 : f32 to vector<16xf32>
        %mul3A_2517 = arith.mulf %get3A_2451, %mul3A_2516 : vector<16xf32>
        %add3A_2518 = arith.addf %mul3A_2515, %mul3A_2517 : vector<16xf32>
        %add3A_2519 = arith.addf %add3A_2513, %add3A_2518 : vector<16xf32>
        %lt3A_2520 = arith.cmpf olt, %add3A_2519, %scan3A_413 : vector<16xf32>
        %convert_element_type3A_2521 = arith.extui %lt3A_2520 : vector<16xi1> to vector<16xi32>
        %broadcast_in_dim3A_2522 = arith.constant true
        %broadcast_in_dim3A_2523 = vector.broadcast %broadcast_in_dim3A_2522 : i1 to vector<16xi1>
        %masked_cumsum3A_2524 = tpu.scan <sum>, %convert_element_type3A_2521 masked %broadcast_in_dim3A_2523 : vector<16xi32>, vector<16xi1> -> vector<16xi32>
        %add3A_2525 = arith.addi %add3A_2441, %masked_cumsum3A_2524 : vector<16xi32>
        tpu.vector_store_idx %arg16[%add3A_2525], %add3A_2519 masked %lt3A_2520 : memref<416xf32, #tpu.memory_space<vmem>>[vector<16xi32>], vector<16xf32>, vector<16xi1>
        tpu.vector_store_idx %arg17[%add3A_2525], %add3A_2453 masked %lt3A_2520 : memref<416xi32, #tpu.memory_space<vmem>>[vector<16xi32>], vector<16xi32>, vector<16xi1>
        %slice3A_2526 = vector.extract_strided_slice %masked_cumsum3A_2524 {offsets = [15], sizes = [1], strides = [1]} : vector<16xi32> to vector<1xi32>
        %squeeze3A_2527 = vector.extract %slice3A_2526[0] : i32 from vector<1xi32>
        %add3A_2528 = vector.broadcast %squeeze3A_2527 : i32 to vector<16xi32>
        %add3A_2529 = arith.addi %add3A_2441, %add3A_2528 : vector<16xi32>
        %add3A_2530 = arith.constant 384 : i32
        %add3A_2531 = arith.addi %mul3A_420, %add3A_2530 : i32
        %get3A_2532 = arith.index_cast %add3A_2531 : i32 to index
        %get3A_2533 = tpu.vector_load %arg8[%get3A_2532] {strides = array<i32>} : memref<10000xf32, #tpu.memory_space<vmem>>, vector<16xf32>,
        %get3A_2534 = arith.index_cast %add3A_2531 : i32 to index
        %get3A_2535 = tpu.vector_load %arg5[%get3A_2534] {strides = array<i32>} : memref<10016xf32, #tpu.memory_space<vmem>>, vector<16xf32>,
        %get3A_2536 = arith.index_cast %add3A_2531 : i32 to index
        %get3A_2537 = tpu.vector_load %arg6[%get3A_2536] {strides = array<i32>} : memref<10016xf32, #tpu.memory_space<vmem>>, vector<16xf32>,
        %get3A_2538 = arith.index_cast %add3A_2531 : i32 to index
        %get3A_2539 = tpu.vector_load %arg7[%get3A_2538] {strides = array<i32>} : memref<10016xf32, #tpu.memory_space<vmem>>, vector<16xf32>,
        %add3A_2540 = vector.broadcast %add3A_2531 : i32 to vector<16xi32>
        %add3A_2541 = arith.addi %iota3A_10, %add3A_2540 : vector<16xi32>
        %mul3A_2542 = vector.broadcast %mul3A_62 : f32 to vector<16xf32>
        %mul3A_2543 = arith.mulf %get3A_2535, %mul3A_2542 : vector<16xf32>
        %add3A_2544 = arith.addf %get3A_2533, %mul3A_2543 : vector<16xf32>
        %mul3A_2545 = vector.broadcast %mul3A_68 : f32 to vector<16xf32>
        %mul3A_2546 = arith.mulf %get3A_2537, %mul3A_2545 : vector<16xf32>
        %mul3A_2547 = vector.broadcast %mul3A_74 : f32 to vector<16xf32>
        %mul3A_2548 = arith.mulf %get3A_2539, %mul3A_2547 : vector<16xf32>
        %add3A_2549 = arith.addf %mul3A_2546, %mul3A_2548 : vector<16xf32>
        %add3A_2550 = arith.addf %add3A_2544, %add3A_2549 : vector<16xf32>
        %lt3A_2551 = arith.cmpf olt, %add3A_2550, %scan3A_401 : vector<16xf32>
        %convert_element_type3A_2552 = arith.extui %lt3A_2551 : vector<16xi1> to vector<16xi32>
        %broadcast_in_dim3A_2553 = arith.constant true
        %broadcast_in_dim3A_2554 = vector.broadcast %broadcast_in_dim3A_2553 : i1 to vector<16xi1>
        %masked_cumsum3A_2555 = tpu.scan <sum>, %convert_element_type3A_2552 masked %broadcast_in_dim3A_2554 : vector<16xi32>, vector<16xi1> -> vector<16xi32>
        %add3A_2556 = arith.addi %add3A_2472, %masked_cumsum3A_2555 : vector<16xi32>
        tpu.vector_store_idx %arg10[%add3A_2556], %add3A_2550 masked %lt3A_2551 : memref<416xf32, #tpu.memory_space<vmem>>[vector<16xi32>], vector<16xf32>, vector<16xi1>
        tpu.vector_store_idx %arg11[%add3A_2556], %add3A_2541 masked %lt3A_2551 : memref<416xi32, #tpu.memory_space<vmem>>[vector<16xi32>], vector<16xi32>, vector<16xi1>
        %slice3A_2557 = vector.extract_strided_slice %masked_cumsum3A_2555 {offsets = [15], sizes = [1], strides = [1]} : vector<16xi32> to vector<1xi32>
        %squeeze3A_2558 = vector.extract %slice3A_2557[0] : i32 from vector<1xi32>
        %add3A_2559 = vector.broadcast %squeeze3A_2558 : i32 to vector<16xi32>
        %add3A_2560 = arith.addi %add3A_2472, %add3A_2559 : vector<16xi32>
        %mul3A_2561 = vector.broadcast %mul3A_80 : f32 to vector<16xf32>
        %mul3A_2562 = arith.mulf %get3A_2535, %mul3A_2561 : vector<16xf32>
        %add3A_2563 = arith.addf %get3A_2533, %mul3A_2562 : vector<16xf32>
        %mul3A_2564 = vector.broadcast %mul3A_86 : f32 to vector<16xf32>
        %mul3A_2565 = arith.mulf %get3A_2537, %mul3A_2564 : vector<16xf32>
        %mul3A_2566 = vector.broadcast %mul3A_92 : f32 to vector<16xf32>
        %mul3A_2567 = arith.mulf %get3A_2539, %mul3A_2566 : vector<16xf32>
        %add3A_2568 = arith.addf %mul3A_2565, %mul3A_2567 : vector<16xf32>
        %add3A_2569 = arith.addf %add3A_2563, %add3A_2568 : vector<16xf32>
        %lt3A_2570 = arith.cmpf olt, %add3A_2569, %scan3A_405 : vector<16xf32>
        %convert_element_type3A_2571 = arith.extui %lt3A_2570 : vector<16xi1> to vector<16xi32>
        %broadcast_in_dim3A_2572 = arith.constant true
        %broadcast_in_dim3A_2573 = vector.broadcast %broadcast_in_dim3A_2572 : i1 to vector<16xi1>
        %masked_cumsum3A_2574 = tpu.scan <sum>, %convert_element_type3A_2571 masked %broadcast_in_dim3A_2573 : vector<16xi32>, vector<16xi1> -> vector<16xi32>
        %add3A_2575 = arith.addi %add3A_2491, %masked_cumsum3A_2574 : vector<16xi32>
        tpu.vector_store_idx %arg12[%add3A_2575], %add3A_2569 masked %lt3A_2570 : memref<416xf32, #tpu.memory_space<vmem>>[vector<16xi32>], vector<16xf32>, vector<16xi1>
        tpu.vector_store_idx %arg13[%add3A_2575], %add3A_2541 masked %lt3A_2570 : memref<416xi32, #tpu.memory_space<vmem>>[vector<16xi32>], vector<16xi32>, vector<16xi1>
        %slice3A_2576 = vector.extract_strided_slice %masked_cumsum3A_2574 {offsets = [15], sizes = [1], strides = [1]} : vector<16xi32> to vector<1xi32>
        %squeeze3A_2577 = vector.extract %slice3A_2576[0] : i32 from vector<1xi32>
        %add3A_2578 = vector.broadcast %squeeze3A_2577 : i32 to vector<16xi32>
        %add3A_2579 = arith.addi %add3A_2491, %add3A_2578 : vector<16xi32>
        %mul3A_2580 = vector.broadcast %mul3A_98 : f32 to vector<16xf32>
        %mul3A_2581 = arith.mulf %get3A_2535, %mul3A_2580 : vector<16xf32>
        %add3A_2582 = arith.addf %get3A_2533, %mul3A_2581 : vector<16xf32>
        %mul3A_2583 = vector.broadcast %mul3A_104 : f32 to vector<16xf32>
        %mul3A_2584 = arith.mulf %get3A_2537, %mul3A_2583 : vector<16xf32>
        %mul3A_2585 = vector.broadcast %mul3A_110 : f32 to vector<16xf32>
        %mul3A_2586 = arith.mulf %get3A_2539, %mul3A_2585 : vector<16xf32>
        %add3A_2587 = arith.addf %mul3A_2584, %mul3A_2586 : vector<16xf32>
        %add3A_2588 = arith.addf %add3A_2582, %add3A_2587 : vector<16xf32>
        %lt3A_2589 = arith.cmpf olt, %add3A_2588, %scan3A_409 : vector<16xf32>
        %convert_element_type3A_2590 = arith.extui %lt3A_2589 : vector<16xi1> to vector<16xi32>
        %broadcast_in_dim3A_2591 = arith.constant true
        %broadcast_in_dim3A_2592 = vector.broadcast %broadcast_in_dim3A_2591 : i1 to vector<16xi1>
        %masked_cumsum3A_2593 = tpu.scan <sum>, %convert_element_type3A_2590 masked %broadcast_in_dim3A_2592 : vector<16xi32>, vector<16xi1> -> vector<16xi32>
        %add3A_2594 = arith.addi %add3A_2510, %masked_cumsum3A_2593 : vector<16xi32>
        tpu.vector_store_idx %arg14[%add3A_2594], %add3A_2588 masked %lt3A_2589 : memref<416xf32, #tpu.memory_space<vmem>>[vector<16xi32>], vector<16xf32>, vector<16xi1>
        tpu.vector_store_idx %arg15[%add3A_2594], %add3A_2541 masked %lt3A_2589 : memref<416xi32, #tpu.memory_space<vmem>>[vector<16xi32>], vector<16xi32>, vector<16xi1>
        %slice3A_2595 = vector.extract_strided_slice %masked_cumsum3A_2593 {offsets = [15], sizes = [1], strides = [1]} : vector<16xi32> to vector<1xi32>
        %squeeze3A_2596 = vector.extract %slice3A_2595[0] : i32 from vector<1xi32>
        %add3A_2597 = vector.broadcast %squeeze3A_2596 : i32 to vector<16xi32>
        %add3A_2598 = arith.addi %add3A_2510, %add3A_2597 : vector<16xi32>
        %mul3A_2599 = vector.broadcast %mul3A_116 : f32 to vector<16xf32>
        %mul3A_2600 = arith.mulf %get3A_2535, %mul3A_2599 : vector<16xf32>
        %add3A_2601 = arith.addf %get3A_2533, %mul3A_2600 : vector<16xf32>
        %mul3A_2602 = vector.broadcast %mul3A_122 : f32 to vector<16xf32>
        %mul3A_2603 = arith.mulf %get3A_2537, %mul3A_2602 : vector<16xf32>
        %mul3A_2604 = vector.broadcast %mul3A_128 : f32 to vector<16xf32>
        %mul3A_2605 = arith.mulf %get3A_2539, %mul3A_2604 : vector<16xf32>
        %add3A_2606 = arith.addf %mul3A_2603, %mul3A_2605 : vector<16xf32>
        %add3A_2607 = arith.addf %add3A_2601, %add3A_2606 : vector<16xf32>
        %lt3A_2608 = arith.cmpf olt, %add3A_2607, %scan3A_413 : vector<16xf32>
        %convert_element_type3A_2609 = arith.extui %lt3A_2608 : vector<16xi1> to vector<16xi32>
        %broadcast_in_dim3A_2610 = arith.constant true
        %broadcast_in_dim3A_2611 = vector.broadcast %broadcast_in_dim3A_2610 : i1 to vector<16xi1>
        %masked_cumsum3A_2612 = tpu.scan <sum>, %convert_element_type3A_2609 masked %broadcast_in_dim3A_2611 : vector<16xi32>, vector<16xi1> -> vector<16xi32>
        %add3A_2613 = arith.addi %add3A_2529, %masked_cumsum3A_2612 : vector<16xi32>
        tpu.vector_store_idx %arg16[%add3A_2613], %add3A_2607 masked %lt3A_2608 : memref<416xf32, #tpu.memory_space<vmem>>[vector<16xi32>], vector<16xf32>, vector<16xi1>
        tpu.vector_store_idx %arg17[%add3A_2613], %add3A_2541 masked %lt3A_2608 : memref<416xi32, #tpu.memory_space<vmem>>[vector<16xi32>], vector<16xi32>, vector<16xi1>
        %slice3A_2614 = vector.extract_strided_slice %masked_cumsum3A_2612 {offsets = [15], sizes = [1], strides = [1]} : vector<16xi32> to vector<1xi32>
        %squeeze3A_2615 = vector.extract %slice3A_2614[0] : i32 from vector<1xi32>
        %add3A_2616 = vector.broadcast %squeeze3A_2615 : i32 to vector<16xi32>
        %add3A_2617 = arith.addi %add3A_2529, %add3A_2616 : vector<16xi32>
        %add3A_2618 = arith.constant 400 : i32
        %add3A_2619 = arith.addi %mul3A_420, %add3A_2618 : i32
        %get3A_2620 = arith.index_cast %add3A_2619 : i32 to index
        %get3A_2621 = tpu.vector_load %arg8[%get3A_2620] {strides = array<i32>} : memref<10000xf32, #tpu.memory_space<vmem>>, vector<16xf32>,
        %get3A_2622 = arith.index_cast %add3A_2619 : i32 to index
        %get3A_2623 = tpu.vector_load %arg5[%get3A_2622] {strides = array<i32>} : memref<10016xf32, #tpu.memory_space<vmem>>, vector<16xf32>,
        %get3A_2624 = arith.index_cast %add3A_2619 : i32 to index
        %get3A_2625 = tpu.vector_load %arg6[%get3A_2624] {strides = array<i32>} : memref<10016xf32, #tpu.memory_space<vmem>>, vector<16xf32>,
        %get3A_2626 = arith.index_cast %add3A_2619 : i32 to index
        %get3A_2627 = tpu.vector_load %arg7[%get3A_2626] {strides = array<i32>} : memref<10016xf32, #tpu.memory_space<vmem>>, vector<16xf32>,
        %add3A_2628 = vector.broadcast %add3A_2619 : i32 to vector<16xi32>
        %add3A_2629 = arith.addi %iota3A_10, %add3A_2628 : vector<16xi32>
        %mul3A_2630 = vector.broadcast %mul3A_62 : f32 to vector<16xf32>
        %mul3A_2631 = arith.mulf %get3A_2623, %mul3A_2630 : vector<16xf32>
        %add3A_2632 = arith.addf %get3A_2621, %mul3A_2631 : vector<16xf32>
        %mul3A_2633 = vector.broadcast %mul3A_68 : f32 to vector<16xf32>
        %mul3A_2634 = arith.mulf %get3A_2625, %mul3A_2633 : vector<16xf32>
        %mul3A_2635 = vector.broadcast %mul3A_74 : f32 to vector<16xf32>
        %mul3A_2636 = arith.mulf %get3A_2627, %mul3A_2635 : vector<16xf32>
        %add3A_2637 = arith.addf %mul3A_2634, %mul3A_2636 : vector<16xf32>
        %add3A_2638 = arith.addf %add3A_2632, %add3A_2637 : vector<16xf32>
        %lt3A_2639 = arith.cmpf olt, %add3A_2638, %scan3A_401 : vector<16xf32>
        %convert_element_type3A_2640 = arith.extui %lt3A_2639 : vector<16xi1> to vector<16xi32>
        %broadcast_in_dim3A_2641 = arith.constant true
        %broadcast_in_dim3A_2642 = vector.broadcast %broadcast_in_dim3A_2641 : i1 to vector<16xi1>
        %masked_cumsum3A_2643 = tpu.scan <sum>, %convert_element_type3A_2640 masked %broadcast_in_dim3A_2642 : vector<16xi32>, vector<16xi1> -> vector<16xi32>
        %add3A_2644 = arith.addi %add3A_2560, %masked_cumsum3A_2643 : vector<16xi32>
        tpu.vector_store_idx %arg10[%add3A_2644], %add3A_2638 masked %lt3A_2639 : memref<416xf32, #tpu.memory_space<vmem>>[vector<16xi32>], vector<16xf32>, vector<16xi1>
        tpu.vector_store_idx %arg11[%add3A_2644], %add3A_2629 masked %lt3A_2639 : memref<416xi32, #tpu.memory_space<vmem>>[vector<16xi32>], vector<16xi32>, vector<16xi1>
        %slice3A_2645 = vector.extract_strided_slice %masked_cumsum3A_2643 {offsets = [15], sizes = [1], strides = [1]} : vector<16xi32> to vector<1xi32>
        %squeeze3A_2646 = vector.extract %slice3A_2645[0] : i32 from vector<1xi32>
        %add3A_2647 = vector.broadcast %squeeze3A_2646 : i32 to vector<16xi32>
        %add3A_2648 = arith.addi %add3A_2560, %add3A_2647 : vector<16xi32>
        %mul3A_2649 = vector.broadcast %mul3A_80 : f32 to vector<16xf32>
        %mul3A_2650 = arith.mulf %get3A_2623, %mul3A_2649 : vector<16xf32>
        %add3A_2651 = arith.addf %get3A_2621, %mul3A_2650 : vector<16xf32>
        %mul3A_2652 = vector.broadcast %mul3A_86 : f32 to vector<16xf32>
        %mul3A_2653 = arith.mulf %get3A_2625, %mul3A_2652 : vector<16xf32>
        %mul3A_2654 = vector.broadcast %mul3A_92 : f32 to vector<16xf32>
        %mul3A_2655 = arith.mulf %get3A_2627, %mul3A_2654 : vector<16xf32>
        %add3A_2656 = arith.addf %mul3A_2653, %mul3A_2655 : vector<16xf32>
        %add3A_2657 = arith.addf %add3A_2651, %add3A_2656 : vector<16xf32>
        %lt3A_2658 = arith.cmpf olt, %add3A_2657, %scan3A_405 : vector<16xf32>
        %convert_element_type3A_2659 = arith.extui %lt3A_2658 : vector<16xi1> to vector<16xi32>
        %broadcast_in_dim3A_2660 = arith.constant true
        %broadcast_in_dim3A_2661 = vector.broadcast %broadcast_in_dim3A_2660 : i1 to vector<16xi1>
        %masked_cumsum3A_2662 = tpu.scan <sum>, %convert_element_type3A_2659 masked %broadcast_in_dim3A_2661 : vector<16xi32>, vector<16xi1> -> vector<16xi32>
        %add3A_2663 = arith.addi %add3A_2579, %masked_cumsum3A_2662 : vector<16xi32>
        tpu.vector_store_idx %arg12[%add3A_2663], %add3A_2657 masked %lt3A_2658 : memref<416xf32, #tpu.memory_space<vmem>>[vector<16xi32>], vector<16xf32>, vector<16xi1>
        tpu.vector_store_idx %arg13[%add3A_2663], %add3A_2629 masked %lt3A_2658 : memref<416xi32, #tpu.memory_space<vmem>>[vector<16xi32>], vector<16xi32>, vector<16xi1>
        %slice3A_2664 = vector.extract_strided_slice %masked_cumsum3A_2662 {offsets = [15], sizes = [1], strides = [1]} : vector<16xi32> to vector<1xi32>
        %squeeze3A_2665 = vector.extract %slice3A_2664[0] : i32 from vector<1xi32>
        %add3A_2666 = vector.broadcast %squeeze3A_2665 : i32 to vector<16xi32>
        %add3A_2667 = arith.addi %add3A_2579, %add3A_2666 : vector<16xi32>
        %mul3A_2668 = vector.broadcast %mul3A_98 : f32 to vector<16xf32>
        %mul3A_2669 = arith.mulf %get3A_2623, %mul3A_2668 : vector<16xf32>
        %add3A_2670 = arith.addf %get3A_2621, %mul3A_2669 : vector<16xf32>
        %mul3A_2671 = vector.broadcast %mul3A_104 : f32 to vector<16xf32>
        %mul3A_2672 = arith.mulf %get3A_2625, %mul3A_2671 : vector<16xf32>
        %mul3A_2673 = vector.broadcast %mul3A_110 : f32 to vector<16xf32>
        %mul3A_2674 = arith.mulf %get3A_2627, %mul3A_2673 : vector<16xf32>
        %add3A_2675 = arith.addf %mul3A_2672, %mul3A_2674 : vector<16xf32>
        %add3A_2676 = arith.addf %add3A_2670, %add3A_2675 : vector<16xf32>
        %lt3A_2677 = arith.cmpf olt, %add3A_2676, %scan3A_409 : vector<16xf32>
        %convert_element_type3A_2678 = arith.extui %lt3A_2677 : vector<16xi1> to vector<16xi32>
        %broadcast_in_dim3A_2679 = arith.constant true
        %broadcast_in_dim3A_2680 = vector.broadcast %broadcast_in_dim3A_2679 : i1 to vector<16xi1>
        %masked_cumsum3A_2681 = tpu.scan <sum>, %convert_element_type3A_2678 masked %broadcast_in_dim3A_2680 : vector<16xi32>, vector<16xi1> -> vector<16xi32>
        %add3A_2682 = arith.addi %add3A_2598, %masked_cumsum3A_2681 : vector<16xi32>
        tpu.vector_store_idx %arg14[%add3A_2682], %add3A_2676 masked %lt3A_2677 : memref<416xf32, #tpu.memory_space<vmem>>[vector<16xi32>], vector<16xf32>, vector<16xi1>
        tpu.vector_store_idx %arg15[%add3A_2682], %add3A_2629 masked %lt3A_2677 : memref<416xi32, #tpu.memory_space<vmem>>[vector<16xi32>], vector<16xi32>, vector<16xi1>
        %slice3A_2683 = vector.extract_strided_slice %masked_cumsum3A_2681 {offsets = [15], sizes = [1], strides = [1]} : vector<16xi32> to vector<1xi32>
        %squeeze3A_2684 = vector.extract %slice3A_2683[0] : i32 from vector<1xi32>
        %add3A_2685 = vector.broadcast %squeeze3A_2684 : i32 to vector<16xi32>
        %add3A_2686 = arith.addi %add3A_2598, %add3A_2685 : vector<16xi32>
        %mul3A_2687 = vector.broadcast %mul3A_116 : f32 to vector<16xf32>
        %mul3A_2688 = arith.mulf %get3A_2623, %mul3A_2687 : vector<16xf32>
        %add3A_2689 = arith.addf %get3A_2621, %mul3A_2688 : vector<16xf32>
        %mul3A_2690 = vector.broadcast %mul3A_122 : f32 to vector<16xf32>
        %mul3A_2691 = arith.mulf %get3A_2625, %mul3A_2690 : vector<16xf32>
        %mul3A_2692 = vector.broadcast %mul3A_128 : f32 to vector<16xf32>
        %mul3A_2693 = arith.mulf %get3A_2627, %mul3A_2692 : vector<16xf32>
        %add3A_2694 = arith.addf %mul3A_2691, %mul3A_2693 : vector<16xf32>
        %add3A_2695 = arith.addf %add3A_2689, %add3A_2694 : vector<16xf32>
        %lt3A_2696 = arith.cmpf olt, %add3A_2695, %scan3A_413 : vector<16xf32>
        %convert_element_type3A_2697 = arith.extui %lt3A_2696 : vector<16xi1> to vector<16xi32>
        %broadcast_in_dim3A_2698 = arith.constant true
        %broadcast_in_dim3A_2699 = vector.broadcast %broadcast_in_dim3A_2698 : i1 to vector<16xi1>
        %masked_cumsum3A_2700 = tpu.scan <sum>, %convert_element_type3A_2697 masked %broadcast_in_dim3A_2699 : vector<16xi32>, vector<16xi1> -> vector<16xi32>
        %add3A_2701 = arith.addi %add3A_2617, %masked_cumsum3A_2700 : vector<16xi32>
        tpu.vector_store_idx %arg16[%add3A_2701], %add3A_2695 masked %lt3A_2696 : memref<416xf32, #tpu.memory_space<vmem>>[vector<16xi32>], vector<16xf32>, vector<16xi1>
        tpu.vector_store_idx %arg17[%add3A_2701], %add3A_2629 masked %lt3A_2696 : memref<416xi32, #tpu.memory_space<vmem>>[vector<16xi32>], vector<16xi32>, vector<16xi1>
        %slice3A_2702 = vector.extract_strided_slice %masked_cumsum3A_2700 {offsets = [15], sizes = [1], strides = [1]} : vector<16xi32> to vector<1xi32>
        %squeeze3A_2703 = vector.extract %slice3A_2702[0] : i32 from vector<1xi32>
        %add3A_2704 = vector.broadcast %squeeze3A_2703 : i32 to vector<16xi32>
        %add3A_2705 = arith.addi %add3A_2617, %add3A_2704 : vector<16xi32>
        %slice3A_2706 = vector.extract_strided_slice %add3A_2648 {offsets = [0], sizes = [1], strides = [1]} : vector<16xi32> to vector<1xi32>
        %squeeze3A_2707 = vector.extract %slice3A_2706[0] : i32 from vector<1xi32>
        %add3A_2708 = arith.constant 1 : i32
        %add3A_2709 = arith.addi %squeeze3A_2707, %add3A_2708 : i32
        %gt3A = arith.constant 0 : i32
        %gt3A_2710 = arith.cmpi sgt, %add3A_2709, %gt3A : i32
        %convert_element_type3A_2711 = arith.extui %gt3A_2710 : i1 to i32
        %cond3A = arith.constant 0 : i32
        %cond3A_2712 = arith.cmpi ne, %convert_element_type3A_2711, %cond3A : i32
        %cond3A_2713:2 = scf.if %cond3A_2712 -> (vector<16xf32>, vector<16xi32>) {
          %add3A_2756 = arith.constant 15 : i32
          %add3A_2757 = arith.addi %add3A_2709, %add3A_2756 : i32
          %shift_right_arithmetic3A = arith.constant 4 : i32
          %shift_right_arithmetic3A_2758 = arith.shrsi %add3A_2757, %shift_right_arithmetic3A : i32
          %while3A = arith.constant 0 : i32
          %while3A_2759 = arith.subi %shift_right_arithmetic3A_2758, %while3A : i32
          %while3A_2760 = arith.addi %while3A, %while3A_2759 : i32
          %while3A_2761 = arith.constant 1 : i32
          %while3A_2762 = arith.divsi %while3A_2759, %while3A_2761 : i32
          %while3A_2763 = arith.muli %while3A_2762, %while3A_2761 : i32
          %while3A_2764 = arith.addi %while3A, %while3A_2763 : i32
          %while3A_2765 = arith.constant 1 : i32
          %while3A_2766:2 = scf.for %while3A_2769 = %while3A to %while3A_2764 step %while3A_2765 iter_args(%while3A_2770 = %scan3A_399, %while3A_2771 = %scan3A_400) -> (vector<16xf32>, vector<16xi32>)  : i32 {
            %mul3A_2772 = arith.constant 16 : i32
            %mul3A_2773 = arith.muli %while3A_2769, %mul3A_2772 : i32
            %get3A_2774 = arith.index_cast %mul3A_2773 : i32 to index
            %get3A_2775 = tpu.vector_load %arg10[%get3A_2774] {strides = array<i32>} : memref<416xf32, #tpu.memory_space<vmem>>, vector<16xf32>,
            %get3A_2776 = arith.index_cast %mul3A_2773 : i32 to index
            %get3A_2777 = tpu.vector_load %arg11[%get3A_2776] {strides = array<i32>} : memref<416xi32, #tpu.memory_space<vmem>>, vector<16xi32>,
            %sub3A = arith.subi %add3A_2709, %mul3A_2773 : i32
            %lt3A_2778 = vector.broadcast %sub3A : i32 to vector<16xi32>
            %lt3A_2779 = arith.cmpi slt, %iota3A_10, %lt3A_2778 : vector<16xi32>
            %jit3A_2780 = arith.constant 0x7F800000 : f32
            %broadcast_in_dim3A_2781 = vector.broadcast %jit3A_2780 : f32 to vector<16xf32>
            %select_n3A_2782 = arith.select %lt3A_2779, %get3A_2775, %broadcast_in_dim3A_2781 : vector<16xi1>, vector<16xf32>
            %eq3A_2783 = vector.broadcast %min3A_32 : i32 to vector<16xi32>
            %eq3A_2784 = arith.cmpi eq, %get3A_2777, %eq3A_2783 : vector<16xi32>
            %jit3A_2785 = arith.constant 0x7F800000 : f32
            %broadcast_in_dim3A_2786 = vector.broadcast %jit3A_2785 : f32 to vector<16xf32>
            %select_n3A_2787 = arith.select %eq3A_2784, %broadcast_in_dim3A_2786, %select_n3A_2782 : vector<16xi1>, vector<16xf32>
            %masked_sort3A_2788 = arith.constant dense<true> : vector<16xi1>
            %masked_sort3A_2789, %masked_sort3A_2790, %masked_sort3A_2791 = tpu.sort %select_n3A_2787, %get3A_2777 masked %masked_sort3A_2788 : (vector<16xf32>, vector<16xi32>, vector<16xi1>) -> (vector<16xi1>, vector<16xf32>, vector<16xi32>)
            %rev3A = arith.constant 15 : i32
            %rev3A_2792 = vector.broadcast %rev3A : i32 to vector<16xi32>
            %rev3A_2793 = tpu.iota {dimensions = array<i32: 0>} : vector<16xi32>
            %rev3A_2794 = arith.subi %rev3A_2792, %rev3A_2793 : vector<16xi32>
            %rev3A_2795 = tpu.dynamic_gather %masked_sort3A_2790[%rev3A_2794] in [0] : vector<16xf32>, vector<16xi32> -> vector<16xf32>
            %rev3A_2796 = arith.constant 15 : i32
            %rev3A_2797 = vector.broadcast %rev3A_2796 : i32 to vector<16xi32>
            %rev3A_2798 = tpu.iota {dimensions = array<i32: 0>} : vector<16xi32>
            %rev3A_2799 = arith.subi %rev3A_2797, %rev3A_2798 : vector<16xi32>
            %rev3A_2800 = tpu.dynamic_gather %masked_sort3A_2791[%rev3A_2799] in [0] : vector<16xi32>, vector<16xi32> -> vector<16xi32>
            %lt3A_2801 = arith.cmpf olt, %rev3A_2795, %while3A_2770 : vector<16xf32>
            %select_n3A_2802 = arith.select %lt3A_2801, %rev3A_2795, %while3A_2770 : vector<16xi1>, vector<16xf32>
            %select_n3A_2803 = arith.select %lt3A_2801, %rev3A_2800, %while3A_2771 : vector<16xi1>, vector<16xi32>
            %masked_sort3A_2804 = arith.constant dense<true> : vector<16xi1>
            %masked_sort3A_2805, %masked_sort3A_2806, %masked_sort3A_2807 = tpu.sort %select_n3A_2802, %select_n3A_2803 masked %masked_sort3A_2804 : (vector<16xf32>, vector<16xi32>, vector<16xi1>) -> (vector<16xi1>, vector<16xf32>, vector<16xi32>)
            scf.yield %masked_sort3A_2806, %masked_sort3A_2807 : vector<16xf32>, vector<16xi32>
          }
          %while3A_2767 = arith.constant 1 : i32
          %while3A_2768:2 = scf.for %while3A_2769 = %while3A_2764 to %while3A_2760 step %while3A_2767 iter_args(%while3A_2770 = %while3A_2766#0, %while3A_2771 = %while3A_2766#1) -> (vector<16xf32>, vector<16xi32>)  : i32 {
            %mul3A_2772 = arith.constant 16 : i32
            %mul3A_2773 = arith.muli %while3A_2769, %mul3A_2772 : i32
            %get3A_2774 = arith.index_cast %mul3A_2773 : i32 to index
            %get3A_2775 = tpu.vector_load %arg10[%get3A_2774] {strides = array<i32>} : memref<416xf32, #tpu.memory_space<vmem>>, vector<16xf32>,
            %get3A_2776 = arith.index_cast %mul3A_2773 : i32 to index
            %get3A_2777 = tpu.vector_load %arg11[%get3A_2776] {strides = array<i32>} : memref<416xi32, #tpu.memory_space<vmem>>, vector<16xi32>,
            %sub3A = arith.subi %add3A_2709, %mul3A_2773 : i32
            %lt3A_2778 = vector.broadcast %sub3A : i32 to vector<16xi32>
            %lt3A_2779 = arith.cmpi slt, %iota3A_10, %lt3A_2778 : vector<16xi32>
            %jit3A_2780 = arith.constant 0x7F800000 : f32
            %broadcast_in_dim3A_2781 = vector.broadcast %jit3A_2780 : f32 to vector<16xf32>
            %select_n3A_2782 = arith.select %lt3A_2779, %get3A_2775, %broadcast_in_dim3A_2781 : vector<16xi1>, vector<16xf32>
            %eq3A_2783 = vector.broadcast %min3A_32 : i32 to vector<16xi32>
            %eq3A_2784 = arith.cmpi eq, %get3A_2777, %eq3A_2783 : vector<16xi32>
            %jit3A_2785 = arith.constant 0x7F800000 : f32
            %broadcast_in_dim3A_2786 = vector.broadcast %jit3A_2785 : f32 to vector<16xf32>
            %select_n3A_2787 = arith.select %eq3A_2784, %broadcast_in_dim3A_2786, %select_n3A_2782 : vector<16xi1>, vector<16xf32>
            %masked_sort3A_2788 = arith.constant dense<true> : vector<16xi1>
            %masked_sort3A_2789, %masked_sort3A_2790, %masked_sort3A_2791 = tpu.sort %select_n3A_2787, %get3A_2777 masked %masked_sort3A_2788 : (vector<16xf32>, vector<16xi32>, vector<16xi1>) -> (vector<16xi1>, vector<16xf32>, vector<16xi32>)
            %rev3A = arith.constant 15 : i32
            %rev3A_2792 = vector.broadcast %rev3A : i32 to vector<16xi32>
            %rev3A_2793 = tpu.iota {dimensions = array<i32: 0>} : vector<16xi32>
            %rev3A_2794 = arith.subi %rev3A_2792, %rev3A_2793 : vector<16xi32>
            %rev3A_2795 = tpu.dynamic_gather %masked_sort3A_2790[%rev3A_2794] in [0] : vector<16xf32>, vector<16xi32> -> vector<16xf32>
            %rev3A_2796 = arith.constant 15 : i32
            %rev3A_2797 = vector.broadcast %rev3A_2796 : i32 to vector<16xi32>
            %rev3A_2798 = tpu.iota {dimensions = array<i32: 0>} : vector<16xi32>
            %rev3A_2799 = arith.subi %rev3A_2797, %rev3A_2798 : vector<16xi32>
            %rev3A_2800 = tpu.dynamic_gather %masked_sort3A_2791[%rev3A_2799] in [0] : vector<16xi32>, vector<16xi32> -> vector<16xi32>
            %lt3A_2801 = arith.cmpf olt, %rev3A_2795, %while3A_2770 : vector<16xf32>
            %select_n3A_2802 = arith.select %lt3A_2801, %rev3A_2795, %while3A_2770 : vector<16xi1>, vector<16xf32>
            %select_n3A_2803 = arith.select %lt3A_2801, %rev3A_2800, %while3A_2771 : vector<16xi1>, vector<16xi32>
            %masked_sort3A_2804 = arith.constant dense<true> : vector<16xi1>
            %masked_sort3A_2805, %masked_sort3A_2806, %masked_sort3A_2807 = tpu.sort %select_n3A_2802, %select_n3A_2803 masked %masked_sort3A_2804 : (vector<16xf32>, vector<16xi32>, vector<16xi1>) -> (vector<16xi1>, vector<16xf32>, vector<16xi32>)
            scf.yield %masked_sort3A_2806, %masked_sort3A_2807 : vector<16xf32>, vector<16xi32>
          }
          scf.yield %while3A_2768#0, %while3A_2768#1 : vector<16xf32>, vector<16xi32>
        } else {
          scf.yield %scan3A_399, %scan3A_400 : vector<16xf32>, vector<16xi32>
        }
        %slice3A_2714 = vector.extract_strided_slice %cond3A_2713#0 {offsets = [15], sizes = [1], strides = [1]} : vector<16xf32> to vector<1xf32>
        %squeeze3A_2715 = vector.extract %slice3A_2714[0] : f32 from vector<1xf32>
        %broadcast_in_dim3A_2716 = vector.broadcast %squeeze3A_2715 : f32 to vector<16xf32>
        %slice3A_2717 = vector.extract_strided_slice %add3A_2667 {offsets = [0], sizes = [1], strides = [1]} : vector<16xi32> to vector<1xi32>
        %squeeze3A_2718 = vector.extract %slice3A_2717[0] : i32 from vector<1xi32>
        %add3A_2719 = arith.constant 1 : i32
        %add3A_2720 = arith.addi %squeeze3A_2718, %add3A_2719 : i32
        %gt3A_2721 = arith.constant 0 : i32
        %gt3A_2722 = arith.cmpi sgt, %add3A_2720, %gt3A_2721 : i32
        %convert_element_type3A_2723 = arith.extui %gt3A_2722 : i1 to i32
        %cond3A_2724 = arith.constant 0 : i32
        %cond3A_2725 = arith.cmpi ne, %convert_element_type3A_2723, %cond3A_2724 : i32
        %cond3A_2726:2 = scf.if %cond3A_2725 -> (vector<16xf32>, vector<16xi32>) {
          %add3A_2756 = arith.constant 15 : i32
          %add3A_2757 = arith.addi %add3A_2720, %add3A_2756 : i32
          %shift_right_arithmetic3A = arith.constant 4 : i32
          %shift_right_arithmetic3A_2758 = arith.shrsi %add3A_2757, %shift_right_arithmetic3A : i32
          %while3A = arith.constant 0 : i32
          %while3A_2759 = arith.subi %shift_right_arithmetic3A_2758, %while3A : i32
          %while3A_2760 = arith.addi %while3A, %while3A_2759 : i32
          %while3A_2761 = arith.constant 1 : i32
          %while3A_2762 = arith.divsi %while3A_2759, %while3A_2761 : i32
          %while3A_2763 = arith.muli %while3A_2762, %while3A_2761 : i32
          %while3A_2764 = arith.addi %while3A, %while3A_2763 : i32
          %while3A_2765 = arith.constant 1 : i32
          %while3A_2766:2 = scf.for %while3A_2769 = %while3A to %while3A_2764 step %while3A_2765 iter_args(%while3A_2770 = %scan3A_403, %while3A_2771 = %scan3A_404) -> (vector<16xf32>, vector<16xi32>)  : i32 {
            %mul3A_2772 = arith.constant 16 : i32
            %mul3A_2773 = arith.muli %while3A_2769, %mul3A_2772 : i32
            %get3A_2774 = arith.index_cast %mul3A_2773 : i32 to index
            %get3A_2775 = tpu.vector_load %arg12[%get3A_2774] {strides = array<i32>} : memref<416xf32, #tpu.memory_space<vmem>>, vector<16xf32>,
            %get3A_2776 = arith.index_cast %mul3A_2773 : i32 to index
            %get3A_2777 = tpu.vector_load %arg13[%get3A_2776] {strides = array<i32>} : memref<416xi32, #tpu.memory_space<vmem>>, vector<16xi32>,
            %sub3A = arith.subi %add3A_2720, %mul3A_2773 : i32
            %lt3A_2778 = vector.broadcast %sub3A : i32 to vector<16xi32>
            %lt3A_2779 = arith.cmpi slt, %iota3A_10, %lt3A_2778 : vector<16xi32>
            %jit3A_2780 = arith.constant 0x7F800000 : f32
            %broadcast_in_dim3A_2781 = vector.broadcast %jit3A_2780 : f32 to vector<16xf32>
            %select_n3A_2782 = arith.select %lt3A_2779, %get3A_2775, %broadcast_in_dim3A_2781 : vector<16xi1>, vector<16xf32>
            %eq3A_2783 = vector.broadcast %min3A_41 : i32 to vector<16xi32>
            %eq3A_2784 = arith.cmpi eq, %get3A_2777, %eq3A_2783 : vector<16xi32>
            %jit3A_2785 = arith.constant 0x7F800000 : f32
            %broadcast_in_dim3A_2786 = vector.broadcast %jit3A_2785 : f32 to vector<16xf32>
            %select_n3A_2787 = arith.select %eq3A_2784, %broadcast_in_dim3A_2786, %select_n3A_2782 : vector<16xi1>, vector<16xf32>
            %masked_sort3A_2788 = arith.constant dense<true> : vector<16xi1>
            %masked_sort3A_2789, %masked_sort3A_2790, %masked_sort3A_2791 = tpu.sort %select_n3A_2787, %get3A_2777 masked %masked_sort3A_2788 : (vector<16xf32>, vector<16xi32>, vector<16xi1>) -> (vector<16xi1>, vector<16xf32>, vector<16xi32>)
            %rev3A = arith.constant 15 : i32
            %rev3A_2792 = vector.broadcast %rev3A : i32 to vector<16xi32>
            %rev3A_2793 = tpu.iota {dimensions = array<i32: 0>} : vector<16xi32>
            %rev3A_2794 = arith.subi %rev3A_2792, %rev3A_2793 : vector<16xi32>
            %rev3A_2795 = tpu.dynamic_gather %masked_sort3A_2790[%rev3A_2794] in [0] : vector<16xf32>, vector<16xi32> -> vector<16xf32>
            %rev3A_2796 = arith.constant 15 : i32
            %rev3A_2797 = vector.broadcast %rev3A_2796 : i32 to vector<16xi32>
            %rev3A_2798 = tpu.iota {dimensions = array<i32: 0>} : vector<16xi32>
            %rev3A_2799 = arith.subi %rev3A_2797, %rev3A_2798 : vector<16xi32>
            %rev3A_2800 = tpu.dynamic_gather %masked_sort3A_2791[%rev3A_2799] in [0] : vector<16xi32>, vector<16xi32> -> vector<16xi32>
            %lt3A_2801 = arith.cmpf olt, %rev3A_2795, %while3A_2770 : vector<16xf32>
            %select_n3A_2802 = arith.select %lt3A_2801, %rev3A_2795, %while3A_2770 : vector<16xi1>, vector<16xf32>
            %select_n3A_2803 = arith.select %lt3A_2801, %rev3A_2800, %while3A_2771 : vector<16xi1>, vector<16xi32>
            %masked_sort3A_2804 = arith.constant dense<true> : vector<16xi1>
            %masked_sort3A_2805, %masked_sort3A_2806, %masked_sort3A_2807 = tpu.sort %select_n3A_2802, %select_n3A_2803 masked %masked_sort3A_2804 : (vector<16xf32>, vector<16xi32>, vector<16xi1>) -> (vector<16xi1>, vector<16xf32>, vector<16xi32>)
            scf.yield %masked_sort3A_2806, %masked_sort3A_2807 : vector<16xf32>, vector<16xi32>
          }
          %while3A_2767 = arith.constant 1 : i32
          %while3A_2768:2 = scf.for %while3A_2769 = %while3A_2764 to %while3A_2760 step %while3A_2767 iter_args(%while3A_2770 = %while3A_2766#0, %while3A_2771 = %while3A_2766#1) -> (vector<16xf32>, vector<16xi32>)  : i32 {
            %mul3A_2772 = arith.constant 16 : i32
            %mul3A_2773 = arith.muli %while3A_2769, %mul3A_2772 : i32
            %get3A_2774 = arith.index_cast %mul3A_2773 : i32 to index
            %get3A_2775 = tpu.vector_load %arg12[%get3A_2774] {strides = array<i32>} : memref<416xf32, #tpu.memory_space<vmem>>, vector<16xf32>,
            %get3A_2776 = arith.index_cast %mul3A_2773 : i32 to index
            %get3A_2777 = tpu.vector_load %arg13[%get3A_2776] {strides = array<i32>} : memref<416xi32, #tpu.memory_space<vmem>>, vector<16xi32>,
            %sub3A = arith.subi %add3A_2720, %mul3A_2773 : i32
            %lt3A_2778 = vector.broadcast %sub3A : i32 to vector<16xi32>
            %lt3A_2779 = arith.cmpi slt, %iota3A_10, %lt3A_2778 : vector<16xi32>
            %jit3A_2780 = arith.constant 0x7F800000 : f32
            %broadcast_in_dim3A_2781 = vector.broadcast %jit3A_2780 : f32 to vector<16xf32>
            %select_n3A_2782 = arith.select %lt3A_2779, %get3A_2775, %broadcast_in_dim3A_2781 : vector<16xi1>, vector<16xf32>
            %eq3A_2783 = vector.broadcast %min3A_41 : i32 to vector<16xi32>
            %eq3A_2784 = arith.cmpi eq, %get3A_2777, %eq3A_2783 : vector<16xi32>
            %jit3A_2785 = arith.constant 0x7F800000 : f32
            %broadcast_in_dim3A_2786 = vector.broadcast %jit3A_2785 : f32 to vector<16xf32>
            %select_n3A_2787 = arith.select %eq3A_2784, %broadcast_in_dim3A_2786, %select_n3A_2782 : vector<16xi1>, vector<16xf32>
            %masked_sort3A_2788 = arith.constant dense<true> : vector<16xi1>
            %masked_sort3A_2789, %masked_sort3A_2790, %masked_sort3A_2791 = tpu.sort %select_n3A_2787, %get3A_2777 masked %masked_sort3A_2788 : (vector<16xf32>, vector<16xi32>, vector<16xi1>) -> (vector<16xi1>, vector<16xf32>, vector<16xi32>)
            %rev3A = arith.constant 15 : i32
            %rev3A_2792 = vector.broadcast %rev3A : i32 to vector<16xi32>
            %rev3A_2793 = tpu.iota {dimensions = array<i32: 0>} : vector<16xi32>
            %rev3A_2794 = arith.subi %rev3A_2792, %rev3A_2793 : vector<16xi32>
            %rev3A_2795 = tpu.dynamic_gather %masked_sort3A_2790[%rev3A_2794] in [0] : vector<16xf32>, vector<16xi32> -> vector<16xf32>
            %rev3A_2796 = arith.constant 15 : i32
            %rev3A_2797 = vector.broadcast %rev3A_2796 : i32 to vector<16xi32>
            %rev3A_2798 = tpu.iota {dimensions = array<i32: 0>} : vector<16xi32>
            %rev3A_2799 = arith.subi %rev3A_2797, %rev3A_2798 : vector<16xi32>
            %rev3A_2800 = tpu.dynamic_gather %masked_sort3A_2791[%rev3A_2799] in [0] : vector<16xi32>, vector<16xi32> -> vector<16xi32>
            %lt3A_2801 = arith.cmpf olt, %rev3A_2795, %while3A_2770 : vector<16xf32>
            %select_n3A_2802 = arith.select %lt3A_2801, %rev3A_2795, %while3A_2770 : vector<16xi1>, vector<16xf32>
            %select_n3A_2803 = arith.select %lt3A_2801, %rev3A_2800, %while3A_2771 : vector<16xi1>, vector<16xi32>
            %masked_sort3A_2804 = arith.constant dense<true> : vector<16xi1>
            %masked_sort3A_2805, %masked_sort3A_2806, %masked_sort3A_2807 = tpu.sort %select_n3A_2802, %select_n3A_2803 masked %masked_sort3A_2804 : (vector<16xf32>, vector<16xi32>, vector<16xi1>) -> (vector<16xi1>, vector<16xf32>, vector<16xi32>)
            scf.yield %masked_sort3A_2806, %masked_sort3A_2807 : vector<16xf32>, vector<16xi32>
          }
          scf.yield %while3A_2768#0, %while3A_2768#1 : vector<16xf32>, vector<16xi32>
        } else {
          scf.yield %scan3A_403, %scan3A_404 : vector<16xf32>, vector<16xi32>
        }
        %slice3A_2727 = vector.extract_strided_slice %cond3A_2726#0 {offsets = [15], sizes = [1], strides = [1]} : vector<16xf32> to vector<1xf32>
        %squeeze3A_2728 = vector.extract %slice3A_2727[0] : f32 from vector<1xf32>
        %broadcast_in_dim3A_2729 = vector.broadcast %squeeze3A_2728 : f32 to vector<16xf32>
        %slice3A_2730 = vector.extract_strided_slice %add3A_2686 {offsets = [0], sizes = [1], strides = [1]} : vector<16xi32> to vector<1xi32>
        %squeeze3A_2731 = vector.extract %slice3A_2730[0] : i32 from vector<1xi32>
        %add3A_2732 = arith.constant 1 : i32
        %add3A_2733 = arith.addi %squeeze3A_2731, %add3A_2732 : i32
        %gt3A_2734 = arith.constant 0 : i32
        %gt3A_2735 = arith.cmpi sgt, %add3A_2733, %gt3A_2734 : i32
        %convert_element_type3A_2736 = arith.extui %gt3A_2735 : i1 to i32
        %cond3A_2737 = arith.constant 0 : i32
        %cond3A_2738 = arith.cmpi ne, %convert_element_type3A_2736, %cond3A_2737 : i32
        %cond3A_2739:2 = scf.if %cond3A_2738 -> (vector<16xf32>, vector<16xi32>) {
          %add3A_2756 = arith.constant 15 : i32
          %add3A_2757 = arith.addi %add3A_2733, %add3A_2756 : i32
          %shift_right_arithmetic3A = arith.constant 4 : i32
          %shift_right_arithmetic3A_2758 = arith.shrsi %add3A_2757, %shift_right_arithmetic3A : i32
          %while3A = arith.constant 0 : i32
          %while3A_2759 = arith.subi %shift_right_arithmetic3A_2758, %while3A : i32
          %while3A_2760 = arith.addi %while3A, %while3A_2759 : i32
          %while3A_2761 = arith.constant 1 : i32
          %while3A_2762 = arith.divsi %while3A_2759, %while3A_2761 : i32
          %while3A_2763 = arith.muli %while3A_2762, %while3A_2761 : i32
          %while3A_2764 = arith.addi %while3A, %while3A_2763 : i32
          %while3A_2765 = arith.constant 1 : i32
          %while3A_2766:2 = scf.for %while3A_2769 = %while3A to %while3A_2764 step %while3A_2765 iter_args(%while3A_2770 = %scan3A_407, %while3A_2771 = %scan3A_408) -> (vector<16xf32>, vector<16xi32>)  : i32 {
            %mul3A_2772 = arith.constant 16 : i32
            %mul3A_2773 = arith.muli %while3A_2769, %mul3A_2772 : i32
            %get3A_2774 = arith.index_cast %mul3A_2773 : i32 to index
            %get3A_2775 = tpu.vector_load %arg14[%get3A_2774] {strides = array<i32>} : memref<416xf32, #tpu.memory_space<vmem>>, vector<16xf32>,
            %get3A_2776 = arith.index_cast %mul3A_2773 : i32 to index
            %get3A_2777 = tpu.vector_load %arg15[%get3A_2776] {strides = array<i32>} : memref<416xi32, #tpu.memory_space<vmem>>, vector<16xi32>,
            %sub3A = arith.subi %add3A_2733, %mul3A_2773 : i32
            %lt3A_2778 = vector.broadcast %sub3A : i32 to vector<16xi32>
            %lt3A_2779 = arith.cmpi slt, %iota3A_10, %lt3A_2778 : vector<16xi32>
            %jit3A_2780 = arith.constant 0x7F800000 : f32
            %broadcast_in_dim3A_2781 = vector.broadcast %jit3A_2780 : f32 to vector<16xf32>
            %select_n3A_2782 = arith.select %lt3A_2779, %get3A_2775, %broadcast_in_dim3A_2781 : vector<16xi1>, vector<16xf32>
            %eq3A_2783 = vector.broadcast %min3A_50 : i32 to vector<16xi32>
            %eq3A_2784 = arith.cmpi eq, %get3A_2777, %eq3A_2783 : vector<16xi32>
            %jit3A_2785 = arith.constant 0x7F800000 : f32
            %broadcast_in_dim3A_2786 = vector.broadcast %jit3A_2785 : f32 to vector<16xf32>
            %select_n3A_2787 = arith.select %eq3A_2784, %broadcast_in_dim3A_2786, %select_n3A_2782 : vector<16xi1>, vector<16xf32>
            %masked_sort3A_2788 = arith.constant dense<true> : vector<16xi1>
            %masked_sort3A_2789, %masked_sort3A_2790, %masked_sort3A_2791 = tpu.sort %select_n3A_2787, %get3A_2777 masked %masked_sort3A_2788 : (vector<16xf32>, vector<16xi32>, vector<16xi1>) -> (vector<16xi1>, vector<16xf32>, vector<16xi32>)
            %rev3A = arith.constant 15 : i32
            %rev3A_2792 = vector.broadcast %rev3A : i32 to vector<16xi32>
            %rev3A_2793 = tpu.iota {dimensions = array<i32: 0>} : vector<16xi32>
            %rev3A_2794 = arith.subi %rev3A_2792, %rev3A_2793 : vector<16xi32>
            %rev3A_2795 = tpu.dynamic_gather %masked_sort3A_2790[%rev3A_2794] in [0] : vector<16xf32>, vector<16xi32> -> vector<16xf32>
            %rev3A_2796 = arith.constant 15 : i32
            %rev3A_2797 = vector.broadcast %rev3A_2796 : i32 to vector<16xi32>
            %rev3A_2798 = tpu.iota {dimensions = array<i32: 0>} : vector<16xi32>
            %rev3A_2799 = arith.subi %rev3A_2797, %rev3A_2798 : vector<16xi32>
            %rev3A_2800 = tpu.dynamic_gather %masked_sort3A_2791[%rev3A_2799] in [0] : vector<16xi32>, vector<16xi32> -> vector<16xi32>
            %lt3A_2801 = arith.cmpf olt, %rev3A_2795, %while3A_2770 : vector<16xf32>
            %select_n3A_2802 = arith.select %lt3A_2801, %rev3A_2795, %while3A_2770 : vector<16xi1>, vector<16xf32>
            %select_n3A_2803 = arith.select %lt3A_2801, %rev3A_2800, %while3A_2771 : vector<16xi1>, vector<16xi32>
            %masked_sort3A_2804 = arith.constant dense<true> : vector<16xi1>
            %masked_sort3A_2805, %masked_sort3A_2806, %masked_sort3A_2807 = tpu.sort %select_n3A_2802, %select_n3A_2803 masked %masked_sort3A_2804 : (vector<16xf32>, vector<16xi32>, vector<16xi1>) -> (vector<16xi1>, vector<16xf32>, vector<16xi32>)
            scf.yield %masked_sort3A_2806, %masked_sort3A_2807 : vector<16xf32>, vector<16xi32>
          }
          %while3A_2767 = arith.constant 1 : i32
          %while3A_2768:2 = scf.for %while3A_2769 = %while3A_2764 to %while3A_2760 step %while3A_2767 iter_args(%while3A_2770 = %while3A_2766#0, %while3A_2771 = %while3A_2766#1) -> (vector<16xf32>, vector<16xi32>)  : i32 {
            %mul3A_2772 = arith.constant 16 : i32
            %mul3A_2773 = arith.muli %while3A_2769, %mul3A_2772 : i32
            %get3A_2774 = arith.index_cast %mul3A_2773 : i32 to index
            %get3A_2775 = tpu.vector_load %arg14[%get3A_2774] {strides = array<i32>} : memref<416xf32, #tpu.memory_space<vmem>>, vector<16xf32>,
            %get3A_2776 = arith.index_cast %mul3A_2773 : i32 to index
            %get3A_2777 = tpu.vector_load %arg15[%get3A_2776] {strides = array<i32>} : memref<416xi32, #tpu.memory_space<vmem>>, vector<16xi32>,
            %sub3A = arith.subi %add3A_2733, %mul3A_2773 : i32
            %lt3A_2778 = vector.broadcast %sub3A : i32 to vector<16xi32>
            %lt3A_2779 = arith.cmpi slt, %iota3A_10, %lt3A_2778 : vector<16xi32>
            %jit3A_2780 = arith.constant 0x7F800000 : f32
            %broadcast_in_dim3A_2781 = vector.broadcast %jit3A_2780 : f32 to vector<16xf32>
            %select_n3A_2782 = arith.select %lt3A_2779, %get3A_2775, %broadcast_in_dim3A_2781 : vector<16xi1>, vector<16xf32>
            %eq3A_2783 = vector.broadcast %min3A_50 : i32 to vector<16xi32>
            %eq3A_2784 = arith.cmpi eq, %get3A_2777, %eq3A_2783 : vector<16xi32>
            %jit3A_2785 = arith.constant 0x7F800000 : f32
            %broadcast_in_dim3A_2786 = vector.broadcast %jit3A_2785 : f32 to vector<16xf32>
            %select_n3A_2787 = arith.select %eq3A_2784, %broadcast_in_dim3A_2786, %select_n3A_2782 : vector<16xi1>, vector<16xf32>
            %masked_sort3A_2788 = arith.constant dense<true> : vector<16xi1>
            %masked_sort3A_2789, %masked_sort3A_2790, %masked_sort3A_2791 = tpu.sort %select_n3A_2787, %get3A_2777 masked %masked_sort3A_2788 : (vector<16xf32>, vector<16xi32>, vector<16xi1>) -> (vector<16xi1>, vector<16xf32>, vector<16xi32>)
            %rev3A = arith.constant 15 : i32
            %rev3A_2792 = vector.broadcast %rev3A : i32 to vector<16xi32>
            %rev3A_2793 = tpu.iota {dimensions = array<i32: 0>} : vector<16xi32>
            %rev3A_2794 = arith.subi %rev3A_2792, %rev3A_2793 : vector<16xi32>
            %rev3A_2795 = tpu.dynamic_gather %masked_sort3A_2790[%rev3A_2794] in [0] : vector<16xf32>, vector<16xi32> -> vector<16xf32>
            %rev3A_2796 = arith.constant 15 : i32
            %rev3A_2797 = vector.broadcast %rev3A_2796 : i32 to vector<16xi32>
            %rev3A_2798 = tpu.iota {dimensions = array<i32: 0>} : vector<16xi32>
            %rev3A_2799 = arith.subi %rev3A_2797, %rev3A_2798 : vector<16xi32>
            %rev3A_2800 = tpu.dynamic_gather %masked_sort3A_2791[%rev3A_2799] in [0] : vector<16xi32>, vector<16xi32> -> vector<16xi32>
            %lt3A_2801 = arith.cmpf olt, %rev3A_2795, %while3A_2770 : vector<16xf32>
            %select_n3A_2802 = arith.select %lt3A_2801, %rev3A_2795, %while3A_2770 : vector<16xi1>, vector<16xf32>
            %select_n3A_2803 = arith.select %lt3A_2801, %rev3A_2800, %while3A_2771 : vector<16xi1>, vector<16xi32>
            %masked_sort3A_2804 = arith.constant dense<true> : vector<16xi1>
            %masked_sort3A_2805, %masked_sort3A_2806, %masked_sort3A_2807 = tpu.sort %select_n3A_2802, %select_n3A_2803 masked %masked_sort3A_2804 : (vector<16xf32>, vector<16xi32>, vector<16xi1>) -> (vector<16xi1>, vector<16xf32>, vector<16xi32>)
            scf.yield %masked_sort3A_2806, %masked_sort3A_2807 : vector<16xf32>, vector<16xi32>
          }
          scf.yield %while3A_2768#0, %while3A_2768#1 : vector<16xf32>, vector<16xi32>
        } else {
          scf.yield %scan3A_407, %scan3A_408 : vector<16xf32>, vector<16xi32>
        }
        %slice3A_2740 = vector.extract_strided_slice %cond3A_2739#0 {offsets = [15], sizes = [1], strides = [1]} : vector<16xf32> to vector<1xf32>
        %squeeze3A_2741 = vector.extract %slice3A_2740[0] : f32 from vector<1xf32>
        %broadcast_in_dim3A_2742 = vector.broadcast %squeeze3A_2741 : f32 to vector<16xf32>
        %slice3A_2743 = vector.extract_strided_slice %add3A_2705 {offsets = [0], sizes = [1], strides = [1]} : vector<16xi32> to vector<1xi32>
        %squeeze3A_2744 = vector.extract %slice3A_2743[0] : i32 from vector<1xi32>
        %add3A_2745 = arith.constant 1 : i32
        %add3A_2746 = arith.addi %squeeze3A_2744, %add3A_2745 : i32
        %gt3A_2747 = arith.constant 0 : i32
        %gt3A_2748 = arith.cmpi sgt, %add3A_2746, %gt3A_2747 : i32
        %convert_element_type3A_2749 = arith.extui %gt3A_2748 : i1 to i32
        %cond3A_2750 = arith.constant 0 : i32
        %cond3A_2751 = arith.cmpi ne, %convert_element_type3A_2749, %cond3A_2750 : i32
        %cond3A_2752:2 = scf.if %cond3A_2751 -> (vector<16xf32>, vector<16xi32>) {
          %add3A_2756 = arith.constant 15 : i32
          %add3A_2757 = arith.addi %add3A_2746, %add3A_2756 : i32
          %shift_right_arithmetic3A = arith.constant 4 : i32
          %shift_right_arithmetic3A_2758 = arith.shrsi %add3A_2757, %shift_right_arithmetic3A : i32
          %while3A = arith.constant 0 : i32
          %while3A_2759 = arith.subi %shift_right_arithmetic3A_2758, %while3A : i32
          %while3A_2760 = arith.addi %while3A, %while3A_2759 : i32
          %while3A_2761 = arith.constant 1 : i32
          %while3A_2762 = arith.divsi %while3A_2759, %while3A_2761 : i32
          %while3A_2763 = arith.muli %while3A_2762, %while3A_2761 : i32
          %while3A_2764 = arith.addi %while3A, %while3A_2763 : i32
          %while3A_2765 = arith.constant 1 : i32
          %while3A_2766:2 = scf.for %while3A_2769 = %while3A to %while3A_2764 step %while3A_2765 iter_args(%while3A_2770 = %scan3A_411, %while3A_2771 = %scan3A_412) -> (vector<16xf32>, vector<16xi32>)  : i32 {
            %mul3A_2772 = arith.constant 16 : i32
            %mul3A_2773 = arith.muli %while3A_2769, %mul3A_2772 : i32
            %get3A_2774 = arith.index_cast %mul3A_2773 : i32 to index
            %get3A_2775 = tpu.vector_load %arg16[%get3A_2774] {strides = array<i32>} : memref<416xf32, #tpu.memory_space<vmem>>, vector<16xf32>,
            %get3A_2776 = arith.index_cast %mul3A_2773 : i32 to index
            %get3A_2777 = tpu.vector_load %arg17[%get3A_2776] {strides = array<i32>} : memref<416xi32, #tpu.memory_space<vmem>>, vector<16xi32>,
            %sub3A = arith.subi %add3A_2746, %mul3A_2773 : i32
            %lt3A_2778 = vector.broadcast %sub3A : i32 to vector<16xi32>
            %lt3A_2779 = arith.cmpi slt, %iota3A_10, %lt3A_2778 : vector<16xi32>
            %jit3A_2780 = arith.constant 0x7F800000 : f32
            %broadcast_in_dim3A_2781 = vector.broadcast %jit3A_2780 : f32 to vector<16xf32>
            %select_n3A_2782 = arith.select %lt3A_2779, %get3A_2775, %broadcast_in_dim3A_2781 : vector<16xi1>, vector<16xf32>
            %eq3A_2783 = vector.broadcast %min3A_59 : i32 to vector<16xi32>
            %eq3A_2784 = arith.cmpi eq, %get3A_2777, %eq3A_2783 : vector<16xi32>
            %jit3A_2785 = arith.constant 0x7F800000 : f32
            %broadcast_in_dim3A_2786 = vector.broadcast %jit3A_2785 : f32 to vector<16xf32>
            %select_n3A_2787 = arith.select %eq3A_2784, %broadcast_in_dim3A_2786, %select_n3A_2782 : vector<16xi1>, vector<16xf32>
            %masked_sort3A_2788 = arith.constant dense<true> : vector<16xi1>
            %masked_sort3A_2789, %masked_sort3A_2790, %masked_sort3A_2791 = tpu.sort %select_n3A_2787, %get3A_2777 masked %masked_sort3A_2788 : (vector<16xf32>, vector<16xi32>, vector<16xi1>) -> (vector<16xi1>, vector<16xf32>, vector<16xi32>)
            %rev3A = arith.constant 15 : i32
            %rev3A_2792 = vector.broadcast %rev3A : i32 to vector<16xi32>
            %rev3A_2793 = tpu.iota {dimensions = array<i32: 0>} : vector<16xi32>
            %rev3A_2794 = arith.subi %rev3A_2792, %rev3A_2793 : vector<16xi32>
            %rev3A_2795 = tpu.dynamic_gather %masked_sort3A_2790[%rev3A_2794] in [0] : vector<16xf32>, vector<16xi32> -> vector<16xf32>
            %rev3A_2796 = arith.constant 15 : i32
            %rev3A_2797 = vector.broadcast %rev3A_2796 : i32 to vector<16xi32>
            %rev3A_2798 = tpu.iota {dimensions = array<i32: 0>} : vector<16xi32>
            %rev3A_2799 = arith.subi %rev3A_2797, %rev3A_2798 : vector<16xi32>
            %rev3A_2800 = tpu.dynamic_gather %masked_sort3A_2791[%rev3A_2799] in [0] : vector<16xi32>, vector<16xi32> -> vector<16xi32>
            %lt3A_2801 = arith.cmpf olt, %rev3A_2795, %while3A_2770 : vector<16xf32>
            %select_n3A_2802 = arith.select %lt3A_2801, %rev3A_2795, %while3A_2770 : vector<16xi1>, vector<16xf32>
            %select_n3A_2803 = arith.select %lt3A_2801, %rev3A_2800, %while3A_2771 : vector<16xi1>, vector<16xi32>
            %masked_sort3A_2804 = arith.constant dense<true> : vector<16xi1>
            %masked_sort3A_2805, %masked_sort3A_2806, %masked_sort3A_2807 = tpu.sort %select_n3A_2802, %select_n3A_2803 masked %masked_sort3A_2804 : (vector<16xf32>, vector<16xi32>, vector<16xi1>) -> (vector<16xi1>, vector<16xf32>, vector<16xi32>)
            scf.yield %masked_sort3A_2806, %masked_sort3A_2807 : vector<16xf32>, vector<16xi32>
          }
          %while3A_2767 = arith.constant 1 : i32
          %while3A_2768:2 = scf.for %while3A_2769 = %while3A_2764 to %while3A_2760 step %while3A_2767 iter_args(%while3A_2770 = %while3A_2766#0, %while3A_2771 = %while3A_2766#1) -> (vector<16xf32>, vector<16xi32>)  : i32 {
            %mul3A_2772 = arith.constant 16 : i32
            %mul3A_2773 = arith.muli %while3A_2769, %mul3A_2772 : i32
            %get3A_2774 = arith.index_cast %mul3A_2773 : i32 to index
            %get3A_2775 = tpu.vector_load %arg16[%get3A_2774] {strides = array<i32>} : memref<416xf32, #tpu.memory_space<vmem>>, vector<16xf32>,
            %get3A_2776 = arith.index_cast %mul3A_2773 : i32 to index
            %get3A_2777 = tpu.vector_load %arg17[%get3A_2776] {strides = array<i32>} : memref<416xi32, #tpu.memory_space<vmem>>, vector<16xi32>,
            %sub3A = arith.subi %add3A_2746, %mul3A_2773 : i32
            %lt3A_2778 = vector.broadcast %sub3A : i32 to vector<16xi32>
            %lt3A_2779 = arith.cmpi slt, %iota3A_10, %lt3A_2778 : vector<16xi32>
            %jit3A_2780 = arith.constant 0x7F800000 : f32
            %broadcast_in_dim3A_2781 = vector.broadcast %jit3A_2780 : f32 to vector<16xf32>
            %select_n3A_2782 = arith.select %lt3A_2779, %get3A_2775, %broadcast_in_dim3A_2781 : vector<16xi1>, vector<16xf32>
            %eq3A_2783 = vector.broadcast %min3A_59 : i32 to vector<16xi32>
            %eq3A_2784 = arith.cmpi eq, %get3A_2777, %eq3A_2783 : vector<16xi32>
            %jit3A_2785 = arith.constant 0x7F800000 : f32
            %broadcast_in_dim3A_2786 = vector.broadcast %jit3A_2785 : f32 to vector<16xf32>
            %select_n3A_2787 = arith.select %eq3A_2784, %broadcast_in_dim3A_2786, %select_n3A_2782 : vector<16xi1>, vector<16xf32>
            %masked_sort3A_2788 = arith.constant dense<true> : vector<16xi1>
            %masked_sort3A_2789, %masked_sort3A_2790, %masked_sort3A_2791 = tpu.sort %select_n3A_2787, %get3A_2777 masked %masked_sort3A_2788 : (vector<16xf32>, vector<16xi32>, vector<16xi1>) -> (vector<16xi1>, vector<16xf32>, vector<16xi32>)
            %rev3A = arith.constant 15 : i32
            %rev3A_2792 = vector.broadcast %rev3A : i32 to vector<16xi32>
            %rev3A_2793 = tpu.iota {dimensions = array<i32: 0>} : vector<16xi32>
            %rev3A_2794 = arith.subi %rev3A_2792, %rev3A_2793 : vector<16xi32>
            %rev3A_2795 = tpu.dynamic_gather %masked_sort3A_2790[%rev3A_2794] in [0] : vector<16xf32>, vector<16xi32> -> vector<16xf32>
            %rev3A_2796 = arith.constant 15 : i32
            %rev3A_2797 = vector.broadcast %rev3A_2796 : i32 to vector<16xi32>
            %rev3A_2798 = tpu.iota {dimensions = array<i32: 0>} : vector<16xi32>
            %rev3A_2799 = arith.subi %rev3A_2797, %rev3A_2798 : vector<16xi32>
            %rev3A_2800 = tpu.dynamic_gather %masked_sort3A_2791[%rev3A_2799] in [0] : vector<16xi32>, vector<16xi32> -> vector<16xi32>
            %lt3A_2801 = arith.cmpf olt, %rev3A_2795, %while3A_2770 : vector<16xf32>
            %select_n3A_2802 = arith.select %lt3A_2801, %rev3A_2795, %while3A_2770 : vector<16xi1>, vector<16xf32>
            %select_n3A_2803 = arith.select %lt3A_2801, %rev3A_2800, %while3A_2771 : vector<16xi1>, vector<16xi32>
            %masked_sort3A_2804 = arith.constant dense<true> : vector<16xi1>
            %masked_sort3A_2805, %masked_sort3A_2806, %masked_sort3A_2807 = tpu.sort %select_n3A_2802, %select_n3A_2803 masked %masked_sort3A_2804 : (vector<16xf32>, vector<16xi32>, vector<16xi1>) -> (vector<16xi1>, vector<16xf32>, vector<16xi32>)
            scf.yield %masked_sort3A_2806, %masked_sort3A_2807 : vector<16xf32>, vector<16xi32>
          }
          scf.yield %while3A_2768#0, %while3A_2768#1 : vector<16xf32>, vector<16xi32>
        } else {
          scf.yield %scan3A_411, %scan3A_412 : vector<16xf32>, vector<16xi32>
        }
        %slice3A_2753 = vector.extract_strided_slice %cond3A_2752#0 {offsets = [15], sizes = [1], strides = [1]} : vector<16xf32> to vector<1xf32>
        %squeeze3A_2754 = vector.extract %slice3A_2753[0] : f32 from vector<1xf32>
        %broadcast_in_dim3A_2755 = vector.broadcast %squeeze3A_2754 : f32 to vector<16xf32>
        scf.yield %cond3A_2713#0, %cond3A_2713#1, %broadcast_in_dim3A_2716, %broadcast_in_dim3A_15, %cond3A_2726#0, %cond3A_2726#1, %broadcast_in_dim3A_2729, %broadcast_in_dim3A_15, %cond3A_2739#0, %cond3A_2739#1, %broadcast_in_dim3A_2742, %broadcast_in_dim3A_15, %cond3A_2752#0, %cond3A_2752#1, %broadcast_in_dim3A_2755, %broadcast_in_dim3A_15 : vector<16xf32>, vector<16xi32>, vector<16xf32>, vector<16xi32>, vector<16xf32>, vector<16xi32>, vector<16xf32>, vector<16xi32>, vector<16xf32>, vector<16xi32>, vector<16xf32>, vector<16xi32>, vector<16xf32>, vector<16xi32>, vector<16xf32>, vector<16xi32>
      }
      %scan3A_222 = arith.constant 24 : i32
      %dma_start3A = arith.constant 0 : i32
      %dma_start3A_223 = arith.constant 0 : i32
      %dma_start3A_224 = arith.constant 0 : i32
      %dma_start3A_225 = tpu.memref_slice %arg18[%dma_start3A, %dma_start3A_223, %dma_start3A_224] : memref<4x16x128xf32, #tpu.memory_space<vmem>> -> memref<1x16x128xf32, #tpu.memory_space<vmem>>
      %dma_start3A_226 = tpu.memref_squeeze %dma_start3A_225 : memref<1x16x128xf32, #tpu.memory_space<vmem>> -> memref<16x128xf32, #tpu.memory_space<vmem>>
      %dma_start3A_227 = arith.constant 0 : i32
      %dma_start3A_228 = arith.constant 0 : i32
      %dma_start3A_229 = tpu.memref_slice %arg3[%dma_start3A_227, %dma_start3A_228] : memref<10000x128xf32, #tpu.memory_space<hbm>> -> memref<10000x128xf32, #tpu.memory_space<hbm>>
      tpu.enqueue_indirect_dma source(%dma_start3A_229 : memref<10000x128xf32, #tpu.memory_space<hbm>>) target(%dma_start3A_226 : memref<16x128xf32, #tpu.memory_space<vmem>>) offsets(%scan3A_221#1 : vector<16xi32>) semaphore(%arg19 : memref<!tpu.dma_semaphore, #tpu.memory_space<semaphore_mem>>)
      %dma_start3A_230 = arith.constant 1 : i32
      %dma_start3A_231 = arith.constant 0 : i32
      %dma_start3A_232 = arith.constant 0 : i32
      %dma_start3A_233 = tpu.memref_slice %arg18[%dma_start3A_230, %dma_start3A_231, %dma_start3A_232] : memref<4x16x128xf32, #tpu.memory_space<vmem>> -> memref<1x16x128xf32, #tpu.memory_space<vmem>>
      %dma_start3A_234 = tpu.memref_squeeze %dma_start3A_233 : memref<1x16x128xf32, #tpu.memory_space<vmem>> -> memref<16x128xf32, #tpu.memory_space<vmem>>
      %dma_start3A_235 = arith.constant 0 : i32
      %dma_start3A_236 = arith.constant 0 : i32
      %dma_start3A_237 = tpu.memref_slice %arg3[%dma_start3A_235, %dma_start3A_236] : memref<10000x128xf32, #tpu.memory_space<hbm>> -> memref<10000x128xf32, #tpu.memory_space<hbm>>
      tpu.enqueue_indirect_dma source(%dma_start3A_237 : memref<10000x128xf32, #tpu.memory_space<hbm>>) target(%dma_start3A_234 : memref<16x128xf32, #tpu.memory_space<vmem>>) offsets(%scan3A_221#5 : vector<16xi32>) semaphore(%arg19 : memref<!tpu.dma_semaphore, #tpu.memory_space<semaphore_mem>>)
      %dma_start3A_238 = arith.constant 2 : i32
      %dma_start3A_239 = arith.constant 0 : i32
      %dma_start3A_240 = arith.constant 0 : i32
      %dma_start3A_241 = tpu.memref_slice %arg18[%dma_start3A_238, %dma_start3A_239, %dma_start3A_240] : memref<4x16x128xf32, #tpu.memory_space<vmem>> -> memref<1x16x128xf32, #tpu.memory_space<vmem>>
      %dma_start3A_242 = tpu.memref_squeeze %dma_start3A_241 : memref<1x16x128xf32, #tpu.memory_space<vmem>> -> memref<16x128xf32, #tpu.memory_space<vmem>>
      %dma_start3A_243 = arith.constant 0 : i32
      %dma_start3A_244 = arith.constant 0 : i32
      %dma_start3A_245 = tpu.memref_slice %arg3[%dma_start3A_243, %dma_start3A_244] : memref<10000x128xf32, #tpu.memory_space<hbm>> -> memref<10000x128xf32, #tpu.memory_space<hbm>>
      tpu.enqueue_indirect_dma source(%dma_start3A_245 : memref<10000x128xf32, #tpu.memory_space<hbm>>) target(%dma_start3A_242 : memref<16x128xf32, #tpu.memory_space<vmem>>) offsets(%scan3A_221#9 : vector<16xi32>) semaphore(%arg19 : memref<!tpu.dma_semaphore, #tpu.memory_space<semaphore_mem>>)
      %dma_start3A_246 = arith.constant 3 : i32
      %dma_start3A_247 = arith.constant 0 : i32
      %dma_start3A_248 = arith.constant 0 : i32
      %dma_start3A_249 = tpu.memref_slice %arg18[%dma_start3A_246, %dma_start3A_247, %dma_start3A_248] : memref<4x16x128xf32, #tpu.memory_space<vmem>> -> memref<1x16x128xf32, #tpu.memory_space<vmem>>
      %dma_start3A_250 = tpu.memref_squeeze %dma_start3A_249 : memref<1x16x128xf32, #tpu.memory_space<vmem>> -> memref<16x128xf32, #tpu.memory_space<vmem>>
      %dma_start3A_251 = arith.constant 0 : i32
      %dma_start3A_252 = arith.constant 0 : i32
      %dma_start3A_253 = tpu.memref_slice %arg3[%dma_start3A_251, %dma_start3A_252] : memref<10000x128xf32, #tpu.memory_space<hbm>> -> memref<10000x128xf32, #tpu.memory_space<hbm>>
      tpu.enqueue_indirect_dma source(%dma_start3A_253 : memref<10000x128xf32, #tpu.memory_space<hbm>>) target(%dma_start3A_250 : memref<16x128xf32, #tpu.memory_space<vmem>>) offsets(%scan3A_221#13 : vector<16xi32>) semaphore(%arg19 : memref<!tpu.dma_semaphore, #tpu.memory_space<semaphore_mem>>)
      %dma_wait3A = arith.constant 0 : i32
      %dma_wait3A_254 = arith.constant 0 : i32
      %dma_wait3A_255 = arith.constant 0 : i32
      %dma_wait3A_256 = tpu.memref_slice %arg18[%dma_wait3A, %dma_wait3A_254, %dma_wait3A_255] : memref<4x16x128xf32, #tpu.memory_space<vmem>> -> memref<1x16x128xf32, #tpu.memory_space<vmem>>
      %dma_wait3A_257 = tpu.memref_squeeze %dma_wait3A_256 : memref<1x16x128xf32, #tpu.memory_space<vmem>> -> memref<16x128xf32, #tpu.memory_space<vmem>>
      %dma_wait3A_258 = arith.constant 0 : i32
      %dma_wait3A_259 = arith.constant 0 : i32
      %dma_wait3A_260 = tpu.memref_slice %arg3[%dma_wait3A_258, %dma_wait3A_259] : memref<10000x128xf32, #tpu.memory_space<hbm>> -> memref<10000x128xf32, #tpu.memory_space<hbm>>
      tpu.wait_indirect_dma semaphore(%arg19 : memref<!tpu.dma_semaphore, #tpu.memory_space<semaphore_mem>>) src(%dma_wait3A_260 : memref<10000x128xf32, #tpu.memory_space<hbm>>) dst(%dma_wait3A_257 : memref<16x128xf32, #tpu.memory_space<vmem>>)
      %dma_wait3A_261 = arith.constant 1 : i32
      %dma_wait3A_262 = arith.constant 0 : i32
      %dma_wait3A_263 = arith.constant 0 : i32
      %dma_wait3A_264 = tpu.memref_slice %arg18[%dma_wait3A_261, %dma_wait3A_262, %dma_wait3A_263] : memref<4x16x128xf32, #tpu.memory_space<vmem>> -> memref<1x16x128xf32, #tpu.memory_space<vmem>>
      %dma_wait3A_265 = tpu.memref_squeeze %dma_wait3A_264 : memref<1x16x128xf32, #tpu.memory_space<vmem>> -> memref<16x128xf32, #tpu.memory_space<vmem>>
      %dma_wait3A_266 = arith.constant 0 : i32
      %dma_wait3A_267 = arith.constant 0 : i32
      %dma_wait3A_268 = tpu.memref_slice %arg3[%dma_wait3A_266, %dma_wait3A_267] : memref<10000x128xf32, #tpu.memory_space<hbm>> -> memref<10000x128xf32, #tpu.memory_space<hbm>>
      tpu.wait_indirect_dma semaphore(%arg19 : memref<!tpu.dma_semaphore, #tpu.memory_space<semaphore_mem>>) src(%dma_wait3A_268 : memref<10000x128xf32, #tpu.memory_space<hbm>>) dst(%dma_wait3A_265 : memref<16x128xf32, #tpu.memory_space<vmem>>)
      %dma_wait3A_269 = arith.constant 2 : i32
      %dma_wait3A_270 = arith.constant 0 : i32
      %dma_wait3A_271 = arith.constant 0 : i32
      %dma_wait3A_272 = tpu.memref_slice %arg18[%dma_wait3A_269, %dma_wait3A_270, %dma_wait3A_271] : memref<4x16x128xf32, #tpu.memory_space<vmem>> -> memref<1x16x128xf32, #tpu.memory_space<vmem>>
      %dma_wait3A_273 = tpu.memref_squeeze %dma_wait3A_272 : memref<1x16x128xf32, #tpu.memory_space<vmem>> -> memref<16x128xf32, #tpu.memory_space<vmem>>
      %dma_wait3A_274 = arith.constant 0 : i32
      %dma_wait3A_275 = arith.constant 0 : i32
      %dma_wait3A_276 = tpu.memref_slice %arg3[%dma_wait3A_274, %dma_wait3A_275] : memref<10000x128xf32, #tpu.memory_space<hbm>> -> memref<10000x128xf32, #tpu.memory_space<hbm>>
      tpu.wait_indirect_dma semaphore(%arg19 : memref<!tpu.dma_semaphore, #tpu.memory_space<semaphore_mem>>) src(%dma_wait3A_276 : memref<10000x128xf32, #tpu.memory_space<hbm>>) dst(%dma_wait3A_273 : memref<16x128xf32, #tpu.memory_space<vmem>>)
      %dma_wait3A_277 = arith.constant 3 : i32
      %dma_wait3A_278 = arith.constant 0 : i32
      %dma_wait3A_279 = arith.constant 0 : i32
      %dma_wait3A_280 = tpu.memref_slice %arg18[%dma_wait3A_277, %dma_wait3A_278, %dma_wait3A_279] : memref<4x16x128xf32, #tpu.memory_space<vmem>> -> memref<1x16x128xf32, #tpu.memory_space<vmem>>
      %dma_wait3A_281 = tpu.memref_squeeze %dma_wait3A_280 : memref<1x16x128xf32, #tpu.memory_space<vmem>> -> memref<16x128xf32, #tpu.memory_space<vmem>>
      %dma_wait3A_282 = arith.constant 0 : i32
      %dma_wait3A_283 = arith.constant 0 : i32
      %dma_wait3A_284 = tpu.memref_slice %arg3[%dma_wait3A_282, %dma_wait3A_283] : memref<10000x128xf32, #tpu.memory_space<hbm>> -> memref<10000x128xf32, #tpu.memory_space<hbm>>
      tpu.wait_indirect_dma semaphore(%arg19 : memref<!tpu.dma_semaphore, #tpu.memory_space<semaphore_mem>>) src(%dma_wait3A_284 : memref<10000x128xf32, #tpu.memory_space<hbm>>) dst(%dma_wait3A_281 : memref<16x128xf32, #tpu.memory_space<vmem>>)
      %mul3A_285 = arith.constant 16 : i32
      %mul3A_286 = arith.muli %min3A_32, %mul3A_285 : i32
      %dma_start3A_287 = arith.constant 0 : i32
      %dma_start3A_288 = arith.constant 0 : i32
      %dma_start3A_289 = arith.constant 0 : i32
      %dma_start3A_290 = tpu.memref_slice %arg18[%dma_start3A_287, %dma_start3A_288, %dma_start3A_289] : memref<4x16x128xf32, #tpu.memory_space<vmem>> -> memref<1x16x128xf32, #tpu.memory_space<vmem>>
      %dma_start3A_291 = tpu.memref_squeeze %dma_start3A_290 : memref<1x16x128xf32, #tpu.memory_space<vmem>> -> memref<16x128xf32, #tpu.memory_space<vmem>>
      %dma_start3A_292 = arith.constant 0 : i32
      %dma_start3A_293 = tpu.memref_slice %arg4[%mul3A_286, %dma_start3A_292] : memref<160000x128xf32, #tpu.memory_space<hbm>> -> memref<16x128xf32, #tpu.memory_space<hbm>>
      %dma_start3A_294 = arith.constant 0 : i32
      %dma_start3A_295 = tpu.memref_slice %arg4[%mul3A_286, %dma_start3A_294] : memref<160000x128xf32, #tpu.memory_space<hbm>> -> memref<16x128xf32, #tpu.memory_space<hbm>>
      %dma_start3A_296 = arith.constant 0 : i32
      %dma_start3A_297 = arith.constant 0 : i32
      %dma_start3A_298 = tpu.memref_slice %arg18[%dma_start3A_287, %dma_start3A_296, %dma_start3A_297] : memref<4x16x128xf32, #tpu.memory_space<vmem>> -> memref<1x16x128xf32, #tpu.memory_space<vmem>>
      %dma_start3A_299 = tpu.memref_squeeze %dma_start3A_298 : memref<1x16x128xf32, #tpu.memory_space<vmem>> -> memref<16x128xf32, #tpu.memory_space<vmem>>
      tpu.enqueue_dma source(%dma_start3A_299 : memref<16x128xf32, #tpu.memory_space<vmem>>) target(%dma_start3A_295 : memref<16x128xf32, #tpu.memory_space<hbm>>) target_semaphore(%arg19 : memref<!tpu.dma_semaphore, #tpu.memory_space<semaphore_mem>>)
      %mul3A_300 = arith.constant 16 : i32
      %mul3A_301 = arith.muli %min3A_41, %mul3A_300 : i32
      %dma_start3A_302 = arith.constant 1 : i32
      %dma_start3A_303 = arith.constant 0 : i32
      %dma_start3A_304 = arith.constant 0 : i32
      %dma_start3A_305 = tpu.memref_slice %arg18[%dma_start3A_302, %dma_start3A_303, %dma_start3A_304] : memref<4x16x128xf32, #tpu.memory_space<vmem>> -> memref<1x16x128xf32, #tpu.memory_space<vmem>>
      %dma_start3A_306 = tpu.memref_squeeze %dma_start3A_305 : memref<1x16x128xf32, #tpu.memory_space<vmem>> -> memref<16x128xf32, #tpu.memory_space<vmem>>
      %dma_start3A_307 = arith.constant 0 : i32
      %dma_start3A_308 = tpu.memref_slice %arg4[%mul3A_301, %dma_start3A_307] : memref<160000x128xf32, #tpu.memory_space<hbm>> -> memref<16x128xf32, #tpu.memory_space<hbm>>
      %dma_start3A_309 = arith.constant 0 : i32
      %dma_start3A_310 = tpu.memref_slice %arg4[%mul3A_301, %dma_start3A_309] : memref<160000x128xf32, #tpu.memory_space<hbm>> -> memref<16x128xf32, #tpu.memory_space<hbm>>
      %dma_start3A_311 = arith.constant 0 : i32
      %dma_start3A_312 = arith.constant 0 : i32
      %dma_start3A_313 = tpu.memref_slice %arg18[%dma_start3A_302, %dma_start3A_311, %dma_start3A_312] : memref<4x16x128xf32, #tpu.memory_space<vmem>> -> memref<1x16x128xf32, #tpu.memory_space<vmem>>
      %dma_start3A_314 = tpu.memref_squeeze %dma_start3A_313 : memref<1x16x128xf32, #tpu.memory_space<vmem>> -> memref<16x128xf32, #tpu.memory_space<vmem>>
      tpu.enqueue_dma source(%dma_start3A_314 : memref<16x128xf32, #tpu.memory_space<vmem>>) target(%dma_start3A_310 : memref<16x128xf32, #tpu.memory_space<hbm>>) target_semaphore(%arg19 : memref<!tpu.dma_semaphore, #tpu.memory_space<semaphore_mem>>)
      %mul3A_315 = arith.constant 16 : i32
      %mul3A_316 = arith.muli %min3A_50, %mul3A_315 : i32
      %dma_start3A_317 = arith.constant 2 : i32
      %dma_start3A_318 = arith.constant 0 : i32
      %dma_start3A_319 = arith.constant 0 : i32
      %dma_start3A_320 = tpu.memref_slice %arg18[%dma_start3A_317, %dma_start3A_318, %dma_start3A_319] : memref<4x16x128xf32, #tpu.memory_space<vmem>> -> memref<1x16x128xf32, #tpu.memory_space<vmem>>
      %dma_start3A_321 = tpu.memref_squeeze %dma_start3A_320 : memref<1x16x128xf32, #tpu.memory_space<vmem>> -> memref<16x128xf32, #tpu.memory_space<vmem>>
      %dma_start3A_322 = arith.constant 0 : i32
      %dma_start3A_323 = tpu.memref_slice %arg4[%mul3A_316, %dma_start3A_322] : memref<160000x128xf32, #tpu.memory_space<hbm>> -> memref<16x128xf32, #tpu.memory_space<hbm>>
      %dma_start3A_324 = arith.constant 0 : i32
      %dma_start3A_325 = tpu.memref_slice %arg4[%mul3A_316, %dma_start3A_324] : memref<160000x128xf32, #tpu.memory_space<hbm>> -> memref<16x128xf32, #tpu.memory_space<hbm>>
      %dma_start3A_326 = arith.constant 0 : i32
      %dma_start3A_327 = arith.constant 0 : i32
      %dma_start3A_328 = tpu.memref_slice %arg18[%dma_start3A_317, %dma_start3A_326, %dma_start3A_327] : memref<4x16x128xf32, #tpu.memory_space<vmem>> -> memref<1x16x128xf32, #tpu.memory_space<vmem>>
      %dma_start3A_329 = tpu.memref_squeeze %dma_start3A_328 : memref<1x16x128xf32, #tpu.memory_space<vmem>> -> memref<16x128xf32, #tpu.memory_space<vmem>>
      tpu.enqueue_dma source(%dma_start3A_329 : memref<16x128xf32, #tpu.memory_space<vmem>>) target(%dma_start3A_325 : memref<16x128xf32, #tpu.memory_space<hbm>>) target_semaphore(%arg19 : memref<!tpu.dma_semaphore, #tpu.memory_space<semaphore_mem>>)
      %mul3A_330 = arith.constant 16 : i32
      %mul3A_331 = arith.muli %min3A_59, %mul3A_330 : i32
      %dma_start3A_332 = arith.constant 3 : i32
      %dma_start3A_333 = arith.constant 0 : i32
      %dma_start3A_334 = arith.constant 0 : i32
      %dma_start3A_335 = tpu.memref_slice %arg18[%dma_start3A_332, %dma_start3A_333, %dma_start3A_334] : memref<4x16x128xf32, #tpu.memory_space<vmem>> -> memref<1x16x128xf32, #tpu.memory_space<vmem>>
      %dma_start3A_336 = tpu.memref_squeeze %dma_start3A_335 : memref<1x16x128xf32, #tpu.memory_space<vmem>> -> memref<16x128xf32, #tpu.memory_space<vmem>>
      %dma_start3A_337 = arith.constant 0 : i32
      %dma_start3A_338 = tpu.memref_slice %arg4[%mul3A_331, %dma_start3A_337] : memref<160000x128xf32, #tpu.memory_space<hbm>> -> memref<16x128xf32, #tpu.memory_space<hbm>>
      %dma_start3A_339 = arith.constant 0 : i32
      %dma_start3A_340 = tpu.memref_slice %arg4[%mul3A_331, %dma_start3A_339] : memref<160000x128xf32, #tpu.memory_space<hbm>> -> memref<16x128xf32, #tpu.memory_space<hbm>>
      %dma_start3A_341 = arith.constant 0 : i32
      %dma_start3A_342 = arith.constant 0 : i32
      %dma_start3A_343 = tpu.memref_slice %arg18[%dma_start3A_332, %dma_start3A_341, %dma_start3A_342] : memref<4x16x128xf32, #tpu.memory_space<vmem>> -> memref<1x16x128xf32, #tpu.memory_space<vmem>>
      %dma_start3A_344 = tpu.memref_squeeze %dma_start3A_343 : memref<1x16x128xf32, #tpu.memory_space<vmem>> -> memref<16x128xf32, #tpu.memory_space<vmem>>
      tpu.enqueue_dma source(%dma_start3A_344 : memref<16x128xf32, #tpu.memory_space<vmem>>) target(%dma_start3A_340 : memref<16x128xf32, #tpu.memory_space<hbm>>) target_semaphore(%arg19 : memref<!tpu.dma_semaphore, #tpu.memory_space<semaphore_mem>>)
      %dma_wait3A_345 = arith.constant 0 : i32
      %dma_wait3A_346 = arith.constant 0 : i32
      %dma_wait3A_347 = arith.constant 0 : i32
      %dma_wait3A_348 = tpu.memref_slice %arg18[%dma_wait3A_345, %dma_wait3A_346, %dma_wait3A_347] : memref<4x16x128xf32, #tpu.memory_space<vmem>> -> memref<1x16x128xf32, #tpu.memory_space<vmem>>
      %dma_wait3A_349 = tpu.memref_squeeze %dma_wait3A_348 : memref<1x16x128xf32, #tpu.memory_space<vmem>> -> memref<16x128xf32, #tpu.memory_space<vmem>>
      %dma_wait3A_350 = arith.constant 0 : i32
      %dma_wait3A_351 = tpu.memref_slice %arg4[%mul3A_286, %dma_wait3A_350] : memref<160000x128xf32, #tpu.memory_space<hbm>> -> memref<16x128xf32, #tpu.memory_space<hbm>>
      %dma_wait3A_352 = arith.constant 0 : i32
      %dma_wait3A_353 = tpu.memref_slice %arg4[%mul3A_286, %dma_wait3A_352] : memref<160000x128xf32, #tpu.memory_space<hbm>> -> memref<16x128xf32, #tpu.memory_space<hbm>>
      %dma_wait3A_354 = arith.constant 0 : i32
      %dma_wait3A_355 = arith.constant 0 : i32
      %dma_wait3A_356 = tpu.memref_slice %arg18[%dma_wait3A_345, %dma_wait3A_354, %dma_wait3A_355] : memref<4x16x128xf32, #tpu.memory_space<vmem>> -> memref<1x16x128xf32, #tpu.memory_space<vmem>>
      %dma_wait3A_357 = tpu.memref_squeeze %dma_wait3A_356 : memref<1x16x128xf32, #tpu.memory_space<vmem>> -> memref<16x128xf32, #tpu.memory_space<vmem>>
      tpu.wait_dma2 semaphore(%arg19 : memref<!tpu.dma_semaphore, #tpu.memory_space<semaphore_mem>>) src(%dma_wait3A_357 : memref<16x128xf32, #tpu.memory_space<vmem>>) dst(%dma_wait3A_353 : memref<16x128xf32, #tpu.memory_space<hbm>>)
      %dma_wait3A_358 = arith.constant 1 : i32
      %dma_wait3A_359 = arith.constant 0 : i32
      %dma_wait3A_360 = arith.constant 0 : i32
      %dma_wait3A_361 = tpu.memref_slice %arg18[%dma_wait3A_358, %dma_wait3A_359, %dma_wait3A_360] : memref<4x16x128xf32, #tpu.memory_space<vmem>> -> memref<1x16x128xf32, #tpu.memory_space<vmem>>
      %dma_wait3A_362 = tpu.memref_squeeze %dma_wait3A_361 : memref<1x16x128xf32, #tpu.memory_space<vmem>> -> memref<16x128xf32, #tpu.memory_space<vmem>>
      %dma_wait3A_363 = arith.constant 0 : i32
      %dma_wait3A_364 = tpu.memref_slice %arg4[%mul3A_301, %dma_wait3A_363] : memref<160000x128xf32, #tpu.memory_space<hbm>> -> memref<16x128xf32, #tpu.memory_space<hbm>>
      %dma_wait3A_365 = arith.constant 0 : i32
      %dma_wait3A_366 = tpu.memref_slice %arg4[%mul3A_301, %dma_wait3A_365] : memref<160000x128xf32, #tpu.memory_space<hbm>> -> memref<16x128xf32, #tpu.memory_space<hbm>>
      %dma_wait3A_367 = arith.constant 0 : i32
      %dma_wait3A_368 = arith.constant 0 : i32
      %dma_wait3A_369 = tpu.memref_slice %arg18[%dma_wait3A_358, %dma_wait3A_367, %dma_wait3A_368] : memref<4x16x128xf32, #tpu.memory_space<vmem>> -> memref<1x16x128xf32, #tpu.memory_space<vmem>>
      %dma_wait3A_370 = tpu.memref_squeeze %dma_wait3A_369 : memref<1x16x128xf32, #tpu.memory_space<vmem>> -> memref<16x128xf32, #tpu.memory_space<vmem>>
      tpu.wait_dma2 semaphore(%arg19 : memref<!tpu.dma_semaphore, #tpu.memory_space<semaphore_mem>>) src(%dma_wait3A_370 : memref<16x128xf32, #tpu.memory_space<vmem>>) dst(%dma_wait3A_366 : memref<16x128xf32, #tpu.memory_space<hbm>>)
      %dma_wait3A_371 = arith.constant 2 : i32
      %dma_wait3A_372 = arith.constant 0 : i32
      %dma_wait3A_373 = arith.constant 0 : i32
      %dma_wait3A_374 = tpu.memref_slice %arg18[%dma_wait3A_371, %dma_wait3A_372, %dma_wait3A_373] : memref<4x16x128xf32, #tpu.memory_space<vmem>> -> memref<1x16x128xf32, #tpu.memory_space<vmem>>
      %dma_wait3A_375 = tpu.memref_squeeze %dma_wait3A_374 : memref<1x16x128xf32, #tpu.memory_space<vmem>> -> memref<16x128xf32, #tpu.memory_space<vmem>>
      %dma_wait3A_376 = arith.constant 0 : i32
      %dma_wait3A_377 = tpu.memref_slice %arg4[%mul3A_316, %dma_wait3A_376] : memref<160000x128xf32, #tpu.memory_space<hbm>> -> memref<16x128xf32, #tpu.memory_space<hbm>>
      %dma_wait3A_378 = arith.constant 0 : i32
      %dma_wait3A_379 = tpu.memref_slice %arg4[%mul3A_316, %dma_wait3A_378] : memref<160000x128xf32, #tpu.memory_space<hbm>> -> memref<16x128xf32, #tpu.memory_space<hbm>>
      %dma_wait3A_380 = arith.constant 0 : i32
      %dma_wait3A_381 = arith.constant 0 : i32
      %dma_wait3A_382 = tpu.memref_slice %arg18[%dma_wait3A_371, %dma_wait3A_380, %dma_wait3A_381] : memref<4x16x128xf32, #tpu.memory_space<vmem>> -> memref<1x16x128xf32, #tpu.memory_space<vmem>>
      %dma_wait3A_383 = tpu.memref_squeeze %dma_wait3A_382 : memref<1x16x128xf32, #tpu.memory_space<vmem>> -> memref<16x128xf32, #tpu.memory_space<vmem>>
      tpu.wait_dma2 semaphore(%arg19 : memref<!tpu.dma_semaphore, #tpu.memory_space<semaphore_mem>>) src(%dma_wait3A_383 : memref<16x128xf32, #tpu.memory_space<vmem>>) dst(%dma_wait3A_379 : memref<16x128xf32, #tpu.memory_space<hbm>>)
      %dma_wait3A_384 = arith.constant 3 : i32
      %dma_wait3A_385 = arith.constant 0 : i32
      %dma_wait3A_386 = arith.constant 0 : i32
      %dma_wait3A_387 = tpu.memref_slice %arg18[%dma_wait3A_384, %dma_wait3A_385, %dma_wait3A_386] : memref<4x16x128xf32, #tpu.memory_space<vmem>> -> memref<1x16x128xf32, #tpu.memory_space<vmem>>
      %dma_wait3A_388 = tpu.memref_squeeze %dma_wait3A_387 : memref<1x16x128xf32, #tpu.memory_space<vmem>> -> memref<16x128xf32, #tpu.memory_space<vmem>>
      %dma_wait3A_389 = arith.constant 0 : i32
      %dma_wait3A_390 = tpu.memref_slice %arg4[%mul3A_331, %dma_wait3A_389] : memref<160000x128xf32, #tpu.memory_space<hbm>> -> memref<16x128xf32, #tpu.memory_space<hbm>>
      %dma_wait3A_391 = arith.constant 0 : i32
      %dma_wait3A_392 = tpu.memref_slice %arg4[%mul3A_331, %dma_wait3A_391] : memref<160000x128xf32, #tpu.memory_space<hbm>> -> memref<16x128xf32, #tpu.memory_space<hbm>>
      %dma_wait3A_393 = arith.constant 0 : i32
      %dma_wait3A_394 = arith.constant 0 : i32
      %dma_wait3A_395 = tpu.memref_slice %arg18[%dma_wait3A_384, %dma_wait3A_393, %dma_wait3A_394] : memref<4x16x128xf32, #tpu.memory_space<vmem>> -> memref<1x16x128xf32, #tpu.memory_space<vmem>>
      %dma_wait3A_396 = tpu.memref_squeeze %dma_wait3A_395 : memref<1x16x128xf32, #tpu.memory_space<vmem>> -> memref<16x128xf32, #tpu.memory_space<vmem>>
      tpu.wait_dma2 semaphore(%arg19 : memref<!tpu.dma_semaphore, #tpu.memory_space<semaphore_mem>>) src(%dma_wait3A_396 : memref<16x128xf32, #tpu.memory_space<vmem>>) dst(%dma_wait3A_392 : memref<16x128xf32, #tpu.memory_space<hbm>>)
      %scan3A_397 = arith.constant 0 : i32
      scf.yield %scan3A_397 : i32
    }
    %scan3A_22 = arith.constant 79 : i32
    return
  }
}

module attributes {stable_mosaic.version = 14 : i64} {
  func.func @_mlp_body(%arg0: i32, %arg1: memref<256x16x128xf32, #tpu.memory_space<vmem>>, %arg2: memref<256x128xf32, #tpu.memory_space<vmem>>, %arg3: memref<128x128xf32, #tpu.memory_space<vmem>>, %arg4: memref<1x128xf32, #tpu.memory_space<vmem>>, %arg5: memref<256x128xf32, #tpu.memory_space<vmem>>) attributes {dimension_semantics = [#tpu.dimension_semantics<arbitrary>], iteration_bounds = array<i64: 40>, scalar_prefetch = 0 : i64, scratch_operands = 0 : i64, tpu.core_type = #tpu.core_type<tc>, window_params = [{transform_indices = @transform_0, window_bounds = array<i64: 256, 16, 128>}, {transform_indices = @transform_1, window_bounds = array<i64: 256, 128>}, {pipeline_mode = #tpu.pipeline_mode<synchronous>, transform_indices = @transform_2, window_bounds = array<i64: 128, 128>}, {pipeline_mode = #tpu.pipeline_mode<synchronous>, transform_indices = @transform_3, window_bounds = array<i64: 1, 128>}, {transform_indices = @transform_4, window_bounds = array<i64: 256, 128>}]} {
    %get3A = arith.constant 0 : index
    %get3A_0 = arith.constant 0 : index
    %get3A_1 = vector.load %arg2[%get3A, %get3A_0] : memref<256x128xf32, #tpu.memory_space<vmem>>, vector<256x128xf32>
    %get3A_2 = arith.constant 0 : index
    %get3A_3 = arith.constant 0 : index
    %get3A_4 = vector.load %arg3[%get3A_2, %get3A_3] : memref<128x128xf32, #tpu.memory_space<vmem>>, vector<128x128xf32>
    %get3A_5 = arith.constant 0 : index
    %get3A_6 = arith.constant 0 : index
    %get3A_7 = arith.constant 0 : index
    %get3A_8 = vector.load %arg1[%get3A_5, %get3A_6, %get3A_7] : memref<256x16x128xf32, #tpu.memory_space<vmem>>, vector<256x1x128xf32>
    %get3A_9 = vector.shape_cast %get3A_8 : vector<256x1x128xf32> to vector<256x128xf32>
    %add3A = arith.addf %get3A_1, %get3A_9 : vector<256x128xf32>
    %max3A = arith.constant 0.000000e+00 : f32
    %max3A_10 = vector.broadcast %max3A : f32 to vector<256x128xf32>
    %max3A_11 = arith.maximumf %add3A, %max3A_10 : vector<256x128xf32>
    %dot_general3A = arith.constant dense<0.000000e+00> : vector<256x128xf32>
    %dot_general3A_12 = tpu.matmul %max3A_11, %get3A_4, %dot_general3A {dimension_numbers = #tpu.dot_dimension_numbers<[1], [0], [0], [1], [0, 0, 1, 1], [], []>, transpose_lhs_hint = false} : vector<256x128xf32>, vector<128x128xf32>, vector<256x128xf32> -> vector<256x128xf32>
    %get3A_13 = arith.constant 0 : index
    %get3A_14 = arith.constant 1 : index
    %get3A_15 = arith.constant 0 : index
    %get3A_16 = vector.load %arg1[%get3A_13, %get3A_14, %get3A_15] : memref<256x16x128xf32, #tpu.memory_space<vmem>>, vector<256x1x128xf32>
    %get3A_17 = vector.shape_cast %get3A_16 : vector<256x1x128xf32> to vector<256x128xf32>
    %add3A_18 = arith.addf %get3A_1, %get3A_17 : vector<256x128xf32>
    %max3A_19 = arith.constant 0.000000e+00 : f32
    %max3A_20 = vector.broadcast %max3A_19 : f32 to vector<256x128xf32>
    %max3A_21 = arith.maximumf %add3A_18, %max3A_20 : vector<256x128xf32>
    %dot_general3A_22 = arith.constant dense<0.000000e+00> : vector<256x128xf32>
    %dot_general3A_23 = tpu.matmul %max3A_21, %get3A_4, %dot_general3A_22 {dimension_numbers = #tpu.dot_dimension_numbers<[1], [0], [0], [1], [0, 0, 1, 1], [], []>, transpose_lhs_hint = false} : vector<256x128xf32>, vector<128x128xf32>, vector<256x128xf32> -> vector<256x128xf32>
    %max3A_24 = arith.maximumf %dot_general3A_12, %dot_general3A_23 : vector<256x128xf32>
    %get3A_25 = arith.constant 0 : index
    %get3A_26 = arith.constant 2 : index
    %get3A_27 = arith.constant 0 : index
    %get3A_28 = vector.load %arg1[%get3A_25, %get3A_26, %get3A_27] : memref<256x16x128xf32, #tpu.memory_space<vmem>>, vector<256x1x128xf32>
    %get3A_29 = vector.shape_cast %get3A_28 : vector<256x1x128xf32> to vector<256x128xf32>
    %add3A_30 = arith.addf %get3A_1, %get3A_29 : vector<256x128xf32>
    %max3A_31 = arith.constant 0.000000e+00 : f32
    %max3A_32 = vector.broadcast %max3A_31 : f32 to vector<256x128xf32>
    %max3A_33 = arith.maximumf %add3A_30, %max3A_32 : vector<256x128xf32>
    %dot_general3A_34 = arith.constant dense<0.000000e+00> : vector<256x128xf32>
    %dot_general3A_35 = tpu.matmul %max3A_33, %get3A_4, %dot_general3A_34 {dimension_numbers = #tpu.dot_dimension_numbers<[1], [0], [0], [1], [0, 0, 1, 1], [], []>, transpose_lhs_hint = false} : vector<256x128xf32>, vector<128x128xf32>, vector<256x128xf32> -> vector<256x128xf32>
    %max3A_36 = arith.maximumf %max3A_24, %dot_general3A_35 : vector<256x128xf32>
    %get3A_37 = arith.constant 0 : index
    %get3A_38 = arith.constant 3 : index
    %get3A_39 = arith.constant 0 : index
    %get3A_40 = vector.load %arg1[%get3A_37, %get3A_38, %get3A_39] : memref<256x16x128xf32, #tpu.memory_space<vmem>>, vector<256x1x128xf32>
    %get3A_41 = vector.shape_cast %get3A_40 : vector<256x1x128xf32> to vector<256x128xf32>
    %add3A_42 = arith.addf %get3A_1, %get3A_41 : vector<256x128xf32>
    %max3A_43 = arith.constant 0.000000e+00 : f32
    %max3A_44 = vector.broadcast %max3A_43 : f32 to vector<256x128xf32>
    %max3A_45 = arith.maximumf %add3A_42, %max3A_44 : vector<256x128xf32>
    %dot_general3A_46 = arith.constant dense<0.000000e+00> : vector<256x128xf32>
    %dot_general3A_47 = tpu.matmul %max3A_45, %get3A_4, %dot_general3A_46 {dimension_numbers = #tpu.dot_dimension_numbers<[1], [0], [0], [1], [0, 0, 1, 1], [], []>, transpose_lhs_hint = false} : vector<256x128xf32>, vector<128x128xf32>, vector<256x128xf32> -> vector<256x128xf32>
    %max3A_48 = arith.maximumf %max3A_36, %dot_general3A_47 : vector<256x128xf32>
    %get3A_49 = arith.constant 0 : index
    %get3A_50 = arith.constant 4 : index
    %get3A_51 = arith.constant 0 : index
    %get3A_52 = vector.load %arg1[%get3A_49, %get3A_50, %get3A_51] : memref<256x16x128xf32, #tpu.memory_space<vmem>>, vector<256x1x128xf32>
    %get3A_53 = vector.shape_cast %get3A_52 : vector<256x1x128xf32> to vector<256x128xf32>
    %add3A_54 = arith.addf %get3A_1, %get3A_53 : vector<256x128xf32>
    %max3A_55 = arith.constant 0.000000e+00 : f32
    %max3A_56 = vector.broadcast %max3A_55 : f32 to vector<256x128xf32>
    %max3A_57 = arith.maximumf %add3A_54, %max3A_56 : vector<256x128xf32>
    %dot_general3A_58 = arith.constant dense<0.000000e+00> : vector<256x128xf32>
    %dot_general3A_59 = tpu.matmul %max3A_57, %get3A_4, %dot_general3A_58 {dimension_numbers = #tpu.dot_dimension_numbers<[1], [0], [0], [1], [0, 0, 1, 1], [], []>, transpose_lhs_hint = false} : vector<256x128xf32>, vector<128x128xf32>, vector<256x128xf32> -> vector<256x128xf32>
    %max3A_60 = arith.maximumf %max3A_48, %dot_general3A_59 : vector<256x128xf32>
    %get3A_61 = arith.constant 0 : index
    %get3A_62 = arith.constant 5 : index
    %get3A_63 = arith.constant 0 : index
    %get3A_64 = vector.load %arg1[%get3A_61, %get3A_62, %get3A_63] : memref<256x16x128xf32, #tpu.memory_space<vmem>>, vector<256x1x128xf32>
    %get3A_65 = vector.shape_cast %get3A_64 : vector<256x1x128xf32> to vector<256x128xf32>
    %add3A_66 = arith.addf %get3A_1, %get3A_65 : vector<256x128xf32>
    %max3A_67 = arith.constant 0.000000e+00 : f32
    %max3A_68 = vector.broadcast %max3A_67 : f32 to vector<256x128xf32>
    %max3A_69 = arith.maximumf %add3A_66, %max3A_68 : vector<256x128xf32>
    %dot_general3A_70 = arith.constant dense<0.000000e+00> : vector<256x128xf32>
    %dot_general3A_71 = tpu.matmul %max3A_69, %get3A_4, %dot_general3A_70 {dimension_numbers = #tpu.dot_dimension_numbers<[1], [0], [0], [1], [0, 0, 1, 1], [], []>, transpose_lhs_hint = false} : vector<256x128xf32>, vector<128x128xf32>, vector<256x128xf32> -> vector<256x128xf32>
    %max3A_72 = arith.maximumf %max3A_60, %dot_general3A_71 : vector<256x128xf32>
    %get3A_73 = arith.constant 0 : index
    %get3A_74 = arith.constant 6 : index
    %get3A_75 = arith.constant 0 : index
    %get3A_76 = vector.load %arg1[%get3A_73, %get3A_74, %get3A_75] : memref<256x16x128xf32, #tpu.memory_space<vmem>>, vector<256x1x128xf32>
    %get3A_77 = vector.shape_cast %get3A_76 : vector<256x1x128xf32> to vector<256x128xf32>
    %add3A_78 = arith.addf %get3A_1, %get3A_77 : vector<256x128xf32>
    %max3A_79 = arith.constant 0.000000e+00 : f32
    %max3A_80 = vector.broadcast %max3A_79 : f32 to vector<256x128xf32>
    %max3A_81 = arith.maximumf %add3A_78, %max3A_80 : vector<256x128xf32>
    %dot_general3A_82 = arith.constant dense<0.000000e+00> : vector<256x128xf32>
    %dot_general3A_83 = tpu.matmul %max3A_81, %get3A_4, %dot_general3A_82 {dimension_numbers = #tpu.dot_dimension_numbers<[1], [0], [0], [1], [0, 0, 1, 1], [], []>, transpose_lhs_hint = false} : vector<256x128xf32>, vector<128x128xf32>, vector<256x128xf32> -> vector<256x128xf32>
    %max3A_84 = arith.maximumf %max3A_72, %dot_general3A_83 : vector<256x128xf32>
    %get3A_85 = arith.constant 0 : index
    %get3A_86 = arith.constant 7 : index
    %get3A_87 = arith.constant 0 : index
    %get3A_88 = vector.load %arg1[%get3A_85, %get3A_86, %get3A_87] : memref<256x16x128xf32, #tpu.memory_space<vmem>>, vector<256x1x128xf32>
    %get3A_89 = vector.shape_cast %get3A_88 : vector<256x1x128xf32> to vector<256x128xf32>
    %add3A_90 = arith.addf %get3A_1, %get3A_89 : vector<256x128xf32>
    %max3A_91 = arith.constant 0.000000e+00 : f32
    %max3A_92 = vector.broadcast %max3A_91 : f32 to vector<256x128xf32>
    %max3A_93 = arith.maximumf %add3A_90, %max3A_92 : vector<256x128xf32>
    %dot_general3A_94 = arith.constant dense<0.000000e+00> : vector<256x128xf32>
    %dot_general3A_95 = tpu.matmul %max3A_93, %get3A_4, %dot_general3A_94 {dimension_numbers = #tpu.dot_dimension_numbers<[1], [0], [0], [1], [0, 0, 1, 1], [], []>, transpose_lhs_hint = false} : vector<256x128xf32>, vector<128x128xf32>, vector<256x128xf32> -> vector<256x128xf32>
    %max3A_96 = arith.maximumf %max3A_84, %dot_general3A_95 : vector<256x128xf32>
    %get3A_97 = arith.constant 0 : index
    %get3A_98 = arith.constant 8 : index
    %get3A_99 = arith.constant 0 : index
    %get3A_100 = vector.load %arg1[%get3A_97, %get3A_98, %get3A_99] : memref<256x16x128xf32, #tpu.memory_space<vmem>>, vector<256x1x128xf32>
    %get3A_101 = vector.shape_cast %get3A_100 : vector<256x1x128xf32> to vector<256x128xf32>
    %add3A_102 = arith.addf %get3A_1, %get3A_101 : vector<256x128xf32>
    %max3A_103 = arith.constant 0.000000e+00 : f32
    %max3A_104 = vector.broadcast %max3A_103 : f32 to vector<256x128xf32>
    %max3A_105 = arith.maximumf %add3A_102, %max3A_104 : vector<256x128xf32>
    %dot_general3A_106 = arith.constant dense<0.000000e+00> : vector<256x128xf32>
    %dot_general3A_107 = tpu.matmul %max3A_105, %get3A_4, %dot_general3A_106 {dimension_numbers = #tpu.dot_dimension_numbers<[1], [0], [0], [1], [0, 0, 1, 1], [], []>, transpose_lhs_hint = false} : vector<256x128xf32>, vector<128x128xf32>, vector<256x128xf32> -> vector<256x128xf32>
    %max3A_108 = arith.maximumf %max3A_96, %dot_general3A_107 : vector<256x128xf32>
    %get3A_109 = arith.constant 0 : index
    %get3A_110 = arith.constant 9 : index
    %get3A_111 = arith.constant 0 : index
    %get3A_112 = vector.load %arg1[%get3A_109, %get3A_110, %get3A_111] : memref<256x16x128xf32, #tpu.memory_space<vmem>>, vector<256x1x128xf32>
    %get3A_113 = vector.shape_cast %get3A_112 : vector<256x1x128xf32> to vector<256x128xf32>
    %add3A_114 = arith.addf %get3A_1, %get3A_113 : vector<256x128xf32>
    %max3A_115 = arith.constant 0.000000e+00 : f32
    %max3A_116 = vector.broadcast %max3A_115 : f32 to vector<256x128xf32>
    %max3A_117 = arith.maximumf %add3A_114, %max3A_116 : vector<256x128xf32>
    %dot_general3A_118 = arith.constant dense<0.000000e+00> : vector<256x128xf32>
    %dot_general3A_119 = tpu.matmul %max3A_117, %get3A_4, %dot_general3A_118 {dimension_numbers = #tpu.dot_dimension_numbers<[1], [0], [0], [1], [0, 0, 1, 1], [], []>, transpose_lhs_hint = false} : vector<256x128xf32>, vector<128x128xf32>, vector<256x128xf32> -> vector<256x128xf32>
    %max3A_120 = arith.maximumf %max3A_108, %dot_general3A_119 : vector<256x128xf32>
    %get3A_121 = arith.constant 0 : index
    %get3A_122 = arith.constant 10 : index
    %get3A_123 = arith.constant 0 : index
    %get3A_124 = vector.load %arg1[%get3A_121, %get3A_122, %get3A_123] : memref<256x16x128xf32, #tpu.memory_space<vmem>>, vector<256x1x128xf32>
    %get3A_125 = vector.shape_cast %get3A_124 : vector<256x1x128xf32> to vector<256x128xf32>
    %add3A_126 = arith.addf %get3A_1, %get3A_125 : vector<256x128xf32>
    %max3A_127 = arith.constant 0.000000e+00 : f32
    %max3A_128 = vector.broadcast %max3A_127 : f32 to vector<256x128xf32>
    %max3A_129 = arith.maximumf %add3A_126, %max3A_128 : vector<256x128xf32>
    %dot_general3A_130 = arith.constant dense<0.000000e+00> : vector<256x128xf32>
    %dot_general3A_131 = tpu.matmul %max3A_129, %get3A_4, %dot_general3A_130 {dimension_numbers = #tpu.dot_dimension_numbers<[1], [0], [0], [1], [0, 0, 1, 1], [], []>, transpose_lhs_hint = false} : vector<256x128xf32>, vector<128x128xf32>, vector<256x128xf32> -> vector<256x128xf32>
    %max3A_132 = arith.maximumf %max3A_120, %dot_general3A_131 : vector<256x128xf32>
    %get3A_133 = arith.constant 0 : index
    %get3A_134 = arith.constant 11 : index
    %get3A_135 = arith.constant 0 : index
    %get3A_136 = vector.load %arg1[%get3A_133, %get3A_134, %get3A_135] : memref<256x16x128xf32, #tpu.memory_space<vmem>>, vector<256x1x128xf32>
    %get3A_137 = vector.shape_cast %get3A_136 : vector<256x1x128xf32> to vector<256x128xf32>
    %add3A_138 = arith.addf %get3A_1, %get3A_137 : vector<256x128xf32>
    %max3A_139 = arith.constant 0.000000e+00 : f32
    %max3A_140 = vector.broadcast %max3A_139 : f32 to vector<256x128xf32>
    %max3A_141 = arith.maximumf %add3A_138, %max3A_140 : vector<256x128xf32>
    %dot_general3A_142 = arith.constant dense<0.000000e+00> : vector<256x128xf32>
    %dot_general3A_143 = tpu.matmul %max3A_141, %get3A_4, %dot_general3A_142 {dimension_numbers = #tpu.dot_dimension_numbers<[1], [0], [0], [1], [0, 0, 1, 1], [], []>, transpose_lhs_hint = false} : vector<256x128xf32>, vector<128x128xf32>, vector<256x128xf32> -> vector<256x128xf32>
    %max3A_144 = arith.maximumf %max3A_132, %dot_general3A_143 : vector<256x128xf32>
    %get3A_145 = arith.constant 0 : index
    %get3A_146 = arith.constant 12 : index
    %get3A_147 = arith.constant 0 : index
    %get3A_148 = vector.load %arg1[%get3A_145, %get3A_146, %get3A_147] : memref<256x16x128xf32, #tpu.memory_space<vmem>>, vector<256x1x128xf32>
    %get3A_149 = vector.shape_cast %get3A_148 : vector<256x1x128xf32> to vector<256x128xf32>
    %add3A_150 = arith.addf %get3A_1, %get3A_149 : vector<256x128xf32>
    %max3A_151 = arith.constant 0.000000e+00 : f32
    %max3A_152 = vector.broadcast %max3A_151 : f32 to vector<256x128xf32>
    %max3A_153 = arith.maximumf %add3A_150, %max3A_152 : vector<256x128xf32>
    %dot_general3A_154 = arith.constant dense<0.000000e+00> : vector<256x128xf32>
    %dot_general3A_155 = tpu.matmul %max3A_153, %get3A_4, %dot_general3A_154 {dimension_numbers = #tpu.dot_dimension_numbers<[1], [0], [0], [1], [0, 0, 1, 1], [], []>, transpose_lhs_hint = false} : vector<256x128xf32>, vector<128x128xf32>, vector<256x128xf32> -> vector<256x128xf32>
    %max3A_156 = arith.maximumf %max3A_144, %dot_general3A_155 : vector<256x128xf32>
    %get3A_157 = arith.constant 0 : index
    %get3A_158 = arith.constant 13 : index
    %get3A_159 = arith.constant 0 : index
    %get3A_160 = vector.load %arg1[%get3A_157, %get3A_158, %get3A_159] : memref<256x16x128xf32, #tpu.memory_space<vmem>>, vector<256x1x128xf32>
    %get3A_161 = vector.shape_cast %get3A_160 : vector<256x1x128xf32> to vector<256x128xf32>
    %add3A_162 = arith.addf %get3A_1, %get3A_161 : vector<256x128xf32>
    %max3A_163 = arith.constant 0.000000e+00 : f32
    %max3A_164 = vector.broadcast %max3A_163 : f32 to vector<256x128xf32>
    %max3A_165 = arith.maximumf %add3A_162, %max3A_164 : vector<256x128xf32>
    %dot_general3A_166 = arith.constant dense<0.000000e+00> : vector<256x128xf32>
    %dot_general3A_167 = tpu.matmul %max3A_165, %get3A_4, %dot_general3A_166 {dimension_numbers = #tpu.dot_dimension_numbers<[1], [0], [0], [1], [0, 0, 1, 1], [], []>, transpose_lhs_hint = false} : vector<256x128xf32>, vector<128x128xf32>, vector<256x128xf32> -> vector<256x128xf32>
    %max3A_168 = arith.maximumf %max3A_156, %dot_general3A_167 : vector<256x128xf32>
    %get3A_169 = arith.constant 0 : index
    %get3A_170 = arith.constant 14 : index
    %get3A_171 = arith.constant 0 : index
    %get3A_172 = vector.load %arg1[%get3A_169, %get3A_170, %get3A_171] : memref<256x16x128xf32, #tpu.memory_space<vmem>>, vector<256x1x128xf32>
    %get3A_173 = vector.shape_cast %get3A_172 : vector<256x1x128xf32> to vector<256x128xf32>
    %add3A_174 = arith.addf %get3A_1, %get3A_173 : vector<256x128xf32>
    %max3A_175 = arith.constant 0.000000e+00 : f32
    %max3A_176 = vector.broadcast %max3A_175 : f32 to vector<256x128xf32>
    %max3A_177 = arith.maximumf %add3A_174, %max3A_176 : vector<256x128xf32>
    %dot_general3A_178 = arith.constant dense<0.000000e+00> : vector<256x128xf32>
    %dot_general3A_179 = tpu.matmul %max3A_177, %get3A_4, %dot_general3A_178 {dimension_numbers = #tpu.dot_dimension_numbers<[1], [0], [0], [1], [0, 0, 1, 1], [], []>, transpose_lhs_hint = false} : vector<256x128xf32>, vector<128x128xf32>, vector<256x128xf32> -> vector<256x128xf32>
    %max3A_180 = arith.maximumf %max3A_168, %dot_general3A_179 : vector<256x128xf32>
    %get3A_181 = arith.constant 0 : index
    %get3A_182 = arith.constant 15 : index
    %get3A_183 = arith.constant 0 : index
    %get3A_184 = vector.load %arg1[%get3A_181, %get3A_182, %get3A_183] : memref<256x16x128xf32, #tpu.memory_space<vmem>>, vector<256x1x128xf32>
    %get3A_185 = vector.shape_cast %get3A_184 : vector<256x1x128xf32> to vector<256x128xf32>
    %add3A_186 = arith.addf %get3A_1, %get3A_185 : vector<256x128xf32>
    %max3A_187 = arith.constant 0.000000e+00 : f32
    %max3A_188 = vector.broadcast %max3A_187 : f32 to vector<256x128xf32>
    %max3A_189 = arith.maximumf %add3A_186, %max3A_188 : vector<256x128xf32>
    %dot_general3A_190 = arith.constant dense<0.000000e+00> : vector<256x128xf32>
    %dot_general3A_191 = tpu.matmul %max3A_189, %get3A_4, %dot_general3A_190 {dimension_numbers = #tpu.dot_dimension_numbers<[1], [0], [0], [1], [0, 0, 1, 1], [], []>, transpose_lhs_hint = false} : vector<256x128xf32>, vector<128x128xf32>, vector<256x128xf32> -> vector<256x128xf32>
    %max3A_192 = arith.maximumf %max3A_180, %dot_general3A_191 : vector<256x128xf32>
    %get3A_193 = arith.constant 0 : index
    %get3A_194 = arith.constant 0 : index
    %get3A_195 = vector.load %arg4[%get3A_193, %get3A_194] : memref<1x128xf32, #tpu.memory_space<vmem>>, vector<1x128xf32>
    %add3A_196 = vector.broadcast %get3A_195 : vector<1x128xf32> to vector<256x128xf32>
    %add3A_197 = arith.addf %max3A_192, %add3A_196 : vector<256x128xf32>
    %swap3A = arith.constant 0 : index
    %swap3A_198 = arith.constant 0 : index
    %swap3A_199 = vector.load %arg5[%swap3A, %swap3A_198] : memref<256x128xf32, #tpu.memory_space<vmem>>, vector<256x128xf32>
    tpu.vector_store %arg5[%swap3A, %swap3A_198], %add3A_197 {strides = array<i32>} : memref<256x128xf32, #tpu.memory_space<vmem>>, vector<256x128xf32>,
    return
  }
  func.func @transform_0(%arg0: i32) -> (i32, i32, i32) {
    %c0_i32 = arith.constant 0 : i32
    %c0_i32_0 = arith.constant 0 : i32
    %c0_i32_1 = arith.constant 0 : i32
    return %arg0, %c0_i32, %c0_i32_0 : i32, i32, i32
  }
  func.func @transform_1(%arg0: i32) -> (i32, i32) {
    %c0_i32 = arith.constant 0 : i32
    %c0_i32_0 = arith.constant 0 : i32
    return %arg0, %c0_i32 : i32, i32
  }
  func.func @transform_2(%arg0: i32) -> (i32, i32) {
    %c0_i32 = arith.constant 0 : i32
    %c0_i32_0 = arith.constant 0 : i32
    %c0_i32_1 = arith.constant 0 : i32
    return %c0_i32, %c0_i32_0 : i32, i32
  }
  func.func @transform_3(%arg0: i32) -> (i32, i32) {
    %c0_i32 = arith.constant 0 : i32
    %c0_i32_0 = arith.constant 0 : i32
    %c0_i32_1 = arith.constant 0 : i32
    return %c0_i32, %c0_i32_0 : i32, i32
  }
  func.func @transform_4(%arg0: i32) -> (i32, i32) {
    %c0_i32 = arith.constant 0 : i32
    %c0_i32_0 = arith.constant 0 : i32
    return %arg0, %c0_i32 : i32, i32
  }
}

module attributes {stable_mosaic.version = 14 : i64} {
  func.func @_mm_body(%arg0: memref<10000x128xf32, #tpu.memory_space<vmem>>, %arg1: memref<256x128xf32, #tpu.memory_space<vmem>>, %arg2: memref<1x128xf32, #tpu.memory_space<vmem>>, %arg3: memref<10000x128xf32, #tpu.memory_space<vmem>>, %arg4: memref<10000x128xf32, #tpu.memory_space<vmem>>) attributes {dimension_semantics = [], scalar_prefetch = 0 : i64, scratch_operands = 0 : i64, tpu.core_type = #tpu.core_type<tc>} {
    %get3A = arith.constant 0 : index
    %get3A_0 = arith.constant 0 : index
    %get3A_1 = vector.load %arg0[%get3A, %get3A_0] : memref<10000x128xf32, #tpu.memory_space<vmem>>, vector<10000x128xf32>
    %get3A_2 = arith.constant 0 : index
    %get3A_3 = arith.constant 0 : index
    %get3A_4 = vector.load %arg1[%get3A_2, %get3A_3] : memref<256x128xf32, #tpu.memory_space<vmem>>, vector<128x128xf32>
    %get3A_5 = arith.constant 128 : index
    %get3A_6 = arith.constant 0 : index
    %get3A_7 = vector.load %arg1[%get3A_5, %get3A_6] : memref<256x128xf32, #tpu.memory_space<vmem>>, vector<128x128xf32>
    %dot_general3A = arith.constant dense<0.000000e+00> : vector<10000x128xf32>
    %dot_general3A_8 = tpu.matmul %get3A_1, %get3A_7, %dot_general3A {dimension_numbers = #tpu.dot_dimension_numbers<[1], [0], [0], [1], [0, 0, 1, 1], [], []>, transpose_lhs_hint = false} : vector<10000x128xf32>, vector<128x128xf32>, vector<10000x128xf32> -> vector<10000x128xf32>
    %swap3A = arith.constant 0 : index
    %swap3A_9 = arith.constant 0 : index
    %swap3A_10 = vector.load %arg4[%swap3A, %swap3A_9] : memref<10000x128xf32, #tpu.memory_space<vmem>>, vector<10000x128xf32>
    tpu.vector_store %arg4[%swap3A, %swap3A_9], %dot_general3A_8 {strides = array<i32>} : memref<10000x128xf32, #tpu.memory_space<vmem>>, vector<10000x128xf32>,
    %sub3A = arith.subf %get3A_4, %get3A_7 : vector<128x128xf32>
    %dot_general3A_11 = arith.constant dense<0.000000e+00> : vector<10000x128xf32>
    %dot_general3A_12 = tpu.matmul %get3A_1, %sub3A, %dot_general3A_11 {dimension_numbers = #tpu.dot_dimension_numbers<[1], [0], [0], [1], [0, 0, 1, 1], [], []>, transpose_lhs_hint = false} : vector<10000x128xf32>, vector<128x128xf32>, vector<10000x128xf32> -> vector<10000x128xf32>
    %get3A_13 = arith.constant 0 : index
    %get3A_14 = arith.constant 0 : index
    %get3A_15 = vector.load %arg2[%get3A_13, %get3A_14] : memref<1x128xf32, #tpu.memory_space<vmem>>, vector<1x128xf32>
    %add3A = vector.broadcast %get3A_15 : vector<1x128xf32> to vector<10000x128xf32>
    %add3A_16 = arith.addf %dot_general3A_12, %add3A : vector<10000x128xf32>
    %swap3A_17 = arith.constant 0 : index
    %swap3A_18 = arith.constant 0 : index
    %swap3A_19 = vector.load %arg3[%swap3A_17, %swap3A_18] : memref<10000x128xf32, #tpu.memory_space<vmem>>, vector<10000x128xf32>
    tpu.vector_store %arg3[%swap3A_17, %swap3A_18], %add3A_16 {strides = array<i32>} : memref<10000x128xf32, #tpu.memory_space<vmem>>, vector<10000x128xf32>,
    return
  }
}

</mosaic_0001>

<sc_bundles>
// kernel: kernel.5.cloned.1.call-start
scs
__scs_entry_jumppad:
0x0: {  	(pc) =	sbr.rel $0x88, $3  }
0x1: {  	(tag) =	ssettag $0x0;
	lr =	simm.s32 $0x1  }
0x2: {  	[smem:$0x3F9B] =	sst lr;
	_ =	strace $0xD0000000  }
0x3: {  	_ = 	snop  }
0x4: {  	_ = 	snop  }
0x5: {  	_ = 	snop  }
0x6: {  	_ = 	snop  }
0x7: {  	_ = 	snop  }
__scs_overlays_trampoline_lowered:
0x8: {  	[smem:$0x3FAA] =	sst s0  }
0x9: {  	[smem:$0x3FAB] =	sst s1  }
0xa: {  	[smem:$0x3FAC] =	sst s2  }
0xb: {  	[smem:$0x3FAD] =	sst s3  }
0xc: {  	[smem:$0x3FAE] =	sst s4  }
0xd: {  	[smem:$0x3FAF] =	sst s5  }
0xe: {  	[smem:$0x3FB0] =	sst s6  }
0xf: {  	[smem:$0x3FB1] =	sst s7  }
0x10: {  	[smem:$0x3FB2] =	sst s8  }
0x11: {  	[smem:$0x3FB3] =	sst s9;
	s0 =	simm.s32 @!p0 $0x0  }
0x12: {  	s1 =	sld [smem:$0x3F99];
	s0 =	simm.s32 @p0 $0x1  }
0x13: {  	[smem:$0x3FB4] =	sst s0;
	s0 =	simm.s32 @!p1 $0x0  }
0x14: {  	s2 =	sld [smem:$0x3F98];
	s0 =	simm.s32 @p1 $0x1  }
0x15: {  	[smem:$0x3FB5] =	sst s0;
	s0 =	simm.s32 @!p2 $0x0  }
0x16: {  	s3 =	sld [smem:$0x3FDB];
	s0 =	simm.s32 @p2 $0x1  }
0x17: {  	s4 =	simm.s32 $0x1BF5;
	[smem:$0x3FB7] =	sst s0  }
0x18: {  	s0 =	sld [smem:$0x3F9A];
	_ =	swait.ge [sflag:s4], $0x0  }
0x19: {  	s7 =	sld [smem:$0x3F9B]  }
0x1a: {  	s8 =	sadd.s32 $0xFFFFE003, lr  }
0x1b: {  	s9 =	sadd.s32 $0xFFFFFEF7, lr;
	s5 =	simm.s32 $0xFFFFFFFF;
	p2 =	slt.u32 s8, $0xFFFFF086  }
0x1c: {  	p1 =	slt.u32 s9, $0xF7A;
	s5 =	simm.s32 @!p2 $0x0  }
0x1d: {  	s5 =	simm.s32 @p1 $0x1;
	p0 =	seq.s32 s7, s2  }
0x1e: {  	s7 =	smul.u32 @!p0 $0xF7A, s2;
	p2 =	seq.s32 @!p0 s5, $0x0  }
0x1f: {  	s9 =	smul.u32 $0xF7A, s1;
	s8 =	simm.s32 @!p0 $0x1BF5;
	p2 =	por !p2, p0  }
0x20: {  	[sflag:s8] =	ssyncset.s32 @!p0 $0xFFFFF086;
	s6 =	sadd.s32 @!p0 s3, s7;
	s7 =	simm.s32 @!p0 $0x108  }
0x21: {  	s3 =	sadd.s32 s3, s9;
	s6 =	sadd.s32 @!p0 $0x88, s6;
	s7 =	simm.s32 @p2 $0x1082  }
0x22: {  	[simem:s7], [sflag:s8] =	dma.local @!p0 [hbm:s6], $0xF7A  }
0x23: {  	s9 =	sor.u32 $0xD0000000, s2;
	s6 =	simm.s32 $0x108;
	_ =	swait.ge @!p0 [sflag:s8], $0x0  }
0x24: {  	s3 =	sadd.s32 $0x88, s3;
	s6 =	simm.s32 @!p1 $0x1082;
	[sflag:s4] =	ssyncset.s32 $0xFFFFF086  }
0x25: {  	[simem:s6], [sflag:s4] =	dma.local [hbm:s3], $0xF7A  }
0x26: {  	[smem:$0x3F9B] =	sst s1;
	(tag) =	ssettag s2;
	_ =	strace s9  }
0x27: {  	s1 =	sld [smem:$0x3FAB]  }
0x28: {  	s2 =	sld [smem:$0x3FAC]  }
0x29: {  	s4 =	sld [smem:$0x3FAE]  }
0x2a: {  	p0 =	seq.s32 s5, $0x0;
	s5 =	sld [smem:$0x3FAF]  }
0x2b: {  	s6 =	sld [smem:$0x3FB0]  }
0x2c: {  	s7 =	sld [smem:$0x3FB1]  }
0x2d: {  	s3 =	simm.s32 $0x108;
	s8 =	sld [smem:$0x3FB2]  }
0x2e: {  	s3 =	simm.s32 @!p0 $0x1082;
	s9 =	sld [smem:$0x3FB3]  }
0x2f: {  	lr =	sadd.s32 s0, s3;
	s0 =	sld [smem:$0x3FAA]  }
0x30: {  	s3 =	sld [smem:$0x3FAD]  }
0x31: {  	[smem:$0x3FB6] =	sst s10  }
0x32: {  	s10 =	sld [smem:$0x3FB4];
	_ =	sdelay $0x3  }
0x33: {  	p0 =	seq.s32 s10, $0x1;
	s10 =	sld [smem:$0x3FB6];
	_ =	sdelay $0x3  }
0x34: {  	[smem:$0x3FB6] =	sst s10  }
0x35: {  	s10 =	sld [smem:$0x3FB5];
	_ =	sdelay $0x3  }
0x36: {  	p1 =	seq.s32 s10, $0x1;
	s10 =	sld [smem:$0x3FB6];
	_ =	sdelay $0x3  }
0x37: {  	[smem:$0x3FB6] =	sst s10  }
0x38: {  	s10 =	sld [smem:$0x3FB7]  }
0x39: {  	_ = 	snop;
	(pc) =	sbr.ind lr, $3  }
0x3a: {  	_ = 	snop  }
0x3b: {  	_ = 	snop  }
0x3c: {  	p2 =	seq.s32 s10, $0x1;
	s10 =	sld [smem:$0x3FB6]  }
0x3d: {  	_ =	shalt  }
0x3e: {  	_ =	shalt  }
0x3f: {  	_ =	shalt  }
0x40: {  	_ =	shalt  }
0x41: {  	_ =	shalt  }
0x42: {  	_ =	shalt  }
0x43: {  	_ =	shalt  }
0x44: {  	_ =	shalt  }
0x45: {  	_ =	shalt  }
0x46: {  	_ =	shalt  }
0x47: {  	_ =	shalt  }
0x48: {  	_ =	shalt  }
0x49: {  	_ =	shalt  }
0x4a: {  	_ =	shalt  }
0x4b: {  	_ =	shalt  }
0x4c: {  	_ =	shalt  }
0x4d: {  	_ =	shalt  }
0x4e: {  	_ =	shalt  }
0x4f: {  	_ =	shalt  }
0x50: {  	_ =	shalt  }
0x51: {  	_ =	shalt  }
0x52: {  	_ =	shalt  }
0x53: {  	_ =	shalt  }
0x54: {  	_ =	shalt  }
0x55: {  	_ =	shalt  }
0x56: {  	_ =	shalt  }
0x57: {  	_ =	shalt  }
0x58: {  	_ =	shalt  }
0x59: {  	_ =	shalt  }
0x5a: {  	_ =	shalt  }
0x5b: {  	_ =	shalt  }
0x5c: {  	_ =	shalt  }
0x5d: {  	_ =	shalt  }
0x5e: {  	_ =	shalt  }
0x5f: {  	_ =	shalt  }
0x60: {  	_ =	shalt  }
0x61: {  	_ =	shalt  }
0x62: {  	_ =	shalt  }
0x63: {  	_ =	shalt  }
0x64: {  	_ =	shalt  }
0x65: {  	_ =	shalt  }
0x66: {  	_ =	shalt  }
0x67: {  	_ =	shalt  }
0x68: {  	_ =	shalt  }
0x69: {  	_ =	shalt  }
0x6a: {  	_ =	shalt  }
0x6b: {  	_ =	shalt  }
0x6c: {  	_ =	shalt  }
0x6d: {  	_ =	shalt  }
0x6e: {  	_ =	shalt  }
0x6f: {  	_ =	shalt  }
0x70: {  	_ =	shalt  }
0x71: {  	_ =	shalt  }
0x72: {  	_ =	shalt  }
0x73: {  	_ =	shalt  }
0x74: {  	_ =	shalt  }
0x75: {  	_ =	shalt  }
0x76: {  	_ =	shalt  }
0x77: {  	_ =	shalt  }
0x78: {  	_ =	shalt  }
0x79: {  	_ =	shalt  }
0x7a: {  	_ =	shalt  }
0x7b: {  	_ =	shalt  }
0x7c: {  	_ =	shalt  }
0x7d: {  	_ =	shalt  }
0x7e: {  	_ =	shalt  }
0x7f: {  	_ =	shalt  }
0x80: {  	_ =	shalt  }
0x81: {  	_ =	shalt  }
0x82: {  	_ =	shalt  }
0x83: {  	_ =	shalt  }
0x84: {  	_ =	shalt  }
0x85: {  	_ =	shalt  }
0x86: {  	_ =	shalt  }
0x87: {  	_ =	shalt  }
.Lfunc_end0:
.L_simem_size_0:
called_computation_lowered:
.L_overlay_start_0:
0x88: {  	s2 =	sld [smem:$0x3FD9]  }
0x89: {  	s3 =	sld [smem:$0x3FFE];
	_ =	sdelay $0x1  }
0x8a: {  	s1 =	srdreg.scid  }
0x8b: {  	s0 =	sand.u32 $0x1, s1  }
0x8c: {  	s17 =	sshll.u32 s0, $0xA;
	s2 =	sadd.s32 s3, s2  }
0x8d: {  	s2 =	sadd.s32 s2, s17  }
0x8e: {  	[smem:$0x3FC2] =	sst s2  }
0x8f: {  	_ = 	snop  }
0x90: {  	s2 =	sld [smem:$0x3FD0];
	(tm) =	ssettm $0x1  }
0x91: {  	s18 =	sld [smem:$0x3FFB];
	_ =	sdelay $0x3  }
0x92: {  	_ =	strace s18  }
0x93: {  	s3 =	sld [smem:$0x3FFC];
	_ =	sdelay $0x3  }
0x94: {  	_ =	strace s3  }
0x95: {  	s3 =	sld [smem:$0x3FFD];
	_ =	sdelay $0x3  }
0x96: {  	_ =	strace s3  }
0x97: {  	_ =	strace $0x8FFFFFFF  }
0x98: {  	s19 =	sld [smem:$0x3FDB];
	_ =	sdelay $0x1  }
0x99: {  	s4 =	simm.s32 $_scs_section_size  }
0x9a: {  	s5 =	simm.s32 $_size__tile_overlayer_lowered;
	s6 =	simm.s32 $_tile_overlayer_lowered  }
0x9b: {  	s22 =	simm.s32 $0x1BFF;
	s21 =	sshll.u32 s6, $0x1;
	s3 =	sadd.s32 s4, s19  }
0x9c: {  	s7 =	simm.s32 $0x0;
	s20 =	sshll.u32 s5, $0x1;
	s5 =	sadd.s32 s21, s3  }
0x9d: {  	[timem:s7], [sflag:s22] =	dma.local [hbm:s5], s20  }
0x9e: {  	_ =	swait.ge [sflag:s22], s20  }
0x9f: {  	s4 =	ssub.s32 $0x0, s20;
	[sflag:s22] =	ssyncset.done $0x0  }
0xa0: {  	[sflag:s22] =	ssyncadd.s32 s4;
	_ =	sdelay $0x1  }
0xa1: {  	s23 =	simm.s32 $0x1B8B  }
0xa2: {  	_ =	swait.ge [sflag:s23], $0x1  }
0xa3: {  	[sflag:s23] =	ssyncset.done $0x0  }
0xa4: {  	s25 =	simm.s32 $0x1B8E;
	s24 =	sld [smem:$0x3FFE];
	[sflag:s23] =	ssyncadd.s32 $0xFFFFFFFF  }
0xa5: {  	s26 =	simm.s32 $execute0_lowered;
	[smem:$0x3FD2] =	sst s25  }
0xa6: {  	s5 =	sshll.u32 s26, $0x1;
	_ =	strace $0x80000046;
	[dreg:$0x1] =	wrdreg $0xFFFFFFFF  }
0xa7: {  	s28 =	simm.s32 $_size_execute0_lowered;
	s3 =	sadd.s32 s3, s5;
	[dreg:$0x0] =	wrdreg $0x0  }
0xa8: {  	s5 =	sshll.u32 s28, $0x1;
	[dreg:$0x2] =	wrdreg s3  }
0xa9: {  	[dreg:$0x3] =	wrdreg s5  }
0xaa: {  	[dreg:$0x4] =	wrdreg $0xC0  }
0xab: {  	_ =	task [dreg:s7], $0x5FFFF  }
0xac: {  	[dreg:$0x1] =	wrdreg $0xFFFFFFFF  }
0xad: {  	[dreg:$0x0] =	wrdreg $0x60  }
0xae: {  	[dreg:$0x2] =	wrdreg s24  }
0xaf: {  	[dreg:$0x3] =	wrdreg s2  }
0xb0: {  	[dreg:$0x4] =	wrdreg $0x9  }
0xb1: {  	_ =	task.clear_ibuf [dreg:s7], $0x5FFFF;
	_ =	strace $0x90000046  }
0xb2: {  	s29 =	simm.s32 $0x9;
	_ =	strace $0x80000048  }
0xb3: {  	_ =	swait.ge [sflag:s29], $0x1  }
0xb4: {  	[sflag:s29] =	ssyncadd.s32 $0xFFFFFFFF  }
0xb5: {  	_ =	strace $0x90000048  }
0xb6: {  	_ =	sfence  }
0xb7: {  	s30 =	sld [smem:$0x0];
	_ =	sdelay $0x2  }
0xb8: {  	s31 =	sshll.u32 s1, $0xD;
	s1 =	sshrl.u32 s1, $0x2  }
0xb9: {  	s3 =	sand.u32 $0x4000, s31;
	s1 =	sadd.s32 s1, s30  }
0xba: {  	s0 =	sor.u32 s3, s0;
	s1 =	sshll.u32 s1, $0x11  }
0xbb: {  	s0 =	sor.u32 s1, s0  }
0xbc: {  	s0 =	sadd.s32 $0x8F2B, s0  }
0xbd: {  	[sflag:s0] =	ssyncadd.remote.s32 $0x1  }
0xbe: {  	_ =	sfence.sel $0xFFFF  }
0xbf: {  	[dreg:$0x0] =	wrdreg $0xFFFFFFFF;
	(pc) =	sbr.abs _section_cstart, $3  }
0xc0: {  	[dreg:$0x1] =	wrdreg $0xFFFFFFFF  }
0xc1: {  	_ =	task.clear_ibuf [dreg:s7], $0x2FFFF;
	_ =	strace $0x9FFFFFFF  }
0xc2: {  	(tm) =	ssettm $0x7FFFFFFF  }
0xc3: {  	_ =	shalt  }
tec
execute0_lowered:
.L_overlay_start_1:
0x0: {  	(tag) =	ssettag $0x1  }
0x1: {  	s0 =	rddreg [dreg:$0x0]  }
0x2: {  	s1 =	rddreg [dreg:$0x1];
	s2 =	srdreg.scid  }
0x3: {  	s3 =	simm.s32 $0x0;
	s6 =	stileid.u32;
	s8 =	simm.s32 $0x9E00  }
0x4: {  	s9 =	simm.s32 $0x11380;
	s10 =	simm.s32 $0x11580;
	s11 =	simm.s32 $0x11780  }
0x5: {  	s12 =	simm.s32 $0x11980;
	s13 =	simm.s32 $0x11B80;
	s14 =	simm.s32 $0x11D80  }
0x6: {  	s15 =	simm.s32 $0x11F80;
	s16 =	simm.s32 $0x12180;
	s20 =	simm.s32 $0x13B80  }
0x7: {  	s2 =	sand.u32 $0x1, s2;
	[smem:$0x7FF] =	sst s3;
	s6 =	sshll.u32 s6, $0x1  }
.Ltmp0:
0x8: {  	s4 =	ssub.s32 $0x2, s2;
	s2 =	sor.u32 s2, s6;
	(pc) =	sbr.rel .LBB2_1-.Ltmp0, $4  }
0x9: {  	s7 =	sadd.s32 $0x1800, s0;
	s5 =	sshrl.u32 s4, $0x1;
	s30 =	smul.u32 $0x13C, s2  }
0xa: {  	_ =	strace $0x80000047;
	[dreg:$0x3] =	wrdreg s7;
	s4 =	ssub.s32 s4, s5  }
0xb: {  	v0 =	vlaneseq.u32;
	s21 =	simm.s32 $0x1;
	[dreg:$0x4] =	wrdreg s30;
	s31 =	smax.u32 s4, $0x1  }
0xc: {  	v2 =	vimm.s32 $0x0;
	v1 =	vmul.u32 $0x3, v0;
	s2 =	simm.s32 $0x0;
	s5 =	sadd.s32 $0x2800, s0;
	[dreg:$0x5] =	wrdreg s31  }
.LBB2_39:
0xd: {  	s2 =	rddreg [dreg:$0x6]  }
0xe: {  	s0 =	rddreg [dreg:$0x5];
	s2 =	sadd.s32 $0x1, s2  }
0xf: {  	p0 =	sne.s32 s2, s0  }
.Ltmp1:
0x10: {  	_ = 	snop;
	(pc) =	sbr.rel @!p0 .LBB2_40-.Ltmp1, $1  }
0x11: {  	_ =	sdelay $0x3  }
.LBB2_1:
0x12: {  	[dreg:$0x6] =	wrdreg s2;
	s25 =	simm.s32 $0x0  }
0x13: {  	s0 =	rddreg [dreg:$0x3];
	s26 =	simm.s32 $0x1;
	s29 =	simm.s32 $0x2;
	v3 =	vadd.s32 s25, v1  }
0x14: {  	[tilespmem:s8], [sflag:$0x2] =	stream.linear.gather [hbm4b:s0+s3], $0x7580, $0x38;
	v4 =	vadd.s32 s26, v1;
	[tilespmem:$0x14380] =	vst v63  }
0x15: {  	_ =	swait.ge [sflag:s29], $0x7580  }
0x16: {  	v5 =	vadd.s32 s29, v1;
	[sflag:s29] =	ssyncset.done $0x0  }
0x17: {  	[sflag:s29] =	ssyncadd.s32 $0xFFFF8A80  }
0x18: {  	v3 =	vld.idx.msk [tilespmem:v3+s8+$0x0], $0xffff  }
0x19: {  	v4 =	vld.idx.msk [tilespmem:v4+s8+$0x0], $0xffff;
	_ =	sdelay $0x1  }
0x1a: {  	v5 =	vld.idx.msk [tilespmem:v5+s8+$0x0], $0xffff;
	_ =	sdelay $0x2  }
0x1b: {  	v6 =	vmul.f32 v3, v3;
	v7 =	vmul.f32 v4, v4  }
0x1c: {  	v8 =	vshrl.u32 v3, $0x10  }
0x1d: {  	v9 =	vshrl.u32 v4, $0x10;
	v6 =	vadd.f32 v7, v6;
	v7 =	vmul.f32 v5, v5  }
0x1e: {  	v10 =	vshrl.u32 v5, $0x10;
	v8 =	vand.u32 $0x1, v8;
	v9 =	vand.u32 $0x1, v9  }
0x1f: {  	v3 =	vadd.s32 v8, v3;
	v4 =	vadd.s32 v9, v4;
	v6 =	vadd.f32 v7, v6  }
0x20: {  	s23 =	simm.s32 $0x7680;
	s4 =	simm.s32 $0x30;
	v3 =	vadd.s32 $0x7FFF, v3;
	v4 =	vadd.s32 $0x7FFF, v4;
	v7 =	vand.u32 $0x1, v10  }
0x21: {  	s30 =	simm.s32 $0x2780;
	s31 =	simm.s32 $0x31;
	v5 =	vadd.s32 v7, v5;
	[tilespmem:s23+$0x0] =	vst v6;
	v6 =	vand.u32 $0xFFFF0000, v3;
	v3 =	vadd.s32 s4, v1  }
0x22: {  	s28 =	simm.s32 $0x4F00;
	s7 =	simm.s32 $0x32;
	s24 =	simm.s32 $0x4F10;
	v7 =	vand.u32 $0xFFFF0000, v4;
	v4 =	vadd.s32 s31, v1;
	v5 =	vadd.s32 $0x7FFF, v5;
	[tilespmem:s3+$0x0] =	vst v6  }
0x23: {  	s0 =	simm.s32 $0x62;
	s25 =	simm.s32 $0x2790;
	s26 =	simm.s32 $0x0;
	v6 =	vand.u32 $0xFFFF0000, v5;
	v5 =	vadd.s32 s7, v1;
	[tilespmem:s30+$0x0] =	vst v7  }
.LBB2_2:
0x24: {  	s23 =	sadd.s32 $0x10, s23;
	s26 =	sadd.s32 $0x10, s26  }
0x25: {  	[tilespmem:s28+$0x0] =	vst v6;
	s2 =	smov.u32 s0;
	s4 =	sadd.s32 $0x30, s0;
	s28 =	smov.u32 s24  }
0x26: {  	p0 =	sne.s32 s0, $0x7502;
	v3 =	vld.idx.msk [tilespmem:v3+s8+$0x0], $0xffff  }
0x27: {  	v4 =	vld.idx.msk [tilespmem:v4+s8+$0x0], $0xffff;
	_ =	sdelay $0x1  }
0x28: {  	v5 =	vld.idx.msk [tilespmem:v5+s8+$0x0], $0xffff;
	_ =	sdelay $0x2  }
0x29: {  	v6 =	vshrl.u32 v3, $0x10  }
0x2a: {  	v7 =	vmul.f32 v3, v3;
	v8 =	vmul.f32 v4, v4;
	v9 =	vshrl.u32 v4, $0x10  }
0x2b: {  	v6 =	vand.u32 $0x1, v6;
	v9 =	vand.u32 $0x1, v9  }
0x2c: {  	v7 =	vadd.f32 v8, v7;
	v8 =	vmul.f32 v5, v5;
	v10 =	vshrl.u32 v5, $0x10  }
0x2d: {  	v6 =	vadd.s32 v6, v3;
	v3 =	vadd.s32 v9, v4;
	v4 =	vand.u32 $0x1, v10  }
.Ltmp2:
0x2e: {  	s0 =	sadd.s32 $0xFFFFFFFE, s2;
	v7 =	vadd.f32 v8, v7;
	v8 =	vadd.s32 $0x7FFF, v3;
	v4 =	vadd.s32 v4, v5;
	(pc) =	sbr.rel @p0 .LBB2_2-.Ltmp2, $4  }
0x2f: {  	v3 =	vadd.s32 s0, v1;
	s0 =	sadd.s32 $0xFFFFFFFF, s2;
	v5 =	vadd.s32 $0x7FFF, v6;
	v6 =	vadd.s32 $0x7FFF, v4  }
0x30: {  	v4 =	vadd.s32 s0, v1;
	v5 =	vand.u32 $0xFFFF0000, v5;
	v6 =	vand.u32 $0xFFFF0000, v6;
	[tilespmem:s23+$0x0] =	vst v7  }
0x31: {  	v7 =	vand.u32 $0xFFFF0000, v8;
	[tilespmem:s26+$0x0] =	vst v5  }
0x32: {  	s24 =	sadd.s32 $0x10, s24;
	s0 =	smov.u32 s4;
	v5 =	vadd.s32 s2, v1;
	[tilespmem:s25+$0x0] =	vst v7;
	s25 =	sadd.s32 $0x10, s25  }
0x33: {  	_ =	sdelay $0x2  }
0x34: {  	[tilespmem:s28+$0x0] =	vst v6  }
0x35: {  	v3 =	vld.idx.msk [tilespmem:v3+s8+$0x0], $0xffff  }
0x36: {  	v4 =	vld.idx.msk [tilespmem:v4+s8+$0x0], $0xffff;
	_ =	sdelay $0x1  }
0x37: {  	v5 =	vld.idx.msk [tilespmem:v5+s8+$0x0], $0xffff;
	_ =	sdelay $0x2  }
0x38: {  	v60 =	vmul.f32 v3, v3;
	v7 =	vmul.f32 v4, v4;
	_ =	sdelay $0x1  }
0x39: {  	v8 =	vshrl.u32 v3, $0x10;
	v61 =	vmul.f32 v5, v5;
	v6 =	vadd.f32 v7, v60  }
0x3a: {  	v9 =	vshrl.u32 v4, $0x10;
	v10 =	vshrl.u32 v5, $0x10;
	v8 =	vand.u32 $0x1, v8  }
0x3b: {  	v9 =	vand.u32 $0x1, v9;
	v3 =	vadd.s32 v8, v3;
	v6 =	vadd.f32 v61, v6  }
.Ltmp3:
0x3c: {  	s0 =	sadd.s32 $0x10, s23;
	v62 =	vand.u32 $0x1, v10;
	v4 =	vadd.s32 v9, v4;
	v3 =	vadd.s32 $0x7FFF, v3;
	(pc) =	sbr.rel .LBB2_4-.Ltmp3, $4  }
0x3d: {  	s2 =	sadd.s32 $0x10, s26;
	v5 =	vadd.s32 v62, v5;
	v4 =	vadd.s32 $0x7FFF, v4;
	v3 =	vand.u32 $0xFFFF0000, v3;
	[tilespmem:s0+$0x0] =	vst v6  }
0x3e: {  	v5 =	vadd.s32 $0x7FFF, v5;
	[tilespmem:s2+$0x0] =	vst v3;
	v3 =	vand.u32 $0xFFFF0000, v4  }
0x3f: {  	v63 =	vand.u32 $0xFFFF0000, v5;
	[tilespmem:s25+$0x0] =	vst v3  }
0x40: {  	s23 =	simm.s32 $0x0;
	[tilespmem:s24+$0x0] =	vst v63  }
.LBB2_38:
0x41: {  	_ =	sdelay $0x2  }
0x42: {  	vm0 =	vmmov $0xffff;
	s2 =	simm.s32 $0x12380  }
0x43: {  	[tilespmem:s2], [sflag:$0x1] =	stream.indirect_vreg.gather [hbm4b:s1+s3], $0x80, v8, vm0, $0xb8;
	[tilespmem:$0x14380] =	vst v63  }
0x44: {  	s4 =	simm.s32 $0x12B80  }
0x45: {  	[tilespmem:s4], [sflag:$0x1] =	stream.indirect_vreg.gather [hbm4b:s1+s3], $0x80, v11, vm0, $0xb8;
	[tilespmem:$0x14380] =	vst v63  }
0x46: {  	s6 =	simm.s32 $0x13380  }
0x47: {  	[tilespmem:s6], [sflag:$0x1] =	stream.indirect_vreg.gather [hbm4b:s1+s3], $0x80, v16, vm0, $0xb8;
	[tilespmem:$0x14380] =	vst v63  }
0x48: {  	_ = 	snop  }
0x49: {  	[tilespmem:s20], [sflag:$0x1] =	stream.indirect_vreg.gather [hbm4b:s1+s3], $0x80, v21, vm0, $0xb8;
	[tilespmem:$0x14380] =	vst v63  }
0x4a: {  	_ =	swait.ge [sflag:s21], $0x800  }
0x4b: {  	[sflag:s21] =	ssyncset.done $0x0  }
0x4c: {  	[sflag:s21] =	ssyncadd.s32 $0xFFFFF800  }
0x4d: {  	_ =	swait.ge [sflag:s21], $0x800  }
0x4e: {  	[sflag:s21] =	ssyncset.done $0x0  }
0x4f: {  	[sflag:s21] =	ssyncadd.s32 $0xFFFFF800  }
0x50: {  	_ =	swait.ge [sflag:s21], $0x800  }
0x51: {  	[sflag:s21] =	ssyncset.done $0x0  }
0x52: {  	[sflag:s21] =	ssyncadd.s32 $0xFFFFF800  }
0x53: {  	_ =	swait.ge [sflag:s21], $0x800  }
0x54: {  	s0 =	sshll.u32 s24, $0x8;
	[sflag:s21] =	ssyncset.done $0x0  }
0x55: {  	s29 =	sshll.u32 s25, $0x8;
	s0 =	sadd.s32 s5, s0;
	[sflag:s21] =	ssyncadd.s32 $0xFFFFF800  }
0x56: {  	[hbm4b:s0+s3] =	stream.linear.scatter [tilespmem:s2], [sflag:$0x1], $0x800, $0x38;
	[tilespmem:$0x14380] =	vst v63  }
0x57: {  	s30 =	sshll.u32 s26, $0x8;
	s0 =	sadd.s32 s5, s29  }
0x58: {  	[hbm4b:s0+s3] =	stream.linear.scatter [tilespmem:s4], [sflag:$0x1], $0x800, $0x38;
	[tilespmem:$0x14380] =	vst v63  }
0x59: {  	s31 =	sshll.u32 s28, $0x8;
	s0 =	sadd.s32 s5, s30  }
0x5a: {  	[hbm4b:s0+s3] =	stream.linear.scatter [tilespmem:s6], [sflag:$0x1], $0x800, $0x38;
	[tilespmem:$0x14380] =	vst v63  }
0x5b: {  	s0 =	sadd.s32 s5, s31  }
0x5c: {  	[hbm4b:s0+s3] =	stream.linear.scatter [tilespmem:s20], [sflag:$0x1], $0x800, $0x38;
	[tilespmem:$0x14380] =	vst v63  }
0x5d: {  	_ =	swait.ge [sflag:s21], $0x800  }
0x5e: {  	[sflag:s21] =	ssyncset.done $0x0  }
0x5f: {  	[sflag:s21] =	ssyncadd.s32 $0xFFFFF800  }
0x60: {  	_ =	swait.ge [sflag:s21], $0x800  }
0x61: {  	[sflag:s21] =	ssyncset.done $0x0  }
0x62: {  	s23 =	sadd.s32 $0x1, s23;
	[sflag:s21] =	ssyncadd.s32 $0xFFFFF800  }
0x63: {  	p0 =	sne.s32 s23, $0x4F;
	_ =	swait.ge [sflag:s21], $0x800  }
.Ltmp4:
0x64: {  	[sflag:s21] =	ssyncset.done $0x0;
	(pc) =	sbr.rel @!p0 .LBB2_39-.Ltmp4, $4  }
0x65: {  	[sflag:s21] =	ssyncadd.s32 $0xFFFFF800  }
0x66: {  	_ =	swait.ge [sflag:s21], $0x800  }
0x67: {  	[sflag:s21] =	ssyncset.done $0x0  }
0x68: {  	[sflag:s21] =	ssyncadd.s32 $0xFFFFF800  }
.LBB2_4:
0x69: {  	s0 =	sshll.u32 s23, $0x2;
	s2 =	rddreg [dreg:$0x4]  }
0x6a: {  	s0 =	sadd.s32 s2, s0  }
0x6b: {  	s24 =	smin.u32 s0, $0x270F  }
0x6c: {  	v3 =	vld [tilespmem:s24+$0x0]  }
0x6d: {  	s2 =	sor.u32 $0x1, s0;
	v4 =	vld [tilespmem:s24+$0x2780]  }
0x6e: {  	s25 =	smin.u32 s2, $0x270F;
	v5 =	vld [tilespmem:s24+$0x4F00]  }
0x6f: {  	v6 =	vld [tilespmem:s25+$0x0]  }
0x70: {  	s17 =	sor.u32 $0x2, s0;
	v7 =	vld [tilespmem:s25+$0x2780]  }
0x71: {  	s26 =	smin.u32 s17, $0x270F;
	(v2sf) =	vpush v3, $0x0;
	v3 =	vld [tilespmem:s25+$0x4F00]  }
0x72: {  	(v2sf) =	vpush v4, $0x0;
	v4 =	vld [tilespmem:s26+$0x0]  }
0x73: {  	s0 =	sor.u32 $0x3, s0;
	(v2sf) =	vpush v5, $0x0;
	v5 =	vld [tilespmem:s26+$0x2780]  }
0x74: {  	s28 =	smin.u32 s0, $0x270F;
	(v2sf) =	vpush v6, $0x0;
	v6 =	vld [tilespmem:s26+$0x4F00]  }
0x75: {  	(v2sf) =	vpush v7, $0x0;
	v7 =	vld [tilespmem:s28+$0x0]  }
0x76: {  	(v2sf) =	vpush v3, $0x0;
	v3 =	vld [tilespmem:s28+$0x2780]  }
0x77: {  	(v2sf) =	vpush v4, $0x0;
	v4 =	vld [tilespmem:s28+$0x4F00]  }
0x78: {  	(v2sf) =	vpush v5, $0x0  }
0x79: {  	(v2sf) =	vpush v6, $0x0  }
0x7a: {  	(v2sf) =	vpush v7, $0x0  }
0x7b: {  	(v2sf) =	vpush v3, $0x0  }
0x7c: {  	(v2sf) =	vpush v4, $0x0;
	_ =	sdelay $0x3  }
0x7d: {  	v5 =	vld [tilespmem:$0x2780];
	s18 =	spop (v2sf)  }
0x7e: {  	v4 =	vld [tilespmem:$0x0];
	s19 =	spop (v2sf);
	s0 =	smul.f32 $-2.000000000e+00, s18  }
0x7f: {  	v6 =	vld [tilespmem:$0x4F00];
	s4 =	spop (v2sf);
	s2 =	smul.f32 $-2.000000000e+00, s19  }
0x80: {  	s7 =	spop (v2sf);
	s4 =	smul.f32 $-2.000000000e+00, s4  }
0x81: {  	v7 =	vld [tilespmem:$0x7680];
	s30 =	spop (v2sf);
	s29 =	smul.f32 $-2.000000000e+00, s7  }
0x82: {  	s22 =	spop (v2sf);
	s30 =	smul.f32 $-2.000000000e+00, s30  }
0x83: {  	v3 =	vmul.f32 s0, v4;
	s31 =	spop (v2sf);
	s7 =	smul.f32 $-2.000000000e+00, s22  }
0x84: {  	v8 =	vmul.f32 s2, v5;
	v9 =	vmul.f32 s4, v6;
	s22 =	spop (v2sf);
	s31 =	smul.f32 $-2.000000000e+00, s31  }
0x85: {  	s6 =	spop (v2sf);
	s22 =	smul.f32 $-2.000000000e+00, s22  }
0x86: {  	v10 =	vadd.f32 v3, v7;
	v8 =	vadd.f32 v9, v8;
	v9 =	vmul.f32 s29, v4;
	s17 =	spop (v2sf);
	s6 =	smul.f32 $-2.000000000e+00, s6  }
0x87: {  	v3 =	vmov s24;
	v11 =	vmul.f32 s30, v5;
	v12 =	vmul.f32 s7, v6;
	s18 =	spop (v2sf);
	s17 =	smul.f32 $-2.000000000e+00, s17  }
0x88: {  	vm0 =	veq.s32 v3, v0;
	v8 =	vadd.f32 v8, v10;
	v9 =	vadd.f32 v9, v7;
	s18 =	smul.f32 $-2.000000000e+00, s18;
	s19 =	spop (v2sf)  }
0x89: {  	v10 =	vadd.f32 v12, v11;
	v11 =	vmul.f32 s31, v4;
	v12 =	vmul.f32 s22, v5;
	s19 =	smul.f32 $-2.000000000e+00, s19  }
0x8a: {  	v8 =	vsel vm0, $0x7F800000, v8;
	v13 =	vmul.f32 s6, v6;
	v14 =	vmul.f32 s17, v4  }
0x8b: {  	v9 =	vadd.f32 v10, v9;
	v5 =	vmul.f32 s18, v5;
	v6 =	vmul.f32 s19, v6  }
0x8c: {  	v4 =	vmov s25;
	v10 =	vadd.f32 v11, v7;
	v11 =	vadd.f32 v13, v12  }
0x8d: {  	vm13 =	veq.s32 v4, v0;
	v7 =	vadd.f32 v14, v7;
	v6 =	vadd.f32 v6, v5  }
0x8e: {  	(xrf1) =	vsort.ascd.msk.f32 $0xffff, v8, v0;
	v8 =	vsel vm13, $0x7F800000, v9;
	v9 =	vadd.f32 v11, v10;
	v5 =	vmov s26  }
0x8f: {  	vm14 =	veq.s32 v5, v0;
	v7 =	vadd.f32 v6, v7;
	v6 =	vmov s28  }
0x90: {  	(xrf1) =	vsort.ascd.msk.f32 $0xffff, v8, v0;
	v8 =	vsel vm14, $0x7F800000, v9;
	vm15 =	veq.s32 v6, v0  }
0x91: {  	(xrf1) =	vsort.ascd.msk.f32 $0xffff, v8, v0;
	v7 =	vsel vm15, $0x7F800000, v7  }
0x92: {  	(xrf1) =	vsort.ascd.msk.f32 $0xffff, v7, v0;
	_ =	sdelay $0x9  }
0x93: {  	v15 =	vmov s7  }
.Ltmp5:
0x94: {  	v17 =	vmov s31;
	v19 =	vmov s22;
	v20 =	vmov s6;
	v13, v8, _ =	vpop (xrf1);
	(pc) =	sbr.rel .LBB2_5-.Ltmp5, $4  }
0x95: {  	v22 =	vmov s17;
	v12 =	vmov s29;
	v24 =	vmov s18;
	v18, v11, _ =	vpop (xrf1)  }
0x96: {  	v14 =	vmov s30;
	v25 =	vmov s19;
	v10 =	vmov s4;
	v23, v16, _ =	vpop (xrf1)  }
0x97: {  	v9 =	vmov s2;
	v30 =	vbroadcast v13, $0xF;
	v27 =	vbroadcast v18, $0xF;
	v26, v21, _ =	vpop (xrf1)  }
0x98: {  	s29 =	simm.s32 $0x0;
	v7 =	vmov s0;
	v28 =	vbroadcast v23, $0xF;
	v29 =	vbroadcast v26, $0xF  }
.LBB2_44:
0x99: {  	v26 =	vpsel p0, v26, v26;
	v21 =	vpsel p0, v21, v21  }
.LBB2_37:
0x9a: {  	s29 =	sadd.s32 $0x1, s29  }
0x9b: {  	p0 =	sne.s32 s29, $0x18  }
.Ltmp6:
0x9c: {  	_ = 	snop;
	(pc) =	sbr.rel @!p0 .LBB2_38-.Ltmp6, $3  }
0x9d: {  	_ =	sdelay $0x1  }
0x9e: {  	v30 =	vbroadcast v13, $0xF;
	v27 =	vbroadcast v18, $0xF  }
0x9f: {  	v28 =	vbroadcast v23, $0xF;
	v29 =	vbroadcast v26, $0xF  }
.LBB2_5:
0xa0: {  	s30 =	smul.u32 $0x1A0, s29;
	_ =	sdelay $0x1  }
0xa1: {  	v31 =	vld [tilespmem:s30+$0x10]  }
0xa2: {  	v32 =	vld [tilespmem:s30+$0x2790]  }
0xa3: {  	v33 =	vld [tilespmem:s30+$0x4F10];
	_ =	sdelay $0x1  }
0xa4: {  	v34 =	vld [tilespmem:s30+$0x7690];
	_ =	sdelay $0x1  }
0xa5: {  	v35 =	vmul.f32 v31, v7;
	v36 =	vmul.f32 v32, v9  }
0xa6: {  	v37 =	vmul.f32 v33, v10;
	v45 =	vmul.f32 v31, v12  }
0xa7: {  	v38 =	vmul.f32 v32, v14;
	v46 =	vmul.f32 v33, v15  }
0xa8: {  	v39 =	vmul.f32 v31, v17;
	v35 =	vadd.f32 v35, v34;
	v36 =	vadd.f32 v37, v36  }
0xa9: {  	v40 =	vmul.f32 v32, v19;
	v41 =	vmul.f32 v33, v20;
	v37 =	vadd.f32 v45, v34  }
0xaa: {  	v31 =	vmul.f32 v31, v22;
	v35 =	vadd.f32 v36, v35;
	v36 =	vadd.f32 v46, v38  }
0xab: {  	v32 =	vmul.f32 v32, v24;
	v33 =	vmul.f32 v33, v25;
	v47 =	vadd.f32 v39, v34  }
0xac: {  	v48 =	vadd.f32 v41, v40;
	vm0 =	vlt.f32 v35, v30;
	v36 =	vadd.f32 v36, v37  }
0xad: {  	v31 =	vadd.f32 v31, v34;
	v49 =	vsel vm0, $0x1, v2  }
0xae: {  	v32 =	vadd.f32 v33, v32;
	v38 =	vadd.f32 v48, v47;
	(xrf0) =	vadd.scan.msk.s32 $0xffff, v49;
	vm1 =	vlt.f32 v36, v27  }
0xaf: {  	v50 =	vsel vm1, $0x1, v2  }
0xb0: {  	v31 =	vadd.f32 v32, v31;
	vm2 =	vlt.f32 v38, v28;
	(xrf0) =	vadd.scan.msk.s32 $0xffff, v50  }
0xb1: {  	v51 =	vsel vm2, $0x1, v2  }
0xb2: {  	vm3 =	vlt.f32 v31, v29;
	(xrf0) =	vadd.scan.msk.s32 $0xffff, v51  }
0xb3: {  	v52 =	vsel vm3, $0x1, v2  }
0xb4: {  	v53, _, _ =	vpop (xrf0);
	(xrf0) =	vadd.scan.msk.s32 $0xffff, v52  }
0xb5: {  	v32 =	vadd.s32 $0xFFFFFFFF, v53  }
0xb6: {  	v54, _, _ =	vpop (xrf0)  }
0xb7: {  	v33 =	vadd.s32 $0xFFFFFFFF, v54  }
0xb8: {  	v55, _, _ =	vpop (xrf0)  }
0xb9: {  	s0 =	sor.u32 $0x10, s30;
	v34 =	vadd.s32 $0xFFFFFFFF, v55  }
0xba: {  	v56 =	vor.u32 s0, v0;
	[tilespmem:v32+s9+$0x0] =	vst.idx.msk vm0, v35;
	v57, _, _ =	vpop (xrf0)  }
0xbb: {  	[tilespmem:v32+s10+$0x0] =	vst.idx.msk vm0, v56;
	v35 =	vadd.s32 $0xFFFFFFFF, v57  }
0xbc: {  	[tilespmem:v33+s11+$0x0] =	vst.idx.msk vm1, v36  }
0xbd: {  	[tilespmem:v33+s12+$0x0] =	vst.idx.msk vm1, v56  }
0xbe: {  	[tilespmem:v34+s13+$0x0] =	vst.idx.msk vm2, v38  }
0xbf: {  	[tilespmem:v34+s14+$0x0] =	vst.idx.msk vm2, v56  }
0xc0: {  	[tilespmem:v35+s15+$0x0] =	vst.idx.msk vm3, v31  }
0xc1: {  	[tilespmem:v35+s16+$0x0] =	vst.idx.msk vm3, v56  }
0xc2: {  	v31 =	vld [tilespmem:s30+$0x76A0]  }
0xc3: {  	v36 =	vld [tilespmem:s30+$0x20]  }
0xc4: {  	v37 =	vld [tilespmem:s30+$0x27A0]  }
0xc5: {  	v58 =	vld [tilespmem:s30+$0x4F20];
	_ =	sdelay $0x3  }
0xc6: {  	v59 =	vmul.f32 v36, v7;
	v60 =	vmul.f32 v37, v9  }
0xc7: {  	v61 =	vmul.f32 v58, v10;
	v62 =	vmul.f32 v36, v12  }
0xc8: {  	v42 =	vmul.f32 v37, v14;
	v63 =	vmul.f32 v58, v15  }
0xc9: {  	v43 =	vmul.f32 v36, v17;
	v39 =	vadd.f32 v59, v31;
	v40 =	vadd.f32 v61, v60  }
0xca: {  	v44 =	vmul.f32 v37, v19;
	v45 =	vmul.f32 v58, v20;
	v41 =	vadd.f32 v62, v31  }
0xcb: {  	v36 =	vmul.f32 v36, v22;
	v39 =	vadd.f32 v40, v39;
	v40 =	vadd.f32 v63, v42  }
0xcc: {  	v37 =	vmul.f32 v37, v24;
	v38 =	vmul.f32 v58, v25;
	v48 =	vadd.f32 v43, v31  }
0xcd: {  	v49 =	vadd.f32 v45, v44;
	vm6 =	vlt.f32 v39, v30;
	v40 =	vadd.f32 v40, v41  }
0xce: {  	v31 =	vadd.f32 v36, v31;
	v50 =	vsel vm6, $0x1, v2  }
0xcf: {  	v51 =	vadd.f32 v38, v37;
	v42 =	vadd.f32 v49, v48;
	(xrf0) =	vadd.scan.msk.s32 $0xffff, v50;
	vm7 =	vlt.f32 v40, v27  }
0xd0: {  	v52 =	vsel vm7, $0x1, v2  }
0xd1: {  	v31 =	vadd.f32 v51, v31;
	vm8 =	vlt.f32 v42, v28;
	(xrf0) =	vadd.scan.msk.s32 $0xffff, v52  }
0xd2: {  	v53 =	vsel vm8, $0x1, v2  }
0xd3: {  	vm9 =	vlt.f32 v31, v29;
	(xrf0) =	vadd.scan.msk.s32 $0xffff, v53  }
0xd4: {  	v54 =	vbroadcast v32, $0xF;
	v55 =	vsel vm9, $0x1, v2  }
0xd5: {  	v38, _, _ =	vpop (xrf0);
	(xrf0) =	vadd.scan.msk.s32 $0xffff, v55  }
0xd6: {  	v56 =	vbroadcast v33, $0xF;
	v36 =	vadd.s32 v54, v38  }
0xd7: {  	v41, _, _ =	vpop (xrf0)  }
0xd8: {  	v57 =	vbroadcast v34, $0xF;
	v37 =	vadd.s32 v56, v41  }
0xd9: {  	v44, _, _ =	vpop (xrf0)  }
0xda: {  	s22 =	sadd.s32 $0x20, s30;
	v58 =	vbroadcast v35, $0xF;
	v43 =	vadd.s32 v57, v44  }
0xdb: {  	v46 =	vor.u32 s22, v0;
	[tilespmem:v36+s9+$0x0] =	vst.idx.msk vm6, v39;
	v39, _, _ =	vpop (xrf0)  }
0xdc: {  	[tilespmem:v36+s10+$0x0] =	vst.idx.msk vm6, v46;
	v59 =	vadd.s32 v58, v39  }
0xdd: {  	[tilespmem:v37+s11+$0x0] =	vst.idx.msk vm7, v40  }
0xde: {  	[tilespmem:v37+s12+$0x0] =	vst.idx.msk vm7, v46  }
0xdf: {  	[tilespmem:v43+s13+$0x0] =	vst.idx.msk vm8, v42  }
0xe0: {  	[tilespmem:v43+s14+$0x0] =	vst.idx.msk vm8, v46  }
0xe1: {  	[tilespmem:v59+s15+$0x0] =	vst.idx.msk vm9, v31  }
0xe2: {  	[tilespmem:v59+s16+$0x0] =	vst.idx.msk vm9, v46  }
0xe3: {  	v31 =	vld [tilespmem:s30+$0x30]  }
0xe4: {  	v36 =	vld [tilespmem:s30+$0x27B0]  }
0xe5: {  	v37 =	vld [tilespmem:s30+$0x4F30];
	_ =	sdelay $0x1  }
0xe6: {  	v40 =	vld [tilespmem:s30+$0x76B0];
	_ =	sdelay $0x1  }
0xe7: {  	v60 =	vmul.f32 v31, v7;
	v61 =	vmul.f32 v36, v9  }
0xe8: {  	v62 =	vmul.f32 v37, v10;
	v63 =	vmul.f32 v31, v12  }
0xe9: {  	v52 =	vmul.f32 v36, v14;
	v53 =	vmul.f32 v37, v15  }
0xea: {  	v47 =	vmul.f32 v31, v17;
	v42 =	vadd.f32 v60, v40;
	v43 =	vadd.f32 v62, v61  }
0xeb: {  	v48 =	vmul.f32 v36, v19;
	v49 =	vmul.f32 v37, v20;
	v45 =	vadd.f32 v63, v40  }
0xec: {  	v31 =	vmul.f32 v31, v22;
	v42 =	vadd.f32 v43, v42;
	v43 =	vadd.f32 v53, v52  }
0xed: {  	v36 =	vmul.f32 v36, v24;
	v37 =	vmul.f32 v37, v25;
	v54 =	vadd.f32 v47, v40  }
0xee: {  	v55 =	vadd.f32 v49, v48;
	vm10 =	vlt.f32 v42, v30;
	v43 =	vadd.f32 v43, v45  }
0xef: {  	v31 =	vadd.f32 v31, v40;
	v56 =	vsel vm10, $0x1, v2  }
0xf0: {  	v36 =	vadd.f32 v37, v36;
	v46 =	vadd.f32 v55, v54;
	(xrf0) =	vadd.scan.msk.s32 $0xffff, v56;
	vm11 =	vlt.f32 v43, v27  }
0xf1: {  	v57 =	vsel vm11, $0x1, v2  }
0xf2: {  	v31 =	vadd.f32 v36, v31;
	vm12 =	vlt.f32 v46, v28;
	(xrf0) =	vadd.scan.msk.s32 $0xffff, v57  }
0xf3: {  	v58 =	vsel vm12, $0x1, v2  }
0xf4: {  	v32 =	vadd.s32 v32, v38;
	vm13 =	vlt.f32 v31, v29;
	(xrf0) =	vadd.scan.msk.s32 $0xffff, v58  }
0xf5: {  	v59 =	vbroadcast v32, $0xF;
	v60 =	vsel vm13, $0x1, v2  }
0xf6: {  	v33 =	vadd.s32 v33, v41;
	v38, _, _ =	vpop (xrf0);
	(xrf0) =	vadd.scan.msk.s32 $0xffff, v60  }
0xf7: {  	v61 =	vbroadcast v33, $0xF;
	v36 =	vadd.s32 v59, v38  }
0xf8: {  	v34 =	vadd.s32 v34, v44;
	v40, _, _ =	vpop (xrf0)  }
0xf9: {  	v62 =	vbroadcast v34, $0xF;
	v37 =	vadd.s32 v61, v40  }
0xfa: {  	v35 =	vadd.s32 v35, v39;
	v39, _, _ =	vpop (xrf0)  }
0xfb: {  	s31 =	sadd.s32 $0x30, s30;
	v63 =	vbroadcast v35, $0xF;
	v41 =	vadd.s32 v62, v39  }
0xfc: {  	v48 =	vor.u32 s31, v0;
	[tilespmem:v36+s9+$0x0] =	vst.idx.msk vm10, v42;
	v42, _, _ =	vpop (xrf0)  }
0xfd: {  	[tilespmem:v36+s10+$0x0] =	vst.idx.msk vm10, v48;
	v49 =	vadd.s32 v63, v42  }
0xfe: {  	[tilespmem:v37+s11+$0x0] =	vst.idx.msk vm11, v43  }
0xff: {  	[tilespmem:v37+s12+$0x0] =	vst.idx.msk vm11, v48  }
0x100: {  	[tilespmem:v41+s13+$0x0] =	vst.idx.msk vm12, v46  }
0x101: {  	[tilespmem:v41+s14+$0x0] =	vst.idx.msk vm12, v48  }
0x102: {  	[tilespmem:v49+s15+$0x0] =	vst.idx.msk vm13, v31  }
0x103: {  	[tilespmem:v49+s16+$0x0] =	vst.idx.msk vm13, v48  }
0x104: {  	v31 =	vld [tilespmem:s30+$0x40]  }
0x105: {  	v36 =	vld [tilespmem:s30+$0x27C0]  }
0x106: {  	v37 =	vld [tilespmem:s30+$0x4F40];
	_ =	sdelay $0x1  }
0x107: {  	v41 =	vld [tilespmem:s30+$0x76C0];
	_ =	sdelay $0x1  }
0x108: {  	v50 =	vmul.f32 v31, v7;
	v51 =	vmul.f32 v36, v9  }
0x109: {  	v52 =	vmul.f32 v37, v10;
	v53 =	vmul.f32 v31, v12  }
0x10a: {  	v54 =	vmul.f32 v36, v14;
	v55 =	vmul.f32 v37, v15  }
0x10b: {  	v56 =	vmul.f32 v31, v17;
	v43 =	vadd.f32 v50, v41;
	v44 =	vadd.f32 v52, v51  }
0x10c: {  	v57 =	vmul.f32 v36, v19;
	v58 =	vmul.f32 v37, v20;
	v45 =	vadd.f32 v53, v41  }
0x10d: {  	v31 =	vmul.f32 v31, v22;
	v43 =	vadd.f32 v44, v43;
	v44 =	vadd.f32 v55, v54  }
0x10e: {  	v36 =	vmul.f32 v36, v24;
	v37 =	vmul.f32 v37, v25;
	v59 =	vadd.f32 v56, v41  }
0x10f: {  	v60 =	vadd.f32 v58, v57;
	vm14 =	vlt.f32 v43, v30;
	v44 =	vadd.f32 v44, v45  }
0x110: {  	v31 =	vadd.f32 v31, v41;
	v61 =	vsel vm14, $0x1, v2  }
0x111: {  	v36 =	vadd.f32 v37, v36;
	v46 =	vadd.f32 v60, v59;
	(xrf0) =	vadd.scan.msk.s32 $0xffff, v61;
	vm15 =	vlt.f32 v44, v27  }
0x112: {  	v62 =	vsel vm15, $0x1, v2  }
0x113: {  	v31 =	vadd.f32 v36, v31;
	vm6 =	vlt.f32 v46, v28;
	(xrf0) =	vadd.scan.msk.s32 $0xffff, v62  }
0x114: {  	v63 =	vsel vm6, $0x1, v2  }
0x115: {  	v32 =	vadd.s32 v32, v38;
	vm7 =	vlt.f32 v31, v29;
	(xrf0) =	vadd.scan.msk.s32 $0xffff, v63  }
0x116: {  	v41 =	vbroadcast v32, $0xF;
	v45 =	vsel vm7, $0x1, v2  }
0x117: {  	v33 =	vadd.s32 v33, v40;
	v38, _, _ =	vpop (xrf0);
	(xrf0) =	vadd.scan.msk.s32 $0xffff, v45  }
0x118: {  	v47 =	vbroadcast v33, $0xF;
	v36 =	vadd.s32 v41, v38  }
0x119: {  	v34 =	vadd.s32 v34, v39;
	v39, _, _ =	vpop (xrf0)  }
0x11a: {  	v48 =	vbroadcast v34, $0xF;
	v37 =	vadd.s32 v47, v39  }
0x11b: {  	v35 =	vadd.s32 v35, v42;
	v41, _, _ =	vpop (xrf0)  }
0x11c: {  	s2 =	sadd.s32 $0x40, s30;
	v42 =	vbroadcast v35, $0xF;
	v40 =	vadd.s32 v48, v41  }
0x11d: {  	v49 =	vor.u32 s2, v0;
	[tilespmem:v36+s9+$0x0] =	vst.idx.msk vm14, v43;
	v43, _, _ =	vpop (xrf0)  }
0x11e: {  	[tilespmem:v36+s10+$0x0] =	vst.idx.msk vm14, v49;
	v50 =	vadd.s32 v42, v43  }
0x11f: {  	[tilespmem:v37+s11+$0x0] =	vst.idx.msk vm15, v44  }
0x120: {  	[tilespmem:v37+s12+$0x0] =	vst.idx.msk vm15, v49  }
0x121: {  	[tilespmem:v40+s13+$0x0] =	vst.idx.msk vm6, v46  }
0x122: {  	[tilespmem:v40+s14+$0x0] =	vst.idx.msk vm6, v49  }
0x123: {  	[tilespmem:v50+s15+$0x0] =	vst.idx.msk vm7, v31  }
0x124: {  	[tilespmem:v50+s16+$0x0] =	vst.idx.msk vm7, v49  }
0x125: {  	v31 =	vld [tilespmem:s30+$0x50]  }
0x126: {  	v36 =	vld [tilespmem:s30+$0x27D0]  }
0x127: {  	v37 =	vld [tilespmem:s30+$0x4F50];
	_ =	sdelay $0x1  }
0x128: {  	v40 =	vld [tilespmem:s30+$0x76D0];
	_ =	sdelay $0x1  }
0x129: {  	v51 =	vmul.f32 v31, v7;
	v52 =	vmul.f32 v36, v9  }
0x12a: {  	v53 =	vmul.f32 v37, v10;
	v54 =	vmul.f32 v31, v12  }
0x12b: {  	v55 =	vmul.f32 v36, v14;
	v56 =	vmul.f32 v37, v15  }
0x12c: {  	v57 =	vmul.f32 v31, v17;
	v42 =	vadd.f32 v51, v40;
	v44 =	vadd.f32 v53, v52  }
0x12d: {  	v58 =	vmul.f32 v36, v19;
	v59 =	vmul.f32 v37, v20;
	v45 =	vadd.f32 v54, v40  }
0x12e: {  	v31 =	vmul.f32 v31, v22;
	v42 =	vadd.f32 v44, v42;
	v44 =	vadd.f32 v56, v55  }
0x12f: {  	v36 =	vmul.f32 v36, v24;
	v37 =	vmul.f32 v37, v25;
	v60 =	vadd.f32 v57, v40  }
0x130: {  	v61 =	vadd.f32 v59, v58;
	vm8 =	vlt.f32 v42, v30;
	v44 =	vadd.f32 v44, v45  }
0x131: {  	v31 =	vadd.f32 v31, v40;
	v62 =	vsel vm8, $0x1, v2  }
0x132: {  	v36 =	vadd.f32 v37, v36;
	v46 =	vadd.f32 v61, v60;
	(xrf0) =	vadd.scan.msk.s32 $0xffff, v62;
	vm9 =	vlt.f32 v44, v27  }
0x133: {  	v63 =	vsel vm9, $0x1, v2  }
0x134: {  	v31 =	vadd.f32 v36, v31;
	vm10 =	vlt.f32 v46, v28;
	(xrf0) =	vadd.scan.msk.s32 $0xffff, v63  }
0x135: {  	v40 =	vsel vm10, $0x1, v2  }
0x136: {  	v32 =	vadd.s32 v32, v38;
	vm11 =	vlt.f32 v31, v29;
	(xrf0) =	vadd.scan.msk.s32 $0xffff, v40  }
0x137: {  	v45 =	vbroadcast v32, $0xF;
	v47 =	vsel vm11, $0x1, v2  }
0x138: {  	v33 =	vadd.s32 v33, v39;
	v38, _, _ =	vpop (xrf0);
	(xrf0) =	vadd.scan.msk.s32 $0xffff, v47  }
0x139: {  	v48 =	vbroadcast v33, $0xF;
	v36 =	vadd.s32 v45, v38  }
0x13a: {  	v34 =	vadd.s32 v34, v41;
	v39, _, _ =	vpop (xrf0)  }
0x13b: {  	v49 =	vbroadcast v34, $0xF;
	v37 =	vadd.s32 v48, v39  }
0x13c: {  	v35 =	vadd.s32 v35, v43;
	v41, _, _ =	vpop (xrf0)  }
0x13d: {  	s4 =	sadd.s32 $0x50, s30;
	v43 =	vbroadcast v35, $0xF;
	v40 =	vadd.s32 v49, v41  }
0x13e: {  	v50 =	vor.u32 s4, v0;
	[tilespmem:v36+s9+$0x0] =	vst.idx.msk vm8, v42;
	v42, _, _ =	vpop (xrf0)  }
0x13f: {  	[tilespmem:v36+s10+$0x0] =	vst.idx.msk vm8, v50;
	v51 =	vadd.s32 v43, v42  }
0x140: {  	[tilespmem:v37+s11+$0x0] =	vst.idx.msk vm9, v44  }
0x141: {  	[tilespmem:v37+s12+$0x0] =	vst.idx.msk vm9, v50  }
0x142: {  	[tilespmem:v40+s13+$0x0] =	vst.idx.msk vm10, v46  }
0x143: {  	[tilespmem:v40+s14+$0x0] =	vst.idx.msk vm10, v50  }
0x144: {  	[tilespmem:v51+s15+$0x0] =	vst.idx.msk vm11, v31  }
0x145: {  	[tilespmem:v51+s16+$0x0] =	vst.idx.msk vm11, v50  }
0x146: {  	v31 =	vld [tilespmem:s30+$0x60]  }
0x147: {  	v36 =	vld [tilespmem:s30+$0x27E0]  }
0x148: {  	v37 =	vld [tilespmem:s30+$0x4F60];
	_ =	sdelay $0x1  }
0x149: {  	v40 =	vld [tilespmem:s30+$0x76E0];
	_ =	sdelay $0x1  }
0x14a: {  	v52 =	vmul.f32 v31, v7;
	v53 =	vmul.f32 v36, v9  }
0x14b: {  	v54 =	vmul.f32 v37, v10;
	v55 =	vmul.f32 v31, v12  }
0x14c: {  	v56 =	vmul.f32 v36, v14;
	v57 =	vmul.f32 v37, v15  }
0x14d: {  	v58 =	vmul.f32 v31, v17;
	v43 =	vadd.f32 v52, v40;
	v44 =	vadd.f32 v54, v53  }
0x14e: {  	v59 =	vmul.f32 v36, v19;
	v60 =	vmul.f32 v37, v20;
	v45 =	vadd.f32 v55, v40  }
0x14f: {  	v31 =	vmul.f32 v31, v22;
	v43 =	vadd.f32 v44, v43;
	v44 =	vadd.f32 v57, v56  }
0x150: {  	v36 =	vmul.f32 v36, v24;
	v37 =	vmul.f32 v37, v25;
	v61 =	vadd.f32 v58, v40  }
0x151: {  	v62 =	vadd.f32 v60, v59;
	vm12 =	vlt.f32 v43, v30;
	v44 =	vadd.f32 v44, v45  }
0x152: {  	v31 =	vadd.f32 v31, v40;
	v63 =	vsel vm12, $0x1, v2  }
0x153: {  	v36 =	vadd.f32 v37, v36;
	v46 =	vadd.f32 v62, v61;
	(xrf0) =	vadd.scan.msk.s32 $0xffff, v63;
	vm13 =	vlt.f32 v44, v27  }
0x154: {  	v40 =	vsel vm13, $0x1, v2  }
0x155: {  	v31 =	vadd.f32 v36, v31;
	vm14 =	vlt.f32 v46, v28;
	(xrf0) =	vadd.scan.msk.s32 $0xffff, v40  }
0x156: {  	v45 =	vsel vm14, $0x1, v2  }
0x157: {  	v32 =	vadd.s32 v32, v38;
	vm15 =	vlt.f32 v31, v29;
	(xrf0) =	vadd.scan.msk.s32 $0xffff, v45  }
0x158: {  	v47 =	vbroadcast v32, $0xF;
	v48 =	vsel vm15, $0x1, v2  }
0x159: {  	v33 =	vadd.s32 v33, v39;
	v38, _, _ =	vpop (xrf0);
	(xrf0) =	vadd.scan.msk.s32 $0xffff, v48  }
0x15a: {  	v49 =	vbroadcast v33, $0xF;
	v36 =	vadd.s32 v47, v38  }
0x15b: {  	v34 =	vadd.s32 v34, v41;
	v39, _, _ =	vpop (xrf0)  }
0x15c: {  	v50 =	vbroadcast v34, $0xF;
	v37 =	vadd.s32 v49, v39  }
0x15d: {  	v35 =	vadd.s32 v35, v42;
	v41, _, _ =	vpop (xrf0)  }
0x15e: {  	s6 =	sadd.s32 $0x60, s30;
	v42 =	vbroadcast v35, $0xF;
	v40 =	vadd.s32 v50, v41  }
0x15f: {  	v51 =	vor.u32 s6, v0;
	[tilespmem:v36+s9+$0x0] =	vst.idx.msk vm12, v43;
	v43, _, _ =	vpop (xrf0)  }
0x160: {  	[tilespmem:v36+s10+$0x0] =	vst.idx.msk vm12, v51;
	v52 =	vadd.s32 v42, v43  }
0x161: {  	[tilespmem:v37+s11+$0x0] =	vst.idx.msk vm13, v44  }
0x162: {  	[tilespmem:v37+s12+$0x0] =	vst.idx.msk vm13, v51  }
0x163: {  	[tilespmem:v40+s13+$0x0] =	vst.idx.msk vm14, v46  }
0x164: {  	[tilespmem:v40+s14+$0x0] =	vst.idx.msk vm14, v51  }
0x165: {  	[tilespmem:v52+s15+$0x0] =	vst.idx.msk vm15, v31  }
0x166: {  	[tilespmem:v52+s16+$0x0] =	vst.idx.msk vm15, v51  }
0x167: {  	v31 =	vld [tilespmem:s30+$0x70]  }
0x168: {  	v36 =	vld [tilespmem:s30+$0x27F0]  }
0x169: {  	v37 =	vld [tilespmem:s30+$0x4F70];
	_ =	sdelay $0x1  }
0x16a: {  	v40 =	vld [tilespmem:s30+$0x76F0];
	_ =	sdelay $0x1  }
0x16b: {  	v53 =	vmul.f32 v31, v7;
	v54 =	vmul.f32 v36, v9  }
0x16c: {  	v55 =	vmul.f32 v37, v10;
	v56 =	vmul.f32 v31, v12  }
0x16d: {  	v57 =	vmul.f32 v36, v14;
	v58 =	vmul.f32 v37, v15  }
0x16e: {  	v59 =	vmul.f32 v31, v17;
	v42 =	vadd.f32 v53, v40;
	v44 =	vadd.f32 v55, v54  }
0x16f: {  	v60 =	vmul.f32 v36, v19;
	v61 =	vmul.f32 v37, v20;
	v45 =	vadd.f32 v56, v40  }
0x170: {  	v31 =	vmul.f32 v31, v22;
	v42 =	vadd.f32 v44, v42;
	v44 =	vadd.f32 v58, v57  }
0x171: {  	v36 =	vmul.f32 v36, v24;
	v37 =	vmul.f32 v37, v25;
	v62 =	vadd.f32 v59, v40  }
0x172: {  	v63 =	vadd.f32 v61, v60;
	vm6 =	vlt.f32 v42, v30;
	v44 =	vadd.f32 v44, v45  }
0x173: {  	v31 =	vadd.f32 v31, v40;
	v48 =	vsel vm6, $0x1, v2  }
0x174: {  	v36 =	vadd.f32 v37, v36;
	v46 =	vadd.f32 v63, v62;
	(xrf0) =	vadd.scan.msk.s32 $0xffff, v48;
	vm7 =	vlt.f32 v44, v27  }
0x175: {  	v49 =	vsel vm7, $0x1, v2  }
0x176: {  	v31 =	vadd.f32 v36, v31;
	vm8 =	vlt.f32 v46, v28;
	(xrf0) =	vadd.scan.msk.s32 $0xffff, v49  }
0x177: {  	v50 =	vsel vm8, $0x1, v2  }
0x178: {  	v32 =	vadd.s32 v32, v38;
	vm9 =	vlt.f32 v31, v29;
	(xrf0) =	vadd.scan.msk.s32 $0xffff, v50  }
0x179: {  	v51 =	vbroadcast v32, $0xF;
	v52 =	vsel vm9, $0x1, v2  }
0x17a: {  	v33 =	vadd.s32 v33, v39;
	v38, _, _ =	vpop (xrf0);
	(xrf0) =	vadd.scan.msk.s32 $0xffff, v52  }
0x17b: {  	v53 =	vbroadcast v33, $0xF;
	v36 =	vadd.s32 v51, v38  }
0x17c: {  	v34 =	vadd.s32 v34, v41;
	v39, _, _ =	vpop (xrf0)  }
0x17d: {  	v54 =	vbroadcast v34, $0xF;
	v37 =	vadd.s32 v53, v39  }
0x17e: {  	v35 =	vadd.s32 v35, v43;
	v41, _, _ =	vpop (xrf0)  }
0x17f: {  	s7 =	sadd.s32 $0x70, s30;
	v43 =	vbroadcast v35, $0xF;
	v40 =	vadd.s32 v54, v41  }
0x180: {  	v55 =	vor.u32 s7, v0;
	[tilespmem:v36+s9+$0x0] =	vst.idx.msk vm6, v42;
	v42, _, _ =	vpop (xrf0)  }
0x181: {  	[tilespmem:v36+s10+$0x0] =	vst.idx.msk vm6, v55;
	v56 =	vadd.s32 v43, v42  }
0x182: {  	[tilespmem:v37+s11+$0x0] =	vst.idx.msk vm7, v44  }
0x183: {  	[tilespmem:v37+s12+$0x0] =	vst.idx.msk vm7, v55  }
0x184: {  	[tilespmem:v40+s13+$0x0] =	vst.idx.msk vm8, v46  }
0x185: {  	s17 =	sadd.s32 $0x80, s30;
	[tilespmem:v40+s14+$0x0] =	vst.idx.msk vm8, v55  }
0x186: {  	s31 =	sand.u32 $0x60, s30;
	s2 =	sand.u32 $0x7F80, s17;
	[tilespmem:v56+s15+$0x0] =	vst.idx.msk vm9, v31  }
0x187: {  	s2 =	sor.u32 s31, s2;
	[tilespmem:v56+s16+$0x0] =	vst.idx.msk vm9, v55  }
0x188: {  	v31 =	vld [tilespmem:s2+$0x0]  }
0x189: {  	v36 =	vld [tilespmem:s2+$0x2780]  }
0x18a: {  	v37 =	vld [tilespmem:s2+$0x4F00];
	_ =	sdelay $0x1  }
0x18b: {  	v40 =	vld [tilespmem:s2+$0x7680];
	_ =	sdelay $0x1  }
0x18c: {  	v57 =	vmul.f32 v31, v7;
	v58 =	vmul.f32 v36, v9  }
0x18d: {  	v59 =	vmul.f32 v37, v10;
	v60 =	vmul.f32 v31, v12  }
0x18e: {  	v61 =	vmul.f32 v36, v14;
	v62 =	vmul.f32 v37, v15  }
0x18f: {  	v63 =	vmul.f32 v31, v17;
	v43 =	vadd.f32 v57, v40;
	v44 =	vadd.f32 v59, v58  }
0x190: {  	v52 =	vmul.f32 v36, v19;
	v53 =	vmul.f32 v37, v20;
	v45 =	vadd.f32 v60, v40  }
0x191: {  	v31 =	vmul.f32 v31, v22;
	v43 =	vadd.f32 v44, v43;
	v44 =	vadd.f32 v62, v61  }
0x192: {  	v36 =	vmul.f32 v36, v24;
	v37 =	vmul.f32 v37, v25;
	v54 =	vadd.f32 v63, v40  }
0x193: {  	v55 =	vadd.f32 v53, v52;
	vm10 =	vlt.f32 v43, v30;
	v44 =	vadd.f32 v44, v45  }
0x194: {  	v31 =	vadd.f32 v31, v40;
	v56 =	vsel vm10, $0x1, v2  }
0x195: {  	v36 =	vadd.f32 v37, v36;
	v46 =	vadd.f32 v55, v54;
	(xrf0) =	vadd.scan.msk.s32 $0xffff, v56;
	vm11 =	vlt.f32 v44, v27  }
0x196: {  	v57 =	vsel vm11, $0x1, v2  }
0x197: {  	v31 =	vadd.f32 v36, v31;
	vm12 =	vlt.f32 v46, v28;
	(xrf0) =	vadd.scan.msk.s32 $0xffff, v57  }
0x198: {  	v58 =	vsel vm12, $0x1, v2  }
0x199: {  	v32 =	vadd.s32 v32, v38;
	vm13 =	vlt.f32 v31, v29;
	(xrf0) =	vadd.scan.msk.s32 $0xffff, v58  }
0x19a: {  	v59 =	vbroadcast v32, $0xF;
	v60 =	vsel vm13, $0x1, v2  }
0x19b: {  	v33 =	vadd.s32 v33, v39;
	v38, _, _ =	vpop (xrf0);
	(xrf0) =	vadd.scan.msk.s32 $0xffff, v60  }
0x19c: {  	v61 =	vbroadcast v33, $0xF;
	v36 =	vadd.s32 v59, v38  }
0x19d: {  	v34 =	vadd.s32 v34, v41;
	v39, _, _ =	vpop (xrf0)  }
0x19e: {  	v62 =	vbroadcast v34, $0xF;
	v37 =	vadd.s32 v61, v39  }
0x19f: {  	v35 =	vadd.s32 v35, v42;
	v41, _, _ =	vpop (xrf0)  }
0x1a0: {  	v42 =	vbroadcast v35, $0xF;
	v40 =	vadd.s32 v62, v41  }
0x1a1: {  	v63 =	vor.u32 s17, v0;
	[tilespmem:v36+s9+$0x0] =	vst.idx.msk vm10, v43;
	v43, _, _ =	vpop (xrf0)  }
0x1a2: {  	[tilespmem:v36+s10+$0x0] =	vst.idx.msk vm10, v63;
	v48 =	vadd.s32 v42, v43  }
0x1a3: {  	[tilespmem:v37+s11+$0x0] =	vst.idx.msk vm11, v44  }
0x1a4: {  	[tilespmem:v37+s12+$0x0] =	vst.idx.msk vm11, v63  }
0x1a5: {  	[tilespmem:v40+s13+$0x0] =	vst.idx.msk vm12, v46  }
0x1a6: {  	[tilespmem:v40+s14+$0x0] =	vst.idx.msk vm12, v63  }
0x1a7: {  	[tilespmem:v48+s15+$0x0] =	vst.idx.msk vm13, v31  }
0x1a8: {  	[tilespmem:v48+s16+$0x0] =	vst.idx.msk vm13, v63  }
0x1a9: {  	v31 =	vld [tilespmem:s30+$0x90]  }
0x1aa: {  	v36 =	vld [tilespmem:s30+$0x2810]  }
0x1ab: {  	v37 =	vld [tilespmem:s30+$0x4F90];
	_ =	sdelay $0x1  }
0x1ac: {  	v40 =	vld [tilespmem:s30+$0x7710];
	_ =	sdelay $0x1  }
0x1ad: {  	v49 =	vmul.f32 v31, v7;
	v50 =	vmul.f32 v36, v9  }
0x1ae: {  	v51 =	vmul.f32 v37, v10;
	v52 =	vmul.f32 v31, v12  }
0x1af: {  	v53 =	vmul.f32 v36, v14;
	v54 =	vmul.f32 v37, v15  }
0x1b0: {  	v55 =	vmul.f32 v31, v17;
	v42 =	vadd.f32 v49, v40;
	v44 =	vadd.f32 v51, v50  }
0x1b1: {  	v56 =	vmul.f32 v36, v19;
	v57 =	vmul.f32 v37, v20;
	v45 =	vadd.f32 v52, v40  }
0x1b2: {  	v31 =	vmul.f32 v31, v22;
	v42 =	vadd.f32 v44, v42;
	v44 =	vadd.f32 v54, v53  }
0x1b3: {  	v36 =	vmul.f32 v36, v24;
	v37 =	vmul.f32 v37, v25;
	v58 =	vadd.f32 v55, v40  }
0x1b4: {  	v59 =	vadd.f32 v57, v56;
	vm14 =	vlt.f32 v42, v30;
	v44 =	vadd.f32 v44, v45  }
0x1b5: {  	v31 =	vadd.f32 v31, v40;
	v60 =	vsel vm14, $0x1, v2  }
0x1b6: {  	v36 =	vadd.f32 v37, v36;
	v46 =	vadd.f32 v59, v58;
	(xrf0) =	vadd.scan.msk.s32 $0xffff, v60;
	vm15 =	vlt.f32 v44, v27  }
0x1b7: {  	v61 =	vsel vm15, $0x1, v2  }
0x1b8: {  	v31 =	vadd.f32 v36, v31;
	vm6 =	vlt.f32 v46, v28;
	(xrf0) =	vadd.scan.msk.s32 $0xffff, v61  }
0x1b9: {  	v62 =	vsel vm6, $0x1, v2  }
0x1ba: {  	v32 =	vadd.s32 v32, v38;
	vm7 =	vlt.f32 v31, v29;
	(xrf0) =	vadd.scan.msk.s32 $0xffff, v62  }
0x1bb: {  	v63 =	vbroadcast v32, $0xF;
	v40 =	vsel vm7, $0x1, v2  }
0x1bc: {  	v33 =	vadd.s32 v33, v39;
	v38, _, _ =	vpop (xrf0);
	(xrf0) =	vadd.scan.msk.s32 $0xffff, v40  }
0x1bd: {  	v45 =	vbroadcast v33, $0xF;
	v36 =	vadd.s32 v63, v38  }
0x1be: {  	v34 =	vadd.s32 v34, v41;
	v39, _, _ =	vpop (xrf0)  }
0x1bf: {  	v47 =	vbroadcast v34, $0xF;
	v37 =	vadd.s32 v45, v39  }
0x1c0: {  	v35 =	vadd.s32 v35, v43;
	v41, _, _ =	vpop (xrf0)  }
0x1c1: {  	s18 =	sadd.s32 $0x90, s30;
	v43 =	vbroadcast v35, $0xF;
	v40 =	vadd.s32 v47, v41  }
0x1c2: {  	v48 =	vor.u32 s18, v0;
	[tilespmem:v36+s9+$0x0] =	vst.idx.msk vm14, v42;
	v42, _, _ =	vpop (xrf0)  }
0x1c3: {  	[tilespmem:v36+s10+$0x0] =	vst.idx.msk vm14, v48;
	v49 =	vadd.s32 v43, v42  }
0x1c4: {  	[tilespmem:v37+s11+$0x0] =	vst.idx.msk vm15, v44  }
0x1c5: {  	[tilespmem:v37+s12+$0x0] =	vst.idx.msk vm15, v48  }
0x1c6: {  	[tilespmem:v40+s13+$0x0] =	vst.idx.msk vm6, v46  }
0x1c7: {  	[tilespmem:v40+s14+$0x0] =	vst.idx.msk vm6, v48  }
0x1c8: {  	[tilespmem:v49+s15+$0x0] =	vst.idx.msk vm7, v31  }
0x1c9: {  	[tilespmem:v49+s16+$0x0] =	vst.idx.msk vm7, v48  }
0x1ca: {  	v31 =	vld [tilespmem:s30+$0xA0]  }
0x1cb: {  	v36 =	vld [tilespmem:s30+$0x2820]  }
0x1cc: {  	v37 =	vld [tilespmem:s30+$0x4FA0];
	_ =	sdelay $0x1  }
0x1cd: {  	v40 =	vld [tilespmem:s30+$0x7720];
	_ =	sdelay $0x1  }
0x1ce: {  	v50 =	vmul.f32 v31, v7;
	v51 =	vmul.f32 v36, v9  }
0x1cf: {  	v52 =	vmul.f32 v37, v10;
	v53 =	vmul.f32 v31, v12  }
0x1d0: {  	v54 =	vmul.f32 v36, v14;
	v55 =	vmul.f32 v37, v15  }
0x1d1: {  	v56 =	vmul.f32 v31, v17;
	v43 =	vadd.f32 v50, v40;
	v44 =	vadd.f32 v52, v51  }
0x1d2: {  	v57 =	vmul.f32 v36, v19;
	v58 =	vmul.f32 v37, v20;
	v45 =	vadd.f32 v53, v40  }
0x1d3: {  	v31 =	vmul.f32 v31, v22;
	v43 =	vadd.f32 v44, v43;
	v44 =	vadd.f32 v55, v54  }
0x1d4: {  	v36 =	vmul.f32 v36, v24;
	v37 =	vmul.f32 v37, v25;
	v59 =	vadd.f32 v56, v40  }
0x1d5: {  	v60 =	vadd.f32 v58, v57;
	vm8 =	vlt.f32 v43, v30;
	v44 =	vadd.f32 v44, v45  }
0x1d6: {  	v31 =	vadd.f32 v31, v40;
	v61 =	vsel vm8, $0x1, v2  }
0x1d7: {  	v36 =	vadd.f32 v37, v36;
	v46 =	vadd.f32 v60, v59;
	(xrf0) =	vadd.scan.msk.s32 $0xffff, v61;
	vm9 =	vlt.f32 v44, v27  }
0x1d8: {  	v62 =	vsel vm9, $0x1, v2  }
0x1d9: {  	v31 =	vadd.f32 v36, v31;
	vm10 =	vlt.f32 v46, v28;
	(xrf0) =	vadd.scan.msk.s32 $0xffff, v62  }
0x1da: {  	v63 =	vsel vm10, $0x1, v2  }
0x1db: {  	v32 =	vadd.s32 v32, v38;
	vm11 =	vlt.f32 v31, v29;
	(xrf0) =	vadd.scan.msk.s32 $0xffff, v63  }
0x1dc: {  	v40 =	vbroadcast v32, $0xF;
	v45 =	vsel vm11, $0x1, v2  }
0x1dd: {  	v33 =	vadd.s32 v33, v39;
	v38, _, _ =	vpop (xrf0);
	(xrf0) =	vadd.scan.msk.s32 $0xffff, v45  }
0x1de: {  	v47 =	vbroadcast v33, $0xF;
	v36 =	vadd.s32 v40, v38  }
0x1df: {  	v34 =	vadd.s32 v34, v41;
	v39, _, _ =	vpop (xrf0)  }
0x1e0: {  	v48 =	vbroadcast v34, $0xF;
	v37 =	vadd.s32 v47, v39  }
0x1e1: {  	v35 =	vadd.s32 v35, v42;
	v41, _, _ =	vpop (xrf0)  }
0x1e2: {  	s19 =	sadd.s32 $0xA0, s30;
	v42 =	vbroadcast v35, $0xF;
	v40 =	vadd.s32 v48, v41  }
0x1e3: {  	v49 =	vor.u32 s19, v0;
	[tilespmem:v36+s9+$0x0] =	vst.idx.msk vm8, v43;
	v43, _, _ =	vpop (xrf0)  }
0x1e4: {  	[tilespmem:v36+s10+$0x0] =	vst.idx.msk vm8, v49;
	v50 =	vadd.s32 v42, v43  }
0x1e5: {  	[tilespmem:v37+s11+$0x0] =	vst.idx.msk vm9, v44  }
0x1e6: {  	[tilespmem:v37+s12+$0x0] =	vst.idx.msk vm9, v49  }
0x1e7: {  	[tilespmem:v40+s13+$0x0] =	vst.idx.msk vm10, v46  }
0x1e8: {  	[tilespmem:v40+s14+$0x0] =	vst.idx.msk vm10, v49  }
0x1e9: {  	[tilespmem:v50+s15+$0x0] =	vst.idx.msk vm11, v31  }
0x1ea: {  	[tilespmem:v50+s16+$0x0] =	vst.idx.msk vm11, v49  }
0x1eb: {  	v31 =	vld [tilespmem:s30+$0xB0]  }
0x1ec: {  	v36 =	vld [tilespmem:s30+$0x2830]  }
0x1ed: {  	v37 =	vld [tilespmem:s30+$0x4FB0];
	_ =	sdelay $0x1  }
0x1ee: {  	v40 =	vld [tilespmem:s30+$0x7730];
	_ =	sdelay $0x1  }
0x1ef: {  	v51 =	vmul.f32 v31, v7;
	v52 =	vmul.f32 v36, v9  }
0x1f0: {  	v53 =	vmul.f32 v37, v10;
	v54 =	vmul.f32 v31, v12  }
0x1f1: {  	v55 =	vmul.f32 v36, v14;
	v56 =	vmul.f32 v37, v15  }
0x1f2: {  	v57 =	vmul.f32 v31, v17;
	v42 =	vadd.f32 v51, v40;
	v44 =	vadd.f32 v53, v52  }
0x1f3: {  	v58 =	vmul.f32 v36, v19;
	v59 =	vmul.f32 v37, v20;
	v45 =	vadd.f32 v54, v40  }
0x1f4: {  	v31 =	vmul.f32 v31, v22;
	v42 =	vadd.f32 v44, v42;
	v44 =	vadd.f32 v56, v55  }
0x1f5: {  	v36 =	vmul.f32 v36, v24;
	v37 =	vmul.f32 v37, v25;
	v60 =	vadd.f32 v57, v40  }
0x1f6: {  	v61 =	vadd.f32 v59, v58;
	vm12 =	vlt.f32 v42, v30;
	v44 =	vadd.f32 v44, v45  }
0x1f7: {  	v31 =	vadd.f32 v31, v40;
	v62 =	vsel vm12, $0x1, v2  }
0x1f8: {  	v36 =	vadd.f32 v37, v36;
	v46 =	vadd.f32 v61, v60;
	(xrf0) =	vadd.scan.msk.s32 $0xffff, v62;
	vm13 =	vlt.f32 v44, v27  }
0x1f9: {  	v63 =	vsel vm13, $0x1, v2  }
0x1fa: {  	v31 =	vadd.f32 v36, v31;
	vm14 =	vlt.f32 v46, v28;
	(xrf0) =	vadd.scan.msk.s32 $0xffff, v63  }
0x1fb: {  	v40 =	vsel vm14, $0x1, v2  }
0x1fc: {  	v32 =	vadd.s32 v32, v38;
	vm15 =	vlt.f32 v31, v29;
	(xrf0) =	vadd.scan.msk.s32 $0xffff, v40  }
0x1fd: {  	v45 =	vbroadcast v32, $0xF;
	v47 =	vsel vm15, $0x1, v2  }
0x1fe: {  	v33 =	vadd.s32 v33, v39;
	v38, _, _ =	vpop (xrf0);
	(xrf0) =	vadd.scan.msk.s32 $0xffff, v47  }
0x1ff: {  	v48 =	vbroadcast v33, $0xF;
	v36 =	vadd.s32 v45, v38  }
0x200: {  	v34 =	vadd.s32 v34, v41;
	v39, _, _ =	vpop (xrf0)  }
0x201: {  	v49 =	vbroadcast v34, $0xF;
	v37 =	vadd.s32 v48, v39  }
0x202: {  	v35 =	vadd.s32 v35, v43;
	v41, _, _ =	vpop (xrf0)  }
0x203: {  	s22 =	sadd.s32 $0xB0, s30;
	v43 =	vbroadcast v35, $0xF;
	v40 =	vadd.s32 v49, v41  }
0x204: {  	v50 =	vor.u32 s22, v0;
	[tilespmem:v36+s9+$0x0] =	vst.idx.msk vm12, v42;
	v42, _, _ =	vpop (xrf0)  }
0x205: {  	[tilespmem:v36+s10+$0x0] =	vst.idx.msk vm12, v50;
	v51 =	vadd.s32 v43, v42  }
0x206: {  	[tilespmem:v37+s11+$0x0] =	vst.idx.msk vm13, v44  }
0x207: {  	[tilespmem:v37+s12+$0x0] =	vst.idx.msk vm13, v50  }
0x208: {  	[tilespmem:v40+s13+$0x0] =	vst.idx.msk vm14, v46  }
0x209: {  	[tilespmem:v40+s14+$0x0] =	vst.idx.msk vm14, v50  }
0x20a: {  	[tilespmem:v51+s15+$0x0] =	vst.idx.msk vm15, v31  }
0x20b: {  	[tilespmem:v51+s16+$0x0] =	vst.idx.msk vm15, v50  }
0x20c: {  	v31 =	vld [tilespmem:s30+$0xC0]  }
0x20d: {  	v36 =	vld [tilespmem:s30+$0x2840]  }
0x20e: {  	v37 =	vld [tilespmem:s30+$0x4FC0];
	_ =	sdelay $0x1  }
0x20f: {  	v40 =	vld [tilespmem:s30+$0x7740];
	_ =	sdelay $0x1  }
0x210: {  	v52 =	vmul.f32 v31, v7;
	v53 =	vmul.f32 v36, v9  }
0x211: {  	v54 =	vmul.f32 v37, v10;
	v55 =	vmul.f32 v31, v12  }
0x212: {  	v56 =	vmul.f32 v36, v14;
	v57 =	vmul.f32 v37, v15  }
0x213: {  	v58 =	vmul.f32 v31, v17;
	v43 =	vadd.f32 v52, v40;
	v44 =	vadd.f32 v54, v53  }
0x214: {  	v59 =	vmul.f32 v36, v19;
	v60 =	vmul.f32 v37, v20;
	v45 =	vadd.f32 v55, v40  }
0x215: {  	v31 =	vmul.f32 v31, v22;
	v43 =	vadd.f32 v44, v43;
	v44 =	vadd.f32 v57, v56  }
0x216: {  	v36 =	vmul.f32 v36, v24;
	v37 =	vmul.f32 v37, v25;
	v61 =	vadd.f32 v58, v40  }
0x217: {  	v62 =	vadd.f32 v60, v59;
	vm6 =	vlt.f32 v43, v30;
	v44 =	vadd.f32 v44, v45  }
0x218: {  	v31 =	vadd.f32 v31, v40;
	v63 =	vsel vm6, $0x1, v2  }
0x219: {  	v36 =	vadd.f32 v37, v36;
	v46 =	vadd.f32 v62, v61;
	(xrf0) =	vadd.scan.msk.s32 $0xffff, v63;
	vm7 =	vlt.f32 v44, v27  }
0x21a: {  	v40 =	vsel vm7, $0x1, v2  }
0x21b: {  	v31 =	vadd.f32 v36, v31;
	vm8 =	vlt.f32 v46, v28;
	(xrf0) =	vadd.scan.msk.s32 $0xffff, v40  }
0x21c: {  	v45 =	vsel vm8, $0x1, v2  }
0x21d: {  	v32 =	vadd.s32 v32, v38;
	vm9 =	vlt.f32 v31, v29;
	(xrf0) =	vadd.scan.msk.s32 $0xffff, v45  }
0x21e: {  	v47 =	vbroadcast v32, $0xF;
	v48 =	vsel vm9, $0x1, v2  }
0x21f: {  	v33 =	vadd.s32 v33, v39;
	v38, _, _ =	vpop (xrf0);
	(xrf0) =	vadd.scan.msk.s32 $0xffff, v48  }
0x220: {  	v49 =	vbroadcast v33, $0xF;
	v36 =	vadd.s32 v47, v38  }
0x221: {  	v34 =	vadd.s32 v34, v41;
	v39, _, _ =	vpop (xrf0)  }
0x222: {  	v50 =	vbroadcast v34, $0xF;
	v37 =	vadd.s32 v49, v39  }
0x223: {  	v35 =	vadd.s32 v35, v42;
	v41, _, _ =	vpop (xrf0)  }
0x224: {  	s2 =	sadd.s32 $0xC0, s30;
	v42 =	vbroadcast v35, $0xF;
	v40 =	vadd.s32 v50, v41  }
0x225: {  	v51 =	vor.u32 s2, v0;
	[tilespmem:v36+s9+$0x0] =	vst.idx.msk vm6, v43;
	v43, _, _ =	vpop (xrf0)  }
0x226: {  	[tilespmem:v36+s10+$0x0] =	vst.idx.msk vm6, v51;
	v52 =	vadd.s32 v42, v43  }
0x227: {  	[tilespmem:v37+s11+$0x0] =	vst.idx.msk vm7, v44  }
0x228: {  	[tilespmem:v37+s12+$0x0] =	vst.idx.msk vm7, v51  }
0x229: {  	[tilespmem:v40+s13+$0x0] =	vst.idx.msk vm8, v46  }
0x22a: {  	[tilespmem:v40+s14+$0x0] =	vst.idx.msk vm8, v51  }
0x22b: {  	[tilespmem:v52+s15+$0x0] =	vst.idx.msk vm9, v31  }
0x22c: {  	[tilespmem:v52+s16+$0x0] =	vst.idx.msk vm9, v51  }
0x22d: {  	v31 =	vld [tilespmem:s30+$0xD0]  }
0x22e: {  	v36 =	vld [tilespmem:s30+$0x2850]  }
0x22f: {  	v37 =	vld [tilespmem:s30+$0x4FD0];
	_ =	sdelay $0x1  }
0x230: {  	v40 =	vld [tilespmem:s30+$0x7750];
	_ =	sdelay $0x1  }
0x231: {  	v53 =	vmul.f32 v31, v7;
	v54 =	vmul.f32 v36, v9  }
0x232: {  	v55 =	vmul.f32 v37, v10;
	v56 =	vmul.f32 v31, v12  }
0x233: {  	v57 =	vmul.f32 v36, v14;
	v58 =	vmul.f32 v37, v15  }
0x234: {  	v59 =	vmul.f32 v31, v17;
	v42 =	vadd.f32 v53, v40;
	v44 =	vadd.f32 v55, v54  }
0x235: {  	v60 =	vmul.f32 v36, v19;
	v61 =	vmul.f32 v37, v20;
	v45 =	vadd.f32 v56, v40  }
0x236: {  	v31 =	vmul.f32 v31, v22;
	v42 =	vadd.f32 v44, v42;
	v44 =	vadd.f32 v58, v57  }
0x237: {  	v36 =	vmul.f32 v36, v24;
	v37 =	vmul.f32 v37, v25;
	v62 =	vadd.f32 v59, v40  }
0x238: {  	v63 =	vadd.f32 v61, v60;
	vm10 =	vlt.f32 v42, v30;
	v44 =	vadd.f32 v44, v45  }
0x239: {  	v31 =	vadd.f32 v31, v40;
	v48 =	vsel vm10, $0x1, v2  }
0x23a: {  	v36 =	vadd.f32 v37, v36;
	v46 =	vadd.f32 v63, v62;
	(xrf0) =	vadd.scan.msk.s32 $0xffff, v48;
	vm11 =	vlt.f32 v44, v27  }
0x23b: {  	v49 =	vsel vm11, $0x1, v2  }
0x23c: {  	v31 =	vadd.f32 v36, v31;
	vm12 =	vlt.f32 v46, v28;
	(xrf0) =	vadd.scan.msk.s32 $0xffff, v49  }
0x23d: {  	v50 =	vsel vm12, $0x1, v2  }
0x23e: {  	v32 =	vadd.s32 v32, v38;
	vm13 =	vlt.f32 v31, v29;
	(xrf0) =	vadd.scan.msk.s32 $0xffff, v50  }
0x23f: {  	v51 =	vbroadcast v32, $0xF;
	v52 =	vsel vm13, $0x1, v2  }
0x240: {  	v33 =	vadd.s32 v33, v39;
	v38, _, _ =	vpop (xrf0);
	(xrf0) =	vadd.scan.msk.s32 $0xffff, v52  }
0x241: {  	v53 =	vbroadcast v33, $0xF;
	v36 =	vadd.s32 v51, v38  }
0x242: {  	v34 =	vadd.s32 v34, v41;
	v39, _, _ =	vpop (xrf0)  }
0x243: {  	v54 =	vbroadcast v34, $0xF;
	v37 =	vadd.s32 v53, v39  }
0x244: {  	v35 =	vadd.s32 v35, v43;
	v41, _, _ =	vpop (xrf0)  }
0x245: {  	s4 =	sadd.s32 $0xD0, s30;
	v43 =	vbroadcast v35, $0xF;
	v40 =	vadd.s32 v54, v41  }
0x246: {  	v55 =	vor.u32 s4, v0;
	[tilespmem:v36+s9+$0x0] =	vst.idx.msk vm10, v42;
	v42, _, _ =	vpop (xrf0)  }
0x247: {  	[tilespmem:v36+s10+$0x0] =	vst.idx.msk vm10, v55;
	v56 =	vadd.s32 v43, v42  }
0x248: {  	[tilespmem:v37+s11+$0x0] =	vst.idx.msk vm11, v44  }
0x249: {  	[tilespmem:v37+s12+$0x0] =	vst.idx.msk vm11, v55  }
0x24a: {  	[tilespmem:v40+s13+$0x0] =	vst.idx.msk vm12, v46  }
0x24b: {  	[tilespmem:v40+s14+$0x0] =	vst.idx.msk vm12, v55  }
0x24c: {  	[tilespmem:v56+s15+$0x0] =	vst.idx.msk vm13, v31  }
0x24d: {  	[tilespmem:v56+s16+$0x0] =	vst.idx.msk vm13, v55  }
0x24e: {  	v31 =	vld [tilespmem:s30+$0xE0]  }
0x24f: {  	v36 =	vld [tilespmem:s30+$0x2860]  }
0x250: {  	v37 =	vld [tilespmem:s30+$0x4FE0];
	_ =	sdelay $0x1  }
0x251: {  	v40 =	vld [tilespmem:s30+$0x7760];
	_ =	sdelay $0x1  }
0x252: {  	v57 =	vmul.f32 v31, v7;
	v58 =	vmul.f32 v36, v9  }
0x253: {  	v59 =	vmul.f32 v37, v10;
	v60 =	vmul.f32 v31, v12  }
0x254: {  	v61 =	vmul.f32 v36, v14;
	v62 =	vmul.f32 v37, v15  }
0x255: {  	v63 =	vmul.f32 v31, v17;
	v43 =	vadd.f32 v57, v40;
	v44 =	vadd.f32 v59, v58  }
0x256: {  	v52 =	vmul.f32 v36, v19;
	v53 =	vmul.f32 v37, v20;
	v45 =	vadd.f32 v60, v40  }
0x257: {  	v31 =	vmul.f32 v31, v22;
	v43 =	vadd.f32 v44, v43;
	v44 =	vadd.f32 v62, v61  }
0x258: {  	v36 =	vmul.f32 v36, v24;
	v37 =	vmul.f32 v37, v25;
	v54 =	vadd.f32 v63, v40  }
0x259: {  	v55 =	vadd.f32 v53, v52;
	vm14 =	vlt.f32 v43, v30;
	v44 =	vadd.f32 v44, v45  }
0x25a: {  	v31 =	vadd.f32 v31, v40;
	v56 =	vsel vm14, $0x1, v2  }
0x25b: {  	v36 =	vadd.f32 v37, v36;
	v46 =	vadd.f32 v55, v54;
	(xrf0) =	vadd.scan.msk.s32 $0xffff, v56;
	vm15 =	vlt.f32 v44, v27  }
0x25c: {  	v57 =	vsel vm15, $0x1, v2  }
0x25d: {  	v31 =	vadd.f32 v36, v31;
	vm6 =	vlt.f32 v46, v28;
	(xrf0) =	vadd.scan.msk.s32 $0xffff, v57  }
0x25e: {  	v58 =	vsel vm6, $0x1, v2  }
0x25f: {  	v32 =	vadd.s32 v32, v38;
	vm7 =	vlt.f32 v31, v29;
	(xrf0) =	vadd.scan.msk.s32 $0xffff, v58  }
0x260: {  	v59 =	vbroadcast v32, $0xF;
	v60 =	vsel vm7, $0x1, v2  }
0x261: {  	v33 =	vadd.s32 v33, v39;
	v38, _, _ =	vpop (xrf0);
	(xrf0) =	vadd.scan.msk.s32 $0xffff, v60  }
0x262: {  	v61 =	vbroadcast v33, $0xF;
	v36 =	vadd.s32 v59, v38  }
0x263: {  	v34 =	vadd.s32 v34, v41;
	v39, _, _ =	vpop (xrf0)  }
0x264: {  	v62 =	vbroadcast v34, $0xF;
	v37 =	vadd.s32 v61, v39  }
0x265: {  	v35 =	vadd.s32 v35, v42;
	v41, _, _ =	vpop (xrf0)  }
0x266: {  	s6 =	sadd.s32 $0xE0, s30;
	v42 =	vbroadcast v35, $0xF;
	v40 =	vadd.s32 v62, v41  }
0x267: {  	v63 =	vor.u32 s6, v0;
	[tilespmem:v36+s9+$0x0] =	vst.idx.msk vm14, v43;
	v43, _, _ =	vpop (xrf0)  }
0x268: {  	[tilespmem:v36+s10+$0x0] =	vst.idx.msk vm14, v63;
	v48 =	vadd.s32 v42, v43  }
0x269: {  	[tilespmem:v37+s11+$0x0] =	vst.idx.msk vm15, v44  }
0x26a: {  	[tilespmem:v37+s12+$0x0] =	vst.idx.msk vm15, v63  }
0x26b: {  	[tilespmem:v40+s13+$0x0] =	vst.idx.msk vm6, v46  }
0x26c: {  	[tilespmem:v40+s14+$0x0] =	vst.idx.msk vm6, v63  }
0x26d: {  	[tilespmem:v48+s15+$0x0] =	vst.idx.msk vm7, v31  }
0x26e: {  	[tilespmem:v48+s16+$0x0] =	vst.idx.msk vm7, v63  }
0x26f: {  	v31 =	vld [tilespmem:s30+$0xF0]  }
0x270: {  	v36 =	vld [tilespmem:s30+$0x2870]  }
0x271: {  	v37 =	vld [tilespmem:s30+$0x4FF0];
	_ =	sdelay $0x1  }
0x272: {  	v40 =	vld [tilespmem:s30+$0x7770];
	_ =	sdelay $0x1  }
0x273: {  	v49 =	vmul.f32 v31, v7;
	v50 =	vmul.f32 v36, v9  }
0x274: {  	v51 =	vmul.f32 v37, v10;
	v52 =	vmul.f32 v31, v12  }
0x275: {  	v53 =	vmul.f32 v36, v14;
	v54 =	vmul.f32 v37, v15  }
0x276: {  	v55 =	vmul.f32 v31, v17;
	v42 =	vadd.f32 v49, v40;
	v44 =	vadd.f32 v51, v50  }
0x277: {  	v56 =	vmul.f32 v36, v19;
	v57 =	vmul.f32 v37, v20;
	v45 =	vadd.f32 v52, v40  }
0x278: {  	v31 =	vmul.f32 v31, v22;
	v42 =	vadd.f32 v44, v42;
	v44 =	vadd.f32 v54, v53  }
0x279: {  	v36 =	vmul.f32 v36, v24;
	v37 =	vmul.f32 v37, v25;
	v58 =	vadd.f32 v55, v40  }
0x27a: {  	v59 =	vadd.f32 v57, v56;
	vm8 =	vlt.f32 v42, v30;
	v44 =	vadd.f32 v44, v45  }
0x27b: {  	v31 =	vadd.f32 v31, v40;
	v60 =	vsel vm8, $0x1, v2  }
0x27c: {  	v36 =	vadd.f32 v37, v36;
	v46 =	vadd.f32 v59, v58;
	(xrf0) =	vadd.scan.msk.s32 $0xffff, v60;
	vm9 =	vlt.f32 v44, v27  }
0x27d: {  	v61 =	vsel vm9, $0x1, v2  }
0x27e: {  	v31 =	vadd.f32 v36, v31;
	vm10 =	vlt.f32 v46, v28;
	(xrf0) =	vadd.scan.msk.s32 $0xffff, v61  }
0x27f: {  	v62 =	vsel vm10, $0x1, v2  }
0x280: {  	v32 =	vadd.s32 v32, v38;
	vm11 =	vlt.f32 v31, v29;
	(xrf0) =	vadd.scan.msk.s32 $0xffff, v62  }
0x281: {  	v63 =	vbroadcast v32, $0xF;
	v40 =	vsel vm11, $0x1, v2  }
0x282: {  	v33 =	vadd.s32 v33, v39;
	v38, _, _ =	vpop (xrf0);
	(xrf0) =	vadd.scan.msk.s32 $0xffff, v40  }
0x283: {  	v45 =	vbroadcast v33, $0xF;
	v36 =	vadd.s32 v63, v38  }
0x284: {  	v34 =	vadd.s32 v34, v41;
	v39, _, _ =	vpop (xrf0)  }
0x285: {  	v47 =	vbroadcast v34, $0xF;
	v37 =	vadd.s32 v45, v39  }
0x286: {  	v35 =	vadd.s32 v35, v43;
	v41, _, _ =	vpop (xrf0)  }
0x287: {  	s7 =	sadd.s32 $0xF0, s30;
	v43 =	vbroadcast v35, $0xF;
	v40 =	vadd.s32 v47, v41  }
0x288: {  	v48 =	vor.u32 s7, v0;
	[tilespmem:v36+s9+$0x0] =	vst.idx.msk vm8, v42;
	v42, _, _ =	vpop (xrf0)  }
0x289: {  	[tilespmem:v36+s10+$0x0] =	vst.idx.msk vm8, v48;
	v49 =	vadd.s32 v43, v42  }
0x28a: {  	[tilespmem:v37+s11+$0x0] =	vst.idx.msk vm9, v44  }
0x28b: {  	[tilespmem:v37+s12+$0x0] =	vst.idx.msk vm9, v48  }
0x28c: {  	[tilespmem:v40+s13+$0x0] =	vst.idx.msk vm10, v46  }
0x28d: {  	s17 =	sadd.s32 $0x100, s30;
	[tilespmem:v40+s14+$0x0] =	vst.idx.msk vm10, v48  }
0x28e: {  	s18 =	sand.u32 $0x7F80, s17;
	[tilespmem:v49+s15+$0x0] =	vst.idx.msk vm11, v31  }
0x28f: {  	s2 =	sor.u32 s31, s18;
	[tilespmem:v49+s16+$0x0] =	vst.idx.msk vm11, v48  }
0x290: {  	v31 =	vld [tilespmem:s2+$0x0]  }
0x291: {  	v36 =	vld [tilespmem:s2+$0x2780]  }
0x292: {  	v37 =	vld [tilespmem:s2+$0x4F00];
	_ =	sdelay $0x1  }
0x293: {  	v40 =	vld [tilespmem:s2+$0x7680];
	_ =	sdelay $0x1  }
0x294: {  	v50 =	vmul.f32 v31, v7;
	v51 =	vmul.f32 v36, v9  }
0x295: {  	v52 =	vmul.f32 v37, v10;
	v53 =	vmul.f32 v31, v12  }
0x296: {  	v54 =	vmul.f32 v36, v14;
	v55 =	vmul.f32 v37, v15  }
0x297: {  	v56 =	vmul.f32 v31, v17;
	v43 =	vadd.f32 v50, v40;
	v44 =	vadd.f32 v52, v51  }
0x298: {  	v57 =	vmul.f32 v36, v19;
	v58 =	vmul.f32 v37, v20;
	v45 =	vadd.f32 v53, v40  }
0x299: {  	v31 =	vmul.f32 v31, v22;
	v43 =	vadd.f32 v44, v43;
	v44 =	vadd.f32 v55, v54  }
0x29a: {  	v36 =	vmul.f32 v36, v24;
	v37 =	vmul.f32 v37, v25;
	v59 =	vadd.f32 v56, v40  }
0x29b: {  	v60 =	vadd.f32 v58, v57;
	vm12 =	vlt.f32 v43, v30;
	v44 =	vadd.f32 v44, v45  }
0x29c: {  	v31 =	vadd.f32 v31, v40;
	v61 =	vsel vm12, $0x1, v2  }
0x29d: {  	v36 =	vadd.f32 v37, v36;
	v46 =	vadd.f32 v60, v59;
	(xrf0) =	vadd.scan.msk.s32 $0xffff, v61;
	vm13 =	vlt.f32 v44, v27  }
0x29e: {  	v62 =	vsel vm13, $0x1, v2  }
0x29f: {  	v31 =	vadd.f32 v36, v31;
	vm14 =	vlt.f32 v46, v28;
	(xrf0) =	vadd.scan.msk.s32 $0xffff, v62  }
0x2a0: {  	v63 =	vsel vm14, $0x1, v2  }
0x2a1: {  	v32 =	vadd.s32 v32, v38;
	vm15 =	vlt.f32 v31, v29;
	(xrf0) =	vadd.scan.msk.s32 $0xffff, v63  }
0x2a2: {  	v40 =	vbroadcast v32, $0xF;
	v45 =	vsel vm15, $0x1, v2  }
0x2a3: {  	v33 =	vadd.s32 v33, v39;
	v38, _, _ =	vpop (xrf0);
	(xrf0) =	vadd.scan.msk.s32 $0xffff, v45  }
0x2a4: {  	v47 =	vbroadcast v33, $0xF;
	v36 =	vadd.s32 v40, v38  }
0x2a5: {  	v34 =	vadd.s32 v34, v41;
	v39, _, _ =	vpop (xrf0)  }
0x2a6: {  	v48 =	vbroadcast v34, $0xF;
	v37 =	vadd.s32 v47, v39  }
0x2a7: {  	v35 =	vadd.s32 v35, v42;
	v41, _, _ =	vpop (xrf0)  }
0x2a8: {  	v42 =	vbroadcast v35, $0xF;
	v40 =	vadd.s32 v48, v41  }
0x2a9: {  	v49 =	vor.u32 s17, v0;
	[tilespmem:v36+s9+$0x0] =	vst.idx.msk vm12, v43;
	v43, _, _ =	vpop (xrf0)  }
0x2aa: {  	[tilespmem:v36+s10+$0x0] =	vst.idx.msk vm12, v49;
	v50 =	vadd.s32 v42, v43  }
0x2ab: {  	[tilespmem:v37+s11+$0x0] =	vst.idx.msk vm13, v44  }
0x2ac: {  	[tilespmem:v37+s12+$0x0] =	vst.idx.msk vm13, v49  }
0x2ad: {  	[tilespmem:v40+s13+$0x0] =	vst.idx.msk vm14, v46  }
0x2ae: {  	[tilespmem:v40+s14+$0x0] =	vst.idx.msk vm14, v49  }
0x2af: {  	[tilespmem:v50+s15+$0x0] =	vst.idx.msk vm15, v31  }
0x2b0: {  	[tilespmem:v50+s16+$0x0] =	vst.idx.msk vm15, v49  }
0x2b1: {  	v31 =	vld [tilespmem:s30+$0x110]  }
0x2b2: {  	v36 =	vld [tilespmem:s30+$0x2890]  }
0x2b3: {  	v37 =	vld [tilespmem:s30+$0x5010];
	_ =	sdelay $0x1  }
0x2b4: {  	v40 =	vld [tilespmem:s30+$0x7790];
	_ =	sdelay $0x1  }
0x2b5: {  	v51 =	vmul.f32 v31, v7;
	v52 =	vmul.f32 v36, v9  }
0x2b6: {  	v53 =	vmul.f32 v37, v10;
	v54 =	vmul.f32 v31, v12  }
0x2b7: {  	v55 =	vmul.f32 v36, v14;
	v56 =	vmul.f32 v37, v15  }
0x2b8: {  	v57 =	vmul.f32 v31, v17;
	v42 =	vadd.f32 v51, v40;
	v44 =	vadd.f32 v53, v52  }
0x2b9: {  	v58 =	vmul.f32 v36, v19;
	v59 =	vmul.f32 v37, v20;
	v45 =	vadd.f32 v54, v40  }
0x2ba: {  	v31 =	vmul.f32 v31, v22;
	v42 =	vadd.f32 v44, v42;
	v44 =	vadd.f32 v56, v55  }
0x2bb: {  	v36 =	vmul.f32 v36, v24;
	v37 =	vmul.f32 v37, v25;
	v60 =	vadd.f32 v57, v40  }
0x2bc: {  	v61 =	vadd.f32 v59, v58;
	vm6 =	vlt.f32 v42, v30;
	v44 =	vadd.f32 v44, v45  }
0x2bd: {  	v31 =	vadd.f32 v31, v40;
	v62 =	vsel vm6, $0x1, v2  }
0x2be: {  	v36 =	vadd.f32 v37, v36;
	v46 =	vadd.f32 v61, v60;
	(xrf0) =	vadd.scan.msk.s32 $0xffff, v62;
	vm7 =	vlt.f32 v44, v27  }
0x2bf: {  	v63 =	vsel vm7, $0x1, v2  }
0x2c0: {  	v31 =	vadd.f32 v36, v31;
	vm8 =	vlt.f32 v46, v28;
	(xrf0) =	vadd.scan.msk.s32 $0xffff, v63  }
0x2c1: {  	v40 =	vsel vm8, $0x1, v2  }
0x2c2: {  	v32 =	vadd.s32 v32, v38;
	vm9 =	vlt.f32 v31, v29;
	(xrf0) =	vadd.scan.msk.s32 $0xffff, v40  }
0x2c3: {  	v45 =	vbroadcast v32, $0xF;
	v47 =	vsel vm9, $0x1, v2  }
0x2c4: {  	v33 =	vadd.s32 v33, v39;
	v38, _, _ =	vpop (xrf0);
	(xrf0) =	vadd.scan.msk.s32 $0xffff, v47  }
0x2c5: {  	v48 =	vbroadcast v33, $0xF;
	v36 =	vadd.s32 v45, v38  }
0x2c6: {  	v34 =	vadd.s32 v34, v41;
	v39, _, _ =	vpop (xrf0)  }
0x2c7: {  	v49 =	vbroadcast v34, $0xF;
	v37 =	vadd.s32 v48, v39  }
0x2c8: {  	v35 =	vadd.s32 v35, v43;
	v41, _, _ =	vpop (xrf0)  }
0x2c9: {  	s19 =	sadd.s32 $0x110, s30;
	v43 =	vbroadcast v35, $0xF;
	v40 =	vadd.s32 v49, v41  }
0x2ca: {  	v50 =	vor.u32 s19, v0;
	[tilespmem:v36+s9+$0x0] =	vst.idx.msk vm6, v42;
	v42, _, _ =	vpop (xrf0)  }
0x2cb: {  	[tilespmem:v36+s10+$0x0] =	vst.idx.msk vm6, v50;
	v51 =	vadd.s32 v43, v42  }
0x2cc: {  	[tilespmem:v37+s11+$0x0] =	vst.idx.msk vm7, v44  }
0x2cd: {  	[tilespmem:v37+s12+$0x0] =	vst.idx.msk vm7, v50  }
0x2ce: {  	[tilespmem:v40+s13+$0x0] =	vst.idx.msk vm8, v46  }
0x2cf: {  	[tilespmem:v40+s14+$0x0] =	vst.idx.msk vm8, v50  }
0x2d0: {  	[tilespmem:v51+s15+$0x0] =	vst.idx.msk vm9, v31  }
0x2d1: {  	[tilespmem:v51+s16+$0x0] =	vst.idx.msk vm9, v50  }
0x2d2: {  	v31 =	vld [tilespmem:s30+$0x120]  }
0x2d3: {  	v36 =	vld [tilespmem:s30+$0x28A0]  }
0x2d4: {  	v37 =	vld [tilespmem:s30+$0x5020];
	_ =	sdelay $0x1  }
0x2d5: {  	v40 =	vld [tilespmem:s30+$0x77A0];
	_ =	sdelay $0x1  }
0x2d6: {  	v52 =	vmul.f32 v31, v7;
	v53 =	vmul.f32 v36, v9  }
0x2d7: {  	v54 =	vmul.f32 v37, v10;
	v55 =	vmul.f32 v31, v12  }
0x2d8: {  	v56 =	vmul.f32 v36, v14;
	v57 =	vmul.f32 v37, v15  }
0x2d9: {  	v58 =	vmul.f32 v31, v17;
	v43 =	vadd.f32 v52, v40;
	v44 =	vadd.f32 v54, v53  }
0x2da: {  	v59 =	vmul.f32 v36, v19;
	v60 =	vmul.f32 v37, v20;
	v45 =	vadd.f32 v55, v40  }
0x2db: {  	v31 =	vmul.f32 v31, v22;
	v43 =	vadd.f32 v44, v43;
	v44 =	vadd.f32 v57, v56  }
0x2dc: {  	v36 =	vmul.f32 v36, v24;
	v37 =	vmul.f32 v37, v25;
	v61 =	vadd.f32 v58, v40  }
0x2dd: {  	v62 =	vadd.f32 v60, v59;
	vm10 =	vlt.f32 v43, v30;
	v44 =	vadd.f32 v44, v45  }
0x2de: {  	v31 =	vadd.f32 v31, v40;
	v63 =	vsel vm10, $0x1, v2  }
0x2df: {  	v36 =	vadd.f32 v37, v36;
	v46 =	vadd.f32 v62, v61;
	(xrf0) =	vadd.scan.msk.s32 $0xffff, v63;
	vm11 =	vlt.f32 v44, v27  }
0x2e0: {  	v40 =	vsel vm11, $0x1, v2  }
0x2e1: {  	v31 =	vadd.f32 v36, v31;
	vm12 =	vlt.f32 v46, v28;
	(xrf0) =	vadd.scan.msk.s32 $0xffff, v40  }
0x2e2: {  	v45 =	vsel vm12, $0x1, v2  }
0x2e3: {  	v32 =	vadd.s32 v32, v38;
	vm13 =	vlt.f32 v31, v29;
	(xrf0) =	vadd.scan.msk.s32 $0xffff, v45  }
0x2e4: {  	v47 =	vbroadcast v32, $0xF;
	v48 =	vsel vm13, $0x1, v2  }
0x2e5: {  	v33 =	vadd.s32 v33, v39;
	v38, _, _ =	vpop (xrf0);
	(xrf0) =	vadd.scan.msk.s32 $0xffff, v48  }
0x2e6: {  	v49 =	vbroadcast v33, $0xF;
	v36 =	vadd.s32 v47, v38  }
0x2e7: {  	v34 =	vadd.s32 v34, v41;
	v39, _, _ =	vpop (xrf0)  }
0x2e8: {  	v50 =	vbroadcast v34, $0xF;
	v37 =	vadd.s32 v49, v39  }
0x2e9: {  	v35 =	vadd.s32 v35, v42;
	v41, _, _ =	vpop (xrf0)  }
0x2ea: {  	s22 =	sadd.s32 $0x120, s30;
	v42 =	vbroadcast v35, $0xF;
	v40 =	vadd.s32 v50, v41  }
0x2eb: {  	v51 =	vor.u32 s22, v0;
	[tilespmem:v36+s9+$0x0] =	vst.idx.msk vm10, v43;
	v43, _, _ =	vpop (xrf0)  }
0x2ec: {  	[tilespmem:v36+s10+$0x0] =	vst.idx.msk vm10, v51;
	v52 =	vadd.s32 v42, v43  }
0x2ed: {  	[tilespmem:v37+s11+$0x0] =	vst.idx.msk vm11, v44  }
0x2ee: {  	[tilespmem:v37+s12+$0x0] =	vst.idx.msk vm11, v51  }
0x2ef: {  	[tilespmem:v40+s13+$0x0] =	vst.idx.msk vm12, v46  }
0x2f0: {  	[tilespmem:v40+s14+$0x0] =	vst.idx.msk vm12, v51  }
0x2f1: {  	[tilespmem:v52+s15+$0x0] =	vst.idx.msk vm13, v31  }
0x2f2: {  	[tilespmem:v52+s16+$0x0] =	vst.idx.msk vm13, v51  }
0x2f3: {  	v31 =	vld [tilespmem:s30+$0x130]  }
0x2f4: {  	v36 =	vld [tilespmem:s30+$0x28B0]  }
0x2f5: {  	v37 =	vld [tilespmem:s30+$0x5030];
	_ =	sdelay $0x1  }
0x2f6: {  	v40 =	vld [tilespmem:s30+$0x77B0];
	_ =	sdelay $0x1  }
0x2f7: {  	v53 =	vmul.f32 v31, v7;
	v54 =	vmul.f32 v36, v9  }
0x2f8: {  	v55 =	vmul.f32 v37, v10;
	v56 =	vmul.f32 v31, v12  }
0x2f9: {  	v57 =	vmul.f32 v36, v14;
	v58 =	vmul.f32 v37, v15  }
0x2fa: {  	v59 =	vmul.f32 v31, v17;
	v42 =	vadd.f32 v53, v40;
	v44 =	vadd.f32 v55, v54  }
0x2fb: {  	v60 =	vmul.f32 v36, v19;
	v61 =	vmul.f32 v37, v20;
	v45 =	vadd.f32 v56, v40  }
0x2fc: {  	v31 =	vmul.f32 v31, v22;
	v42 =	vadd.f32 v44, v42;
	v44 =	vadd.f32 v58, v57  }
0x2fd: {  	v36 =	vmul.f32 v36, v24;
	v37 =	vmul.f32 v37, v25;
	v62 =	vadd.f32 v59, v40  }
0x2fe: {  	v63 =	vadd.f32 v61, v60;
	vm14 =	vlt.f32 v42, v30;
	v44 =	vadd.f32 v44, v45  }
0x2ff: {  	v31 =	vadd.f32 v31, v40;
	v48 =	vsel vm14, $0x1, v2  }
0x300: {  	v36 =	vadd.f32 v37, v36;
	v46 =	vadd.f32 v63, v62;
	(xrf0) =	vadd.scan.msk.s32 $0xffff, v48;
	vm15 =	vlt.f32 v44, v27  }
0x301: {  	v49 =	vsel vm15, $0x1, v2  }
0x302: {  	v31 =	vadd.f32 v36, v31;
	vm6 =	vlt.f32 v46, v28;
	(xrf0) =	vadd.scan.msk.s32 $0xffff, v49  }
0x303: {  	v50 =	vsel vm6, $0x1, v2  }
0x304: {  	v32 =	vadd.s32 v32, v38;
	vm7 =	vlt.f32 v31, v29;
	(xrf0) =	vadd.scan.msk.s32 $0xffff, v50  }
0x305: {  	v51 =	vbroadcast v32, $0xF;
	v52 =	vsel vm7, $0x1, v2  }
0x306: {  	v33 =	vadd.s32 v33, v39;
	v38, _, _ =	vpop (xrf0);
	(xrf0) =	vadd.scan.msk.s32 $0xffff, v52  }
0x307: {  	v53 =	vbroadcast v33, $0xF;
	v36 =	vadd.s32 v51, v38  }
0x308: {  	v34 =	vadd.s32 v34, v41;
	v39, _, _ =	vpop (xrf0)  }
0x309: {  	v54 =	vbroadcast v34, $0xF;
	v37 =	vadd.s32 v53, v39  }
0x30a: {  	v35 =	vadd.s32 v35, v43;
	v41, _, _ =	vpop (xrf0)  }
0x30b: {  	s2 =	sadd.s32 $0x130, s30;
	v43 =	vbroadcast v35, $0xF;
	v40 =	vadd.s32 v54, v41  }
0x30c: {  	v55 =	vor.u32 s2, v0;
	[tilespmem:v36+s9+$0x0] =	vst.idx.msk vm14, v42;
	v42, _, _ =	vpop (xrf0)  }
0x30d: {  	[tilespmem:v36+s10+$0x0] =	vst.idx.msk vm14, v55;
	v56 =	vadd.s32 v43, v42  }
0x30e: {  	[tilespmem:v37+s11+$0x0] =	vst.idx.msk vm15, v44  }
0x30f: {  	[tilespmem:v37+s12+$0x0] =	vst.idx.msk vm15, v55  }
0x310: {  	[tilespmem:v40+s13+$0x0] =	vst.idx.msk vm6, v46  }
0x311: {  	[tilespmem:v40+s14+$0x0] =	vst.idx.msk vm6, v55  }
0x312: {  	[tilespmem:v56+s15+$0x0] =	vst.idx.msk vm7, v31  }
0x313: {  	[tilespmem:v56+s16+$0x0] =	vst.idx.msk vm7, v55  }
0x314: {  	v31 =	vld [tilespmem:s30+$0x140]  }
0x315: {  	v36 =	vld [tilespmem:s30+$0x28C0]  }
0x316: {  	v37 =	vld [tilespmem:s30+$0x5040];
	_ =	sdelay $0x1  }
0x317: {  	v40 =	vld [tilespmem:s30+$0x77C0];
	_ =	sdelay $0x1  }
0x318: {  	v57 =	vmul.f32 v31, v7;
	v58 =	vmul.f32 v36, v9  }
0x319: {  	v59 =	vmul.f32 v37, v10;
	v60 =	vmul.f32 v31, v12  }
0x31a: {  	v61 =	vmul.f32 v36, v14;
	v62 =	vmul.f32 v37, v15  }
0x31b: {  	v63 =	vmul.f32 v31, v17;
	v43 =	vadd.f32 v57, v40;
	v44 =	vadd.f32 v59, v58  }
0x31c: {  	v52 =	vmul.f32 v36, v19;
	v53 =	vmul.f32 v37, v20;
	v45 =	vadd.f32 v60, v40  }
0x31d: {  	v31 =	vmul.f32 v31, v22;
	v43 =	vadd.f32 v44, v43;
	v44 =	vadd.f32 v62, v61  }
0x31e: {  	v36 =	vmul.f32 v36, v24;
	v37 =	vmul.f32 v37, v25;
	v54 =	vadd.f32 v63, v40  }
0x31f: {  	v55 =	vadd.f32 v53, v52;
	vm8 =	vlt.f32 v43, v30;
	v44 =	vadd.f32 v44, v45  }
0x320: {  	v31 =	vadd.f32 v31, v40;
	v56 =	vsel vm8, $0x1, v2  }
0x321: {  	v36 =	vadd.f32 v37, v36;
	v46 =	vadd.f32 v55, v54;
	(xrf0) =	vadd.scan.msk.s32 $0xffff, v56;
	vm9 =	vlt.f32 v44, v27  }
0x322: {  	v57 =	vsel vm9, $0x1, v2  }
0x323: {  	v31 =	vadd.f32 v36, v31;
	vm10 =	vlt.f32 v46, v28;
	(xrf0) =	vadd.scan.msk.s32 $0xffff, v57  }
0x324: {  	v58 =	vsel vm10, $0x1, v2  }
0x325: {  	v32 =	vadd.s32 v32, v38;
	vm11 =	vlt.f32 v31, v29;
	(xrf0) =	vadd.scan.msk.s32 $0xffff, v58  }
0x326: {  	v59 =	vbroadcast v32, $0xF;
	v60 =	vsel vm11, $0x1, v2  }
0x327: {  	v33 =	vadd.s32 v33, v39;
	v38, _, _ =	vpop (xrf0);
	(xrf0) =	vadd.scan.msk.s32 $0xffff, v60  }
0x328: {  	v61 =	vbroadcast v33, $0xF;
	v36 =	vadd.s32 v59, v38  }
0x329: {  	v34 =	vadd.s32 v34, v41;
	v39, _, _ =	vpop (xrf0)  }
0x32a: {  	v62 =	vbroadcast v34, $0xF;
	v37 =	vadd.s32 v61, v39  }
0x32b: {  	v35 =	vadd.s32 v35, v42;
	v41, _, _ =	vpop (xrf0)  }
0x32c: {  	s4 =	sadd.s32 $0x140, s30;
	v42 =	vbroadcast v35, $0xF;
	v40 =	vadd.s32 v62, v41  }
0x32d: {  	v63 =	vor.u32 s4, v0;
	[tilespmem:v36+s9+$0x0] =	vst.idx.msk vm8, v43;
	v43, _, _ =	vpop (xrf0)  }
0x32e: {  	[tilespmem:v36+s10+$0x0] =	vst.idx.msk vm8, v63;
	v48 =	vadd.s32 v42, v43  }
0x32f: {  	[tilespmem:v37+s11+$0x0] =	vst.idx.msk vm9, v44  }
0x330: {  	[tilespmem:v37+s12+$0x0] =	vst.idx.msk vm9, v63  }
0x331: {  	[tilespmem:v40+s13+$0x0] =	vst.idx.msk vm10, v46  }
0x332: {  	[tilespmem:v40+s14+$0x0] =	vst.idx.msk vm10, v63  }
0x333: {  	[tilespmem:v48+s15+$0x0] =	vst.idx.msk vm11, v31  }
0x334: {  	[tilespmem:v48+s16+$0x0] =	vst.idx.msk vm11, v63  }
0x335: {  	v31 =	vld [tilespmem:s30+$0x150]  }
0x336: {  	v36 =	vld [tilespmem:s30+$0x28D0]  }
0x337: {  	v37 =	vld [tilespmem:s30+$0x5050];
	_ =	sdelay $0x1  }
0x338: {  	v40 =	vld [tilespmem:s30+$0x77D0];
	_ =	sdelay $0x1  }
0x339: {  	v49 =	vmul.f32 v31, v7;
	v50 =	vmul.f32 v36, v9  }
0x33a: {  	v51 =	vmul.f32 v37, v10;
	v52 =	vmul.f32 v31, v12  }
0x33b: {  	v53 =	vmul.f32 v36, v14;
	v54 =	vmul.f32 v37, v15  }
0x33c: {  	v55 =	vmul.f32 v31, v17;
	v42 =	vadd.f32 v49, v40;
	v44 =	vadd.f32 v51, v50  }
0x33d: {  	v56 =	vmul.f32 v36, v19;
	v57 =	vmul.f32 v37, v20;
	v45 =	vadd.f32 v52, v40  }
0x33e: {  	v31 =	vmul.f32 v31, v22;
	v42 =	vadd.f32 v44, v42;
	v44 =	vadd.f32 v54, v53  }
0x33f: {  	v36 =	vmul.f32 v36, v24;
	v37 =	vmul.f32 v37, v25;
	v58 =	vadd.f32 v55, v40  }
0x340: {  	v59 =	vadd.f32 v57, v56;
	vm12 =	vlt.f32 v42, v30;
	v44 =	vadd.f32 v44, v45  }
0x341: {  	v31 =	vadd.f32 v31, v40;
	v60 =	vsel vm12, $0x1, v2  }
0x342: {  	v36 =	vadd.f32 v37, v36;
	v46 =	vadd.f32 v59, v58;
	(xrf0) =	vadd.scan.msk.s32 $0xffff, v60;
	vm13 =	vlt.f32 v44, v27  }
0x343: {  	v61 =	vsel vm13, $0x1, v2  }
0x344: {  	v31 =	vadd.f32 v36, v31;
	vm14 =	vlt.f32 v46, v28;
	(xrf0) =	vadd.scan.msk.s32 $0xffff, v61  }
0x345: {  	v62 =	vsel vm14, $0x1, v2  }
0x346: {  	v32 =	vadd.s32 v32, v38;
	vm15 =	vlt.f32 v31, v29;
	(xrf0) =	vadd.scan.msk.s32 $0xffff, v62  }
0x347: {  	v63 =	vbroadcast v32, $0xF;
	v40 =	vsel vm15, $0x1, v2  }
0x348: {  	v33 =	vadd.s32 v33, v39;
	v38, _, _ =	vpop (xrf0);
	(xrf0) =	vadd.scan.msk.s32 $0xffff, v40  }
0x349: {  	v45 =	vbroadcast v33, $0xF;
	v36 =	vadd.s32 v63, v38  }
0x34a: {  	v34 =	vadd.s32 v34, v41;
	v39, _, _ =	vpop (xrf0)  }
0x34b: {  	v47 =	vbroadcast v34, $0xF;
	v37 =	vadd.s32 v45, v39  }
0x34c: {  	v35 =	vadd.s32 v35, v43;
	v41, _, _ =	vpop (xrf0)  }
0x34d: {  	s6 =	sadd.s32 $0x150, s30;
	v43 =	vbroadcast v35, $0xF;
	v40 =	vadd.s32 v47, v41  }
0x34e: {  	v48 =	vor.u32 s6, v0;
	[tilespmem:v36+s9+$0x0] =	vst.idx.msk vm12, v42;
	v42, _, _ =	vpop (xrf0)  }
0x34f: {  	[tilespmem:v36+s10+$0x0] =	vst.idx.msk vm12, v48;
	v49 =	vadd.s32 v43, v42  }
0x350: {  	[tilespmem:v37+s11+$0x0] =	vst.idx.msk vm13, v44  }
0x351: {  	[tilespmem:v37+s12+$0x0] =	vst.idx.msk vm13, v48  }
0x352: {  	[tilespmem:v40+s13+$0x0] =	vst.idx.msk vm14, v46  }
0x353: {  	[tilespmem:v40+s14+$0x0] =	vst.idx.msk vm14, v48  }
0x354: {  	[tilespmem:v49+s15+$0x0] =	vst.idx.msk vm15, v31  }
0x355: {  	[tilespmem:v49+s16+$0x0] =	vst.idx.msk vm15, v48  }
0x356: {  	v31 =	vld [tilespmem:s30+$0x160]  }
0x357: {  	v36 =	vld [tilespmem:s30+$0x28E0]  }
0x358: {  	v37 =	vld [tilespmem:s30+$0x5060];
	_ =	sdelay $0x1  }
0x359: {  	v40 =	vld [tilespmem:s30+$0x77E0];
	_ =	sdelay $0x1  }
0x35a: {  	v50 =	vmul.f32 v31, v7;
	v51 =	vmul.f32 v36, v9  }
0x35b: {  	v52 =	vmul.f32 v37, v10;
	v53 =	vmul.f32 v31, v12  }
0x35c: {  	v54 =	vmul.f32 v36, v14;
	v55 =	vmul.f32 v37, v15  }
0x35d: {  	v56 =	vmul.f32 v31, v17;
	v43 =	vadd.f32 v50, v40;
	v44 =	vadd.f32 v52, v51  }
0x35e: {  	v57 =	vmul.f32 v36, v19;
	v58 =	vmul.f32 v37, v20;
	v45 =	vadd.f32 v53, v40  }
0x35f: {  	v31 =	vmul.f32 v31, v22;
	v43 =	vadd.f32 v44, v43;
	v44 =	vadd.f32 v55, v54  }
0x360: {  	v36 =	vmul.f32 v36, v24;
	v37 =	vmul.f32 v37, v25;
	v59 =	vadd.f32 v56, v40  }
0x361: {  	v60 =	vadd.f32 v58, v57;
	vm6 =	vlt.f32 v43, v30;
	v44 =	vadd.f32 v44, v45  }
0x362: {  	v31 =	vadd.f32 v31, v40;
	v61 =	vsel vm6, $0x1, v2  }
0x363: {  	v36 =	vadd.f32 v37, v36;
	v46 =	vadd.f32 v60, v59;
	(xrf0) =	vadd.scan.msk.s32 $0xffff, v61;
	vm7 =	vlt.f32 v44, v27  }
0x364: {  	v62 =	vsel vm7, $0x1, v2  }
0x365: {  	v31 =	vadd.f32 v36, v31;
	vm8 =	vlt.f32 v46, v28;
	(xrf0) =	vadd.scan.msk.s32 $0xffff, v62  }
0x366: {  	v63 =	vsel vm8, $0x1, v2  }
0x367: {  	v32 =	vadd.s32 v32, v38;
	vm9 =	vlt.f32 v31, v29;
	(xrf0) =	vadd.scan.msk.s32 $0xffff, v63  }
0x368: {  	v40 =	vbroadcast v32, $0xF;
	v45 =	vsel vm9, $0x1, v2  }
0x369: {  	v33 =	vadd.s32 v33, v39;
	v38, _, _ =	vpop (xrf0);
	(xrf0) =	vadd.scan.msk.s32 $0xffff, v45  }
0x36a: {  	v47 =	vbroadcast v33, $0xF;
	v36 =	vadd.s32 v40, v38  }
0x36b: {  	v34 =	vadd.s32 v34, v41;
	v39, _, _ =	vpop (xrf0)  }
0x36c: {  	v48 =	vbroadcast v34, $0xF;
	v37 =	vadd.s32 v47, v39  }
0x36d: {  	v35 =	vadd.s32 v35, v42;
	v41, _, _ =	vpop (xrf0)  }
0x36e: {  	s7 =	sadd.s32 $0x160, s30;
	v42 =	vbroadcast v35, $0xF;
	v40 =	vadd.s32 v48, v41  }
0x36f: {  	v49 =	vor.u32 s7, v0;
	[tilespmem:v36+s9+$0x0] =	vst.idx.msk vm6, v43;
	v43, _, _ =	vpop (xrf0)  }
0x370: {  	[tilespmem:v36+s10+$0x0] =	vst.idx.msk vm6, v49;
	v50 =	vadd.s32 v42, v43  }
0x371: {  	[tilespmem:v37+s11+$0x0] =	vst.idx.msk vm7, v44  }
0x372: {  	[tilespmem:v37+s12+$0x0] =	vst.idx.msk vm7, v49  }
0x373: {  	[tilespmem:v40+s13+$0x0] =	vst.idx.msk vm8, v46  }
0x374: {  	[tilespmem:v40+s14+$0x0] =	vst.idx.msk vm8, v49  }
0x375: {  	[tilespmem:v50+s15+$0x0] =	vst.idx.msk vm9, v31  }
0x376: {  	[tilespmem:v50+s16+$0x0] =	vst.idx.msk vm9, v49  }
0x377: {  	v31 =	vld [tilespmem:s30+$0x170]  }
0x378: {  	v36 =	vld [tilespmem:s30+$0x28F0]  }
0x379: {  	v37 =	vld [tilespmem:s30+$0x5070];
	_ =	sdelay $0x1  }
0x37a: {  	v40 =	vld [tilespmem:s30+$0x77F0];
	_ =	sdelay $0x1  }
0x37b: {  	v51 =	vmul.f32 v31, v7;
	v52 =	vmul.f32 v36, v9  }
0x37c: {  	v53 =	vmul.f32 v37, v10;
	v54 =	vmul.f32 v31, v12  }
0x37d: {  	v55 =	vmul.f32 v36, v14;
	v56 =	vmul.f32 v37, v15  }
0x37e: {  	v57 =	vmul.f32 v31, v17;
	v42 =	vadd.f32 v51, v40;
	v44 =	vadd.f32 v53, v52  }
0x37f: {  	v58 =	vmul.f32 v36, v19;
	v59 =	vmul.f32 v37, v20;
	v45 =	vadd.f32 v54, v40  }
0x380: {  	v31 =	vmul.f32 v31, v22;
	v42 =	vadd.f32 v44, v42;
	v44 =	vadd.f32 v56, v55  }
0x381: {  	v36 =	vmul.f32 v36, v24;
	v37 =	vmul.f32 v37, v25;
	v60 =	vadd.f32 v57, v40  }
0x382: {  	v61 =	vadd.f32 v59, v58;
	vm10 =	vlt.f32 v42, v30;
	v44 =	vadd.f32 v44, v45  }
0x383: {  	v31 =	vadd.f32 v31, v40;
	v62 =	vsel vm10, $0x1, v2  }
0x384: {  	v36 =	vadd.f32 v37, v36;
	v46 =	vadd.f32 v61, v60;
	(xrf0) =	vadd.scan.msk.s32 $0xffff, v62;
	vm11 =	vlt.f32 v44, v27  }
0x385: {  	v63 =	vsel vm11, $0x1, v2  }
0x386: {  	v31 =	vadd.f32 v36, v31;
	vm12 =	vlt.f32 v46, v28;
	(xrf0) =	vadd.scan.msk.s32 $0xffff, v63  }
0x387: {  	v40 =	vsel vm12, $0x1, v2  }
0x388: {  	v32 =	vadd.s32 v32, v38;
	vm13 =	vlt.f32 v31, v29;
	(xrf0) =	vadd.scan.msk.s32 $0xffff, v40  }
0x389: {  	v45 =	vbroadcast v32, $0xF;
	v47 =	vsel vm13, $0x1, v2  }
0x38a: {  	v33 =	vadd.s32 v33, v39;
	v38, _, _ =	vpop (xrf0);
	(xrf0) =	vadd.scan.msk.s32 $0xffff, v47  }
0x38b: {  	v48 =	vbroadcast v33, $0xF;
	v36 =	vadd.s32 v45, v38  }
0x38c: {  	v34 =	vadd.s32 v34, v41;
	v39, _, _ =	vpop (xrf0)  }
0x38d: {  	v49 =	vbroadcast v34, $0xF;
	v37 =	vadd.s32 v48, v39  }
0x38e: {  	v35 =	vadd.s32 v35, v43;
	v41, _, _ =	vpop (xrf0)  }
0x38f: {  	s17 =	sadd.s32 $0x170, s30;
	v43 =	vbroadcast v35, $0xF;
	v40 =	vadd.s32 v49, v41  }
0x390: {  	v50 =	vor.u32 s17, v0;
	[tilespmem:v36+s9+$0x0] =	vst.idx.msk vm10, v42;
	v42, _, _ =	vpop (xrf0)  }
0x391: {  	[tilespmem:v36+s10+$0x0] =	vst.idx.msk vm10, v50;
	v51 =	vadd.s32 v43, v42  }
0x392: {  	[tilespmem:v37+s11+$0x0] =	vst.idx.msk vm11, v44  }
0x393: {  	[tilespmem:v37+s12+$0x0] =	vst.idx.msk vm11, v50  }
0x394: {  	[tilespmem:v40+s13+$0x0] =	vst.idx.msk vm12, v46  }
0x395: {  	s18 =	sadd.s32 $0x180, s30;
	[tilespmem:v40+s14+$0x0] =	vst.idx.msk vm12, v50  }
0x396: {  	s19 =	sand.u32 $0x7F80, s18;
	[tilespmem:v51+s15+$0x0] =	vst.idx.msk vm13, v31  }
0x397: {  	s2 =	sor.u32 s31, s19;
	[tilespmem:v51+s16+$0x0] =	vst.idx.msk vm13, v50  }
0x398: {  	v31 =	vld [tilespmem:s2+$0x0]  }
0x399: {  	v36 =	vld [tilespmem:s2+$0x2780]  }
0x39a: {  	v37 =	vld [tilespmem:s2+$0x4F00];
	_ =	sdelay $0x1  }
0x39b: {  	v40 =	vld [tilespmem:s2+$0x7680];
	_ =	sdelay $0x1  }
0x39c: {  	v52 =	vmul.f32 v31, v7;
	v53 =	vmul.f32 v36, v9  }
0x39d: {  	v54 =	vmul.f32 v37, v10;
	v55 =	vmul.f32 v31, v12  }
0x39e: {  	v56 =	vmul.f32 v36, v14;
	v57 =	vmul.f32 v37, v15  }
0x39f: {  	v58 =	vmul.f32 v31, v17;
	v43 =	vadd.f32 v52, v40;
	v44 =	vadd.f32 v54, v53  }
0x3a0: {  	v59 =	vmul.f32 v36, v19;
	v60 =	vmul.f32 v37, v20;
	v45 =	vadd.f32 v55, v40  }
0x3a1: {  	v31 =	vmul.f32 v31, v22;
	v43 =	vadd.f32 v44, v43;
	v44 =	vadd.f32 v57, v56  }
0x3a2: {  	v36 =	vmul.f32 v36, v24;
	v37 =	vmul.f32 v37, v25;
	v61 =	vadd.f32 v58, v40  }
0x3a3: {  	v62 =	vadd.f32 v60, v59;
	vm14 =	vlt.f32 v43, v30;
	v44 =	vadd.f32 v44, v45  }
0x3a4: {  	v31 =	vadd.f32 v31, v40;
	v63 =	vsel vm14, $0x1, v2  }
0x3a5: {  	v36 =	vadd.f32 v37, v36;
	v46 =	vadd.f32 v62, v61;
	(xrf0) =	vadd.scan.msk.s32 $0xffff, v63;
	vm15 =	vlt.f32 v44, v27  }
0x3a6: {  	v47 =	vsel vm15, $0x1, v2  }
0x3a7: {  	v31 =	vadd.f32 v36, v31;
	vm6 =	vlt.f32 v46, v28;
	(xrf0) =	vadd.scan.msk.s32 $0xffff, v47  }
0x3a8: {  	v48 =	vsel vm6, $0x1, v2  }
0x3a9: {  	v32 =	vadd.s32 v32, v38;
	vm7 =	vlt.f32 v31, v29;
	(xrf0) =	vadd.scan.msk.s32 $0xffff, v48  }
0x3aa: {  	v49 =	vbroadcast v32, $0xF;
	v50 =	vsel vm7, $0x1, v2  }
0x3ab: {  	v33 =	vadd.s32 v33, v39;
	v38, _, _ =	vpop (xrf0);
	(xrf0) =	vadd.scan.msk.s32 $0xffff, v50  }
0x3ac: {  	v51 =	vbroadcast v33, $0xF;
	v36 =	vadd.s32 v49, v38  }
0x3ad: {  	v34 =	vadd.s32 v34, v41;
	v39, _, _ =	vpop (xrf0)  }
0x3ae: {  	v52 =	vbroadcast v34, $0xF;
	v37 =	vadd.s32 v51, v39  }
0x3af: {  	v35 =	vadd.s32 v35, v42;
	v41, _, _ =	vpop (xrf0)  }
0x3b0: {  	v42 =	vbroadcast v35, $0xF;
	v40 =	vadd.s32 v52, v41  }
0x3b1: {  	v53 =	vor.u32 s18, v0;
	[tilespmem:v36+s9+$0x0] =	vst.idx.msk vm14, v43;
	v43, _, _ =	vpop (xrf0)  }
0x3b2: {  	[tilespmem:v36+s10+$0x0] =	vst.idx.msk vm14, v53;
	v54 =	vadd.s32 v42, v43  }
0x3b3: {  	[tilespmem:v37+s11+$0x0] =	vst.idx.msk vm15, v44  }
0x3b4: {  	[tilespmem:v37+s12+$0x0] =	vst.idx.msk vm15, v53  }
0x3b5: {  	[tilespmem:v40+s13+$0x0] =	vst.idx.msk vm6, v46  }
0x3b6: {  	[tilespmem:v40+s14+$0x0] =	vst.idx.msk vm6, v53  }
0x3b7: {  	[tilespmem:v54+s15+$0x0] =	vst.idx.msk vm7, v31  }
0x3b8: {  	[tilespmem:v54+s16+$0x0] =	vst.idx.msk vm7, v53  }
0x3b9: {  	v31 =	vld [tilespmem:s30+$0x190]  }
0x3ba: {  	v36 =	vld [tilespmem:s30+$0x2910]  }
0x3bb: {  	v37 =	vld [tilespmem:s30+$0x5090];
	_ =	sdelay $0x1  }
0x3bc: {  	v40 =	vld [tilespmem:s30+$0x7810];
	_ =	sdelay $0x1  }
0x3bd: {  	v55 =	vmul.f32 v31, v7;
	v56 =	vmul.f32 v36, v9  }
0x3be: {  	v57 =	vmul.f32 v37, v10;
	v58 =	vmul.f32 v31, v12  }
0x3bf: {  	v59 =	vmul.f32 v36, v14;
	v60 =	vmul.f32 v37, v15  }
0x3c0: {  	v61 =	vmul.f32 v36, v19;
	v42 =	vadd.f32 v55, v40;
	v44 =	vadd.f32 v57, v56  }
0x3c1: {  	v62 =	vmul.f32 v37, v20;
	v50 =	vmul.f32 v31, v17;
	v63 =	vadd.f32 v60, v59  }
0x3c2: {  	v31 =	vmul.f32 v31, v22;
	v46 =	vadd.f32 v58, v40;
	v42 =	vadd.f32 v44, v42  }
0x3c3: {  	v36 =	vmul.f32 v36, v24;
	v37 =	vmul.f32 v37, v25;
	v51 =	vadd.f32 v62, v61  }
0x3c4: {  	v45 =	vadd.f32 v50, v40;
	v44 =	vadd.f32 v63, v46;
	vm8 =	vlt.f32 v42, v30  }
0x3c5: {  	v31 =	vadd.f32 v31, v40;
	v52 =	vsel vm8, $0x1, v2  }
0x3c6: {  	v36 =	vadd.f32 v37, v36;
	v45 =	vadd.f32 v51, v45;
	vm9 =	vlt.f32 v44, v27;
	(xrf0) =	vadd.scan.msk.s32 $0xffff, v52  }
0x3c7: {  	v53 =	vsel vm9, $0x1, v2  }
0x3c8: {  	v31 =	vadd.f32 v36, v31;
	vm10 =	vlt.f32 v45, v28;
	(xrf0) =	vadd.scan.msk.s32 $0xffff, v53  }
0x3c9: {  	v54 =	vsel vm10, $0x1, v2  }
0x3ca: {  	v32 =	vadd.s32 v32, v38;
	vm11 =	vlt.f32 v31, v29;
	(xrf0) =	vadd.scan.msk.s32 $0xffff, v54  }
0x3cb: {  	v55 =	vbroadcast v32, $0xF;
	v56 =	vsel vm11, $0x1, v2  }
0x3cc: {  	v33 =	vadd.s32 v33, v39;
	v57, _, _ =	vpop (xrf0);
	(xrf0) =	vadd.scan.msk.s32 $0xffff, v56  }
0x3cd: {  	v58 =	vbroadcast v33, $0xF;
	v36 =	vadd.s32 v55, v57  }
0x3ce: {  	v34 =	vadd.s32 v34, v41;
	v39, _, _ =	vpop (xrf0)  }
0x3cf: {  	v59 =	vbroadcast v34, $0xF;
	v37 =	vadd.s32 v58, v39  }
0x3d0: {  	v35 =	vadd.s32 v35, v43;
	v41, _, _ =	vpop (xrf0)  }
0x3d1: {  	s22 =	sadd.s32 $0x190, s30;
	v43 =	vbroadcast v35, $0xF;
	v40 =	vadd.s32 v59, v41  }
0x3d2: {  	v60 =	vor.u32 s22, v0;
	[tilespmem:v36+s9+$0x0] =	vst.idx.msk vm8, v42;
	v42, _, _ =	vpop (xrf0)  }
0x3d3: {  	[tilespmem:v36+s10+$0x0] =	vst.idx.msk vm8, v60;
	v61 =	vadd.s32 v43, v42  }
0x3d4: {  	[tilespmem:v37+s11+$0x0] =	vst.idx.msk vm9, v44  }
0x3d5: {  	[tilespmem:v37+s12+$0x0] =	vst.idx.msk vm9, v60  }
0x3d6: {  	[tilespmem:v40+s13+$0x0] =	vst.idx.msk vm10, v45  }
0x3d7: {  	[tilespmem:v40+s14+$0x0] =	vst.idx.msk vm10, v60  }
0x3d8: {  	[tilespmem:v61+s15+$0x0] =	vst.idx.msk vm11, v31  }
0x3d9: {  	[tilespmem:v61+s16+$0x0] =	vst.idx.msk vm11, v60  }
0x3da: {  	v31 =	vld [tilespmem:s30+$0x1A0]  }
0x3db: {  	v36 =	vld [tilespmem:s30+$0x2920]  }
0x3dc: {  	v37 =	vld [tilespmem:s30+$0x50A0];
	_ =	sdelay $0x1  }
0x3dd: {  	v40 =	vld [tilespmem:s30+$0x7820];
	_ =	sdelay $0x1  }
0x3de: {  	v62 =	vmul.f32 v31, v7  }
0x3df: {  	v63 =	vmul.f32 v36, v9;
	v48 =	vmul.f32 v37, v10;
	_ =	sdelay $0x1  }
0x3e0: {  	v43 =	vadd.f32 v62, v40;
	v44 =	vadd.f32 v48, v63;
	_ =	sdelay $0x1  }
0x3e1: {  	v43 =	vadd.f32 v44, v43;
	_ =	sdelay $0x1  }
0x3e2: {  	vm12 =	vlt.f32 v43, v30  }
0x3e3: {  	v30 =	vsel vm12, $0x1, v2  }
0x3e4: {  	(xrf0) =	vadd.scan.msk.s32 $0xffff, v30;
	v30 =	vmul.f32 v31, v12;
	_ =	sdelay $0x1  }
0x3e5: {  	v49 =	vmul.f32 v36, v14;
	v50 =	vmul.f32 v37, v15;
	v30 =	vadd.f32 v30, v40;
	_ =	sdelay $0x1  }
0x3e6: {  	v44 =	vadd.f32 v50, v49;
	_ =	sdelay $0x1  }
0x3e7: {  	v32 =	vadd.s32 v32, v57;
	v54 =	vadd.f32 v44, v30;
	v30, _, _ =	vpop (xrf0)  }
0x3e8: {  	v56 =	vadd.s32 v32, v30  }
0x3e9: {  	v51 =	vmul.f32 v36, v19;
	(v2sf) =	vpush v56, $0xF  }
0x3ea: {  	v52 =	vmul.f32 v37, v20;
	v53 =	vmul.f32 v31, v17;
	_ =	sdelay $0x1  }
0x3eb: {  	v36 =	vmul.f32 v36, v24;
	v55 =	vadd.f32 v52, v51;
	v57 =	vadd.f32 v53, v40  }
0x3ec: {  	v37 =	vmul.f32 v37, v25;
	v31 =	vmul.f32 v31, v22  }
0x3ed: {  	v44 =	vadd.f32 v55, v57  }
0x3ee: {  	vm13 =	vlt.f32 v54, v27;
	v27 =	vadd.f32 v31, v40;
	v31 =	vadd.f32 v37, v36  }
0x3ef: {  	v58 =	vsel vm13, $0x1, v2  }
0x3f0: {  	vm14 =	vlt.f32 v44, v28;
	(xrf0) =	vadd.scan.msk.s32 $0xffff, v58;
	v59 =	vadd.f32 v31, v27  }
0x3f1: {  	v27 =	vsel vm14, $0x1, v2  }
0x3f2: {  	(xrf0) =	vadd.scan.msk.s32 $0xffff, v27;
	vm15 =	vlt.f32 v59, v29  }
0x3f3: {  	v27 =	vbroadcast v32, $0xF;
	v28 =	vsel vm15, $0x1, v2  }
0x3f4: {  	v31 =	vadd.s32 v33, v39;
	(xrf0) =	vadd.scan.msk.s32 $0xffff, v28  }
0x3f5: {  	v60 =	vadd.s32 v27, v30;
	v28 =	vbroadcast v31, $0xF  }
0x3f6: {  	v29 =	vadd.s32 v34, v41;
	v32, _, _ =	vpop (xrf0)  }
0x3f7: {  	v34 =	vbroadcast v29, $0xF;
	v61 =	vadd.s32 v28, v32;
	s0 =	spop (v2sf)  }
0x3f8: {  	v27 =	vadd.s32 v35, v42;
	v30, _, _ =	vpop (xrf0);
	p0 =	sgt.u32 s0, $0x7FFFFFFE  }
0x3f9: {  	s31 =	sadd.s32 $0x1A0, s30;
	v35 =	vbroadcast v27, $0xF;
	v34 =	vadd.s32 v34, v30;
	s2 =	sadd.s32 @!p0 $0x10, s0  }
0x3fa: {  	v62 =	vor.u32 s31, v0;
	[tilespmem:v60+s9+$0x0] =	vst.idx.msk vm12, v43;
	v28, _, _ =	vpop (xrf0);
	s4 =	sshra.s32 @!p0 s2, $0x4  }
0x3fb: {  	[tilespmem:v60+s10+$0x0] =	vst.idx.msk vm12, v62;
	v63 =	vadd.s32 v35, v28;
	p1 =	slt.s32 @!p0 s4, $0x1  }
0x3fc: {  	[tilespmem:v61+s11+$0x0] =	vst.idx.msk vm13, v54;
	p1 =	por p0, p1  }
.Ltmp7:
0x3fd: {  	[tilespmem:v61+s12+$0x0] =	vst.idx.msk vm13, v62;
	(pc) =	sbr.rel @p1 .LBB2_41-.Ltmp7, $4  }
0x3fe: {  	[tilespmem:v34+s13+$0x0] =	vst.idx.msk vm14, v44  }
0x3ff: {  	[tilespmem:v34+s14+$0x0] =	vst.idx.msk vm14, v62  }
0x400: {  	[tilespmem:v63+s15+$0x0] =	vst.idx.msk vm15, v59  }
0x401: {  	[tilespmem:v63+s16+$0x0] =	vst.idx.msk vm15, v62  }
0x402: {  	p2 =	sne.s32 s4, $0x1  }
.Ltmp8:
0x403: {  	_ = 	snop;
	(pc) =	sbr.rel @!p2 .LBB2_7-.Ltmp8, $3  }
0x404: {  	_ =	sdelay $0x1  }
0x405: {  	s2 =	sadd.s32 $0x1, s0;
	s0 =	simm.s32 @!p0 $0x11380;
	s7 =	simm.s32 @!p0 $0x11580  }
0x406: {  	s4 =	sadd.s32 $0xFFFFFFFF, s4;
	p0 =	por $0x0, $0x0;
	p1 =	por $0x0, $0x0;
	v33 =	vld [tilespmem:s7+$0x0]  }
0x407: {  	_ = 	snop  }
0x408: {  	v35 =	vld [tilespmem:s0+$0x0]  }
0x409: {  	p2 =	sne.s32 s4, $0x1  }
.Ltmp9:
0x40a: {  	v36 =	vmov s2;
	v34 =	vadd.s32 $0x1, v0;
	(pc) =	sbr.rel @!p2 .LBB2_9-.Ltmp9, $4  }
0x40b: {  	vm0 =	vlt.s32 v36, v34;
	vm1 =	veq.s32 v33, v3  }
0x40c: {  	vm0 =	vmor vm0, vm1  }
0x40d: {  	s6 =	simm.s32 $0x11590;
	v35 =	vsel vm0, $0x7F800000, v35  }
0x40e: {  	s7 =	sadd.s32 $0xFFFFFFFF, s4;
	p0 =	por $0x1, $0x1;
	(xrf1) =	vsort.ascd.msk.f32 $0xffff, v35, v33;
	v33 =	vld [tilespmem:s6+$0x0]  }
0x40f: {  	_ =	sdelay $0x8  }
0x410: {  	s31 =	simm.s32 $0x11390  }
0x411: {  	v36 =	vld [tilespmem:s31+$0x0]  }
0x412: {  	v35 =	vmul.u32 $0xFFFFFFFF, v0;
	s30 =	sadd.s32 $0xFFFFFFF0, s2  }
0x413: {  	v37 =	vmov s30  }
0x414: {  	v35 =	vadd.s32 $0xF, v35;
	vm0 =	vlt.s32 v37, v34;
	vm1 =	veq.s32 v33, v3;
	v38, v39, _ =	vpop (xrf1)  }
0x415: {  	vm0 =	vmor vm0, vm1;
	v60 =	vperm.xlane v38, v35  }
0x416: {  	v36 =	vsel vm0, $0x7F800000, v36;
	v61 =	vperm.xlane v39, v35  }
0x417: {  	(xrf1) =	vsort.ascd.msk.f32 $0xffff, v36, v33;
	vm15 =	vlt.f32 v60, v13  }
0x418: {  	v62 =	vsel vm15, v60, v13;
	v63 =	vsel vm15, v61, v8  }
0x419: {  	(xrf1) =	vsort.ascd.msk.f32 $0xffff, v62, v63;
	_ =	sdelay $0x1  }
0x41a: {  	p2 =	sne.s32 s7, $0x1  }
.Ltmp10:
0x41b: {  	_ = 	snop;
	(pc) =	sbr.rel @!p2 .LBB2_12-.Ltmp10, $3  }
0x41c: {  	_ =	sdelay $0x1  }
0x41d: {  	s4 =	simm.s32 $0x115A0  }
0x41e: {  	s7 =	sadd.s32 $0xFFFFFFFF, s7;
	p1 =	por $0x1, $0x1;
	v33 =	vld [tilespmem:s4+$0x0]  }
.LBB2_11:
0x41f: {  	p2 =	sne.s32 s7, $0x1;
	s31 =	sadd.s32 $0x10, s31  }
0x420: {  	v36 =	vld [tilespmem:s31+$0x0]  }
0x421: {  	s30 =	sadd.s32 $0xFFFFFFF0, s30  }
0x422: {  	v39 =	vmov s30  }
0x423: {  	vm0 =	vlt.s32 v39, v34;
	vm1 =	veq.s32 v33, v3;
	v37, v38, _ =	vpop (xrf1)  }
0x424: {  	vm0 =	vmor vm0, vm1;
	v37 =	vperm.xlane v37, v35  }
0x425: {  	v38 =	vperm.xlane v38, v35;
	v36 =	vsel vm0, $0x7F800000, v36;
	v39, v40, _ =	vpop (xrf1)  }
0x426: {  	(xrf1) =	vsort.ascd.msk.f32 $0xffff, v36, v33;
	vm0 =	vlt.f32 v37, v39  }
0x427: {  	v33 =	vsel vm0, v37, v39;
	v36 =	vsel vm0, v38, v40  }
0x428: {  	(xrf1) =	vsort.ascd.msk.f32 $0xffff, v33, v36;
	_ =	sdelay $0x2  }
.Ltmp11:
0x429: {  	(pc) =	sbr.rel @p2 .LBB2_11-.Ltmp11, $3  }
0x42a: {  	_ =	sdelay $0x1  }
0x42b: {  	s4 =	sadd.s32 $0x10, s4  }
0x42c: {  	s7 =	sadd.s32 $0xFFFFFFFF, s7;
	v33 =	vld [tilespmem:s4+$0x0]  }
.LBB2_12:
0x42d: {  	_ = 	snop  }
0x42e: {  	s4 =	sadd.s32 @p0 $0x10, s31  }
0x42f: {  	s0 =	smov.u32 @p0 s4  }
0x430: {  	v35 =	vmul.u32 @p0 $0xFFFFFFFF, v0;
	v37 =	vadd.s32 $0x1, v0;
	v34 =	vld [tilespmem:s0+$0x0];
	s0 =	sadd.s32 @p0 $0xFFFFFFF0, s30  }
0x431: {  	s2 =	smov.u32 @p0 s0;
	v38, v39, _ =	vpop @p0 (xrf1)  }
0x432: {  	v35 =	vadd.s32 @p0 $0xF, v35;
	v36 =	vmov s2  }
0x433: {  	vm1 =	veq.s32 v33, v3;
	vm0 =	vlt.s32 v36, v37;
	v36 =	vperm.xlane @p0 v38, v35;
	v37, v38, _ =	vpop @p1 (xrf1)  }
0x434: {  	v35 =	vperm.xlane @p0 v39, v35;
	vm0 =	vmor vm0, vm1;
	v37 =	vpsel p1, v37, v13  }
0x435: {  	v34 =	vsel vm0, $0x7F800000, v34;
	v38 =	vpsel p1, v38, v8;
	vm0 =	vlt.f32 @p0 v36, v37  }
0x436: {  	(xrf1) =	vsort.ascd.msk.f32 $0xffff, v34, v33;
	v33 =	vsel @p0 vm0, v36, v37;
	v34 =	vsel @p0 vm0, v35, v38  }
0x437: {  	(xrf1) =	vsort.ascd.msk.f32 @p0 $0xffff, v33, v34;
	_ =	sdelay $0xa  }
0x438: {  	v62 =	vmul.u32 $0xFFFFFFFF, v0;
	_ =	sdelay $0x1  }
0x439: {  	v33 =	vadd.s32 $0xF, v62;
	v63, v35, _ =	vpop (xrf1)  }
0x43a: {  	v34 =	vperm.xlane v63, v33;
	v36, v37, _ =	vpop @p0 (xrf1)  }
0x43b: {  	v33 =	vperm.xlane v35, v33;
	v13 =	vpsel p0, v36, v13  }
0x43c: {  	v8 =	vpsel p0, v37, v8;
	vm15 =	vlt.f32 v34, v13  }
0x43d: {  	v13 =	vsel vm15, v34, v13;
	v8 =	vsel vm15, v33, v8  }
0x43e: {  	(xrf1) =	vsort.ascd.msk.f32 $0xffff, v13, v8;
	_ =	sdelay $0x9  }
.Ltmp12:
0x43f: {  	_ = 	snop;
	(pc) =	sbr.rel .LBB2_13-.Ltmp12, $2  }
0x440: {  	_ =	sdelay $0x2  }
0x441: {  	v13, v8, _ =	vpop (xrf1)  }
.LBB2_41:
0x442: {  	v13 =	vpsel p0, v13, v13;
	v8 =	vpsel p0, v8, v8  }
.LBB2_13:
0x443: {  	v31 =	vadd.s32 v31, v32  }
0x444: {  	(v2sf) =	vpush v31, $0xF;
	_ =	sdelay $0xe  }
0x445: {  	s2 =	spop (v2sf)  }
0x446: {  	p0 =	sgt.u32 s2, $0x7FFFFFFE  }
0x447: {  	s0 =	sadd.s32 @!p0 $0x10, s2  }
0x448: {  	s0 =	sshra.s32 @!p0 s0, $0x4  }
0x449: {  	p1 =	slt.s32 @!p0 s0, $0x1  }
0x44a: {  	p1 =	por p0, p1  }
.Ltmp13:
0x44b: {  	_ = 	snop;
	(pc) =	sbr.rel @p1 .LBB2_42-.Ltmp13, $1  }
0x44c: {  	_ =	sdelay $0x3  }
0x44d: {  	p2 =	sne.s32 s0, $0x1  }
.Ltmp14:
0x44e: {  	_ = 	snop;
	(pc) =	sbr.rel @!p2 .LBB2_15-.Ltmp14, $3  }
0x44f: {  	_ =	sdelay $0x1  }
0x450: {  	s30 =	sadd.s32 $0x1, s2;
	s31 =	simm.s32 @!p0 $0x11780;
	s2 =	simm.s32 @!p0 $0x11980  }
0x451: {  	s0 =	sadd.s32 $0xFFFFFFFF, s0;
	p0 =	por $0x0, $0x0;
	p1 =	por $0x0, $0x0;
	v31 =	vld [tilespmem:s2+$0x0]  }
0x452: {  	_ = 	snop  }
0x453: {  	v33 =	vld [tilespmem:s31+$0x0]  }
0x454: {  	p2 =	sne.s32 s0, $0x1  }
.Ltmp15:
0x455: {  	v34 =	vmov s30;
	v32 =	vadd.s32 $0x1, v0;
	(pc) =	sbr.rel @!p2 .LBB2_17-.Ltmp15, $4  }
0x456: {  	vm0 =	vlt.s32 v34, v32;
	vm1 =	veq.s32 v31, v4  }
0x457: {  	vm0 =	vmor vm0, vm1  }
0x458: {  	s2 =	simm.s32 $0x11990;
	v33 =	vsel vm0, $0x7F800000, v33  }
0x459: {  	s7 =	sadd.s32 $0xFFFFFFFF, s0;
	p0 =	por $0x1, $0x1;
	(xrf1) =	vsort.ascd.msk.f32 $0xffff, v33, v31;
	v31 =	vld [tilespmem:s2+$0x0]  }
0x45a: {  	_ =	sdelay $0x8  }
0x45b: {  	s0 =	simm.s32 $0x11790  }
0x45c: {  	v34 =	vld [tilespmem:s0+$0x0]  }
0x45d: {  	v33 =	vmul.u32 $0xFFFFFFFF, v0;
	s2 =	sadd.s32 $0xFFFFFFF0, s30  }
0x45e: {  	v35 =	vmov s2  }
0x45f: {  	v33 =	vadd.s32 $0xF, v33;
	vm0 =	vlt.s32 v35, v32;
	vm1 =	veq.s32 v31, v4;
	v36, v37, _ =	vpop (xrf1)  }
0x460: {  	vm0 =	vmor vm0, vm1;
	v61 =	vperm.xlane v36, v33  }
0x461: {  	v34 =	vsel vm0, $0x7F800000, v34;
	v62 =	vperm.xlane v37, v33  }
0x462: {  	(xrf1) =	vsort.ascd.msk.f32 $0xffff, v34, v31;
	vm15 =	vlt.f32 v61, v18  }
0x463: {  	v31 =	vsel vm15, v61, v18;
	v63 =	vsel vm15, v62, v11  }
0x464: {  	(xrf1) =	vsort.ascd.msk.f32 $0xffff, v31, v63;
	_ =	sdelay $0x1  }
0x465: {  	p2 =	sne.s32 s7, $0x1  }
.Ltmp16:
0x466: {  	_ = 	snop;
	(pc) =	sbr.rel @!p2 .LBB2_20-.Ltmp16, $3  }
0x467: {  	_ =	sdelay $0x1  }
0x468: {  	s4 =	simm.s32 $0x119A0  }
0x469: {  	s7 =	sadd.s32 $0xFFFFFFFF, s7;
	p1 =	por $0x1, $0x1;
	v31 =	vld [tilespmem:s4+$0x0]  }
.LBB2_19:
0x46a: {  	p2 =	sne.s32 s7, $0x1;
	s0 =	sadd.s32 $0x10, s0  }
0x46b: {  	v34 =	vld [tilespmem:s0+$0x0]  }
0x46c: {  	s2 =	sadd.s32 $0xFFFFFFF0, s2  }
0x46d: {  	v37 =	vmov s2  }
0x46e: {  	vm0 =	vlt.s32 v37, v32;
	vm1 =	veq.s32 v31, v4;
	v35, v36, _ =	vpop (xrf1)  }
0x46f: {  	vm0 =	vmor vm0, vm1;
	v35 =	vperm.xlane v35, v33  }
0x470: {  	v36 =	vperm.xlane v36, v33;
	v34 =	vsel vm0, $0x7F800000, v34;
	v37, v38, _ =	vpop (xrf1)  }
0x471: {  	(xrf1) =	vsort.ascd.msk.f32 $0xffff, v34, v31;
	vm0 =	vlt.f32 v35, v37  }
0x472: {  	v31 =	vsel vm0, v35, v37;
	v34 =	vsel vm0, v36, v38  }
0x473: {  	(xrf1) =	vsort.ascd.msk.f32 $0xffff, v31, v34;
	_ =	sdelay $0x2  }
.Ltmp17:
0x474: {  	(pc) =	sbr.rel @p2 .LBB2_19-.Ltmp17, $3  }
0x475: {  	_ =	sdelay $0x1  }
0x476: {  	s4 =	sadd.s32 $0x10, s4  }
0x477: {  	s7 =	sadd.s32 $0xFFFFFFFF, s7;
	v31 =	vld [tilespmem:s4+$0x0]  }
.LBB2_20:
0x478: {  	_ = 	snop  }
0x479: {  	s0 =	sadd.s32 @p0 $0x10, s0  }
0x47a: {  	s31 =	smov.u32 @p0 s0  }
0x47b: {  	v33 =	vmul.u32 @p0 $0xFFFFFFFF, v0;
	v35 =	vadd.s32 $0x1, v0;
	s0 =	sadd.s32 @p0 $0xFFFFFFF0, s2;
	v32 =	vld [tilespmem:s31+$0x0]  }
0x47c: {  	s30 =	smov.u32 @p0 s0;
	v36, v37, _ =	vpop @p0 (xrf1)  }
0x47d: {  	v33 =	vadd.s32 @p0 $0xF, v33;
	v34 =	vmov s30  }
0x47e: {  	vm0 =	vlt.s32 v34, v35;
	vm1 =	veq.s32 v31, v4;
	v34 =	vperm.xlane @p0 v36, v33;
	v35, v36, _ =	vpop @p1 (xrf1)  }
0x47f: {  	v33 =	vperm.xlane @p0 v37, v33;
	vm0 =	vmor vm0, vm1;
	v35 =	vpsel p1, v35, v18  }
0x480: {  	v32 =	vsel vm0, $0x7F800000, v32;
	v36 =	vpsel p1, v36, v11;
	vm0 =	vlt.f32 @p0 v34, v35  }
0x481: {  	(xrf1) =	vsort.ascd.msk.f32 $0xffff, v32, v31;
	v31 =	vsel @p0 vm0, v34, v35;
	v32 =	vsel @p0 vm0, v33, v36  }
0x482: {  	(xrf1) =	vsort.ascd.msk.f32 @p0 $0xffff, v31, v32;
	_ =	sdelay $0xa  }
0x483: {  	v31 =	vmul.u32 $0xFFFFFFFF, v0;
	_ =	sdelay $0x1  }
0x484: {  	v31 =	vadd.s32 $0xF, v31;
	v63, v33, _ =	vpop (xrf1)  }
0x485: {  	v32 =	vperm.xlane v63, v31;
	v34, v35, _ =	vpop @p0 (xrf1)  }
0x486: {  	v31 =	vperm.xlane v33, v31;
	v18 =	vpsel p0, v34, v18  }
0x487: {  	v11 =	vpsel p0, v35, v11;
	vm15 =	vlt.f32 v32, v18  }
0x488: {  	v18 =	vsel vm15, v32, v18;
	v11 =	vsel vm15, v31, v11  }
0x489: {  	(xrf1) =	vsort.ascd.msk.f32 $0xffff, v18, v11;
	_ =	sdelay $0x9  }
.Ltmp18:
0x48a: {  	_ = 	snop;
	(pc) =	sbr.rel .LBB2_21-.Ltmp18, $2  }
0x48b: {  	_ =	sdelay $0x2  }
0x48c: {  	v18, v11, _ =	vpop (xrf1)  }
.LBB2_42:
0x48d: {  	v18 =	vpsel p0, v18, v18;
	v11 =	vpsel p0, v11, v11  }
.LBB2_21:
0x48e: {  	v29 =	vadd.s32 v29, v30  }
0x48f: {  	(v2sf) =	vpush v29, $0xF;
	_ =	sdelay $0xe  }
0x490: {  	s2 =	spop (v2sf)  }
0x491: {  	p0 =	sgt.u32 s2, $0x7FFFFFFE  }
0x492: {  	s0 =	sadd.s32 @!p0 $0x10, s2  }
0x493: {  	s0 =	sshra.s32 @!p0 s0, $0x4  }
0x494: {  	p1 =	slt.s32 @!p0 s0, $0x1  }
0x495: {  	p1 =	por p0, p1  }
.Ltmp19:
0x496: {  	_ = 	snop;
	(pc) =	sbr.rel @p1 .LBB2_43-.Ltmp19, $1  }
0x497: {  	_ =	sdelay $0x3  }
0x498: {  	p2 =	sne.s32 s0, $0x1  }
.Ltmp20:
0x499: {  	_ = 	snop;
	(pc) =	sbr.rel @!p2 .LBB2_23-.Ltmp20, $3  }
0x49a: {  	_ =	sdelay $0x1  }
0x49b: {  	s30 =	sadd.s32 $0x1, s2;
	s31 =	simm.s32 @!p0 $0x11B80;
	s2 =	simm.s32 @!p0 $0x11D80  }
0x49c: {  	s0 =	sadd.s32 $0xFFFFFFFF, s0;
	p0 =	por $0x0, $0x0;
	p1 =	por $0x0, $0x0;
	v29 =	vld [tilespmem:s2+$0x0]  }
0x49d: {  	_ = 	snop  }
0x49e: {  	v31 =	vld [tilespmem:s31+$0x0]  }
0x49f: {  	p2 =	sne.s32 s0, $0x1  }
.Ltmp21:
0x4a0: {  	v32 =	vmov s30;
	v30 =	vadd.s32 $0x1, v0;
	(pc) =	sbr.rel @!p2 .LBB2_25-.Ltmp21, $4  }
0x4a1: {  	vm0 =	vlt.s32 v32, v30;
	vm1 =	veq.s32 v29, v5  }
0x4a2: {  	vm0 =	vmor vm0, vm1  }
0x4a3: {  	s2 =	simm.s32 $0x11D90;
	v31 =	vsel vm0, $0x7F800000, v31  }
0x4a4: {  	s7 =	sadd.s32 $0xFFFFFFFF, s0;
	p0 =	por $0x1, $0x1;
	(xrf1) =	vsort.ascd.msk.f32 $0xffff, v31, v29;
	v29 =	vld [tilespmem:s2+$0x0]  }
0x4a5: {  	_ =	sdelay $0x8  }
0x4a6: {  	s0 =	simm.s32 $0x11B90  }
0x4a7: {  	v32 =	vld [tilespmem:s0+$0x0]  }
0x4a8: {  	v31 =	vmul.u32 $0xFFFFFFFF, v0;
	s2 =	sadd.s32 $0xFFFFFFF0, s30  }
0x4a9: {  	v33 =	vmov s2  }
0x4aa: {  	v31 =	vadd.s32 $0xF, v31;
	vm0 =	vlt.s32 v33, v30;
	vm1 =	veq.s32 v29, v5;
	v34, v35, _ =	vpop (xrf1)  }
0x4ab: {  	vm0 =	vmor vm0, vm1;
	v61 =	vperm.xlane v34, v31  }
0x4ac: {  	v32 =	vsel vm0, $0x7F800000, v32;
	v62 =	vperm.xlane v35, v31  }
0x4ad: {  	(xrf1) =	vsort.ascd.msk.f32 $0xffff, v32, v29;
	vm15 =	vlt.f32 v61, v23  }
0x4ae: {  	v29 =	vsel vm15, v61, v23;
	v63 =	vsel vm15, v62, v16  }
0x4af: {  	(xrf1) =	vsort.ascd.msk.f32 $0xffff, v29, v63;
	_ =	sdelay $0x1  }
0x4b0: {  	p2 =	sne.s32 s7, $0x1  }
.Ltmp22:
0x4b1: {  	_ = 	snop;
	(pc) =	sbr.rel @!p2 .LBB2_28-.Ltmp22, $3  }
0x4b2: {  	_ =	sdelay $0x1  }
0x4b3: {  	s4 =	simm.s32 $0x11DA0  }
0x4b4: {  	s7 =	sadd.s32 $0xFFFFFFFF, s7;
	p1 =	por $0x1, $0x1;
	v29 =	vld [tilespmem:s4+$0x0]  }
.LBB2_27:
0x4b5: {  	p2 =	sne.s32 s7, $0x1;
	s0 =	sadd.s32 $0x10, s0  }
0x4b6: {  	v32 =	vld [tilespmem:s0+$0x0]  }
0x4b7: {  	s2 =	sadd.s32 $0xFFFFFFF0, s2  }
0x4b8: {  	v35 =	vmov s2  }
0x4b9: {  	vm0 =	vlt.s32 v35, v30;
	vm1 =	veq.s32 v29, v5;
	v33, v34, _ =	vpop (xrf1)  }
0x4ba: {  	vm0 =	vmor vm0, vm1;
	v33 =	vperm.xlane v33, v31  }
0x4bb: {  	v34 =	vperm.xlane v34, v31;
	v32 =	vsel vm0, $0x7F800000, v32;
	v35, v36, _ =	vpop (xrf1)  }
0x4bc: {  	(xrf1) =	vsort.ascd.msk.f32 $0xffff, v32, v29;
	vm0 =	vlt.f32 v33, v35  }
0x4bd: {  	v29 =	vsel vm0, v33, v35;
	v32 =	vsel vm0, v34, v36  }
0x4be: {  	(xrf1) =	vsort.ascd.msk.f32 $0xffff, v29, v32;
	_ =	sdelay $0x2  }
.Ltmp23:
0x4bf: {  	(pc) =	sbr.rel @p2 .LBB2_27-.Ltmp23, $3  }
0x4c0: {  	_ =	sdelay $0x1  }
0x4c1: {  	s4 =	sadd.s32 $0x10, s4  }
0x4c2: {  	s7 =	sadd.s32 $0xFFFFFFFF, s7;
	v29 =	vld [tilespmem:s4+$0x0]  }
.LBB2_28:
0x4c3: {  	_ = 	snop  }
0x4c4: {  	s0 =	sadd.s32 @p0 $0x10, s0  }
0x4c5: {  	s31 =	smov.u32 @p0 s0  }
0x4c6: {  	v31 =	vmul.u32 @p0 $0xFFFFFFFF, v0;
	v33 =	vadd.s32 $0x1, v0;
	s0 =	sadd.s32 @p0 $0xFFFFFFF0, s2;
	v30 =	vld [tilespmem:s31+$0x0]  }
0x4c7: {  	s30 =	smov.u32 @p0 s0;
	v34, v35, _ =	vpop @p0 (xrf1)  }
0x4c8: {  	v31 =	vadd.s32 @p0 $0xF, v31;
	v32 =	vmov s30  }
0x4c9: {  	vm0 =	vlt.s32 v32, v33;
	vm1 =	veq.s32 v29, v5;
	v32 =	vperm.xlane @p0 v34, v31;
	v33, v34, _ =	vpop @p1 (xrf1)  }
0x4ca: {  	v31 =	vperm.xlane @p0 v35, v31;
	vm0 =	vmor vm0, vm1;
	v33 =	vpsel p1, v33, v23  }
0x4cb: {  	v30 =	vsel vm0, $0x7F800000, v30;
	v34 =	vpsel p1, v34, v16;
	vm0 =	vlt.f32 @p0 v32, v33  }
0x4cc: {  	(xrf1) =	vsort.ascd.msk.f32 $0xffff, v30, v29;
	v29 =	vsel @p0 vm0, v32, v33;
	v30 =	vsel @p0 vm0, v31, v34  }
0x4cd: {  	(xrf1) =	vsort.ascd.msk.f32 @p0 $0xffff, v29, v30;
	_ =	sdelay $0xa  }
0x4ce: {  	v29 =	vmul.u32 $0xFFFFFFFF, v0;
	_ =	sdelay $0x1  }
0x4cf: {  	v29 =	vadd.s32 $0xF, v29;
	v30, v31, _ =	vpop (xrf1)  }
0x4d0: {  	v30 =	vperm.xlane v30, v29;
	v32, v33, _ =	vpop @p0 (xrf1)  }
0x4d1: {  	v29 =	vperm.xlane v31, v29;
	v23 =	vpsel p0, v32, v23  }
0x4d2: {  	v16 =	vpsel p0, v33, v16;
	vm15 =	vlt.f32 v30, v23  }
0x4d3: {  	v23 =	vsel vm15, v30, v23;
	v16 =	vsel vm15, v29, v16  }
0x4d4: {  	(xrf1) =	vsort.ascd.msk.f32 $0xffff, v23, v16;
	_ =	sdelay $0x9  }
.Ltmp24:
0x4d5: {  	_ = 	snop;
	(pc) =	sbr.rel .LBB2_29-.Ltmp24, $2  }
0x4d6: {  	_ =	sdelay $0x2  }
0x4d7: {  	v23, v16, _ =	vpop (xrf1)  }
.LBB2_43:
0x4d8: {  	v23 =	vpsel p0, v23, v23;
	v16 =	vpsel p0, v16, v16  }
.LBB2_29:
0x4d9: {  	v27 =	vadd.s32 v27, v28  }
0x4da: {  	(v2sf) =	vpush v27, $0xF;
	_ =	sdelay $0xe  }
0x4db: {  	s2 =	spop (v2sf)  }
0x4dc: {  	p0 =	sgt.u32 s2, $0x7FFFFFFE  }
0x4dd: {  	s0 =	sadd.s32 @!p0 $0x10, s2  }
0x4de: {  	s0 =	sshra.s32 @!p0 s0, $0x4  }
0x4df: {  	p1 =	slt.s32 @!p0 s0, $0x1  }
0x4e0: {  	p1 =	por p0, p1  }
.Ltmp25:
0x4e1: {  	_ = 	snop;
	(pc) =	sbr.rel @p1 .LBB2_44-.Ltmp25, $1  }
0x4e2: {  	_ =	sdelay $0x3  }
0x4e3: {  	p2 =	sne.s32 s0, $0x1  }
.Ltmp26:
0x4e4: {  	_ = 	snop;
	(pc) =	sbr.rel @!p2 .LBB2_31-.Ltmp26, $3  }
0x4e5: {  	_ =	sdelay $0x1  }
0x4e6: {  	s30 =	sadd.s32 $0x1, s2;
	s31 =	simm.s32 @!p0 $0x11F80;
	s2 =	simm.s32 @!p0 $0x12180  }
0x4e7: {  	s0 =	sadd.s32 $0xFFFFFFFF, s0;
	p0 =	por $0x0, $0x0;
	p1 =	por $0x0, $0x0;
	v27 =	vadd.s32 $0x1, v0;
	v28 =	vld [tilespmem:s2+$0x0]  }
0x4e8: {  	_ = 	snop  }
0x4e9: {  	v29 =	vld [tilespmem:s31+$0x0]  }
0x4ea: {  	p2 =	sne.s32 s0, $0x1  }
.Ltmp27:
0x4eb: {  	v30 =	vmov s30;
	(pc) =	sbr.rel @!p2 .LBB2_33-.Ltmp27, $4  }
0x4ec: {  	vm0 =	vlt.s32 v30, v27;
	vm1 =	veq.s32 v28, v6  }
0x4ed: {  	vm0 =	vmor vm0, vm1  }
0x4ee: {  	s2 =	simm.s32 $0x12190;
	v29 =	vsel vm0, $0x7F800000, v29  }
0x4ef: {  	s7 =	sadd.s32 $0xFFFFFFFF, s0;
	p0 =	por $0x1, $0x1;
	(xrf1) =	vsort.ascd.msk.f32 $0xffff, v29, v28;
	v28 =	vld [tilespmem:s2+$0x0]  }
0x4f0: {  	_ =	sdelay $0x8  }
0x4f1: {  	s0 =	simm.s32 $0x11F90  }
0x4f2: {  	v30 =	vld [tilespmem:s0+$0x0]  }
0x4f3: {  	v29 =	vmul.u32 $0xFFFFFFFF, v0;
	s2 =	sadd.s32 $0xFFFFFFF0, s30  }
0x4f4: {  	v31 =	vmov s2  }
0x4f5: {  	v29 =	vadd.s32 $0xF, v29;
	vm0 =	vlt.s32 v31, v27;
	vm1 =	veq.s32 v28, v6;
	v32, v33, _ =	vpop (xrf1)  }
0x4f6: {  	vm0 =	vmor vm0, vm1;
	v31 =	vperm.xlane v32, v29  }
0x4f7: {  	v30 =	vsel vm0, $0x7F800000, v30;
	v63 =	vperm.xlane v33, v29  }
0x4f8: {  	(xrf1) =	vsort.ascd.msk.f32 $0xffff, v30, v28;
	vm15 =	vlt.f32 v31, v26  }
0x4f9: {  	v28 =	vsel vm15, v31, v26;
	v30 =	vsel vm15, v63, v21  }
0x4fa: {  	(xrf1) =	vsort.ascd.msk.f32 $0xffff, v28, v30;
	_ =	sdelay $0x1  }
0x4fb: {  	p2 =	sne.s32 s7, $0x1  }
.Ltmp28:
0x4fc: {  	_ = 	snop;
	(pc) =	sbr.rel @!p2 .LBB2_36-.Ltmp28, $3  }
0x4fd: {  	_ =	sdelay $0x1  }
0x4fe: {  	s4 =	simm.s32 $0x121A0  }
0x4ff: {  	s7 =	sadd.s32 $0xFFFFFFFF, s7;
	p1 =	por $0x1, $0x1;
	v28 =	vld [tilespmem:s4+$0x0]  }
.LBB2_35:
0x500: {  	p2 =	sne.s32 s7, $0x1;
	s0 =	sadd.s32 $0x10, s0  }
0x501: {  	v30 =	vld [tilespmem:s0+$0x0]  }
0x502: {  	s2 =	sadd.s32 $0xFFFFFFF0, s2  }
0x503: {  	v33 =	vmov s2  }
0x504: {  	vm0 =	vlt.s32 v33, v27;
	vm1 =	veq.s32 v28, v6;
	v31, v32, _ =	vpop (xrf1)  }
0x505: {  	vm0 =	vmor vm0, vm1;
	v31 =	vperm.xlane v31, v29  }
0x506: {  	v32 =	vperm.xlane v32, v29;
	v30 =	vsel vm0, $0x7F800000, v30;
	v33, v34, _ =	vpop (xrf1)  }
0x507: {  	(xrf1) =	vsort.ascd.msk.f32 $0xffff, v30, v28;
	vm0 =	vlt.f32 v31, v33  }
0x508: {  	v28 =	vsel vm0, v31, v33;
	v30 =	vsel vm0, v32, v34  }
0x509: {  	(xrf1) =	vsort.ascd.msk.f32 $0xffff, v28, v30;
	_ =	sdelay $0x2  }
.Ltmp29:
0x50a: {  	(pc) =	sbr.rel @p2 .LBB2_35-.Ltmp29, $3  }
0x50b: {  	_ =	sdelay $0x1  }
0x50c: {  	s4 =	sadd.s32 $0x10, s4  }
0x50d: {  	s7 =	sadd.s32 $0xFFFFFFFF, s7;
	v28 =	vld [tilespmem:s4+$0x0]  }
.LBB2_36:
0x50e: {  	s0 =	sadd.s32 @p0 $0x10, s0  }
0x50f: {  	s31 =	smov.u32 @p0 s0;
	s0 =	sadd.s32 @p0 $0xFFFFFFF0, s2  }
0x510: {  	s30 =	smov.u32 @p0 s0  }
0x511: {  	v30 =	vmul.u32 @p0 $0xFFFFFFFF, v0;
	v29 =	vld [tilespmem:s31+$0x0];
	v31 =	vmov s30  }
0x512: {  	v32, v33, _ =	vpop @p0 (xrf1)  }
0x513: {  	v30 =	vadd.s32 @p0 $0xF, v30  }
0x514: {  	vm0 =	vlt.s32 v31, v27;
	vm1 =	veq.s32 v28, v6;
	v27 =	vperm.xlane @p0 v32, v30;
	v31, v32, _ =	vpop @p1 (xrf1)  }
0x515: {  	v30 =	vperm.xlane @p0 v33, v30;
	vm0 =	vmor vm0, vm1;
	v31 =	vpsel p1, v31, v26  }
0x516: {  	v29 =	vsel vm0, $0x7F800000, v29;
	v32 =	vpsel p1, v32, v21;
	vm0 =	vlt.f32 @p0 v27, v31  }
0x517: {  	(xrf1) =	vsort.ascd.msk.f32 $0xffff, v29, v28;
	v27 =	vsel @p0 vm0, v27, v31;
	v28 =	vsel @p0 vm0, v30, v32  }
0x518: {  	(xrf1) =	vsort.ascd.msk.f32 @p0 $0xffff, v27, v28;
	_ =	sdelay $0xa  }
0x519: {  	v27 =	vmul.u32 $0xFFFFFFFF, v0;
	_ =	sdelay $0x1  }
0x51a: {  	v27 =	vadd.s32 $0xF, v27;
	v63, v29, _ =	vpop (xrf1)  }
0x51b: {  	v28 =	vperm.xlane v63, v27;
	v30, v31, _ =	vpop @p0 (xrf1)  }
0x51c: {  	v27 =	vperm.xlane v29, v27;
	v26 =	vpsel p0, v30, v26  }
0x51d: {  	v21 =	vpsel p0, v31, v21;
	vm15 =	vlt.f32 v28, v26  }
0x51e: {  	v26 =	vsel vm15, v28, v26;
	v21 =	vsel vm15, v27, v21  }
0x51f: {  	(xrf1) =	vsort.ascd.msk.f32 $0xffff, v26, v21;
	_ =	sdelay $0x9  }
.Ltmp30:
0x520: {  	_ = 	snop;
	(pc) =	sbr.rel .LBB2_37-.Ltmp30, $2  }
0x521: {  	_ =	sdelay $0x2  }
0x522: {  	v26, v21, _ =	vpop (xrf1)  }
.LBB2_7:
.Ltmp31:
0x523: {  	(pc) =	sbr.rel .LBB2_12-.Ltmp31, $2  }
0x524: {  	_ =	sdelay $0x2  }
0x525: {  	s31 =	smov.u32 s0;
	s30 =	smov.u32 s2  }
.LBB2_15:
.Ltmp32:
0x526: {  	(pc) =	sbr.rel .LBB2_20-.Ltmp32, $2  }
0x527: {  	_ =	sdelay $0x2  }
0x528: {  	s0 =	smov.u32 s31;
	s2 =	smov.u32 s30  }
.LBB2_23:
.Ltmp33:
0x529: {  	(pc) =	sbr.rel .LBB2_28-.Ltmp33, $2  }
0x52a: {  	_ =	sdelay $0x2  }
0x52b: {  	s0 =	smov.u32 s31;
	s2 =	smov.u32 s30  }
.LBB2_31:
.Ltmp34:
0x52c: {  	(pc) =	sbr.rel .LBB2_36-.Ltmp34, $2  }
0x52d: {  	_ =	sdelay $0x2  }
0x52e: {  	s0 =	smov.u32 s31;
	s2 =	smov.u32 s30  }
.LBB2_9:
.Ltmp35:
0x52f: {  	(pc) =	sbr.rel .LBB2_12-.Ltmp35, $2  }
0x530: {  	_ =	sdelay $0x2  }
0x531: {  	s31 =	smov.u32 s0;
	s30 =	smov.u32 s2  }
.LBB2_17:
.Ltmp36:
0x532: {  	(pc) =	sbr.rel .LBB2_20-.Ltmp36, $2  }
0x533: {  	_ =	sdelay $0x2  }
0x534: {  	s0 =	smov.u32 s31;
	s2 =	smov.u32 s30  }
.LBB2_25:
.Ltmp37:
0x535: {  	(pc) =	sbr.rel .LBB2_28-.Ltmp37, $2  }
0x536: {  	_ =	sdelay $0x2  }
0x537: {  	s0 =	smov.u32 s31;
	s2 =	smov.u32 s30  }
.LBB2_33:
.Ltmp38:
0x538: {  	(pc) =	sbr.rel .LBB2_36-.Ltmp38, $2  }
0x539: {  	_ =	sdelay $0x2  }
0x53a: {  	s0 =	smov.u32 s31;
	s2 =	smov.u32 s30  }
.LBB2_40:
0x53b: {  	_ =	sfence.sel $0x180000  }
0x53c: {  	[bflag:$0x0] =	sbarrier.arrive $0xFFFF  }
0x53d: {  	_ =	strace $0x90000047  }
0x53e: {  	s0 =	stileid.u32;
	[bflag:$0x2] =	sbarrier.arrive $0xFFFF  }
0x53f: {  	p0 =	sne.s32 s0, $0x0;
	s0 =	rddreg [dreg:$0x2]  }
0x540: {  	s0 =	sadd.s32 @!p0 $0x100000, s0  }
0x541: {  	[sflag:s0] =	ssyncadd.tile.s32 @!p0 $0x1;
	_ =	shalt  }
.Lfunc_end2:
_tile_overlayer_lowered:
.L_overlay_start_2:
0x542: {  	(tag) =	ssettag $0x2  }
0x543: {  	s0 =	rddreg [dreg:$0x0];
	s2 =	stileid.u32  }
0x544: {  	s1 =	rddreg [dreg:$0x1];
	p0 =	sne.s32 s2, $0x0  }
0x545: {  	s3 =	rddreg [dreg:$0x2];
	[bflag:$0x3] =	sbarrier.arrive $0xFFFF;
	s2 =	simm.s32 @!p0 $0x1C02  }
0x546: {  	[timem:s3], [sflag:s2] =	dma.local @!p0 [hbm:s0], s1  }
0x547: {  	s0 =	simm.s32 @!p0 $0x2  }
0x548: {  	_ =	swait.ge @!p0 [sflag:s0], s1  }
0x549: {  	s1 =	ssub.s32 @!p0 $0x0, s1;
	[sflag:s0] =	ssyncset.done @!p0 $0x0  }
0x54a: {  	[sflag:s0] =	ssyncadd.s32 @!p0 s1  }
0x54b: {  	[bflag:$0x3] =	sbarrier.arrive $0xFFFF  }
0x54c: {  	_ =	shalt  }

</sc_bundles>
